<compile_context>
chip_gen: v7x
topology: tpu7x:2x2x1
jax: 0.10.2.dev20260603
libtpu: 0.0.44.dev20260713+nightly
codegen_flags: <defaults>
</compile_context>

<pallas_src>
import functools

import jax
import jax.numpy as jnp
from jax import lax
from jax.experimental import pallas as pl
from jax.experimental.pallas import tpu as pltpu
from jax.experimental.pallas import tpu_sc as plsc

_NUM_CORES = 2
_NUM_SUBCORES = 16
_NUM_WORKERS = _NUM_CORES * _NUM_SUBCORES

_L = 16
_BT = 128
_SG = 4


def _make_gather(batch, seq, D):
    nbt = batch // _BT
    ndt = D // 8
    bt_per_w = nbt // _NUM_WORKERS
    ngrp = seq // _SG
    grp = _SG * _BT
    assert nbt % _NUM_WORKERS == 0 and seq % _SG == 0 and D % 8 == 0

    mesh = plsc.VectorSubcoreMesh(core_axis_name="c", subcore_axis_name="s")

    @functools.partial(
        pl.kernel,
        out_type=jax.ShapeDtypeStruct((seq, ndt, nbt, 8 * _BT), jnp.float32),
        mesh=mesh,
        scratch_types=[
            pltpu.VMEM((_BT, seq), jnp.int32),
            pltpu.VMEM((seq * _BT,), jnp.int32),
            [pltpu.VMEM((grp, D), jnp.float32) for _ in range(2)],
            [pltpu.VMEM((_SG * D * _BT,), jnp.float32) for _ in range(2)],
            [pltpu.SemaphoreType.DMA for _ in range(2)],
            [pltpu.SemaphoreType.DMA for _ in range(2)],
        ],
        compiler_params=pltpu.CompilerParams(
            use_tc_tiling_on_sc=False, needs_layout_passes=False),
    )
    def k(zs_hbm, table_hbm, out_hbm, zsp_v, zst_v, rows_v, tiles_v, gsem, wsem):
        wid = lax.axis_index("s") * _NUM_CORES + lax.axis_index("c")
        iota = lax.iota(jnp.int32, _L)
        rvec = [(iota + k) & (_L - 1) for k in range(_L)]
        wvec = [((iota + k) & (_L - 1)) * _BT + iota for k in range(_L)]

        def wait_gather(sl):
            pltpu.make_async_copy(table_hbm.at[pl.ds(0, grp)], rows_v[sl], gsem[sl]).wait()

        def wait_writes(sl):
            for _ in range(_SG * ndt):
                pltpu.make_async_copy(
                    out_hbm.at[0, 0, 0], tiles_v[sl].at[pl.ds(0, 8 * _BT)], wsem[sl]).wait()

        @pl.loop(0, bt_per_w)
        def _piece(piece):
            bt = wid * bt_per_w + piece
            b0 = bt * _BT

            pltpu.sync_copy(zs_hbm.at[pl.ds(b0, _BT), :], zsp_v)

            @plsc.parallel_loop(0, seq)
            def _zst(s):
                for bg in range(_BT // _L):
                    v = plsc.load_gather(zsp_v, [bg * _L + iota, jnp.full((_L,), s, jnp.int32)])
                    zst_v[pl.ds(s * _BT + bg * _L, _L)] = v

            def start_gather(g, sl):
                pltpu.async_copy(
                    table_hbm.at[zst_v.at[pl.ds(g * grp, grp)]], rows_v[sl], gsem[sl])

            def transpose(sl):
                @plsc.parallel_loop(0, _SG * _BT, step=_L, unroll=1)
                def _t(r0):
                    sg = r0 // _BT
                    base_w = sg * ((D - 1) * _BT) + r0
                    rows = r0 + iota
                    for dh in range(D // _L):
                        wb = base_w + dh * (_L * _BT)
                        for kk in range(_L):
                            v = plsc.load_gather(
                                rows_v[sl], [rows, rvec[kk] + dh * _L])
                            plsc.store_scatter(tiles_v[sl], [wvec[kk] + wb], v)

            def start_writes(g, sl):
                for sg in range(_SG):
                    for dt in range(ndt):
                        pltpu.async_copy(
                            tiles_v[sl].at[pl.ds(sg * (D * _BT) + dt * (8 * _BT), 8 * _BT)],
                            out_hbm.at[g * _SG + sg, dt, bt],
                            wsem[sl])

            start_gather(0, 0)

            @pl.loop(0, ngrp, step=2)
            def _grp(g0):
                for sl in (0, 1):
                    g = g0 + sl

                    @pl.when(g < ngrp - 1)
                    def _():
                        start_gather(g + 1, 1 - sl)

                    wait_gather(sl)

                    @pl.when(g >= 2)
                    def _():
                        wait_writes(sl)

                    transpose(sl)
                    start_writes(g, sl)

            for sl in (0, 1):
                wait_writes(sl)

    return k


def kernel(zs, emb_weight):
    batch, seq = zs.shape
    d = emb_weight.shape[1]
    out5 = _make_gather(batch, seq, d)(zs.astype(jnp.int32), emb_weight)
    out = out5.reshape(seq, d // 8, batch // 128, 8, 128)
    return jnp.transpose(out, (2, 4, 0, 1, 3)).reshape(batch, seq, d)

# --- scband reference (transcript-rebuilt; emitter-appended) ---
"""Pipeline reference for scband-atom-token-embed-23467701305698 (READ-ONLY COPY).

The authoritative reference and input builder live on the scoring server;
editing this copy changes nothing except your own understanding.
"""

import jax, jax.numpy as jnp
import numpy as np

NUM_TYPES = 100000
EMB_DIM = 32
BATCH = 16384
SEQ = 200

def setup_inputs(seed: int = 0) -> dict:
    key = jax.random.key(seed)
    k1, k2 = jax.random.split(key)
    zs = jax.random.randint(k1, (BATCH, SEQ), 0, NUM_TYPES, dtype=jnp.int64 if jax.config.jax_enable_x64 else jnp.int32)
    emb_weight = jax.random.normal(k2, (NUM_TYPES, EMB_DIM), dtype=jnp.float32)
    return {"zs": zs, "emb_weight": emb_weight}

def reference(zs, emb_weight):
    # nn.Embedding forward: gather rows of the table by index
    return jnp.take(emb_weight, zs, axis=0)

if __name__ == "__main__":
    import jax
    _d = setup_inputs()
    print(jax.jit(kernel)(*tuple(_d.values())))

</pallas_src>

<mosaic_0001>
#map = affine_map<(d0, d1) -> (0, 0)>
#map1 = affine_map<(d0, d1) -> (0, 0, 0, 0)>
module attributes {stable_mosaic.version = 14 : i64} {
  func.func @k(%arg0: i32, %arg1: i32, %arg2: memref<16384x200xi32, #tpu.memory_space<hbm>>, %arg3: memref<100000x32xf32, #tpu.memory_space<hbm>>, %arg4: memref<200x4x128x1024xf32, #tpu.memory_space<hbm>>, %arg5: memref<128x200xi32, #tpu.memory_space<vmem>>, %arg6: memref<25600xi32, #tpu.memory_space<vmem>>, %arg7: memref<512x32xf32, #tpu.memory_space<vmem>>, %arg8: memref<512x32xf32, #tpu.memory_space<vmem>>, %arg9: memref<16384xf32, #tpu.memory_space<vmem>>, %arg10: memref<16384xf32, #tpu.memory_space<vmem>>, %arg11: memref<!tpu.dma_semaphore, #tpu.memory_space<semaphore_mem>>, %arg12: memref<!tpu.dma_semaphore, #tpu.memory_space<semaphore_mem>>, %arg13: memref<!tpu.dma_semaphore, #tpu.memory_space<semaphore_mem>>, %arg14: memref<!tpu.dma_semaphore, #tpu.memory_space<semaphore_mem>>) attributes {dimension_semantics = [#tpu.dimension_semantics<core_parallel>, #tpu.dimension_semantics<subcore_parallel>], iteration_bounds = array<i64: 2, 16>, scalar_prefetch = 0 : i64, scratch_operands = 10 : i64, tpu.core_type = #tpu.core_type<sc_vector_subcore>, window_params = [{transform_indices = #map}, {transform_indices = #map}, {transform_indices = #map1}]} {
    %mul3A = arith.constant 2 : i32
    %mul3A_0 = arith.muli %arg1, %mul3A : i32
    %add3A = arith.addi %mul3A_0, %arg0 : i32
    %iota3A = tpu.iota {dimensions = array<i32: 0>} : vector<16xi32>
    %add3A_1 = arith.constant 0 : i32
    %add3A_2 = vector.broadcast %add3A_1 : i32 to vector<16xi32>
    %add3A_3 = arith.addi %iota3A, %add3A_2 : vector<16xi32>
    %and3A = arith.constant 15 : i32
    %and3A_4 = vector.broadcast %and3A : i32 to vector<16xi32>
    %and3A_5 = arith.andi %add3A_3, %and3A_4 : vector<16xi32>
    %add3A_6 = arith.constant 1 : i32
    %add3A_7 = vector.broadcast %add3A_6 : i32 to vector<16xi32>
    %add3A_8 = arith.addi %iota3A, %add3A_7 : vector<16xi32>
    %and3A_9 = arith.constant 15 : i32
    %and3A_10 = vector.broadcast %and3A_9 : i32 to vector<16xi32>
    %and3A_11 = arith.andi %add3A_8, %and3A_10 : vector<16xi32>
    %add3A_12 = arith.constant 2 : i32
    %add3A_13 = vector.broadcast %add3A_12 : i32 to vector<16xi32>
    %add3A_14 = arith.addi %iota3A, %add3A_13 : vector<16xi32>
    %and3A_15 = arith.constant 15 : i32
    %and3A_16 = vector.broadcast %and3A_15 : i32 to vector<16xi32>
    %and3A_17 = arith.andi %add3A_14, %and3A_16 : vector<16xi32>
    %add3A_18 = arith.constant 3 : i32
    %add3A_19 = vector.broadcast %add3A_18 : i32 to vector<16xi32>
    %add3A_20 = arith.addi %iota3A, %add3A_19 : vector<16xi32>
    %and3A_21 = arith.constant 15 : i32
    %and3A_22 = vector.broadcast %and3A_21 : i32 to vector<16xi32>
    %and3A_23 = arith.andi %add3A_20, %and3A_22 : vector<16xi32>
    %add3A_24 = arith.constant 4 : i32
    %add3A_25 = vector.broadcast %add3A_24 : i32 to vector<16xi32>
    %add3A_26 = arith.addi %iota3A, %add3A_25 : vector<16xi32>
    %and3A_27 = arith.constant 15 : i32
    %and3A_28 = vector.broadcast %and3A_27 : i32 to vector<16xi32>
    %and3A_29 = arith.andi %add3A_26, %and3A_28 : vector<16xi32>
    %add3A_30 = arith.constant 5 : i32
    %add3A_31 = vector.broadcast %add3A_30 : i32 to vector<16xi32>
    %add3A_32 = arith.addi %iota3A, %add3A_31 : vector<16xi32>
    %and3A_33 = arith.constant 15 : i32
    %and3A_34 = vector.broadcast %and3A_33 : i32 to vector<16xi32>
    %and3A_35 = arith.andi %add3A_32, %and3A_34 : vector<16xi32>
    %add3A_36 = arith.constant 6 : i32
    %add3A_37 = vector.broadcast %add3A_36 : i32 to vector<16xi32>
    %add3A_38 = arith.addi %iota3A, %add3A_37 : vector<16xi32>
    %and3A_39 = arith.constant 15 : i32
    %and3A_40 = vector.broadcast %and3A_39 : i32 to vector<16xi32>
    %and3A_41 = arith.andi %add3A_38, %and3A_40 : vector<16xi32>
    %add3A_42 = arith.constant 7 : i32
    %add3A_43 = vector.broadcast %add3A_42 : i32 to vector<16xi32>
    %add3A_44 = arith.addi %iota3A, %add3A_43 : vector<16xi32>
    %and3A_45 = arith.constant 15 : i32
    %and3A_46 = vector.broadcast %and3A_45 : i32 to vector<16xi32>
    %and3A_47 = arith.andi %add3A_44, %and3A_46 : vector<16xi32>
    %add3A_48 = arith.constant 8 : i32
    %add3A_49 = vector.broadcast %add3A_48 : i32 to vector<16xi32>
    %add3A_50 = arith.addi %iota3A, %add3A_49 : vector<16xi32>
    %and3A_51 = arith.constant 15 : i32
    %and3A_52 = vector.broadcast %and3A_51 : i32 to vector<16xi32>
    %and3A_53 = arith.andi %add3A_50, %and3A_52 : vector<16xi32>
    %add3A_54 = arith.constant 9 : i32
    %add3A_55 = vector.broadcast %add3A_54 : i32 to vector<16xi32>
    %add3A_56 = arith.addi %iota3A, %add3A_55 : vector<16xi32>
    %and3A_57 = arith.constant 15 : i32
    %and3A_58 = vector.broadcast %and3A_57 : i32 to vector<16xi32>
    %and3A_59 = arith.andi %add3A_56, %and3A_58 : vector<16xi32>
    %add3A_60 = arith.constant 10 : i32
    %add3A_61 = vector.broadcast %add3A_60 : i32 to vector<16xi32>
    %add3A_62 = arith.addi %iota3A, %add3A_61 : vector<16xi32>
    %and3A_63 = arith.constant 15 : i32
    %and3A_64 = vector.broadcast %and3A_63 : i32 to vector<16xi32>
    %and3A_65 = arith.andi %add3A_62, %and3A_64 : vector<16xi32>
    %add3A_66 = arith.constant 11 : i32
    %add3A_67 = vector.broadcast %add3A_66 : i32 to vector<16xi32>
    %add3A_68 = arith.addi %iota3A, %add3A_67 : vector<16xi32>
    %and3A_69 = arith.constant 15 : i32
    %and3A_70 = vector.broadcast %and3A_69 : i32 to vector<16xi32>
    %and3A_71 = arith.andi %add3A_68, %and3A_70 : vector<16xi32>
    %add3A_72 = arith.constant 12 : i32
    %add3A_73 = vector.broadcast %add3A_72 : i32 to vector<16xi32>
    %add3A_74 = arith.addi %iota3A, %add3A_73 : vector<16xi32>
    %and3A_75 = arith.constant 15 : i32
    %and3A_76 = vector.broadcast %and3A_75 : i32 to vector<16xi32>
    %and3A_77 = arith.andi %add3A_74, %and3A_76 : vector<16xi32>
    %add3A_78 = arith.constant 13 : i32
    %add3A_79 = vector.broadcast %add3A_78 : i32 to vector<16xi32>
    %add3A_80 = arith.addi %iota3A, %add3A_79 : vector<16xi32>
    %and3A_81 = arith.constant 15 : i32
    %and3A_82 = vector.broadcast %and3A_81 : i32 to vector<16xi32>
    %and3A_83 = arith.andi %add3A_80, %and3A_82 : vector<16xi32>
    %add3A_84 = arith.constant 14 : i32
    %add3A_85 = vector.broadcast %add3A_84 : i32 to vector<16xi32>
    %add3A_86 = arith.addi %iota3A, %add3A_85 : vector<16xi32>
    %and3A_87 = arith.constant 15 : i32
    %and3A_88 = vector.broadcast %and3A_87 : i32 to vector<16xi32>
    %and3A_89 = arith.andi %add3A_86, %and3A_88 : vector<16xi32>
    %add3A_90 = arith.constant 15 : i32
    %add3A_91 = vector.broadcast %add3A_90 : i32 to vector<16xi32>
    %add3A_92 = arith.addi %iota3A, %add3A_91 : vector<16xi32>
    %and3A_93 = arith.constant 15 : i32
    %and3A_94 = vector.broadcast %and3A_93 : i32 to vector<16xi32>
    %and3A_95 = arith.andi %add3A_92, %and3A_94 : vector<16xi32>
    %add3A_96 = arith.constant 0 : i32
    %add3A_97 = vector.broadcast %add3A_96 : i32 to vector<16xi32>
    %add3A_98 = arith.addi %iota3A, %add3A_97 : vector<16xi32>
    %and3A_99 = arith.constant 15 : i32
    %and3A_100 = vector.broadcast %and3A_99 : i32 to vector<16xi32>
    %and3A_101 = arith.andi %add3A_98, %and3A_100 : vector<16xi32>
    %mul3A_102 = arith.constant 128 : i32
    %mul3A_103 = vector.broadcast %mul3A_102 : i32 to vector<16xi32>
    %mul3A_104 = arith.muli %and3A_101, %mul3A_103 : vector<16xi32>
    %add3A_105 = arith.addi %mul3A_104, %iota3A : vector<16xi32>
    %add3A_106 = arith.constant 1 : i32
    %add3A_107 = vector.broadcast %add3A_106 : i32 to vector<16xi32>
    %add3A_108 = arith.addi %iota3A, %add3A_107 : vector<16xi32>
    %and3A_109 = arith.constant 15 : i32
    %and3A_110 = vector.broadcast %and3A_109 : i32 to vector<16xi32>
    %and3A_111 = arith.andi %add3A_108, %and3A_110 : vector<16xi32>
    %mul3A_112 = arith.constant 128 : i32
    %mul3A_113 = vector.broadcast %mul3A_112 : i32 to vector<16xi32>
    %mul3A_114 = arith.muli %and3A_111, %mul3A_113 : vector<16xi32>
    %add3A_115 = arith.addi %mul3A_114, %iota3A : vector<16xi32>
    %add3A_116 = arith.constant 2 : i32
    %add3A_117 = vector.broadcast %add3A_116 : i32 to vector<16xi32>
    %add3A_118 = arith.addi %iota3A, %add3A_117 : vector<16xi32>
    %and3A_119 = arith.constant 15 : i32
    %and3A_120 = vector.broadcast %and3A_119 : i32 to vector<16xi32>
    %and3A_121 = arith.andi %add3A_118, %and3A_120 : vector<16xi32>
    %mul3A_122 = arith.constant 128 : i32
    %mul3A_123 = vector.broadcast %mul3A_122 : i32 to vector<16xi32>
    %mul3A_124 = arith.muli %and3A_121, %mul3A_123 : vector<16xi32>
    %add3A_125 = arith.addi %mul3A_124, %iota3A : vector<16xi32>
    %add3A_126 = arith.constant 3 : i32
    %add3A_127 = vector.broadcast %add3A_126 : i32 to vector<16xi32>
    %add3A_128 = arith.addi %iota3A, %add3A_127 : vector<16xi32>
    %and3A_129 = arith.constant 15 : i32
    %and3A_130 = vector.broadcast %and3A_129 : i32 to vector<16xi32>
    %and3A_131 = arith.andi %add3A_128, %and3A_130 : vector<16xi32>
    %mul3A_132 = arith.constant 128 : i32
    %mul3A_133 = vector.broadcast %mul3A_132 : i32 to vector<16xi32>
    %mul3A_134 = arith.muli %and3A_131, %mul3A_133 : vector<16xi32>
    %add3A_135 = arith.addi %mul3A_134, %iota3A : vector<16xi32>
    %add3A_136 = arith.constant 4 : i32
    %add3A_137 = vector.broadcast %add3A_136 : i32 to vector<16xi32>
    %add3A_138 = arith.addi %iota3A, %add3A_137 : vector<16xi32>
    %and3A_139 = arith.constant 15 : i32
    %and3A_140 = vector.broadcast %and3A_139 : i32 to vector<16xi32>
    %and3A_141 = arith.andi %add3A_138, %and3A_140 : vector<16xi32>
    %mul3A_142 = arith.constant 128 : i32
    %mul3A_143 = vector.broadcast %mul3A_142 : i32 to vector<16xi32>
    %mul3A_144 = arith.muli %and3A_141, %mul3A_143 : vector<16xi32>
    %add3A_145 = arith.addi %mul3A_144, %iota3A : vector<16xi32>
    %add3A_146 = arith.constant 5 : i32
    %add3A_147 = vector.broadcast %add3A_146 : i32 to vector<16xi32>
    %add3A_148 = arith.addi %iota3A, %add3A_147 : vector<16xi32>
    %and3A_149 = arith.constant 15 : i32
    %and3A_150 = vector.broadcast %and3A_149 : i32 to vector<16xi32>
    %and3A_151 = arith.andi %add3A_148, %and3A_150 : vector<16xi32>
    %mul3A_152 = arith.constant 128 : i32
    %mul3A_153 = vector.broadcast %mul3A_152 : i32 to vector<16xi32>
    %mul3A_154 = arith.muli %and3A_151, %mul3A_153 : vector<16xi32>
    %add3A_155 = arith.addi %mul3A_154, %iota3A : vector<16xi32>
    %add3A_156 = arith.constant 6 : i32
    %add3A_157 = vector.broadcast %add3A_156 : i32 to vector<16xi32>
    %add3A_158 = arith.addi %iota3A, %add3A_157 : vector<16xi32>
    %and3A_159 = arith.constant 15 : i32
    %and3A_160 = vector.broadcast %and3A_159 : i32 to vector<16xi32>
    %and3A_161 = arith.andi %add3A_158, %and3A_160 : vector<16xi32>
    %mul3A_162 = arith.constant 128 : i32
    %mul3A_163 = vector.broadcast %mul3A_162 : i32 to vector<16xi32>
    %mul3A_164 = arith.muli %and3A_161, %mul3A_163 : vector<16xi32>
    %add3A_165 = arith.addi %mul3A_164, %iota3A : vector<16xi32>
    %add3A_166 = arith.constant 7 : i32
    %add3A_167 = vector.broadcast %add3A_166 : i32 to vector<16xi32>
    %add3A_168 = arith.addi %iota3A, %add3A_167 : vector<16xi32>
    %and3A_169 = arith.constant 15 : i32
    %and3A_170 = vector.broadcast %and3A_169 : i32 to vector<16xi32>
    %and3A_171 = arith.andi %add3A_168, %and3A_170 : vector<16xi32>
    %mul3A_172 = arith.constant 128 : i32
    %mul3A_173 = vector.broadcast %mul3A_172 : i32 to vector<16xi32>
    %mul3A_174 = arith.muli %and3A_171, %mul3A_173 : vector<16xi32>
    %add3A_175 = arith.addi %mul3A_174, %iota3A : vector<16xi32>
    %add3A_176 = arith.constant 8 : i32
    %add3A_177 = vector.broadcast %add3A_176 : i32 to vector<16xi32>
    %add3A_178 = arith.addi %iota3A, %add3A_177 : vector<16xi32>
    %and3A_179 = arith.constant 15 : i32
    %and3A_180 = vector.broadcast %and3A_179 : i32 to vector<16xi32>
    %and3A_181 = arith.andi %add3A_178, %and3A_180 : vector<16xi32>
    %mul3A_182 = arith.constant 128 : i32
    %mul3A_183 = vector.broadcast %mul3A_182 : i32 to vector<16xi32>
    %mul3A_184 = arith.muli %and3A_181, %mul3A_183 : vector<16xi32>
    %add3A_185 = arith.addi %mul3A_184, %iota3A : vector<16xi32>
    %add3A_186 = arith.constant 9 : i32
    %add3A_187 = vector.broadcast %add3A_186 : i32 to vector<16xi32>
    %add3A_188 = arith.addi %iota3A, %add3A_187 : vector<16xi32>
    %and3A_189 = arith.constant 15 : i32
    %and3A_190 = vector.broadcast %and3A_189 : i32 to vector<16xi32>
    %and3A_191 = arith.andi %add3A_188, %and3A_190 : vector<16xi32>
    %mul3A_192 = arith.constant 128 : i32
    %mul3A_193 = vector.broadcast %mul3A_192 : i32 to vector<16xi32>
    %mul3A_194 = arith.muli %and3A_191, %mul3A_193 : vector<16xi32>
    %add3A_195 = arith.addi %mul3A_194, %iota3A : vector<16xi32>
    %add3A_196 = arith.constant 10 : i32
    %add3A_197 = vector.broadcast %add3A_196 : i32 to vector<16xi32>
    %add3A_198 = arith.addi %iota3A, %add3A_197 : vector<16xi32>
    %and3A_199 = arith.constant 15 : i32
    %and3A_200 = vector.broadcast %and3A_199 : i32 to vector<16xi32>
    %and3A_201 = arith.andi %add3A_198, %and3A_200 : vector<16xi32>
    %mul3A_202 = arith.constant 128 : i32
    %mul3A_203 = vector.broadcast %mul3A_202 : i32 to vector<16xi32>
    %mul3A_204 = arith.muli %and3A_201, %mul3A_203 : vector<16xi32>
    %add3A_205 = arith.addi %mul3A_204, %iota3A : vector<16xi32>
    %add3A_206 = arith.constant 11 : i32
    %add3A_207 = vector.broadcast %add3A_206 : i32 to vector<16xi32>
    %add3A_208 = arith.addi %iota3A, %add3A_207 : vector<16xi32>
    %and3A_209 = arith.constant 15 : i32
    %and3A_210 = vector.broadcast %and3A_209 : i32 to vector<16xi32>
    %and3A_211 = arith.andi %add3A_208, %and3A_210 : vector<16xi32>
    %mul3A_212 = arith.constant 128 : i32
    %mul3A_213 = vector.broadcast %mul3A_212 : i32 to vector<16xi32>
    %mul3A_214 = arith.muli %and3A_211, %mul3A_213 : vector<16xi32>
    %add3A_215 = arith.addi %mul3A_214, %iota3A : vector<16xi32>
    %add3A_216 = arith.constant 12 : i32
    %add3A_217 = vector.broadcast %add3A_216 : i32 to vector<16xi32>
    %add3A_218 = arith.addi %iota3A, %add3A_217 : vector<16xi32>
    %and3A_219 = arith.constant 15 : i32
    %and3A_220 = vector.broadcast %and3A_219 : i32 to vector<16xi32>
    %and3A_221 = arith.andi %add3A_218, %and3A_220 : vector<16xi32>
    %mul3A_222 = arith.constant 128 : i32
    %mul3A_223 = vector.broadcast %mul3A_222 : i32 to vector<16xi32>
    %mul3A_224 = arith.muli %and3A_221, %mul3A_223 : vector<16xi32>
    %add3A_225 = arith.addi %mul3A_224, %iota3A : vector<16xi32>
    %add3A_226 = arith.constant 13 : i32
    %add3A_227 = vector.broadcast %add3A_226 : i32 to vector<16xi32>
    %add3A_228 = arith.addi %iota3A, %add3A_227 : vector<16xi32>
    %and3A_229 = arith.constant 15 : i32
    %and3A_230 = vector.broadcast %and3A_229 : i32 to vector<16xi32>
    %and3A_231 = arith.andi %add3A_228, %and3A_230 : vector<16xi32>
    %mul3A_232 = arith.constant 128 : i32
    %mul3A_233 = vector.broadcast %mul3A_232 : i32 to vector<16xi32>
    %mul3A_234 = arith.muli %and3A_231, %mul3A_233 : vector<16xi32>
    %add3A_235 = arith.addi %mul3A_234, %iota3A : vector<16xi32>
    %add3A_236 = arith.constant 14 : i32
    %add3A_237 = vector.broadcast %add3A_236 : i32 to vector<16xi32>
    %add3A_238 = arith.addi %iota3A, %add3A_237 : vector<16xi32>
    %and3A_239 = arith.constant 15 : i32
    %and3A_240 = vector.broadcast %and3A_239 : i32 to vector<16xi32>
    %and3A_241 = arith.andi %add3A_238, %and3A_240 : vector<16xi32>
    %mul3A_242 = arith.constant 128 : i32
    %mul3A_243 = vector.broadcast %mul3A_242 : i32 to vector<16xi32>
    %mul3A_244 = arith.muli %and3A_241, %mul3A_243 : vector<16xi32>
    %add3A_245 = arith.addi %mul3A_244, %iota3A : vector<16xi32>
    %add3A_246 = arith.constant 15 : i32
    %add3A_247 = vector.broadcast %add3A_246 : i32 to vector<16xi32>
    %add3A_248 = arith.addi %iota3A, %add3A_247 : vector<16xi32>
    %and3A_249 = arith.constant 15 : i32
    %and3A_250 = vector.broadcast %and3A_249 : i32 to vector<16xi32>
    %and3A_251 = arith.andi %add3A_248, %and3A_250 : vector<16xi32>
    %mul3A_252 = arith.constant 128 : i32
    %mul3A_253 = vector.broadcast %mul3A_252 : i32 to vector<16xi32>
    %mul3A_254 = arith.muli %and3A_251, %mul3A_253 : vector<16xi32>
    %add3A_255 = arith.addi %mul3A_254, %iota3A : vector<16xi32>
    %scan3A = arith.constant 0 : i32
    %scan3A_256 = arith.constant 4 : i32
    %scan3A_257 = arith.addi %scan3A, %scan3A_256 : i32
    %scan3A_258 = arith.constant 1 : i32
    scf.for %scan3A_260 = %scan3A to %scan3A_257 step %scan3A_258  : i32 {
      %mul3A_261 = arith.constant 1 : i32
      %mul3A_262 = arith.muli %scan3A_260, %mul3A_261 : i32
      %add3A_263 = arith.constant 0 : i32
      %add3A_264 = arith.addi %add3A_263, %mul3A_262 : i32
      %mul3A_265 = arith.constant 4 : i32
      %mul3A_266 = arith.muli %add3A, %mul3A_265 : i32
      %add3A_267 = arith.addi %mul3A_266, %add3A_264 : i32
      %mul3A_268 = arith.constant 128 : i32
      %mul3A_269 = arith.muli %add3A_267, %mul3A_268 : i32
      "tpu.region"() ({
        %run_scoped3A = tpu.sem_alloc : memref<!tpu.dma_semaphore, #tpu.memory_space<semaphore_mem>>
        %dma_start3A_696 = arith.constant 0 : i32
        %dma_start3A_697 = tpu.memref_slice %arg2[%mul3A_269, %dma_start3A_696] : memref<16384x200xi32, #tpu.memory_space<hbm>> -> memref<128x200xi32, #tpu.memory_space<hbm>>
        %dma_start3A_698 = arith.constant 0 : i32
        %dma_start3A_699 = tpu.memref_slice %arg2[%mul3A_269, %dma_start3A_698] : memref<16384x200xi32, #tpu.memory_space<hbm>> -> memref<128x200xi32, #tpu.memory_space<hbm>>
        tpu.enqueue_dma source(%dma_start3A_699 : memref<128x200xi32, #tpu.memory_space<hbm>>) target(%arg5 : memref<128x200xi32, #tpu.memory_space<vmem>>) target_semaphore(%run_scoped3A : memref<!tpu.dma_semaphore, #tpu.memory_space<semaphore_mem>>)
        %dma_wait3A_700 = arith.constant 0 : i32
        %dma_wait3A_701 = tpu.memref_slice %arg2[%mul3A_269, %dma_wait3A_700] : memref<16384x200xi32, #tpu.memory_space<hbm>> -> memref<128x200xi32, #tpu.memory_space<hbm>>
        %dma_wait3A_702 = arith.constant 0 : i32
        %dma_wait3A_703 = tpu.memref_slice %arg2[%mul3A_269, %dma_wait3A_702] : memref<16384x200xi32, #tpu.memory_space<hbm>> -> memref<128x200xi32, #tpu.memory_space<hbm>>
        tpu.wait_dma2 semaphore(%run_scoped3A : memref<!tpu.dma_semaphore, #tpu.memory_space<semaphore_mem>>) src(%dma_wait3A_703 : memref<128x200xi32, #tpu.memory_space<hbm>>) dst(%arg5 : memref<128x200xi32, #tpu.memory_space<vmem>>)
        tpu.yield
      }) : () -> ()
      %parallel_loop3A = arith.constant 0 : i32
      %parallel_loop3A_270 = arith.constant 200 : i32
      %parallel_loop3A_271 = arith.constant 1 : i32
      scf.for %parallel_loop3A_696 = %parallel_loop3A to %parallel_loop3A_270 step %parallel_loop3A_271  : i32 {
        %parallel_loop3A_697 = arith.constant 0 : i32
        %parallel_loop3A_698 = vector.broadcast %parallel_loop3A_697 : i32 to vector<16xi32>
        %parallel_loop3A_699 = arith.addi %parallel_loop3A_698, %iota3A : vector<16xi32>
        %parallel_loop3A_700 = vector.broadcast %parallel_loop3A_696 : i32 to vector<16xi32>
        %parallel_loop3A_701 = tpu.vector_load_idx %arg5[%parallel_loop3A_699, %parallel_loop3A_700] : memref<128x200xi32, #tpu.memory_space<vmem>>[vector<16xi32>, vector<16xi32>], vector<16xi32>,
        %parallel_loop3A_702 = arith.constant 128 : i32
        %parallel_loop3A_703 = arith.muli %parallel_loop3A_696, %parallel_loop3A_702 : i32
        %parallel_loop3A_704 = arith.constant 0 : i32
        %parallel_loop3A_705 = arith.addi %parallel_loop3A_703, %parallel_loop3A_704 : i32
        %parallel_loop3A_706 = arith.index_cast %parallel_loop3A_705 : i32 to index
        %parallel_loop3A_707 = tpu.vector_load %arg6[%parallel_loop3A_706] {strides = array<i32>} : memref<25600xi32, #tpu.memory_space<vmem>>, vector<16xi32>,
        tpu.vector_store %arg6[%parallel_loop3A_706], %parallel_loop3A_701 {strides = array<i32>} : memref<25600xi32, #tpu.memory_space<vmem>>, vector<16xi32>,
        %parallel_loop3A_708 = arith.constant 16 : i32
        %parallel_loop3A_709 = vector.broadcast %parallel_loop3A_708 : i32 to vector<16xi32>
        %parallel_loop3A_710 = arith.addi %parallel_loop3A_709, %iota3A : vector<16xi32>
        %parallel_loop3A_711 = vector.broadcast %parallel_loop3A_696 : i32 to vector<16xi32>
        %parallel_loop3A_712 = tpu.vector_load_idx %arg5[%parallel_loop3A_710, %parallel_loop3A_711] : memref<128x200xi32, #tpu.memory_space<vmem>>[vector<16xi32>, vector<16xi32>], vector<16xi32>,
        %parallel_loop3A_713 = arith.constant 128 : i32
        %parallel_loop3A_714 = arith.muli %parallel_loop3A_696, %parallel_loop3A_713 : i32
        %parallel_loop3A_715 = arith.constant 16 : i32
        %parallel_loop3A_716 = arith.addi %parallel_loop3A_714, %parallel_loop3A_715 : i32
        %parallel_loop3A_717 = arith.index_cast %parallel_loop3A_716 : i32 to index
        %parallel_loop3A_718 = tpu.vector_load %arg6[%parallel_loop3A_717] {strides = array<i32>} : memref<25600xi32, #tpu.memory_space<vmem>>, vector<16xi32>,
        tpu.vector_store %arg6[%parallel_loop3A_717], %parallel_loop3A_712 {strides = array<i32>} : memref<25600xi32, #tpu.memory_space<vmem>>, vector<16xi32>,
        %parallel_loop3A_719 = arith.constant 32 : i32
        %parallel_loop3A_720 = vector.broadcast %parallel_loop3A_719 : i32 to vector<16xi32>
        %parallel_loop3A_721 = arith.addi %parallel_loop3A_720, %iota3A : vector<16xi32>
        %parallel_loop3A_722 = vector.broadcast %parallel_loop3A_696 : i32 to vector<16xi32>
        %parallel_loop3A_723 = tpu.vector_load_idx %arg5[%parallel_loop3A_721, %parallel_loop3A_722] : memref<128x200xi32, #tpu.memory_space<vmem>>[vector<16xi32>, vector<16xi32>], vector<16xi32>,
        %parallel_loop3A_724 = arith.constant 128 : i32
        %parallel_loop3A_725 = arith.muli %parallel_loop3A_696, %parallel_loop3A_724 : i32
        %parallel_loop3A_726 = arith.constant 32 : i32
        %parallel_loop3A_727 = arith.addi %parallel_loop3A_725, %parallel_loop3A_726 : i32
        %parallel_loop3A_728 = arith.index_cast %parallel_loop3A_727 : i32 to index
        %parallel_loop3A_729 = tpu.vector_load %arg6[%parallel_loop3A_728] {strides = array<i32>} : memref<25600xi32, #tpu.memory_space<vmem>>, vector<16xi32>,
        tpu.vector_store %arg6[%parallel_loop3A_728], %parallel_loop3A_723 {strides = array<i32>} : memref<25600xi32, #tpu.memory_space<vmem>>, vector<16xi32>,
        %parallel_loop3A_730 = arith.constant 48 : i32
        %parallel_loop3A_731 = vector.broadcast %parallel_loop3A_730 : i32 to vector<16xi32>
        %parallel_loop3A_732 = arith.addi %parallel_loop3A_731, %iota3A : vector<16xi32>
        %parallel_loop3A_733 = vector.broadcast %parallel_loop3A_696 : i32 to vector<16xi32>
        %parallel_loop3A_734 = tpu.vector_load_idx %arg5[%parallel_loop3A_732, %parallel_loop3A_733] : memref<128x200xi32, #tpu.memory_space<vmem>>[vector<16xi32>, vector<16xi32>], vector<16xi32>,
        %parallel_loop3A_735 = arith.constant 128 : i32
        %parallel_loop3A_736 = arith.muli %parallel_loop3A_696, %parallel_loop3A_735 : i32
        %parallel_loop3A_737 = arith.constant 48 : i32
        %parallel_loop3A_738 = arith.addi %parallel_loop3A_736, %parallel_loop3A_737 : i32
        %parallel_loop3A_739 = arith.index_cast %parallel_loop3A_738 : i32 to index
        %parallel_loop3A_740 = tpu.vector_load %arg6[%parallel_loop3A_739] {strides = array<i32>} : memref<25600xi32, #tpu.memory_space<vmem>>, vector<16xi32>,
        tpu.vector_store %arg6[%parallel_loop3A_739], %parallel_loop3A_734 {strides = array<i32>} : memref<25600xi32, #tpu.memory_space<vmem>>, vector<16xi32>,
        %parallel_loop3A_741 = arith.constant 64 : i32
        %parallel_loop3A_742 = vector.broadcast %parallel_loop3A_741 : i32 to vector<16xi32>
        %parallel_loop3A_743 = arith.addi %parallel_loop3A_742, %iota3A : vector<16xi32>
        %parallel_loop3A_744 = vector.broadcast %parallel_loop3A_696 : i32 to vector<16xi32>
        %parallel_loop3A_745 = tpu.vector_load_idx %arg5[%parallel_loop3A_743, %parallel_loop3A_744] : memref<128x200xi32, #tpu.memory_space<vmem>>[vector<16xi32>, vector<16xi32>], vector<16xi32>,
        %parallel_loop3A_746 = arith.constant 128 : i32
        %parallel_loop3A_747 = arith.muli %parallel_loop3A_696, %parallel_loop3A_746 : i32
        %parallel_loop3A_748 = arith.constant 64 : i32
        %parallel_loop3A_749 = arith.addi %parallel_loop3A_747, %parallel_loop3A_748 : i32
        %parallel_loop3A_750 = arith.index_cast %parallel_loop3A_749 : i32 to index
        %parallel_loop3A_751 = tpu.vector_load %arg6[%parallel_loop3A_750] {strides = array<i32>} : memref<25600xi32, #tpu.memory_space<vmem>>, vector<16xi32>,
        tpu.vector_store %arg6[%parallel_loop3A_750], %parallel_loop3A_745 {strides = array<i32>} : memref<25600xi32, #tpu.memory_space<vmem>>, vector<16xi32>,
        %parallel_loop3A_752 = arith.constant 80 : i32
        %parallel_loop3A_753 = vector.broadcast %parallel_loop3A_752 : i32 to vector<16xi32>
        %parallel_loop3A_754 = arith.addi %parallel_loop3A_753, %iota3A : vector<16xi32>
        %parallel_loop3A_755 = vector.broadcast %parallel_loop3A_696 : i32 to vector<16xi32>
        %parallel_loop3A_756 = tpu.vector_load_idx %arg5[%parallel_loop3A_754, %parallel_loop3A_755] : memref<128x200xi32, #tpu.memory_space<vmem>>[vector<16xi32>, vector<16xi32>], vector<16xi32>,
        %parallel_loop3A_757 = arith.constant 128 : i32
        %parallel_loop3A_758 = arith.muli %parallel_loop3A_696, %parallel_loop3A_757 : i32
        %parallel_loop3A_759 = arith.constant 80 : i32
        %parallel_loop3A_760 = arith.addi %parallel_loop3A_758, %parallel_loop3A_759 : i32
        %parallel_loop3A_761 = arith.index_cast %parallel_loop3A_760 : i32 to index
        %parallel_loop3A_762 = tpu.vector_load %arg6[%parallel_loop3A_761] {strides = array<i32>} : memref<25600xi32, #tpu.memory_space<vmem>>, vector<16xi32>,
        tpu.vector_store %arg6[%parallel_loop3A_761], %parallel_loop3A_756 {strides = array<i32>} : memref<25600xi32, #tpu.memory_space<vmem>>, vector<16xi32>,
        %parallel_loop3A_763 = arith.constant 96 : i32
        %parallel_loop3A_764 = vector.broadcast %parallel_loop3A_763 : i32 to vector<16xi32>
        %parallel_loop3A_765 = arith.addi %parallel_loop3A_764, %iota3A : vector<16xi32>
        %parallel_loop3A_766 = vector.broadcast %parallel_loop3A_696 : i32 to vector<16xi32>
        %parallel_loop3A_767 = tpu.vector_load_idx %arg5[%parallel_loop3A_765, %parallel_loop3A_766] : memref<128x200xi32, #tpu.memory_space<vmem>>[vector<16xi32>, vector<16xi32>], vector<16xi32>,
        %parallel_loop3A_768 = arith.constant 128 : i32
        %parallel_loop3A_769 = arith.muli %parallel_loop3A_696, %parallel_loop3A_768 : i32
        %parallel_loop3A_770 = arith.constant 96 : i32
        %parallel_loop3A_771 = arith.addi %parallel_loop3A_769, %parallel_loop3A_770 : i32
        %parallel_loop3A_772 = arith.index_cast %parallel_loop3A_771 : i32 to index
        %parallel_loop3A_773 = tpu.vector_load %arg6[%parallel_loop3A_772] {strides = array<i32>} : memref<25600xi32, #tpu.memory_space<vmem>>, vector<16xi32>,
        tpu.vector_store %arg6[%parallel_loop3A_772], %parallel_loop3A_767 {strides = array<i32>} : memref<25600xi32, #tpu.memory_space<vmem>>, vector<16xi32>,
        %parallel_loop3A_774 = arith.constant 112 : i32
        %parallel_loop3A_775 = vector.broadcast %parallel_loop3A_774 : i32 to vector<16xi32>
        %parallel_loop3A_776 = arith.addi %parallel_loop3A_775, %iota3A : vector<16xi32>
        %parallel_loop3A_777 = vector.broadcast %parallel_loop3A_696 : i32 to vector<16xi32>
        %parallel_loop3A_778 = tpu.vector_load_idx %arg5[%parallel_loop3A_776, %parallel_loop3A_777] : memref<128x200xi32, #tpu.memory_space<vmem>>[vector<16xi32>, vector<16xi32>], vector<16xi32>,
        %parallel_loop3A_779 = arith.constant 128 : i32
        %parallel_loop3A_780 = arith.muli %parallel_loop3A_696, %parallel_loop3A_779 : i32
        %parallel_loop3A_781 = arith.constant 112 : i32
        %parallel_loop3A_782 = arith.addi %parallel_loop3A_780, %parallel_loop3A_781 : i32
        %parallel_loop3A_783 = arith.index_cast %parallel_loop3A_782 : i32 to index
        %parallel_loop3A_784 = tpu.vector_load %arg6[%parallel_loop3A_783] {strides = array<i32>} : memref<25600xi32, #tpu.memory_space<vmem>>, vector<16xi32>,
        tpu.vector_store %arg6[%parallel_loop3A_783], %parallel_loop3A_778 {strides = array<i32>} : memref<25600xi32, #tpu.memory_space<vmem>>, vector<16xi32>,
      } {sc.loop_unroll_factor = 1 : i64, sc.parallel_access}
      %dma_start3A = arith.constant 0 : i32
      %dma_start3A_272 = tpu.memref_slice %arg6[%dma_start3A] : memref<25600xi32, #tpu.memory_space<vmem>> -> memref<512xi32, #tpu.memory_space<vmem>>
      %dma_start3A_273 = arith.constant 0 : i32
      %dma_start3A_274 = arith.constant 0 : i32
      %dma_start3A_275 = tpu.memref_slice %arg3[%dma_start3A_273, %dma_start3A_274] : memref<100000x32xf32, #tpu.memory_space<hbm>> -> memref<100000x32xf32, #tpu.memory_space<hbm>>
      tpu.enqueue_indirect_dma source(%dma_start3A_275 : memref<100000x32xf32, #tpu.memory_space<hbm>>) target(%arg7 : memref<512x32xf32, #tpu.memory_space<vmem>>) offsets(%dma_start3A_272 : memref<512xi32, #tpu.memory_space<vmem>>) semaphore(%arg11 : memref<!tpu.dma_semaphore, #tpu.memory_space<semaphore_mem>>)
      %scan3A_276 = arith.constant 0 : i32
      %scan3A_277 = arith.constant 25 : i32
      %scan3A_278 = arith.addi %scan3A_276, %scan3A_277 : i32
      %scan3A_279 = arith.constant 1 : i32
      scf.for %scan3A_696 = %scan3A_276 to %scan3A_278 step %scan3A_279  : i32 {
        %mul3A_697 = arith.constant 2 : i32
        %mul3A_698 = arith.muli %scan3A_696, %mul3A_697 : i32
        %add3A_699 = arith.constant 0 : i32
        %add3A_700 = arith.addi %add3A_699, %mul3A_698 : i32
        %add3A_701 = arith.constant 0 : i32
        %add3A_702 = arith.addi %add3A_700, %add3A_701 : i32
        %lt3A = arith.constant 49 : i32
        %lt3A_703 = arith.cmpi slt, %add3A_702, %lt3A : i32
        %convert_element_type3A = arith.extui %lt3A_703 : i1 to i32
        %cond3A = arith.constant 0 : i32
        %cond3A_704 = arith.cmpi ne, %convert_element_type3A, %cond3A : i32
        scf.if %cond3A_704 {
          %add3A_1219 = arith.constant 1 : i32
          %add3A_1220 = arith.addi %add3A_702, %add3A_1219 : i32
          %mul3A_1221 = arith.constant 512 : i32
          %mul3A_1222 = arith.muli %add3A_1220, %mul3A_1221 : i32
          %dma_start3A_1223 = tpu.memref_slice %arg6[%mul3A_1222] : memref<25600xi32, #tpu.memory_space<vmem>> -> memref<512xi32, #tpu.memory_space<vmem>>
          %dma_start3A_1224 = arith.constant 0 : i32
          %dma_start3A_1225 = arith.constant 0 : i32
          %dma_start3A_1226 = tpu.memref_slice %arg3[%dma_start3A_1224, %dma_start3A_1225] : memref<100000x32xf32, #tpu.memory_space<hbm>> -> memref<100000x32xf32, #tpu.memory_space<hbm>>
          tpu.enqueue_indirect_dma source(%dma_start3A_1226 : memref<100000x32xf32, #tpu.memory_space<hbm>>) target(%arg8 : memref<512x32xf32, #tpu.memory_space<vmem>>) offsets(%dma_start3A_1223 : memref<512xi32, #tpu.memory_space<vmem>>) semaphore(%arg12 : memref<!tpu.dma_semaphore, #tpu.memory_space<semaphore_mem>>)
        } else {
        }
        %dma_wait3A_705 = arith.constant 0 : i32
        %dma_wait3A_706 = arith.constant 0 : i32
        %dma_wait3A_707 = tpu.memref_slice %arg3[%dma_wait3A_705, %dma_wait3A_706] : memref<100000x32xf32, #tpu.memory_space<hbm>> -> memref<512x32xf32, #tpu.memory_space<hbm>>
        %dma_wait3A_708 = arith.constant 0 : i32
        %dma_wait3A_709 = arith.constant 0 : i32
        %dma_wait3A_710 = tpu.memref_slice %arg3[%dma_wait3A_708, %dma_wait3A_709] : memref<100000x32xf32, #tpu.memory_space<hbm>> -> memref<512x32xf32, #tpu.memory_space<hbm>>
        tpu.wait_dma2 semaphore(%arg11 : memref<!tpu.dma_semaphore, #tpu.memory_space<semaphore_mem>>) src(%dma_wait3A_710 : memref<512x32xf32, #tpu.memory_space<hbm>>) dst(%arg7 : memref<512x32xf32, #tpu.memory_space<vmem>>)
        %ge3A = arith.constant 2 : i32
        %ge3A_711 = arith.cmpi sge, %add3A_702, %ge3A : i32
        %convert_element_type3A_712 = arith.extui %ge3A_711 : i1 to i32
        %cond3A_713 = arith.constant 0 : i32
        %cond3A_714 = arith.cmpi ne, %convert_element_type3A_712, %cond3A_713 : i32
        scf.if %cond3A_714 {
          %dma_wait3A_1219 = arith.constant 0 : i32
          %dma_wait3A_1220 = arith.constant 0 : i32
          %dma_wait3A_1221 = arith.constant 0 : i32
          %dma_wait3A_1222 = arith.constant 0 : i32
          %dma_wait3A_1223 = tpu.memref_slice %arg9[%dma_wait3A_1222] : memref<16384xf32, #tpu.memory_space<vmem>> -> memref<1024xf32, #tpu.memory_space<vmem>>
          %dma_wait3A_1224 = arith.constant 0 : i32
          %dma_wait3A_1225 = tpu.memref_slice %arg4[%dma_wait3A_1219, %dma_wait3A_1220, %dma_wait3A_1221, %dma_wait3A_1224] : memref<200x4x128x1024xf32, #tpu.memory_space<hbm>> -> memref<1x1x1x1024xf32, #tpu.memory_space<hbm>>
          %dma_wait3A_1226 = tpu.memref_squeeze %dma_wait3A_1225 : memref<1x1x1x1024xf32, #tpu.memory_space<hbm>> -> memref<1024xf32, #tpu.memory_space<hbm>>
          %dma_wait3A_1227 = arith.constant 0 : i32
          %dma_wait3A_1228 = tpu.memref_slice %arg9[%dma_wait3A_1227] : memref<16384xf32, #tpu.memory_space<vmem>> -> memref<1024xf32, #tpu.memory_space<vmem>>
          %dma_wait3A_1229 = arith.constant 0 : i32
          %dma_wait3A_1230 = tpu.memref_slice %arg4[%dma_wait3A_1219, %dma_wait3A_1220, %dma_wait3A_1221, %dma_wait3A_1229] : memref<200x4x128x1024xf32, #tpu.memory_space<hbm>> -> memref<1x1x1x1024xf32, #tpu.memory_space<hbm>>
          %dma_wait3A_1231 = tpu.memref_squeeze %dma_wait3A_1230 : memref<1x1x1x1024xf32, #tpu.memory_space<hbm>> -> memref<1024xf32, #tpu.memory_space<hbm>>
          tpu.wait_dma2 semaphore(%arg13 : memref<!tpu.dma_semaphore, #tpu.memory_space<semaphore_mem>>) src(%dma_wait3A_1231 : memref<1024xf32, #tpu.memory_space<hbm>>) dst(%dma_wait3A_1228 : memref<1024xf32, #tpu.memory_space<vmem>>)
          %dma_wait3A_1232 = arith.constant 0 : i32
          %dma_wait3A_1233 = arith.constant 0 : i32
          %dma_wait3A_1234 = arith.constant 0 : i32
          %dma_wait3A_1235 = arith.constant 0 : i32
          %dma_wait3A_1236 = tpu.memref_slice %arg9[%dma_wait3A_1235] : memref<16384xf32, #tpu.memory_space<vmem>> -> memref<1024xf32, #tpu.memory_space<vmem>>
          %dma_wait3A_1237 = arith.constant 0 : i32
          %dma_wait3A_1238 = tpu.memref_slice %arg4[%dma_wait3A_1232, %dma_wait3A_1233, %dma_wait3A_1234, %dma_wait3A_1237] : memref<200x4x128x1024xf32, #tpu.memory_space<hbm>> -> memref<1x1x1x1024xf32, #tpu.memory_space<hbm>>
          %dma_wait3A_1239 = tpu.memref_squeeze %dma_wait3A_1238 : memref<1x1x1x1024xf32, #tpu.memory_space<hbm>> -> memref<1024xf32, #tpu.memory_space<hbm>>
          %dma_wait3A_1240 = arith.constant 0 : i32
          %dma_wait3A_1241 = tpu.memref_slice %arg9[%dma_wait3A_1240] : memref<16384xf32, #tpu.memory_space<vmem>> -> memref<1024xf32, #tpu.memory_space<vmem>>
          %dma_wait3A_1242 = arith.constant 0 : i32
          %dma_wait3A_1243 = tpu.memref_slice %arg4[%dma_wait3A_1232, %dma_wait3A_1233, %dma_wait3A_1234, %dma_wait3A_1242] : memref<200x4x128x1024xf32, #tpu.memory_space<hbm>> -> memref<1x1x1x1024xf32, #tpu.memory_space<hbm>>
          %dma_wait3A_1244 = tpu.memref_squeeze %dma_wait3A_1243 : memref<1x1x1x1024xf32, #tpu.memory_space<hbm>> -> memref<1024xf32, #tpu.memory_space<hbm>>
          tpu.wait_dma2 semaphore(%arg13 : memref<!tpu.dma_semaphore, #tpu.memory_space<semaphore_mem>>) src(%dma_wait3A_1244 : memref<1024xf32, #tpu.memory_space<hbm>>) dst(%dma_wait3A_1241 : memref<1024xf32, #tpu.memory_space<vmem>>)
          %dma_wait3A_1245 = arith.constant 0 : i32
          %dma_wait3A_1246 = arith.constant 0 : i32
          %dma_wait3A_1247 = arith.constant 0 : i32
          %dma_wait3A_1248 = arith.constant 0 : i32
          %dma_wait3A_1249 = tpu.memref_slice %arg9[%dma_wait3A_1248] : memref<16384xf32, #tpu.memory_space<vmem>> -> memref<1024xf32, #tpu.memory_space<vmem>>
          %dma_wait3A_1250 = arith.constant 0 : i32
          %dma_wait3A_1251 = tpu.memref_slice %arg4[%dma_wait3A_1245, %dma_wait3A_1246, %dma_wait3A_1247, %dma_wait3A_1250] : memref<200x4x128x1024xf32, #tpu.memory_space<hbm>> -> memref<1x1x1x1024xf32, #tpu.memory_space<hbm>>
          %dma_wait3A_1252 = tpu.memref_squeeze %dma_wait3A_1251 : memref<1x1x1x1024xf32, #tpu.memory_space<hbm>> -> memref<1024xf32, #tpu.memory_space<hbm>>
          %dma_wait3A_1253 = arith.constant 0 : i32
          %dma_wait3A_1254 = tpu.memref_slice %arg9[%dma_wait3A_1253] : memref<16384xf32, #tpu.memory_space<vmem>> -> memref<1024xf32, #tpu.memory_space<vmem>>
          %dma_wait3A_1255 = arith.constant 0 : i32
          %dma_wait3A_1256 = tpu.memref_slice %arg4[%dma_wait3A_1245, %dma_wait3A_1246, %dma_wait3A_1247, %dma_wait3A_1255] : memref<200x4x128x1024xf32, #tpu.memory_space<hbm>> -> memref<1x1x1x1024xf32, #tpu.memory_space<hbm>>
          %dma_wait3A_1257 = tpu.memref_squeeze %dma_wait3A_1256 : memref<1x1x1x1024xf32, #tpu.memory_space<hbm>> -> memref<1024xf32, #tpu.memory_space<hbm>>
          tpu.wait_dma2 semaphore(%arg13 : memref<!tpu.dma_semaphore, #tpu.memory_space<semaphore_mem>>) src(%dma_wait3A_1257 : memref<1024xf32, #tpu.memory_space<hbm>>) dst(%dma_wait3A_1254 : memref<1024xf32, #tpu.memory_space<vmem>>)
          %dma_wait3A_1258 = arith.constant 0 : i32
          %dma_wait3A_1259 = arith.constant 0 : i32
          %dma_wait3A_1260 = arith.constant 0 : i32
          %dma_wait3A_1261 = arith.constant 0 : i32
          %dma_wait3A_1262 = tpu.memref_slice %arg9[%dma_wait3A_1261] : memref<16384xf32, #tpu.memory_space<vmem>> -> memref<1024xf32, #tpu.memory_space<vmem>>
          %dma_wait3A_1263 = arith.constant 0 : i32
          %dma_wait3A_1264 = tpu.memref_slice %arg4[%dma_wait3A_1258, %dma_wait3A_1259, %dma_wait3A_1260, %dma_wait3A_1263] : memref<200x4x128x1024xf32, #tpu.memory_space<hbm>> -> memref<1x1x1x1024xf32, #tpu.memory_space<hbm>>
          %dma_wait3A_1265 = tpu.memref_squeeze %dma_wait3A_1264 : memref<1x1x1x1024xf32, #tpu.memory_space<hbm>> -> memref<1024xf32, #tpu.memory_space<hbm>>
          %dma_wait3A_1266 = arith.constant 0 : i32
          %dma_wait3A_1267 = tpu.memref_slice %arg9[%dma_wait3A_1266] : memref<16384xf32, #tpu.memory_space<vmem>> -> memref<1024xf32, #tpu.memory_space<vmem>>
          %dma_wait3A_1268 = arith.constant 0 : i32
          %dma_wait3A_1269 = tpu.memref_slice %arg4[%dma_wait3A_1258, %dma_wait3A_1259, %dma_wait3A_1260, %dma_wait3A_1268] : memref<200x4x128x1024xf32, #tpu.memory_space<hbm>> -> memref<1x1x1x1024xf32, #tpu.memory_space<hbm>>
          %dma_wait3A_1270 = tpu.memref_squeeze %dma_wait3A_1269 : memref<1x1x1x1024xf32, #tpu.memory_space<hbm>> -> memref<1024xf32, #tpu.memory_space<hbm>>
          tpu.wait_dma2 semaphore(%arg13 : memref<!tpu.dma_semaphore, #tpu.memory_space<semaphore_mem>>) src(%dma_wait3A_1270 : memref<1024xf32, #tpu.memory_space<hbm>>) dst(%dma_wait3A_1267 : memref<1024xf32, #tpu.memory_space<vmem>>)
          %dma_wait3A_1271 = arith.constant 0 : i32
          %dma_wait3A_1272 = arith.constant 0 : i32
          %dma_wait3A_1273 = arith.constant 0 : i32
          %dma_wait3A_1274 = arith.constant 0 : i32
          %dma_wait3A_1275 = tpu.memref_slice %arg9[%dma_wait3A_1274] : memref<16384xf32, #tpu.memory_space<vmem>> -> memref<1024xf32, #tpu.memory_space<vmem>>
          %dma_wait3A_1276 = arith.constant 0 : i32
          %dma_wait3A_1277 = tpu.memref_slice %arg4[%dma_wait3A_1271, %dma_wait3A_1272, %dma_wait3A_1273, %dma_wait3A_1276] : memref<200x4x128x1024xf32, #tpu.memory_space<hbm>> -> memref<1x1x1x1024xf32, #tpu.memory_space<hbm>>
          %dma_wait3A_1278 = tpu.memref_squeeze %dma_wait3A_1277 : memref<1x1x1x1024xf32, #tpu.memory_space<hbm>> -> memref<1024xf32, #tpu.memory_space<hbm>>
          %dma_wait3A_1279 = arith.constant 0 : i32
          %dma_wait3A_1280 = tpu.memref_slice %arg9[%dma_wait3A_1279] : memref<16384xf32, #tpu.memory_space<vmem>> -> memref<1024xf32, #tpu.memory_space<vmem>>
          %dma_wait3A_1281 = arith.constant 0 : i32
          %dma_wait3A_1282 = tpu.memref_slice %arg4[%dma_wait3A_1271, %dma_wait3A_1272, %dma_wait3A_1273, %dma_wait3A_1281] : memref<200x4x128x1024xf32, #tpu.memory_space<hbm>> -> memref<1x1x1x1024xf32, #tpu.memory_space<hbm>>
          %dma_wait3A_1283 = tpu.memref_squeeze %dma_wait3A_1282 : memref<1x1x1x1024xf32, #tpu.memory_space<hbm>> -> memref<1024xf32, #tpu.memory_space<hbm>>
          tpu.wait_dma2 semaphore(%arg13 : memref<!tpu.dma_semaphore, #tpu.memory_space<semaphore_mem>>) src(%dma_wait3A_1283 : memref<1024xf32, #tpu.memory_space<hbm>>) dst(%dma_wait3A_1280 : memref<1024xf32, #tpu.memory_space<vmem>>)
          %dma_wait3A_1284 = arith.constant 0 : i32
          %dma_wait3A_1285 = arith.constant 0 : i32
          %dma_wait3A_1286 = arith.constant 0 : i32
          %dma_wait3A_1287 = arith.constant 0 : i32
          %dma_wait3A_1288 = tpu.memref_slice %arg9[%dma_wait3A_1287] : memref<16384xf32, #tpu.memory_space<vmem>> -> memref<1024xf32, #tpu.memory_space<vmem>>
          %dma_wait3A_1289 = arith.constant 0 : i32
          %dma_wait3A_1290 = tpu.memref_slice %arg4[%dma_wait3A_1284, %dma_wait3A_1285, %dma_wait3A_1286, %dma_wait3A_1289] : memref<200x4x128x1024xf32, #tpu.memory_space<hbm>> -> memref<1x1x1x1024xf32, #tpu.memory_space<hbm>>
          %dma_wait3A_1291 = tpu.memref_squeeze %dma_wait3A_1290 : memref<1x1x1x1024xf32, #tpu.memory_space<hbm>> -> memref<1024xf32, #tpu.memory_space<hbm>>
          %dma_wait3A_1292 = arith.constant 0 : i32
          %dma_wait3A_1293 = tpu.memref_slice %arg9[%dma_wait3A_1292] : memref<16384xf32, #tpu.memory_space<vmem>> -> memref<1024xf32, #tpu.memory_space<vmem>>
          %dma_wait3A_1294 = arith.constant 0 : i32
          %dma_wait3A_1295 = tpu.memref_slice %arg4[%dma_wait3A_1284, %dma_wait3A_1285, %dma_wait3A_1286, %dma_wait3A_1294] : memref<200x4x128x1024xf32, #tpu.memory_space<hbm>> -> memref<1x1x1x1024xf32, #tpu.memory_space<hbm>>
          %dma_wait3A_1296 = tpu.memref_squeeze %dma_wait3A_1295 : memref<1x1x1x1024xf32, #tpu.memory_space<hbm>> -> memref<1024xf32, #tpu.memory_space<hbm>>
          tpu.wait_dma2 semaphore(%arg13 : memref<!tpu.dma_semaphore, #tpu.memory_space<semaphore_mem>>) src(%dma_wait3A_1296 : memref<1024xf32, #tpu.memory_space<hbm>>) dst(%dma_wait3A_1293 : memref<1024xf32, #tpu.memory_space<vmem>>)
          %dma_wait3A_1297 = arith.constant 0 : i32
          %dma_wait3A_1298 = arith.constant 0 : i32
          %dma_wait3A_1299 = arith.constant 0 : i32
          %dma_wait3A_1300 = arith.constant 0 : i32
          %dma_wait3A_1301 = tpu.memref_slice %arg9[%dma_wait3A_1300] : memref<16384xf32, #tpu.memory_space<vmem>> -> memref<1024xf32, #tpu.memory_space<vmem>>
          %dma_wait3A_1302 = arith.constant 0 : i32
          %dma_wait3A_1303 = tpu.memref_slice %arg4[%dma_wait3A_1297, %dma_wait3A_1298, %dma_wait3A_1299, %dma_wait3A_1302] : memref<200x4x128x1024xf32, #tpu.memory_space<hbm>> -> memref<1x1x1x1024xf32, #tpu.memory_space<hbm>>
          %dma_wait3A_1304 = tpu.memref_squeeze %dma_wait3A_1303 : memref<1x1x1x1024xf32, #tpu.memory_space<hbm>> -> memref<1024xf32, #tpu.memory_space<hbm>>
          %dma_wait3A_1305 = arith.constant 0 : i32
          %dma_wait3A_1306 = tpu.memref_slice %arg9[%dma_wait3A_1305] : memref<16384xf32, #tpu.memory_space<vmem>> -> memref<1024xf32, #tpu.memory_space<vmem>>
          %dma_wait3A_1307 = arith.constant 0 : i32
          %dma_wait3A_1308 = tpu.memref_slice %arg4[%dma_wait3A_1297, %dma_wait3A_1298, %dma_wait3A_1299, %dma_wait3A_1307] : memref<200x4x128x1024xf32, #tpu.memory_space<hbm>> -> memref<1x1x1x1024xf32, #tpu.memory_space<hbm>>
          %dma_wait3A_1309 = tpu.memref_squeeze %dma_wait3A_1308 : memref<1x1x1x1024xf32, #tpu.memory_space<hbm>> -> memref<1024xf32, #tpu.memory_space<hbm>>
          tpu.wait_dma2 semaphore(%arg13 : memref<!tpu.dma_semaphore, #tpu.memory_space<semaphore_mem>>) src(%dma_wait3A_1309 : memref<1024xf32, #tpu.memory_space<hbm>>) dst(%dma_wait3A_1306 : memref<1024xf32, #tpu.memory_space<vmem>>)
          %dma_wait3A_1310 = arith.constant 0 : i32
          %dma_wait3A_1311 = arith.constant 0 : i32
          %dma_wait3A_1312 = arith.constant 0 : i32
          %dma_wait3A_1313 = arith.constant 0 : i32
          %dma_wait3A_1314 = tpu.memref_slice %arg9[%dma_wait3A_1313] : memref<16384xf32, #tpu.memory_space<vmem>> -> memref<1024xf32, #tpu.memory_space<vmem>>
          %dma_wait3A_1315 = arith.constant 0 : i32
          %dma_wait3A_1316 = tpu.memref_slice %arg4[%dma_wait3A_1310, %dma_wait3A_1311, %dma_wait3A_1312, %dma_wait3A_1315] : memref<200x4x128x1024xf32, #tpu.memory_space<hbm>> -> memref<1x1x1x1024xf32, #tpu.memory_space<hbm>>
          %dma_wait3A_1317 = tpu.memref_squeeze %dma_wait3A_1316 : memref<1x1x1x1024xf32, #tpu.memory_space<hbm>> -> memref<1024xf32, #tpu.memory_space<hbm>>
          %dma_wait3A_1318 = arith.constant 0 : i32
          %dma_wait3A_1319 = tpu.memref_slice %arg9[%dma_wait3A_1318] : memref<16384xf32, #tpu.memory_space<vmem>> -> memref<1024xf32, #tpu.memory_space<vmem>>
          %dma_wait3A_1320 = arith.constant 0 : i32
          %dma_wait3A_1321 = tpu.memref_slice %arg4[%dma_wait3A_1310, %dma_wait3A_1311, %dma_wait3A_1312, %dma_wait3A_1320] : memref<200x4x128x1024xf32, #tpu.memory_space<hbm>> -> memref<1x1x1x1024xf32, #tpu.memory_space<hbm>>
          %dma_wait3A_1322 = tpu.memref_squeeze %dma_wait3A_1321 : memref<1x1x1x1024xf32, #tpu.memory_space<hbm>> -> memref<1024xf32, #tpu.memory_space<hbm>>
          tpu.wait_dma2 semaphore(%arg13 : memref<!tpu.dma_semaphore, #tpu.memory_space<semaphore_mem>>) src(%dma_wait3A_1322 : memref<1024xf32, #tpu.memory_space<hbm>>) dst(%dma_wait3A_1319 : memref<1024xf32, #tpu.memory_space<vmem>>)
          %dma_wait3A_1323 = arith.constant 0 : i32
          %dma_wait3A_1324 = arith.constant 0 : i32
          %dma_wait3A_1325 = arith.constant 0 : i32
          %dma_wait3A_1326 = arith.constant 0 : i32
          %dma_wait3A_1327 = tpu.memref_slice %arg9[%dma_wait3A_1326] : memref<16384xf32, #tpu.memory_space<vmem>> -> memref<1024xf32, #tpu.memory_space<vmem>>
          %dma_wait3A_1328 = arith.constant 0 : i32
          %dma_wait3A_1329 = tpu.memref_slice %arg4[%dma_wait3A_1323, %dma_wait3A_1324, %dma_wait3A_1325, %dma_wait3A_1328] : memref<200x4x128x1024xf32, #tpu.memory_space<hbm>> -> memref<1x1x1x1024xf32, #tpu.memory_space<hbm>>
          %dma_wait3A_1330 = tpu.memref_squeeze %dma_wait3A_1329 : memref<1x1x1x1024xf32, #tpu.memory_space<hbm>> -> memref<1024xf32, #tpu.memory_space<hbm>>
          %dma_wait3A_1331 = arith.constant 0 : i32
          %dma_wait3A_1332 = tpu.memref_slice %arg9[%dma_wait3A_1331] : memref<16384xf32, #tpu.memory_space<vmem>> -> memref<1024xf32, #tpu.memory_space<vmem>>
          %dma_wait3A_1333 = arith.constant 0 : i32
          %dma_wait3A_1334 = tpu.memref_slice %arg4[%dma_wait3A_1323, %dma_wait3A_1324, %dma_wait3A_1325, %dma_wait3A_1333] : memref<200x4x128x1024xf32, #tpu.memory_space<hbm>> -> memref<1x1x1x1024xf32, #tpu.memory_space<hbm>>
          %dma_wait3A_1335 = tpu.memref_squeeze %dma_wait3A_1334 : memref<1x1x1x1024xf32, #tpu.memory_space<hbm>> -> memref<1024xf32, #tpu.memory_space<hbm>>
          tpu.wait_dma2 semaphore(%arg13 : memref<!tpu.dma_semaphore, #tpu.memory_space<semaphore_mem>>) src(%dma_wait3A_1335 : memref<1024xf32, #tpu.memory_space<hbm>>) dst(%dma_wait3A_1332 : memref<1024xf32, #tpu.memory_space<vmem>>)
          %dma_wait3A_1336 = arith.constant 0 : i32
          %dma_wait3A_1337 = arith.constant 0 : i32
          %dma_wait3A_1338 = arith.constant 0 : i32
          %dma_wait3A_1339 = arith.constant 0 : i32
          %dma_wait3A_1340 = tpu.memref_slice %arg9[%dma_wait3A_1339] : memref<16384xf32, #tpu.memory_space<vmem>> -> memref<1024xf32, #tpu.memory_space<vmem>>
          %dma_wait3A_1341 = arith.constant 0 : i32
          %dma_wait3A_1342 = tpu.memref_slice %arg4[%dma_wait3A_1336, %dma_wait3A_1337, %dma_wait3A_1338, %dma_wait3A_1341] : memref<200x4x128x1024xf32, #tpu.memory_space<hbm>> -> memref<1x1x1x1024xf32, #tpu.memory_space<hbm>>
          %dma_wait3A_1343 = tpu.memref_squeeze %dma_wait3A_1342 : memref<1x1x1x1024xf32, #tpu.memory_space<hbm>> -> memref<1024xf32, #tpu.memory_space<hbm>>
          %dma_wait3A_1344 = arith.constant 0 : i32
          %dma_wait3A_1345 = tpu.memref_slice %arg9[%dma_wait3A_1344] : memref<16384xf32, #tpu.memory_space<vmem>> -> memref<1024xf32, #tpu.memory_space<vmem>>
          %dma_wait3A_1346 = arith.constant 0 : i32
          %dma_wait3A_1347 = tpu.memref_slice %arg4[%dma_wait3A_1336, %dma_wait3A_1337, %dma_wait3A_1338, %dma_wait3A_1346] : memref<200x4x128x1024xf32, #tpu.memory_space<hbm>> -> memref<1x1x1x1024xf32, #tpu.memory_space<hbm>>
          %dma_wait3A_1348 = tpu.memref_squeeze %dma_wait3A_1347 : memref<1x1x1x1024xf32, #tpu.memory_space<hbm>> -> memref<1024xf32, #tpu.memory_space<hbm>>
          tpu.wait_dma2 semaphore(%arg13 : memref<!tpu.dma_semaphore, #tpu.memory_space<semaphore_mem>>) src(%dma_wait3A_1348 : memref<1024xf32, #tpu.memory_space<hbm>>) dst(%dma_wait3A_1345 : memref<1024xf32, #tpu.memory_space<vmem>>)
          %dma_wait3A_1349 = arith.constant 0 : i32
          %dma_wait3A_1350 = arith.constant 0 : i32
          %dma_wait3A_1351 = arith.constant 0 : i32
          %dma_wait3A_1352 = arith.constant 0 : i32
          %dma_wait3A_1353 = tpu.memref_slice %arg9[%dma_wait3A_1352] : memref<16384xf32, #tpu.memory_space<vmem>> -> memref<1024xf32, #tpu.memory_space<vmem>>
          %dma_wait3A_1354 = arith.constant 0 : i32
          %dma_wait3A_1355 = tpu.memref_slice %arg4[%dma_wait3A_1349, %dma_wait3A_1350, %dma_wait3A_1351, %dma_wait3A_1354] : memref<200x4x128x1024xf32, #tpu.memory_space<hbm>> -> memref<1x1x1x1024xf32, #tpu.memory_space<hbm>>
          %dma_wait3A_1356 = tpu.memref_squeeze %dma_wait3A_1355 : memref<1x1x1x1024xf32, #tpu.memory_space<hbm>> -> memref<1024xf32, #tpu.memory_space<hbm>>
          %dma_wait3A_1357 = arith.constant 0 : i32
          %dma_wait3A_1358 = tpu.memref_slice %arg9[%dma_wait3A_1357] : memref<16384xf32, #tpu.memory_space<vmem>> -> memref<1024xf32, #tpu.memory_space<vmem>>
          %dma_wait3A_1359 = arith.constant 0 : i32
          %dma_wait3A_1360 = tpu.memref_slice %arg4[%dma_wait3A_1349, %dma_wait3A_1350, %dma_wait3A_1351, %dma_wait3A_1359] : memref<200x4x128x1024xf32, #tpu.memory_space<hbm>> -> memref<1x1x1x1024xf32, #tpu.memory_space<hbm>>
          %dma_wait3A_1361 = tpu.memref_squeeze %dma_wait3A_1360 : memref<1x1x1x1024xf32, #tpu.memory_space<hbm>> -> memref<1024xf32, #tpu.memory_space<hbm>>
          tpu.wait_dma2 semaphore(%arg13 : memref<!tpu.dma_semaphore, #tpu.memory_space<semaphore_mem>>) src(%dma_wait3A_1361 : memref<1024xf32, #tpu.memory_space<hbm>>) dst(%dma_wait3A_1358 : memref<1024xf32, #tpu.memory_space<vmem>>)
          %dma_wait3A_1362 = arith.constant 0 : i32
          %dma_wait3A_1363 = arith.constant 0 : i32
          %dma_wait3A_1364 = arith.constant 0 : i32
          %dma_wait3A_1365 = arith.constant 0 : i32
          %dma_wait3A_1366 = tpu.memref_slice %arg9[%dma_wait3A_1365] : memref<16384xf32, #tpu.memory_space<vmem>> -> memref<1024xf32, #tpu.memory_space<vmem>>
          %dma_wait3A_1367 = arith.constant 0 : i32
          %dma_wait3A_1368 = tpu.memref_slice %arg4[%dma_wait3A_1362, %dma_wait3A_1363, %dma_wait3A_1364, %dma_wait3A_1367] : memref<200x4x128x1024xf32, #tpu.memory_space<hbm>> -> memref<1x1x1x1024xf32, #tpu.memory_space<hbm>>
          %dma_wait3A_1369 = tpu.memref_squeeze %dma_wait3A_1368 : memref<1x1x1x1024xf32, #tpu.memory_space<hbm>> -> memref<1024xf32, #tpu.memory_space<hbm>>
          %dma_wait3A_1370 = arith.constant 0 : i32
          %dma_wait3A_1371 = tpu.memref_slice %arg9[%dma_wait3A_1370] : memref<16384xf32, #tpu.memory_space<vmem>> -> memref<1024xf32, #tpu.memory_space<vmem>>
          %dma_wait3A_1372 = arith.constant 0 : i32
          %dma_wait3A_1373 = tpu.memref_slice %arg4[%dma_wait3A_1362, %dma_wait3A_1363, %dma_wait3A_1364, %dma_wait3A_1372] : memref<200x4x128x1024xf32, #tpu.memory_space<hbm>> -> memref<1x1x1x1024xf32, #tpu.memory_space<hbm>>
          %dma_wait3A_1374 = tpu.memref_squeeze %dma_wait3A_1373 : memref<1x1x1x1024xf32, #tpu.memory_space<hbm>> -> memref<1024xf32, #tpu.memory_space<hbm>>
          tpu.wait_dma2 semaphore(%arg13 : memref<!tpu.dma_semaphore, #tpu.memory_space<semaphore_mem>>) src(%dma_wait3A_1374 : memref<1024xf32, #tpu.memory_space<hbm>>) dst(%dma_wait3A_1371 : memref<1024xf32, #tpu.memory_space<vmem>>)
          %dma_wait3A_1375 = arith.constant 0 : i32
          %dma_wait3A_1376 = arith.constant 0 : i32
          %dma_wait3A_1377 = arith.constant 0 : i32
          %dma_wait3A_1378 = arith.constant 0 : i32
          %dma_wait3A_1379 = tpu.memref_slice %arg9[%dma_wait3A_1378] : memref<16384xf32, #tpu.memory_space<vmem>> -> memref<1024xf32, #tpu.memory_space<vmem>>
          %dma_wait3A_1380 = arith.constant 0 : i32
          %dma_wait3A_1381 = tpu.memref_slice %arg4[%dma_wait3A_1375, %dma_wait3A_1376, %dma_wait3A_1377, %dma_wait3A_1380] : memref<200x4x128x1024xf32, #tpu.memory_space<hbm>> -> memref<1x1x1x1024xf32, #tpu.memory_space<hbm>>
          %dma_wait3A_1382 = tpu.memref_squeeze %dma_wait3A_1381 : memref<1x1x1x1024xf32, #tpu.memory_space<hbm>> -> memref<1024xf32, #tpu.memory_space<hbm>>
          %dma_wait3A_1383 = arith.constant 0 : i32
          %dma_wait3A_1384 = tpu.memref_slice %arg9[%dma_wait3A_1383] : memref<16384xf32, #tpu.memory_space<vmem>> -> memref<1024xf32, #tpu.memory_space<vmem>>
          %dma_wait3A_1385 = arith.constant 0 : i32
          %dma_wait3A_1386 = tpu.memref_slice %arg4[%dma_wait3A_1375, %dma_wait3A_1376, %dma_wait3A_1377, %dma_wait3A_1385] : memref<200x4x128x1024xf32, #tpu.memory_space<hbm>> -> memref<1x1x1x1024xf32, #tpu.memory_space<hbm>>
          %dma_wait3A_1387 = tpu.memref_squeeze %dma_wait3A_1386 : memref<1x1x1x1024xf32, #tpu.memory_space<hbm>> -> memref<1024xf32, #tpu.memory_space<hbm>>
          tpu.wait_dma2 semaphore(%arg13 : memref<!tpu.dma_semaphore, #tpu.memory_space<semaphore_mem>>) src(%dma_wait3A_1387 : memref<1024xf32, #tpu.memory_space<hbm>>) dst(%dma_wait3A_1384 : memref<1024xf32, #tpu.memory_space<vmem>>)
          %dma_wait3A_1388 = arith.constant 0 : i32
          %dma_wait3A_1389 = arith.constant 0 : i32
          %dma_wait3A_1390 = arith.constant 0 : i32
          %dma_wait3A_1391 = arith.constant 0 : i32
          %dma_wait3A_1392 = tpu.memref_slice %arg9[%dma_wait3A_1391] : memref<16384xf32, #tpu.memory_space<vmem>> -> memref<1024xf32, #tpu.memory_space<vmem>>
          %dma_wait3A_1393 = arith.constant 0 : i32
          %dma_wait3A_1394 = tpu.memref_slice %arg4[%dma_wait3A_1388, %dma_wait3A_1389, %dma_wait3A_1390, %dma_wait3A_1393] : memref<200x4x128x1024xf32, #tpu.memory_space<hbm>> -> memref<1x1x1x1024xf32, #tpu.memory_space<hbm>>
          %dma_wait3A_1395 = tpu.memref_squeeze %dma_wait3A_1394 : memref<1x1x1x1024xf32, #tpu.memory_space<hbm>> -> memref<1024xf32, #tpu.memory_space<hbm>>
          %dma_wait3A_1396 = arith.constant 0 : i32
          %dma_wait3A_1397 = tpu.memref_slice %arg9[%dma_wait3A_1396] : memref<16384xf32, #tpu.memory_space<vmem>> -> memref<1024xf32, #tpu.memory_space<vmem>>
          %dma_wait3A_1398 = arith.constant 0 : i32
          %dma_wait3A_1399 = tpu.memref_slice %arg4[%dma_wait3A_1388, %dma_wait3A_1389, %dma_wait3A_1390, %dma_wait3A_1398] : memref<200x4x128x1024xf32, #tpu.memory_space<hbm>> -> memref<1x1x1x1024xf32, #tpu.memory_space<hbm>>
          %dma_wait3A_1400 = tpu.memref_squeeze %dma_wait3A_1399 : memref<1x1x1x1024xf32, #tpu.memory_space<hbm>> -> memref<1024xf32, #tpu.memory_space<hbm>>
          tpu.wait_dma2 semaphore(%arg13 : memref<!tpu.dma_semaphore, #tpu.memory_space<semaphore_mem>>) src(%dma_wait3A_1400 : memref<1024xf32, #tpu.memory_space<hbm>>) dst(%dma_wait3A_1397 : memref<1024xf32, #tpu.memory_space<vmem>>)
          %dma_wait3A_1401 = arith.constant 0 : i32
          %dma_wait3A_1402 = arith.constant 0 : i32
          %dma_wait3A_1403 = arith.constant 0 : i32
          %dma_wait3A_1404 = arith.constant 0 : i32
          %dma_wait3A_1405 = tpu.memref_slice %arg9[%dma_wait3A_1404] : memref<16384xf32, #tpu.memory_space<vmem>> -> memref<1024xf32, #tpu.memory_space<vmem>>
          %dma_wait3A_1406 = arith.constant 0 : i32
          %dma_wait3A_1407 = tpu.memref_slice %arg4[%dma_wait3A_1401, %dma_wait3A_1402, %dma_wait3A_1403, %dma_wait3A_1406] : memref<200x4x128x1024xf32, #tpu.memory_space<hbm>> -> memref<1x1x1x1024xf32, #tpu.memory_space<hbm>>
          %dma_wait3A_1408 = tpu.memref_squeeze %dma_wait3A_1407 : memref<1x1x1x1024xf32, #tpu.memory_space<hbm>> -> memref<1024xf32, #tpu.memory_space<hbm>>
          %dma_wait3A_1409 = arith.constant 0 : i32
          %dma_wait3A_1410 = tpu.memref_slice %arg9[%dma_wait3A_1409] : memref<16384xf32, #tpu.memory_space<vmem>> -> memref<1024xf32, #tpu.memory_space<vmem>>
          %dma_wait3A_1411 = arith.constant 0 : i32
          %dma_wait3A_1412 = tpu.memref_slice %arg4[%dma_wait3A_1401, %dma_wait3A_1402, %dma_wait3A_1403, %dma_wait3A_1411] : memref<200x4x128x1024xf32, #tpu.memory_space<hbm>> -> memref<1x1x1x1024xf32, #tpu.memory_space<hbm>>
          %dma_wait3A_1413 = tpu.memref_squeeze %dma_wait3A_1412 : memref<1x1x1x1024xf32, #tpu.memory_space<hbm>> -> memref<1024xf32, #tpu.memory_space<hbm>>
          tpu.wait_dma2 semaphore(%arg13 : memref<!tpu.dma_semaphore, #tpu.memory_space<semaphore_mem>>) src(%dma_wait3A_1413 : memref<1024xf32, #tpu.memory_space<hbm>>) dst(%dma_wait3A_1410 : memref<1024xf32, #tpu.memory_space<vmem>>)
          %dma_wait3A_1414 = arith.constant 0 : i32
          %dma_wait3A_1415 = arith.constant 0 : i32
          %dma_wait3A_1416 = arith.constant 0 : i32
          %dma_wait3A_1417 = arith.constant 0 : i32
          %dma_wait3A_1418 = tpu.memref_slice %arg9[%dma_wait3A_1417] : memref<16384xf32, #tpu.memory_space<vmem>> -> memref<1024xf32, #tpu.memory_space<vmem>>
          %dma_wait3A_1419 = arith.constant 0 : i32
          %dma_wait3A_1420 = tpu.memref_slice %arg4[%dma_wait3A_1414, %dma_wait3A_1415, %dma_wait3A_1416, %dma_wait3A_1419] : memref<200x4x128x1024xf32, #tpu.memory_space<hbm>> -> memref<1x1x1x1024xf32, #tpu.memory_space<hbm>>
          %dma_wait3A_1421 = tpu.memref_squeeze %dma_wait3A_1420 : memref<1x1x1x1024xf32, #tpu.memory_space<hbm>> -> memref<1024xf32, #tpu.memory_space<hbm>>
          %dma_wait3A_1422 = arith.constant 0 : i32
          %dma_wait3A_1423 = tpu.memref_slice %arg9[%dma_wait3A_1422] : memref<16384xf32, #tpu.memory_space<vmem>> -> memref<1024xf32, #tpu.memory_space<vmem>>
          %dma_wait3A_1424 = arith.constant 0 : i32
          %dma_wait3A_1425 = tpu.memref_slice %arg4[%dma_wait3A_1414, %dma_wait3A_1415, %dma_wait3A_1416, %dma_wait3A_1424] : memref<200x4x128x1024xf32, #tpu.memory_space<hbm>> -> memref<1x1x1x1024xf32, #tpu.memory_space<hbm>>
          %dma_wait3A_1426 = tpu.memref_squeeze %dma_wait3A_1425 : memref<1x1x1x1024xf32, #tpu.memory_space<hbm>> -> memref<1024xf32, #tpu.memory_space<hbm>>
          tpu.wait_dma2 semaphore(%arg13 : memref<!tpu.dma_semaphore, #tpu.memory_space<semaphore_mem>>) src(%dma_wait3A_1426 : memref<1024xf32, #tpu.memory_space<hbm>>) dst(%dma_wait3A_1423 : memref<1024xf32, #tpu.memory_space<vmem>>)
        } else {
        }
        %parallel_loop3A_715 = arith.constant 0 : i32
        %parallel_loop3A_716 = arith.constant 512 : i32
        %parallel_loop3A_717 = arith.constant 16 : i32
        scf.for %parallel_loop3A_1219 = %parallel_loop3A_715 to %parallel_loop3A_716 step %parallel_loop3A_717  : i32 {
          %parallel_loop3A_1220 = arith.constant 128 : i32
          %parallel_loop3A_1221 = arith.divsi %parallel_loop3A_1219, %parallel_loop3A_1220 : i32
          %parallel_loop3A_1222 = arith.constant 0 : i32
          %parallel_loop3A_1223 = arith.cmpi sgt, %parallel_loop3A_1219, %parallel_loop3A_1222 : i32
          %parallel_loop3A_1224 = arith.extui %parallel_loop3A_1223 : i1 to i32
          %parallel_loop3A_1225 = arith.constant 0 : i32
          %parallel_loop3A_1226 = arith.cmpi slt, %parallel_loop3A_1219, %parallel_loop3A_1225 : i32
          %parallel_loop3A_1227 = arith.extui %parallel_loop3A_1226 : i1 to i32
          %parallel_loop3A_1228 = arith.subi %parallel_loop3A_1224, %parallel_loop3A_1227 : i32
          %parallel_loop3A_1229 = arith.constant 0 : i32
          %parallel_loop3A_1230 = arith.cmpi sgt, %parallel_loop3A_1220, %parallel_loop3A_1229 : i32
          %parallel_loop3A_1231 = arith.extui %parallel_loop3A_1230 : i1 to i32
          %parallel_loop3A_1232 = arith.constant 0 : i32
          %parallel_loop3A_1233 = arith.cmpi slt, %parallel_loop3A_1220, %parallel_loop3A_1232 : i32
          %parallel_loop3A_1234 = arith.extui %parallel_loop3A_1233 : i1 to i32
          %parallel_loop3A_1235 = arith.subi %parallel_loop3A_1231, %parallel_loop3A_1234 : i32
          %parallel_loop3A_1236 = arith.cmpi ne, %parallel_loop3A_1228, %parallel_loop3A_1235 : i32
          %parallel_loop3A_1237 = arith.remsi %parallel_loop3A_1219, %parallel_loop3A_1220 : i32
          %parallel_loop3A_1238 = arith.constant 0 : i32
          %parallel_loop3A_1239 = arith.cmpi ne, %parallel_loop3A_1237, %parallel_loop3A_1238 : i32
          %parallel_loop3A_1240 = arith.andi %parallel_loop3A_1236, %parallel_loop3A_1239 : i1
          %parallel_loop3A_1241 = arith.constant 1 : i32
          %parallel_loop3A_1242 = arith.subi %parallel_loop3A_1221, %parallel_loop3A_1241 : i32
          %parallel_loop3A_1243 = arith.select %parallel_loop3A_1240, %parallel_loop3A_1242, %parallel_loop3A_1221 : i32
          %parallel_loop3A_1244 = arith.constant 3968 : i32
          %parallel_loop3A_1245 = arith.muli %parallel_loop3A_1243, %parallel_loop3A_1244 : i32
          %parallel_loop3A_1246 = arith.addi %parallel_loop3A_1245, %parallel_loop3A_1219 : i32
          %parallel_loop3A_1247 = vector.broadcast %parallel_loop3A_1219 : i32 to vector<16xi32>
          %parallel_loop3A_1248 = arith.addi %parallel_loop3A_1247, %iota3A : vector<16xi32>
          %parallel_loop3A_1249 = arith.constant 0 : i32
          %parallel_loop3A_1250 = arith.addi %parallel_loop3A_1246, %parallel_loop3A_1249 : i32
          %parallel_loop3A_1251 = arith.constant 0 : i32
          %parallel_loop3A_1252 = vector.broadcast %parallel_loop3A_1251 : i32 to vector<16xi32>
          %parallel_loop3A_1253 = arith.addi %and3A_5, %parallel_loop3A_1252 : vector<16xi32>
          %parallel_loop3A_1254 = tpu.vector_load_idx %arg7[%parallel_loop3A_1248, %parallel_loop3A_1253] : memref<512x32xf32, #tpu.memory_space<vmem>>[vector<16xi32>, vector<16xi32>], vector<16xf32>,
          %parallel_loop3A_1255 = vector.broadcast %parallel_loop3A_1250 : i32 to vector<16xi32>
          %parallel_loop3A_1256 = arith.addi %add3A_105, %parallel_loop3A_1255 : vector<16xi32>
          tpu.vector_store_idx %arg9[%parallel_loop3A_1256], %parallel_loop3A_1254 : memref<16384xf32, #tpu.memory_space<vmem>>[vector<16xi32>], vector<16xf32>,
          %parallel_loop3A_1257 = arith.constant 0 : i32
          %parallel_loop3A_1258 = vector.broadcast %parallel_loop3A_1257 : i32 to vector<16xi32>
          %parallel_loop3A_1259 = arith.addi %and3A_11, %parallel_loop3A_1258 : vector<16xi32>
          %parallel_loop3A_1260 = tpu.vector_load_idx %arg7[%parallel_loop3A_1248, %parallel_loop3A_1259] : memref<512x32xf32, #tpu.memory_space<vmem>>[vector<16xi32>, vector<16xi32>], vector<16xf32>,
          %parallel_loop3A_1261 = vector.broadcast %parallel_loop3A_1250 : i32 to vector<16xi32>
          %parallel_loop3A_1262 = arith.addi %add3A_115, %parallel_loop3A_1261 : vector<16xi32>
          tpu.vector_store_idx %arg9[%parallel_loop3A_1262], %parallel_loop3A_1260 : memref<16384xf32, #tpu.memory_space<vmem>>[vector<16xi32>], vector<16xf32>,
          %parallel_loop3A_1263 = arith.constant 0 : i32
          %parallel_loop3A_1264 = vector.broadcast %parallel_loop3A_1263 : i32 to vector<16xi32>
          %parallel_loop3A_1265 = arith.addi %and3A_17, %parallel_loop3A_1264 : vector<16xi32>
          %parallel_loop3A_1266 = tpu.vector_load_idx %arg7[%parallel_loop3A_1248, %parallel_loop3A_1265] : memref<512x32xf32, #tpu.memory_space<vmem>>[vector<16xi32>, vector<16xi32>], vector<16xf32>,
          %parallel_loop3A_1267 = vector.broadcast %parallel_loop3A_1250 : i32 to vector<16xi32>
          %parallel_loop3A_1268 = arith.addi %add3A_125, %parallel_loop3A_1267 : vector<16xi32>
          tpu.vector_store_idx %arg9[%parallel_loop3A_1268], %parallel_loop3A_1266 : memref<16384xf32, #tpu.memory_space<vmem>>[vector<16xi32>], vector<16xf32>,
          %parallel_loop3A_1269 = arith.constant 0 : i32
          %parallel_loop3A_1270 = vector.broadcast %parallel_loop3A_1269 : i32 to vector<16xi32>
          %parallel_loop3A_1271 = arith.addi %and3A_23, %parallel_loop3A_1270 : vector<16xi32>
          %parallel_loop3A_1272 = tpu.vector_load_idx %arg7[%parallel_loop3A_1248, %parallel_loop3A_1271] : memref<512x32xf32, #tpu.memory_space<vmem>>[vector<16xi32>, vector<16xi32>], vector<16xf32>,
          %parallel_loop3A_1273 = vector.broadcast %parallel_loop3A_1250 : i32 to vector<16xi32>
          %parallel_loop3A_1274 = arith.addi %add3A_135, %parallel_loop3A_1273 : vector<16xi32>
          tpu.vector_store_idx %arg9[%parallel_loop3A_1274], %parallel_loop3A_1272 : memref<16384xf32, #tpu.memory_space<vmem>>[vector<16xi32>], vector<16xf32>,
          %parallel_loop3A_1275 = arith.constant 0 : i32
          %parallel_loop3A_1276 = vector.broadcast %parallel_loop3A_1275 : i32 to vector<16xi32>
          %parallel_loop3A_1277 = arith.addi %and3A_29, %parallel_loop3A_1276 : vector<16xi32>
          %parallel_loop3A_1278 = tpu.vector_load_idx %arg7[%parallel_loop3A_1248, %parallel_loop3A_1277] : memref<512x32xf32, #tpu.memory_space<vmem>>[vector<16xi32>, vector<16xi32>], vector<16xf32>,
          %parallel_loop3A_1279 = vector.broadcast %parallel_loop3A_1250 : i32 to vector<16xi32>
          %parallel_loop3A_1280 = arith.addi %add3A_145, %parallel_loop3A_1279 : vector<16xi32>
          tpu.vector_store_idx %arg9[%parallel_loop3A_1280], %parallel_loop3A_1278 : memref<16384xf32, #tpu.memory_space<vmem>>[vector<16xi32>], vector<16xf32>,
          %parallel_loop3A_1281 = arith.constant 0 : i32
          %parallel_loop3A_1282 = vector.broadcast %parallel_loop3A_1281 : i32 to vector<16xi32>
          %parallel_loop3A_1283 = arith.addi %and3A_35, %parallel_loop3A_1282 : vector<16xi32>
          %parallel_loop3A_1284 = tpu.vector_load_idx %arg7[%parallel_loop3A_1248, %parallel_loop3A_1283] : memref<512x32xf32, #tpu.memory_space<vmem>>[vector<16xi32>, vector<16xi32>], vector<16xf32>,
          %parallel_loop3A_1285 = vector.broadcast %parallel_loop3A_1250 : i32 to vector<16xi32>
          %parallel_loop3A_1286 = arith.addi %add3A_155, %parallel_loop3A_1285 : vector<16xi32>
          tpu.vector_store_idx %arg9[%parallel_loop3A_1286], %parallel_loop3A_1284 : memref<16384xf32, #tpu.memory_space<vmem>>[vector<16xi32>], vector<16xf32>,
          %parallel_loop3A_1287 = arith.constant 0 : i32
          %parallel_loop3A_1288 = vector.broadcast %parallel_loop3A_1287 : i32 to vector<16xi32>
          %parallel_loop3A_1289 = arith.addi %and3A_41, %parallel_loop3A_1288 : vector<16xi32>
          %parallel_loop3A_1290 = tpu.vector_load_idx %arg7[%parallel_loop3A_1248, %parallel_loop3A_1289] : memref<512x32xf32, #tpu.memory_space<vmem>>[vector<16xi32>, vector<16xi32>], vector<16xf32>,
          %parallel_loop3A_1291 = vector.broadcast %parallel_loop3A_1250 : i32 to vector<16xi32>
          %parallel_loop3A_1292 = arith.addi %add3A_165, %parallel_loop3A_1291 : vector<16xi32>
          tpu.vector_store_idx %arg9[%parallel_loop3A_1292], %parallel_loop3A_1290 : memref<16384xf32, #tpu.memory_space<vmem>>[vector<16xi32>], vector<16xf32>,
          %parallel_loop3A_1293 = arith.constant 0 : i32
          %parallel_loop3A_1294 = vector.broadcast %parallel_loop3A_1293 : i32 to vector<16xi32>
          %parallel_loop3A_1295 = arith.addi %and3A_47, %parallel_loop3A_1294 : vector<16xi32>
          %parallel_loop3A_1296 = tpu.vector_load_idx %arg7[%parallel_loop3A_1248, %parallel_loop3A_1295] : memref<512x32xf32, #tpu.memory_space<vmem>>[vector<16xi32>, vector<16xi32>], vector<16xf32>,
          %parallel_loop3A_1297 = vector.broadcast %parallel_loop3A_1250 : i32 to vector<16xi32>
          %parallel_loop3A_1298 = arith.addi %add3A_175, %parallel_loop3A_1297 : vector<16xi32>
          tpu.vector_store_idx %arg9[%parallel_loop3A_1298], %parallel_loop3A_1296 : memref<16384xf32, #tpu.memory_space<vmem>>[vector<16xi32>], vector<16xf32>,
          %parallel_loop3A_1299 = arith.constant 0 : i32
          %parallel_loop3A_1300 = vector.broadcast %parallel_loop3A_1299 : i32 to vector<16xi32>
          %parallel_loop3A_1301 = arith.addi %and3A_53, %parallel_loop3A_1300 : vector<16xi32>
          %parallel_loop3A_1302 = tpu.vector_load_idx %arg7[%parallel_loop3A_1248, %parallel_loop3A_1301] : memref<512x32xf32, #tpu.memory_space<vmem>>[vector<16xi32>, vector<16xi32>], vector<16xf32>,
          %parallel_loop3A_1303 = vector.broadcast %parallel_loop3A_1250 : i32 to vector<16xi32>
          %parallel_loop3A_1304 = arith.addi %add3A_185, %parallel_loop3A_1303 : vector<16xi32>
          tpu.vector_store_idx %arg9[%parallel_loop3A_1304], %parallel_loop3A_1302 : memref<16384xf32, #tpu.memory_space<vmem>>[vector<16xi32>], vector<16xf32>,
          %parallel_loop3A_1305 = arith.constant 0 : i32
          %parallel_loop3A_1306 = vector.broadcast %parallel_loop3A_1305 : i32 to vector<16xi32>
          %parallel_loop3A_1307 = arith.addi %and3A_59, %parallel_loop3A_1306 : vector<16xi32>
          %parallel_loop3A_1308 = tpu.vector_load_idx %arg7[%parallel_loop3A_1248, %parallel_loop3A_1307] : memref<512x32xf32, #tpu.memory_space<vmem>>[vector<16xi32>, vector<16xi32>], vector<16xf32>,
          %parallel_loop3A_1309 = vector.broadcast %parallel_loop3A_1250 : i32 to vector<16xi32>
          %parallel_loop3A_1310 = arith.addi %add3A_195, %parallel_loop3A_1309 : vector<16xi32>
          tpu.vector_store_idx %arg9[%parallel_loop3A_1310], %parallel_loop3A_1308 : memref<16384xf32, #tpu.memory_space<vmem>>[vector<16xi32>], vector<16xf32>,
          %parallel_loop3A_1311 = arith.constant 0 : i32
          %parallel_loop3A_1312 = vector.broadcast %parallel_loop3A_1311 : i32 to vector<16xi32>
          %parallel_loop3A_1313 = arith.addi %and3A_65, %parallel_loop3A_1312 : vector<16xi32>
          %parallel_loop3A_1314 = tpu.vector_load_idx %arg7[%parallel_loop3A_1248, %parallel_loop3A_1313] : memref<512x32xf32, #tpu.memory_space<vmem>>[vector<16xi32>, vector<16xi32>], vector<16xf32>,
          %parallel_loop3A_1315 = vector.broadcast %parallel_loop3A_1250 : i32 to vector<16xi32>
          %parallel_loop3A_1316 = arith.addi %add3A_205, %parallel_loop3A_1315 : vector<16xi32>
          tpu.vector_store_idx %arg9[%parallel_loop3A_1316], %parallel_loop3A_1314 : memref<16384xf32, #tpu.memory_space<vmem>>[vector<16xi32>], vector<16xf32>,
          %parallel_loop3A_1317 = arith.constant 0 : i32
          %parallel_loop3A_1318 = vector.broadcast %parallel_loop3A_1317 : i32 to vector<16xi32>
          %parallel_loop3A_1319 = arith.addi %and3A_71, %parallel_loop3A_1318 : vector<16xi32>
          %parallel_loop3A_1320 = tpu.vector_load_idx %arg7[%parallel_loop3A_1248, %parallel_loop3A_1319] : memref<512x32xf32, #tpu.memory_space<vmem>>[vector<16xi32>, vector<16xi32>], vector<16xf32>,
          %parallel_loop3A_1321 = vector.broadcast %parallel_loop3A_1250 : i32 to vector<16xi32>
          %parallel_loop3A_1322 = arith.addi %add3A_215, %parallel_loop3A_1321 : vector<16xi32>
          tpu.vector_store_idx %arg9[%parallel_loop3A_1322], %parallel_loop3A_1320 : memref<16384xf32, #tpu.memory_space<vmem>>[vector<16xi32>], vector<16xf32>,
          %parallel_loop3A_1323 = arith.constant 0 : i32
          %parallel_loop3A_1324 = vector.broadcast %parallel_loop3A_1323 : i32 to vector<16xi32>
          %parallel_loop3A_1325 = arith.addi %and3A_77, %parallel_loop3A_1324 : vector<16xi32>
          %parallel_loop3A_1326 = tpu.vector_load_idx %arg7[%parallel_loop3A_1248, %parallel_loop3A_1325] : memref<512x32xf32, #tpu.memory_space<vmem>>[vector<16xi32>, vector<16xi32>], vector<16xf32>,
          %parallel_loop3A_1327 = vector.broadcast %parallel_loop3A_1250 : i32 to vector<16xi32>
          %parallel_loop3A_1328 = arith.addi %add3A_225, %parallel_loop3A_1327 : vector<16xi32>
          tpu.vector_store_idx %arg9[%parallel_loop3A_1328], %parallel_loop3A_1326 : memref<16384xf32, #tpu.memory_space<vmem>>[vector<16xi32>], vector<16xf32>,
          %parallel_loop3A_1329 = arith.constant 0 : i32
          %parallel_loop3A_1330 = vector.broadcast %parallel_loop3A_1329 : i32 to vector<16xi32>
          %parallel_loop3A_1331 = arith.addi %and3A_83, %parallel_loop3A_1330 : vector<16xi32>
          %parallel_loop3A_1332 = tpu.vector_load_idx %arg7[%parallel_loop3A_1248, %parallel_loop3A_1331] : memref<512x32xf32, #tpu.memory_space<vmem>>[vector<16xi32>, vector<16xi32>], vector<16xf32>,
          %parallel_loop3A_1333 = vector.broadcast %parallel_loop3A_1250 : i32 to vector<16xi32>
          %parallel_loop3A_1334 = arith.addi %add3A_235, %parallel_loop3A_1333 : vector<16xi32>
          tpu.vector_store_idx %arg9[%parallel_loop3A_1334], %parallel_loop3A_1332 : memref<16384xf32, #tpu.memory_space<vmem>>[vector<16xi32>], vector<16xf32>,
          %parallel_loop3A_1335 = arith.constant 0 : i32
          %parallel_loop3A_1336 = vector.broadcast %parallel_loop3A_1335 : i32 to vector<16xi32>
          %parallel_loop3A_1337 = arith.addi %and3A_89, %parallel_loop3A_1336 : vector<16xi32>
          %parallel_loop3A_1338 = tpu.vector_load_idx %arg7[%parallel_loop3A_1248, %parallel_loop3A_1337] : memref<512x32xf32, #tpu.memory_space<vmem>>[vector<16xi32>, vector<16xi32>], vector<16xf32>,
          %parallel_loop3A_1339 = vector.broadcast %parallel_loop3A_1250 : i32 to vector<16xi32>
          %parallel_loop3A_1340 = arith.addi %add3A_245, %parallel_loop3A_1339 : vector<16xi32>
          tpu.vector_store_idx %arg9[%parallel_loop3A_1340], %parallel_loop3A_1338 : memref<16384xf32, #tpu.memory_space<vmem>>[vector<16xi32>], vector<16xf32>,
          %parallel_loop3A_1341 = arith.constant 0 : i32
          %parallel_loop3A_1342 = vector.broadcast %parallel_loop3A_1341 : i32 to vector<16xi32>
          %parallel_loop3A_1343 = arith.addi %and3A_95, %parallel_loop3A_1342 : vector<16xi32>
          %parallel_loop3A_1344 = tpu.vector_load_idx %arg7[%parallel_loop3A_1248, %parallel_loop3A_1343] : memref<512x32xf32, #tpu.memory_space<vmem>>[vector<16xi32>, vector<16xi32>], vector<16xf32>,
          %parallel_loop3A_1345 = vector.broadcast %parallel_loop3A_1250 : i32 to vector<16xi32>
          %parallel_loop3A_1346 = arith.addi %add3A_255, %parallel_loop3A_1345 : vector<16xi32>
          tpu.vector_store_idx %arg9[%parallel_loop3A_1346], %parallel_loop3A_1344 : memref<16384xf32, #tpu.memory_space<vmem>>[vector<16xi32>], vector<16xf32>,
          %parallel_loop3A_1347 = arith.constant 2048 : i32
          %parallel_loop3A_1348 = arith.addi %parallel_loop3A_1246, %parallel_loop3A_1347 : i32
          %parallel_loop3A_1349 = arith.constant 16 : i32
          %parallel_loop3A_1350 = vector.broadcast %parallel_loop3A_1349 : i32 to vector<16xi32>
          %parallel_loop3A_1351 = arith.addi %and3A_5, %parallel_loop3A_1350 : vector<16xi32>
          %parallel_loop3A_1352 = tpu.vector_load_idx %arg7[%parallel_loop3A_1248, %parallel_loop3A_1351] : memref<512x32xf32, #tpu.memory_space<vmem>>[vector<16xi32>, vector<16xi32>], vector<16xf32>,
          %parallel_loop3A_1353 = vector.broadcast %parallel_loop3A_1348 : i32 to vector<16xi32>
          %parallel_loop3A_1354 = arith.addi %add3A_105, %parallel_loop3A_1353 : vector<16xi32>
          tpu.vector_store_idx %arg9[%parallel_loop3A_1354], %parallel_loop3A_1352 : memref<16384xf32, #tpu.memory_space<vmem>>[vector<16xi32>], vector<16xf32>,
          %parallel_loop3A_1355 = arith.constant 16 : i32
          %parallel_loop3A_1356 = vector.broadcast %parallel_loop3A_1355 : i32 to vector<16xi32>
          %parallel_loop3A_1357 = arith.addi %and3A_11, %parallel_loop3A_1356 : vector<16xi32>
          %parallel_loop3A_1358 = tpu.vector_load_idx %arg7[%parallel_loop3A_1248, %parallel_loop3A_1357] : memref<512x32xf32, #tpu.memory_space<vmem>>[vector<16xi32>, vector<16xi32>], vector<16xf32>,
          %parallel_loop3A_1359 = vector.broadcast %parallel_loop3A_1348 : i32 to vector<16xi32>
          %parallel_loop3A_1360 = arith.addi %add3A_115, %parallel_loop3A_1359 : vector<16xi32>
          tpu.vector_store_idx %arg9[%parallel_loop3A_1360], %parallel_loop3A_1358 : memref<16384xf32, #tpu.memory_space<vmem>>[vector<16xi32>], vector<16xf32>,
          %parallel_loop3A_1361 = arith.constant 16 : i32
          %parallel_loop3A_1362 = vector.broadcast %parallel_loop3A_1361 : i32 to vector<16xi32>
          %parallel_loop3A_1363 = arith.addi %and3A_17, %parallel_loop3A_1362 : vector<16xi32>
          %parallel_loop3A_1364 = tpu.vector_load_idx %arg7[%parallel_loop3A_1248, %parallel_loop3A_1363] : memref<512x32xf32, #tpu.memory_space<vmem>>[vector<16xi32>, vector<16xi32>], vector<16xf32>,
          %parallel_loop3A_1365 = vector.broadcast %parallel_loop3A_1348 : i32 to vector<16xi32>
          %parallel_loop3A_1366 = arith.addi %add3A_125, %parallel_loop3A_1365 : vector<16xi32>
          tpu.vector_store_idx %arg9[%parallel_loop3A_1366], %parallel_loop3A_1364 : memref<16384xf32, #tpu.memory_space<vmem>>[vector<16xi32>], vector<16xf32>,
          %parallel_loop3A_1367 = arith.constant 16 : i32
          %parallel_loop3A_1368 = vector.broadcast %parallel_loop3A_1367 : i32 to vector<16xi32>
          %parallel_loop3A_1369 = arith.addi %and3A_23, %parallel_loop3A_1368 : vector<16xi32>
          %parallel_loop3A_1370 = tpu.vector_load_idx %arg7[%parallel_loop3A_1248, %parallel_loop3A_1369] : memref<512x32xf32, #tpu.memory_space<vmem>>[vector<16xi32>, vector<16xi32>], vector<16xf32>,
          %parallel_loop3A_1371 = vector.broadcast %parallel_loop3A_1348 : i32 to vector<16xi32>
          %parallel_loop3A_1372 = arith.addi %add3A_135, %parallel_loop3A_1371 : vector<16xi32>
          tpu.vector_store_idx %arg9[%parallel_loop3A_1372], %parallel_loop3A_1370 : memref<16384xf32, #tpu.memory_space<vmem>>[vector<16xi32>], vector<16xf32>,
          %parallel_loop3A_1373 = arith.constant 16 : i32
          %parallel_loop3A_1374 = vector.broadcast %parallel_loop3A_1373 : i32 to vector<16xi32>
          %parallel_loop3A_1375 = arith.addi %and3A_29, %parallel_loop3A_1374 : vector<16xi32>
          %parallel_loop3A_1376 = tpu.vector_load_idx %arg7[%parallel_loop3A_1248, %parallel_loop3A_1375] : memref<512x32xf32, #tpu.memory_space<vmem>>[vector<16xi32>, vector<16xi32>], vector<16xf32>,
          %parallel_loop3A_1377 = vector.broadcast %parallel_loop3A_1348 : i32 to vector<16xi32>
          %parallel_loop3A_1378 = arith.addi %add3A_145, %parallel_loop3A_1377 : vector<16xi32>
          tpu.vector_store_idx %arg9[%parallel_loop3A_1378], %parallel_loop3A_1376 : memref<16384xf32, #tpu.memory_space<vmem>>[vector<16xi32>], vector<16xf32>,
          %parallel_loop3A_1379 = arith.constant 16 : i32
          %parallel_loop3A_1380 = vector.broadcast %parallel_loop3A_1379 : i32 to vector<16xi32>
          %parallel_loop3A_1381 = arith.addi %and3A_35, %parallel_loop3A_1380 : vector<16xi32>
          %parallel_loop3A_1382 = tpu.vector_load_idx %arg7[%parallel_loop3A_1248, %parallel_loop3A_1381] : memref<512x32xf32, #tpu.memory_space<vmem>>[vector<16xi32>, vector<16xi32>], vector<16xf32>,
          %parallel_loop3A_1383 = vector.broadcast %parallel_loop3A_1348 : i32 to vector<16xi32>
          %parallel_loop3A_1384 = arith.addi %add3A_155, %parallel_loop3A_1383 : vector<16xi32>
          tpu.vector_store_idx %arg9[%parallel_loop3A_1384], %parallel_loop3A_1382 : memref<16384xf32, #tpu.memory_space<vmem>>[vector<16xi32>], vector<16xf32>,
          %parallel_loop3A_1385 = arith.constant 16 : i32
          %parallel_loop3A_1386 = vector.broadcast %parallel_loop3A_1385 : i32 to vector<16xi32>
          %parallel_loop3A_1387 = arith.addi %and3A_41, %parallel_loop3A_1386 : vector<16xi32>
          %parallel_loop3A_1388 = tpu.vector_load_idx %arg7[%parallel_loop3A_1248, %parallel_loop3A_1387] : memref<512x32xf32, #tpu.memory_space<vmem>>[vector<16xi32>, vector<16xi32>], vector<16xf32>,
          %parallel_loop3A_1389 = vector.broadcast %parallel_loop3A_1348 : i32 to vector<16xi32>
          %parallel_loop3A_1390 = arith.addi %add3A_165, %parallel_loop3A_1389 : vector<16xi32>
          tpu.vector_store_idx %arg9[%parallel_loop3A_1390], %parallel_loop3A_1388 : memref<16384xf32, #tpu.memory_space<vmem>>[vector<16xi32>], vector<16xf32>,
          %parallel_loop3A_1391 = arith.constant 16 : i32
          %parallel_loop3A_1392 = vector.broadcast %parallel_loop3A_1391 : i32 to vector<16xi32>
          %parallel_loop3A_1393 = arith.addi %and3A_47, %parallel_loop3A_1392 : vector<16xi32>
          %parallel_loop3A_1394 = tpu.vector_load_idx %arg7[%parallel_loop3A_1248, %parallel_loop3A_1393] : memref<512x32xf32, #tpu.memory_space<vmem>>[vector<16xi32>, vector<16xi32>], vector<16xf32>,
          %parallel_loop3A_1395 = vector.broadcast %parallel_loop3A_1348 : i32 to vector<16xi32>
          %parallel_loop3A_1396 = arith.addi %add3A_175, %parallel_loop3A_1395 : vector<16xi32>
          tpu.vector_store_idx %arg9[%parallel_loop3A_1396], %parallel_loop3A_1394 : memref<16384xf32, #tpu.memory_space<vmem>>[vector<16xi32>], vector<16xf32>,
          %parallel_loop3A_1397 = arith.constant 16 : i32
          %parallel_loop3A_1398 = vector.broadcast %parallel_loop3A_1397 : i32 to vector<16xi32>
          %parallel_loop3A_1399 = arith.addi %and3A_53, %parallel_loop3A_1398 : vector<16xi32>
          %parallel_loop3A_1400 = tpu.vector_load_idx %arg7[%parallel_loop3A_1248, %parallel_loop3A_1399] : memref<512x32xf32, #tpu.memory_space<vmem>>[vector<16xi32>, vector<16xi32>], vector<16xf32>,
          %parallel_loop3A_1401 = vector.broadcast %parallel_loop3A_1348 : i32 to vector<16xi32>
          %parallel_loop3A_1402 = arith.addi %add3A_185, %parallel_loop3A_1401 : vector<16xi32>
          tpu.vector_store_idx %arg9[%parallel_loop3A_1402], %parallel_loop3A_1400 : memref<16384xf32, #tpu.memory_space<vmem>>[vector<16xi32>], vector<16xf32>,
          %parallel_loop3A_1403 = arith.constant 16 : i32
          %parallel_loop3A_1404 = vector.broadcast %parallel_loop3A_1403 : i32 to vector<16xi32>
          %parallel_loop3A_1405 = arith.addi %and3A_59, %parallel_loop3A_1404 : vector<16xi32>
          %parallel_loop3A_1406 = tpu.vector_load_idx %arg7[%parallel_loop3A_1248, %parallel_loop3A_1405] : memref<512x32xf32, #tpu.memory_space<vmem>>[vector<16xi32>, vector<16xi32>], vector<16xf32>,
          %parallel_loop3A_1407 = vector.broadcast %parallel_loop3A_1348 : i32 to vector<16xi32>
          %parallel_loop3A_1408 = arith.addi %add3A_195, %parallel_loop3A_1407 : vector<16xi32>
          tpu.vector_store_idx %arg9[%parallel_loop3A_1408], %parallel_loop3A_1406 : memref<16384xf32, #tpu.memory_space<vmem>>[vector<16xi32>], vector<16xf32>,
          %parallel_loop3A_1409 = arith.constant 16 : i32
          %parallel_loop3A_1410 = vector.broadcast %parallel_loop3A_1409 : i32 to vector<16xi32>
          %parallel_loop3A_1411 = arith.addi %and3A_65, %parallel_loop3A_1410 : vector<16xi32>
          %parallel_loop3A_1412 = tpu.vector_load_idx %arg7[%parallel_loop3A_1248, %parallel_loop3A_1411] : memref<512x32xf32, #tpu.memory_space<vmem>>[vector<16xi32>, vector<16xi32>], vector<16xf32>,
          %parallel_loop3A_1413 = vector.broadcast %parallel_loop3A_1348 : i32 to vector<16xi32>
          %parallel_loop3A_1414 = arith.addi %add3A_205, %parallel_loop3A_1413 : vector<16xi32>
          tpu.vector_store_idx %arg9[%parallel_loop3A_1414], %parallel_loop3A_1412 : memref<16384xf32, #tpu.memory_space<vmem>>[vector<16xi32>], vector<16xf32>,
          %parallel_loop3A_1415 = arith.constant 16 : i32
          %parallel_loop3A_1416 = vector.broadcast %parallel_loop3A_1415 : i32 to vector<16xi32>
          %parallel_loop3A_1417 = arith.addi %and3A_71, %parallel_loop3A_1416 : vector<16xi32>
          %parallel_loop3A_1418 = tpu.vector_load_idx %arg7[%parallel_loop3A_1248, %parallel_loop3A_1417] : memref<512x32xf32, #tpu.memory_space<vmem>>[vector<16xi32>, vector<16xi32>], vector<16xf32>,
          %parallel_loop3A_1419 = vector.broadcast %parallel_loop3A_1348 : i32 to vector<16xi32>
          %parallel_loop3A_1420 = arith.addi %add3A_215, %parallel_loop3A_1419 : vector<16xi32>
          tpu.vector_store_idx %arg9[%parallel_loop3A_1420], %parallel_loop3A_1418 : memref<16384xf32, #tpu.memory_space<vmem>>[vector<16xi32>], vector<16xf32>,
          %parallel_loop3A_1421 = arith.constant 16 : i32
          %parallel_loop3A_1422 = vector.broadcast %parallel_loop3A_1421 : i32 to vector<16xi32>
          %parallel_loop3A_1423 = arith.addi %and3A_77, %parallel_loop3A_1422 : vector<16xi32>
          %parallel_loop3A_1424 = tpu.vector_load_idx %arg7[%parallel_loop3A_1248, %parallel_loop3A_1423] : memref<512x32xf32, #tpu.memory_space<vmem>>[vector<16xi32>, vector<16xi32>], vector<16xf32>,
          %parallel_loop3A_1425 = vector.broadcast %parallel_loop3A_1348 : i32 to vector<16xi32>
          %parallel_loop3A_1426 = arith.addi %add3A_225, %parallel_loop3A_1425 : vector<16xi32>
          tpu.vector_store_idx %arg9[%parallel_loop3A_1426], %parallel_loop3A_1424 : memref<16384xf32, #tpu.memory_space<vmem>>[vector<16xi32>], vector<16xf32>,
          %parallel_loop3A_1427 = arith.constant 16 : i32
          %parallel_loop3A_1428 = vector.broadcast %parallel_loop3A_1427 : i32 to vector<16xi32>
          %parallel_loop3A_1429 = arith.addi %and3A_83, %parallel_loop3A_1428 : vector<16xi32>
          %parallel_loop3A_1430 = tpu.vector_load_idx %arg7[%parallel_loop3A_1248, %parallel_loop3A_1429] : memref<512x32xf32, #tpu.memory_space<vmem>>[vector<16xi32>, vector<16xi32>], vector<16xf32>,
          %parallel_loop3A_1431 = vector.broadcast %parallel_loop3A_1348 : i32 to vector<16xi32>
          %parallel_loop3A_1432 = arith.addi %add3A_235, %parallel_loop3A_1431 : vector<16xi32>
          tpu.vector_store_idx %arg9[%parallel_loop3A_1432], %parallel_loop3A_1430 : memref<16384xf32, #tpu.memory_space<vmem>>[vector<16xi32>], vector<16xf32>,
          %parallel_loop3A_1433 = arith.constant 16 : i32
          %parallel_loop3A_1434 = vector.broadcast %parallel_loop3A_1433 : i32 to vector<16xi32>
          %parallel_loop3A_1435 = arith.addi %and3A_89, %parallel_loop3A_1434 : vector<16xi32>
          %parallel_loop3A_1436 = tpu.vector_load_idx %arg7[%parallel_loop3A_1248, %parallel_loop3A_1435] : memref<512x32xf32, #tpu.memory_space<vmem>>[vector<16xi32>, vector<16xi32>], vector<16xf32>,
          %parallel_loop3A_1437 = vector.broadcast %parallel_loop3A_1348 : i32 to vector<16xi32>
          %parallel_loop3A_1438 = arith.addi %add3A_245, %parallel_loop3A_1437 : vector<16xi32>
          tpu.vector_store_idx %arg9[%parallel_loop3A_1438], %parallel_loop3A_1436 : memref<16384xf32, #tpu.memory_space<vmem>>[vector<16xi32>], vector<16xf32>,
          %parallel_loop3A_1439 = arith.constant 16 : i32
          %parallel_loop3A_1440 = vector.broadcast %parallel_loop3A_1439 : i32 to vector<16xi32>
          %parallel_loop3A_1441 = arith.addi %and3A_95, %parallel_loop3A_1440 : vector<16xi32>
          %parallel_loop3A_1442 = tpu.vector_load_idx %arg7[%parallel_loop3A_1248, %parallel_loop3A_1441] : memref<512x32xf32, #tpu.memory_space<vmem>>[vector<16xi32>, vector<16xi32>], vector<16xf32>,
          %parallel_loop3A_1443 = vector.broadcast %parallel_loop3A_1348 : i32 to vector<16xi32>
          %parallel_loop3A_1444 = arith.addi %add3A_255, %parallel_loop3A_1443 : vector<16xi32>
          tpu.vector_store_idx %arg9[%parallel_loop3A_1444], %parallel_loop3A_1442 : memref<16384xf32, #tpu.memory_space<vmem>>[vector<16xi32>], vector<16xf32>,
        } {sc.loop_unroll_factor = 1 : i64, sc.parallel_access}
        %mul3A_718 = arith.constant 4 : i32
        %mul3A_719 = arith.muli %add3A_702, %mul3A_718 : i32
        %add3A_720 = arith.constant 0 : i32
        %add3A_721 = arith.addi %mul3A_719, %add3A_720 : i32
        %dma_start3A_722 = arith.constant 0 : i32
        %dma_start3A_723 = arith.constant 0 : i32
        %dma_start3A_724 = tpu.memref_slice %arg9[%dma_start3A_723] : memref<16384xf32, #tpu.memory_space<vmem>> -> memref<1024xf32, #tpu.memory_space<vmem>>
        %dma_start3A_725 = arith.constant 0 : i32
        %dma_start3A_726 = tpu.memref_slice %arg4[%add3A_721, %dma_start3A_722, %add3A_267, %dma_start3A_725] : memref<200x4x128x1024xf32, #tpu.memory_space<hbm>> -> memref<1x1x1x1024xf32, #tpu.memory_space<hbm>>
        %dma_start3A_727 = tpu.memref_squeeze %dma_start3A_726 : memref<1x1x1x1024xf32, #tpu.memory_space<hbm>> -> memref<1024xf32, #tpu.memory_space<hbm>>
        %dma_start3A_728 = arith.constant 0 : i32
        %dma_start3A_729 = tpu.memref_slice %arg4[%add3A_721, %dma_start3A_722, %add3A_267, %dma_start3A_728] : memref<200x4x128x1024xf32, #tpu.memory_space<hbm>> -> memref<1x1x1x1024xf32, #tpu.memory_space<hbm>>
        %dma_start3A_730 = tpu.memref_squeeze %dma_start3A_729 : memref<1x1x1x1024xf32, #tpu.memory_space<hbm>> -> memref<1024xf32, #tpu.memory_space<hbm>>
        %dma_start3A_731 = arith.constant 0 : i32
        %dma_start3A_732 = tpu.memref_slice %arg9[%dma_start3A_731] : memref<16384xf32, #tpu.memory_space<vmem>> -> memref<1024xf32, #tpu.memory_space<vmem>>
        tpu.enqueue_dma source(%dma_start3A_732 : memref<1024xf32, #tpu.memory_space<vmem>>) target(%dma_start3A_730 : memref<1024xf32, #tpu.memory_space<hbm>>) target_semaphore(%arg13 : memref<!tpu.dma_semaphore, #tpu.memory_space<semaphore_mem>>)
        %mul3A_733 = arith.constant 4 : i32
        %mul3A_734 = arith.muli %add3A_702, %mul3A_733 : i32
        %add3A_735 = arith.constant 0 : i32
        %add3A_736 = arith.addi %mul3A_734, %add3A_735 : i32
        %dma_start3A_737 = arith.constant 1 : i32
        %dma_start3A_738 = arith.constant 1024 : i32
        %dma_start3A_739 = tpu.memref_slice %arg9[%dma_start3A_738] : memref<16384xf32, #tpu.memory_space<vmem>> -> memref<1024xf32, #tpu.memory_space<vmem>>
        %dma_start3A_740 = arith.constant 0 : i32
        %dma_start3A_741 = tpu.memref_slice %arg4[%add3A_736, %dma_start3A_737, %add3A_267, %dma_start3A_740] : memref<200x4x128x1024xf32, #tpu.memory_space<hbm>> -> memref<1x1x1x1024xf32, #tpu.memory_space<hbm>>
        %dma_start3A_742 = tpu.memref_squeeze %dma_start3A_741 : memref<1x1x1x1024xf32, #tpu.memory_space<hbm>> -> memref<1024xf32, #tpu.memory_space<hbm>>
        %dma_start3A_743 = arith.constant 0 : i32
        %dma_start3A_744 = tpu.memref_slice %arg4[%add3A_736, %dma_start3A_737, %add3A_267, %dma_start3A_743] : memref<200x4x128x1024xf32, #tpu.memory_space<hbm>> -> memref<1x1x1x1024xf32, #tpu.memory_space<hbm>>
        %dma_start3A_745 = tpu.memref_squeeze %dma_start3A_744 : memref<1x1x1x1024xf32, #tpu.memory_space<hbm>> -> memref<1024xf32, #tpu.memory_space<hbm>>
        %dma_start3A_746 = arith.constant 1024 : i32
        %dma_start3A_747 = tpu.memref_slice %arg9[%dma_start3A_746] : memref<16384xf32, #tpu.memory_space<vmem>> -> memref<1024xf32, #tpu.memory_space<vmem>>
        tpu.enqueue_dma source(%dma_start3A_747 : memref<1024xf32, #tpu.memory_space<vmem>>) target(%dma_start3A_745 : memref<1024xf32, #tpu.memory_space<hbm>>) target_semaphore(%arg13 : memref<!tpu.dma_semaphore, #tpu.memory_space<semaphore_mem>>)
        %mul3A_748 = arith.constant 4 : i32
        %mul3A_749 = arith.muli %add3A_702, %mul3A_748 : i32
        %add3A_750 = arith.constant 0 : i32
        %add3A_751 = arith.addi %mul3A_749, %add3A_750 : i32
        %dma_start3A_752 = arith.constant 2 : i32
        %dma_start3A_753 = arith.constant 2048 : i32
        %dma_start3A_754 = tpu.memref_slice %arg9[%dma_start3A_753] : memref<16384xf32, #tpu.memory_space<vmem>> -> memref<1024xf32, #tpu.memory_space<vmem>>
        %dma_start3A_755 = arith.constant 0 : i32
        %dma_start3A_756 = tpu.memref_slice %arg4[%add3A_751, %dma_start3A_752, %add3A_267, %dma_start3A_755] : memref<200x4x128x1024xf32, #tpu.memory_space<hbm>> -> memref<1x1x1x1024xf32, #tpu.memory_space<hbm>>
        %dma_start3A_757 = tpu.memref_squeeze %dma_start3A_756 : memref<1x1x1x1024xf32, #tpu.memory_space<hbm>> -> memref<1024xf32, #tpu.memory_space<hbm>>
        %dma_start3A_758 = arith.constant 0 : i32
        %dma_start3A_759 = tpu.memref_slice %arg4[%add3A_751, %dma_start3A_752, %add3A_267, %dma_start3A_758] : memref<200x4x128x1024xf32, #tpu.memory_space<hbm>> -> memref<1x1x1x1024xf32, #tpu.memory_space<hbm>>
        %dma_start3A_760 = tpu.memref_squeeze %dma_start3A_759 : memref<1x1x1x1024xf32, #tpu.memory_space<hbm>> -> memref<1024xf32, #tpu.memory_space<hbm>>
        %dma_start3A_761 = arith.constant 2048 : i32
        %dma_start3A_762 = tpu.memref_slice %arg9[%dma_start3A_761] : memref<16384xf32, #tpu.memory_space<vmem>> -> memref<1024xf32, #tpu.memory_space<vmem>>
        tpu.enqueue_dma source(%dma_start3A_762 : memref<1024xf32, #tpu.memory_space<vmem>>) target(%dma_start3A_760 : memref<1024xf32, #tpu.memory_space<hbm>>) target_semaphore(%arg13 : memref<!tpu.dma_semaphore, #tpu.memory_space<semaphore_mem>>)
        %mul3A_763 = arith.constant 4 : i32
        %mul3A_764 = arith.muli %add3A_702, %mul3A_763 : i32
        %add3A_765 = arith.constant 0 : i32
        %add3A_766 = arith.addi %mul3A_764, %add3A_765 : i32
        %dma_start3A_767 = arith.constant 3 : i32
        %dma_start3A_768 = arith.constant 3072 : i32
        %dma_start3A_769 = tpu.memref_slice %arg9[%dma_start3A_768] : memref<16384xf32, #tpu.memory_space<vmem>> -> memref<1024xf32, #tpu.memory_space<vmem>>
        %dma_start3A_770 = arith.constant 0 : i32
        %dma_start3A_771 = tpu.memref_slice %arg4[%add3A_766, %dma_start3A_767, %add3A_267, %dma_start3A_770] : memref<200x4x128x1024xf32, #tpu.memory_space<hbm>> -> memref<1x1x1x1024xf32, #tpu.memory_space<hbm>>
        %dma_start3A_772 = tpu.memref_squeeze %dma_start3A_771 : memref<1x1x1x1024xf32, #tpu.memory_space<hbm>> -> memref<1024xf32, #tpu.memory_space<hbm>>
        %dma_start3A_773 = arith.constant 0 : i32
        %dma_start3A_774 = tpu.memref_slice %arg4[%add3A_766, %dma_start3A_767, %add3A_267, %dma_start3A_773] : memref<200x4x128x1024xf32, #tpu.memory_space<hbm>> -> memref<1x1x1x1024xf32, #tpu.memory_space<hbm>>
        %dma_start3A_775 = tpu.memref_squeeze %dma_start3A_774 : memref<1x1x1x1024xf32, #tpu.memory_space<hbm>> -> memref<1024xf32, #tpu.memory_space<hbm>>
        %dma_start3A_776 = arith.constant 3072 : i32
        %dma_start3A_777 = tpu.memref_slice %arg9[%dma_start3A_776] : memref<16384xf32, #tpu.memory_space<vmem>> -> memref<1024xf32, #tpu.memory_space<vmem>>
        tpu.enqueue_dma source(%dma_start3A_777 : memref<1024xf32, #tpu.memory_space<vmem>>) target(%dma_start3A_775 : memref<1024xf32, #tpu.memory_space<hbm>>) target_semaphore(%arg13 : memref<!tpu.dma_semaphore, #tpu.memory_space<semaphore_mem>>)
        %mul3A_778 = arith.constant 4 : i32
        %mul3A_779 = arith.muli %add3A_702, %mul3A_778 : i32
        %add3A_780 = arith.constant 1 : i32
        %add3A_781 = arith.addi %mul3A_779, %add3A_780 : i32
        %dma_start3A_782 = arith.constant 0 : i32
        %dma_start3A_783 = arith.constant 4096 : i32
        %dma_start3A_784 = tpu.memref_slice %arg9[%dma_start3A_783] : memref<16384xf32, #tpu.memory_space<vmem>> -> memref<1024xf32, #tpu.memory_space<vmem>>
        %dma_start3A_785 = arith.constant 0 : i32
        %dma_start3A_786 = tpu.memref_slice %arg4[%add3A_781, %dma_start3A_782, %add3A_267, %dma_start3A_785] : memref<200x4x128x1024xf32, #tpu.memory_space<hbm>> -> memref<1x1x1x1024xf32, #tpu.memory_space<hbm>>
        %dma_start3A_787 = tpu.memref_squeeze %dma_start3A_786 : memref<1x1x1x1024xf32, #tpu.memory_space<hbm>> -> memref<1024xf32, #tpu.memory_space<hbm>>
        %dma_start3A_788 = arith.constant 0 : i32
        %dma_start3A_789 = tpu.memref_slice %arg4[%add3A_781, %dma_start3A_782, %add3A_267, %dma_start3A_788] : memref<200x4x128x1024xf32, #tpu.memory_space<hbm>> -> memref<1x1x1x1024xf32, #tpu.memory_space<hbm>>
        %dma_start3A_790 = tpu.memref_squeeze %dma_start3A_789 : memref<1x1x1x1024xf32, #tpu.memory_space<hbm>> -> memref<1024xf32, #tpu.memory_space<hbm>>
        %dma_start3A_791 = arith.constant 4096 : i32
        %dma_start3A_792 = tpu.memref_slice %arg9[%dma_start3A_791] : memref<16384xf32, #tpu.memory_space<vmem>> -> memref<1024xf32, #tpu.memory_space<vmem>>
        tpu.enqueue_dma source(%dma_start3A_792 : memref<1024xf32, #tpu.memory_space<vmem>>) target(%dma_start3A_790 : memref<1024xf32, #tpu.memory_space<hbm>>) target_semaphore(%arg13 : memref<!tpu.dma_semaphore, #tpu.memory_space<semaphore_mem>>)
        %mul3A_793 = arith.constant 4 : i32
        %mul3A_794 = arith.muli %add3A_702, %mul3A_793 : i32
        %add3A_795 = arith.constant 1 : i32
        %add3A_796 = arith.addi %mul3A_794, %add3A_795 : i32
        %dma_start3A_797 = arith.constant 1 : i32
        %dma_start3A_798 = arith.constant 5120 : i32
        %dma_start3A_799 = tpu.memref_slice %arg9[%dma_start3A_798] : memref<16384xf32, #tpu.memory_space<vmem>> -> memref<1024xf32, #tpu.memory_space<vmem>>
        %dma_start3A_800 = arith.constant 0 : i32
        %dma_start3A_801 = tpu.memref_slice %arg4[%add3A_796, %dma_start3A_797, %add3A_267, %dma_start3A_800] : memref<200x4x128x1024xf32, #tpu.memory_space<hbm>> -> memref<1x1x1x1024xf32, #tpu.memory_space<hbm>>
        %dma_start3A_802 = tpu.memref_squeeze %dma_start3A_801 : memref<1x1x1x1024xf32, #tpu.memory_space<hbm>> -> memref<1024xf32, #tpu.memory_space<hbm>>
        %dma_start3A_803 = arith.constant 0 : i32
        %dma_start3A_804 = tpu.memref_slice %arg4[%add3A_796, %dma_start3A_797, %add3A_267, %dma_start3A_803] : memref<200x4x128x1024xf32, #tpu.memory_space<hbm>> -> memref<1x1x1x1024xf32, #tpu.memory_space<hbm>>
        %dma_start3A_805 = tpu.memref_squeeze %dma_start3A_804 : memref<1x1x1x1024xf32, #tpu.memory_space<hbm>> -> memref<1024xf32, #tpu.memory_space<hbm>>
        %dma_start3A_806 = arith.constant 5120 : i32
        %dma_start3A_807 = tpu.memref_slice %arg9[%dma_start3A_806] : memref<16384xf32, #tpu.memory_space<vmem>> -> memref<1024xf32, #tpu.memory_space<vmem>>
        tpu.enqueue_dma source(%dma_start3A_807 : memref<1024xf32, #tpu.memory_space<vmem>>) target(%dma_start3A_805 : memref<1024xf32, #tpu.memory_space<hbm>>) target_semaphore(%arg13 : memref<!tpu.dma_semaphore, #tpu.memory_space<semaphore_mem>>)
        %mul3A_808 = arith.constant 4 : i32
        %mul3A_809 = arith.muli %add3A_702, %mul3A_808 : i32
        %add3A_810 = arith.constant 1 : i32
        %add3A_811 = arith.addi %mul3A_809, %add3A_810 : i32
        %dma_start3A_812 = arith.constant 2 : i32
        %dma_start3A_813 = arith.constant 6144 : i32
        %dma_start3A_814 = tpu.memref_slice %arg9[%dma_start3A_813] : memref<16384xf32, #tpu.memory_space<vmem>> -> memref<1024xf32, #tpu.memory_space<vmem>>
        %dma_start3A_815 = arith.constant 0 : i32
        %dma_start3A_816 = tpu.memref_slice %arg4[%add3A_811, %dma_start3A_812, %add3A_267, %dma_start3A_815] : memref<200x4x128x1024xf32, #tpu.memory_space<hbm>> -> memref<1x1x1x1024xf32, #tpu.memory_space<hbm>>
        %dma_start3A_817 = tpu.memref_squeeze %dma_start3A_816 : memref<1x1x1x1024xf32, #tpu.memory_space<hbm>> -> memref<1024xf32, #tpu.memory_space<hbm>>
        %dma_start3A_818 = arith.constant 0 : i32
        %dma_start3A_819 = tpu.memref_slice %arg4[%add3A_811, %dma_start3A_812, %add3A_267, %dma_start3A_818] : memref<200x4x128x1024xf32, #tpu.memory_space<hbm>> -> memref<1x1x1x1024xf32, #tpu.memory_space<hbm>>
        %dma_start3A_820 = tpu.memref_squeeze %dma_start3A_819 : memref<1x1x1x1024xf32, #tpu.memory_space<hbm>> -> memref<1024xf32, #tpu.memory_space<hbm>>
        %dma_start3A_821 = arith.constant 6144 : i32
        %dma_start3A_822 = tpu.memref_slice %arg9[%dma_start3A_821] : memref<16384xf32, #tpu.memory_space<vmem>> -> memref<1024xf32, #tpu.memory_space<vmem>>
        tpu.enqueue_dma source(%dma_start3A_822 : memref<1024xf32, #tpu.memory_space<vmem>>) target(%dma_start3A_820 : memref<1024xf32, #tpu.memory_space<hbm>>) target_semaphore(%arg13 : memref<!tpu.dma_semaphore, #tpu.memory_space<semaphore_mem>>)
        %mul3A_823 = arith.constant 4 : i32
        %mul3A_824 = arith.muli %add3A_702, %mul3A_823 : i32
        %add3A_825 = arith.constant 1 : i32
        %add3A_826 = arith.addi %mul3A_824, %add3A_825 : i32
        %dma_start3A_827 = arith.constant 3 : i32
        %dma_start3A_828 = arith.constant 7168 : i32
        %dma_start3A_829 = tpu.memref_slice %arg9[%dma_start3A_828] : memref<16384xf32, #tpu.memory_space<vmem>> -> memref<1024xf32, #tpu.memory_space<vmem>>
        %dma_start3A_830 = arith.constant 0 : i32
        %dma_start3A_831 = tpu.memref_slice %arg4[%add3A_826, %dma_start3A_827, %add3A_267, %dma_start3A_830] : memref<200x4x128x1024xf32, #tpu.memory_space<hbm>> -> memref<1x1x1x1024xf32, #tpu.memory_space<hbm>>
        %dma_start3A_832 = tpu.memref_squeeze %dma_start3A_831 : memref<1x1x1x1024xf32, #tpu.memory_space<hbm>> -> memref<1024xf32, #tpu.memory_space<hbm>>
        %dma_start3A_833 = arith.constant 0 : i32
        %dma_start3A_834 = tpu.memref_slice %arg4[%add3A_826, %dma_start3A_827, %add3A_267, %dma_start3A_833] : memref<200x4x128x1024xf32, #tpu.memory_space<hbm>> -> memref<1x1x1x1024xf32, #tpu.memory_space<hbm>>
        %dma_start3A_835 = tpu.memref_squeeze %dma_start3A_834 : memref<1x1x1x1024xf32, #tpu.memory_space<hbm>> -> memref<1024xf32, #tpu.memory_space<hbm>>
        %dma_start3A_836 = arith.constant 7168 : i32
        %dma_start3A_837 = tpu.memref_slice %arg9[%dma_start3A_836] : memref<16384xf32, #tpu.memory_space<vmem>> -> memref<1024xf32, #tpu.memory_space<vmem>>
        tpu.enqueue_dma source(%dma_start3A_837 : memref<1024xf32, #tpu.memory_space<vmem>>) target(%dma_start3A_835 : memref<1024xf32, #tpu.memory_space<hbm>>) target_semaphore(%arg13 : memref<!tpu.dma_semaphore, #tpu.memory_space<semaphore_mem>>)
        %mul3A_838 = arith.constant 4 : i32
        %mul3A_839 = arith.muli %add3A_702, %mul3A_838 : i32
        %add3A_840 = arith.constant 2 : i32
        %add3A_841 = arith.addi %mul3A_839, %add3A_840 : i32
        %dma_start3A_842 = arith.constant 0 : i32
        %dma_start3A_843 = arith.constant 8192 : i32
        %dma_start3A_844 = tpu.memref_slice %arg9[%dma_start3A_843] : memref<16384xf32, #tpu.memory_space<vmem>> -> memref<1024xf32, #tpu.memory_space<vmem>>
        %dma_start3A_845 = arith.constant 0 : i32
        %dma_start3A_846 = tpu.memref_slice %arg4[%add3A_841, %dma_start3A_842, %add3A_267, %dma_start3A_845] : memref<200x4x128x1024xf32, #tpu.memory_space<hbm>> -> memref<1x1x1x1024xf32, #tpu.memory_space<hbm>>
        %dma_start3A_847 = tpu.memref_squeeze %dma_start3A_846 : memref<1x1x1x1024xf32, #tpu.memory_space<hbm>> -> memref<1024xf32, #tpu.memory_space<hbm>>
        %dma_start3A_848 = arith.constant 0 : i32
        %dma_start3A_849 = tpu.memref_slice %arg4[%add3A_841, %dma_start3A_842, %add3A_267, %dma_start3A_848] : memref<200x4x128x1024xf32, #tpu.memory_space<hbm>> -> memref<1x1x1x1024xf32, #tpu.memory_space<hbm>>
        %dma_start3A_850 = tpu.memref_squeeze %dma_start3A_849 : memref<1x1x1x1024xf32, #tpu.memory_space<hbm>> -> memref<1024xf32, #tpu.memory_space<hbm>>
        %dma_start3A_851 = arith.constant 8192 : i32
        %dma_start3A_852 = tpu.memref_slice %arg9[%dma_start3A_851] : memref<16384xf32, #tpu.memory_space<vmem>> -> memref<1024xf32, #tpu.memory_space<vmem>>
        tpu.enqueue_dma source(%dma_start3A_852 : memref<1024xf32, #tpu.memory_space<vmem>>) target(%dma_start3A_850 : memref<1024xf32, #tpu.memory_space<hbm>>) target_semaphore(%arg13 : memref<!tpu.dma_semaphore, #tpu.memory_space<semaphore_mem>>)
        %mul3A_853 = arith.constant 4 : i32
        %mul3A_854 = arith.muli %add3A_702, %mul3A_853 : i32
        %add3A_855 = arith.constant 2 : i32
        %add3A_856 = arith.addi %mul3A_854, %add3A_855 : i32
        %dma_start3A_857 = arith.constant 1 : i32
        %dma_start3A_858 = arith.constant 9216 : i32
        %dma_start3A_859 = tpu.memref_slice %arg9[%dma_start3A_858] : memref<16384xf32, #tpu.memory_space<vmem>> -> memref<1024xf32, #tpu.memory_space<vmem>>
        %dma_start3A_860 = arith.constant 0 : i32
        %dma_start3A_861 = tpu.memref_slice %arg4[%add3A_856, %dma_start3A_857, %add3A_267, %dma_start3A_860] : memref<200x4x128x1024xf32, #tpu.memory_space<hbm>> -> memref<1x1x1x1024xf32, #tpu.memory_space<hbm>>
        %dma_start3A_862 = tpu.memref_squeeze %dma_start3A_861 : memref<1x1x1x1024xf32, #tpu.memory_space<hbm>> -> memref<1024xf32, #tpu.memory_space<hbm>>
        %dma_start3A_863 = arith.constant 0 : i32
        %dma_start3A_864 = tpu.memref_slice %arg4[%add3A_856, %dma_start3A_857, %add3A_267, %dma_start3A_863] : memref<200x4x128x1024xf32, #tpu.memory_space<hbm>> -> memref<1x1x1x1024xf32, #tpu.memory_space<hbm>>
        %dma_start3A_865 = tpu.memref_squeeze %dma_start3A_864 : memref<1x1x1x1024xf32, #tpu.memory_space<hbm>> -> memref<1024xf32, #tpu.memory_space<hbm>>
        %dma_start3A_866 = arith.constant 9216 : i32
        %dma_start3A_867 = tpu.memref_slice %arg9[%dma_start3A_866] : memref<16384xf32, #tpu.memory_space<vmem>> -> memref<1024xf32, #tpu.memory_space<vmem>>
        tpu.enqueue_dma source(%dma_start3A_867 : memref<1024xf32, #tpu.memory_space<vmem>>) target(%dma_start3A_865 : memref<1024xf32, #tpu.memory_space<hbm>>) target_semaphore(%arg13 : memref<!tpu.dma_semaphore, #tpu.memory_space<semaphore_mem>>)
        %mul3A_868 = arith.constant 4 : i32
        %mul3A_869 = arith.muli %add3A_702, %mul3A_868 : i32
        %add3A_870 = arith.constant 2 : i32
        %add3A_871 = arith.addi %mul3A_869, %add3A_870 : i32
        %dma_start3A_872 = arith.constant 2 : i32
        %dma_start3A_873 = arith.constant 10240 : i32
        %dma_start3A_874 = tpu.memref_slice %arg9[%dma_start3A_873] : memref<16384xf32, #tpu.memory_space<vmem>> -> memref<1024xf32, #tpu.memory_space<vmem>>
        %dma_start3A_875 = arith.constant 0 : i32
        %dma_start3A_876 = tpu.memref_slice %arg4[%add3A_871, %dma_start3A_872, %add3A_267, %dma_start3A_875] : memref<200x4x128x1024xf32, #tpu.memory_space<hbm>> -> memref<1x1x1x1024xf32, #tpu.memory_space<hbm>>
        %dma_start3A_877 = tpu.memref_squeeze %dma_start3A_876 : memref<1x1x1x1024xf32, #tpu.memory_space<hbm>> -> memref<1024xf32, #tpu.memory_space<hbm>>
        %dma_start3A_878 = arith.constant 0 : i32
        %dma_start3A_879 = tpu.memref_slice %arg4[%add3A_871, %dma_start3A_872, %add3A_267, %dma_start3A_878] : memref<200x4x128x1024xf32, #tpu.memory_space<hbm>> -> memref<1x1x1x1024xf32, #tpu.memory_space<hbm>>
        %dma_start3A_880 = tpu.memref_squeeze %dma_start3A_879 : memref<1x1x1x1024xf32, #tpu.memory_space<hbm>> -> memref<1024xf32, #tpu.memory_space<hbm>>
        %dma_start3A_881 = arith.constant 10240 : i32
        %dma_start3A_882 = tpu.memref_slice %arg9[%dma_start3A_881] : memref<16384xf32, #tpu.memory_space<vmem>> -> memref<1024xf32, #tpu.memory_space<vmem>>
        tpu.enqueue_dma source(%dma_start3A_882 : memref<1024xf32, #tpu.memory_space<vmem>>) target(%dma_start3A_880 : memref<1024xf32, #tpu.memory_space<hbm>>) target_semaphore(%arg13 : memref<!tpu.dma_semaphore, #tpu.memory_space<semaphore_mem>>)
        %mul3A_883 = arith.constant 4 : i32
        %mul3A_884 = arith.muli %add3A_702, %mul3A_883 : i32
        %add3A_885 = arith.constant 2 : i32
        %add3A_886 = arith.addi %mul3A_884, %add3A_885 : i32
        %dma_start3A_887 = arith.constant 3 : i32
        %dma_start3A_888 = arith.constant 11264 : i32
        %dma_start3A_889 = tpu.memref_slice %arg9[%dma_start3A_888] : memref<16384xf32, #tpu.memory_space<vmem>> -> memref<1024xf32, #tpu.memory_space<vmem>>
        %dma_start3A_890 = arith.constant 0 : i32
        %dma_start3A_891 = tpu.memref_slice %arg4[%add3A_886, %dma_start3A_887, %add3A_267, %dma_start3A_890] : memref<200x4x128x1024xf32, #tpu.memory_space<hbm>> -> memref<1x1x1x1024xf32, #tpu.memory_space<hbm>>
        %dma_start3A_892 = tpu.memref_squeeze %dma_start3A_891 : memref<1x1x1x1024xf32, #tpu.memory_space<hbm>> -> memref<1024xf32, #tpu.memory_space<hbm>>
        %dma_start3A_893 = arith.constant 0 : i32
        %dma_start3A_894 = tpu.memref_slice %arg4[%add3A_886, %dma_start3A_887, %add3A_267, %dma_start3A_893] : memref<200x4x128x1024xf32, #tpu.memory_space<hbm>> -> memref<1x1x1x1024xf32, #tpu.memory_space<hbm>>
        %dma_start3A_895 = tpu.memref_squeeze %dma_start3A_894 : memref<1x1x1x1024xf32, #tpu.memory_space<hbm>> -> memref<1024xf32, #tpu.memory_space<hbm>>
        %dma_start3A_896 = arith.constant 11264 : i32
        %dma_start3A_897 = tpu.memref_slice %arg9[%dma_start3A_896] : memref<16384xf32, #tpu.memory_space<vmem>> -> memref<1024xf32, #tpu.memory_space<vmem>>
        tpu.enqueue_dma source(%dma_start3A_897 : memref<1024xf32, #tpu.memory_space<vmem>>) target(%dma_start3A_895 : memref<1024xf32, #tpu.memory_space<hbm>>) target_semaphore(%arg13 : memref<!tpu.dma_semaphore, #tpu.memory_space<semaphore_mem>>)
        %mul3A_898 = arith.constant 4 : i32
        %mul3A_899 = arith.muli %add3A_702, %mul3A_898 : i32
        %add3A_900 = arith.constant 3 : i32
        %add3A_901 = arith.addi %mul3A_899, %add3A_900 : i32
        %dma_start3A_902 = arith.constant 0 : i32
        %dma_start3A_903 = arith.constant 12288 : i32
        %dma_start3A_904 = tpu.memref_slice %arg9[%dma_start3A_903] : memref<16384xf32, #tpu.memory_space<vmem>> -> memref<1024xf32, #tpu.memory_space<vmem>>
        %dma_start3A_905 = arith.constant 0 : i32
        %dma_start3A_906 = tpu.memref_slice %arg4[%add3A_901, %dma_start3A_902, %add3A_267, %dma_start3A_905] : memref<200x4x128x1024xf32, #tpu.memory_space<hbm>> -> memref<1x1x1x1024xf32, #tpu.memory_space<hbm>>
        %dma_start3A_907 = tpu.memref_squeeze %dma_start3A_906 : memref<1x1x1x1024xf32, #tpu.memory_space<hbm>> -> memref<1024xf32, #tpu.memory_space<hbm>>
        %dma_start3A_908 = arith.constant 0 : i32
        %dma_start3A_909 = tpu.memref_slice %arg4[%add3A_901, %dma_start3A_902, %add3A_267, %dma_start3A_908] : memref<200x4x128x1024xf32, #tpu.memory_space<hbm>> -> memref<1x1x1x1024xf32, #tpu.memory_space<hbm>>
        %dma_start3A_910 = tpu.memref_squeeze %dma_start3A_909 : memref<1x1x1x1024xf32, #tpu.memory_space<hbm>> -> memref<1024xf32, #tpu.memory_space<hbm>>
        %dma_start3A_911 = arith.constant 12288 : i32
        %dma_start3A_912 = tpu.memref_slice %arg9[%dma_start3A_911] : memref<16384xf32, #tpu.memory_space<vmem>> -> memref<1024xf32, #tpu.memory_space<vmem>>
        tpu.enqueue_dma source(%dma_start3A_912 : memref<1024xf32, #tpu.memory_space<vmem>>) target(%dma_start3A_910 : memref<1024xf32, #tpu.memory_space<hbm>>) target_semaphore(%arg13 : memref<!tpu.dma_semaphore, #tpu.memory_space<semaphore_mem>>)
        %mul3A_913 = arith.constant 4 : i32
        %mul3A_914 = arith.muli %add3A_702, %mul3A_913 : i32
        %add3A_915 = arith.constant 3 : i32
        %add3A_916 = arith.addi %mul3A_914, %add3A_915 : i32
        %dma_start3A_917 = arith.constant 1 : i32
        %dma_start3A_918 = arith.constant 13312 : i32
        %dma_start3A_919 = tpu.memref_slice %arg9[%dma_start3A_918] : memref<16384xf32, #tpu.memory_space<vmem>> -> memref<1024xf32, #tpu.memory_space<vmem>>
        %dma_start3A_920 = arith.constant 0 : i32
        %dma_start3A_921 = tpu.memref_slice %arg4[%add3A_916, %dma_start3A_917, %add3A_267, %dma_start3A_920] : memref<200x4x128x1024xf32, #tpu.memory_space<hbm>> -> memref<1x1x1x1024xf32, #tpu.memory_space<hbm>>
        %dma_start3A_922 = tpu.memref_squeeze %dma_start3A_921 : memref<1x1x1x1024xf32, #tpu.memory_space<hbm>> -> memref<1024xf32, #tpu.memory_space<hbm>>
        %dma_start3A_923 = arith.constant 0 : i32
        %dma_start3A_924 = tpu.memref_slice %arg4[%add3A_916, %dma_start3A_917, %add3A_267, %dma_start3A_923] : memref<200x4x128x1024xf32, #tpu.memory_space<hbm>> -> memref<1x1x1x1024xf32, #tpu.memory_space<hbm>>
        %dma_start3A_925 = tpu.memref_squeeze %dma_start3A_924 : memref<1x1x1x1024xf32, #tpu.memory_space<hbm>> -> memref<1024xf32, #tpu.memory_space<hbm>>
        %dma_start3A_926 = arith.constant 13312 : i32
        %dma_start3A_927 = tpu.memref_slice %arg9[%dma_start3A_926] : memref<16384xf32, #tpu.memory_space<vmem>> -> memref<1024xf32, #tpu.memory_space<vmem>>
        tpu.enqueue_dma source(%dma_start3A_927 : memref<1024xf32, #tpu.memory_space<vmem>>) target(%dma_start3A_925 : memref<1024xf32, #tpu.memory_space<hbm>>) target_semaphore(%arg13 : memref<!tpu.dma_semaphore, #tpu.memory_space<semaphore_mem>>)
        %mul3A_928 = arith.constant 4 : i32
        %mul3A_929 = arith.muli %add3A_702, %mul3A_928 : i32
        %add3A_930 = arith.constant 3 : i32
        %add3A_931 = arith.addi %mul3A_929, %add3A_930 : i32
        %dma_start3A_932 = arith.constant 2 : i32
        %dma_start3A_933 = arith.constant 14336 : i32
        %dma_start3A_934 = tpu.memref_slice %arg9[%dma_start3A_933] : memref<16384xf32, #tpu.memory_space<vmem>> -> memref<1024xf32, #tpu.memory_space<vmem>>
        %dma_start3A_935 = arith.constant 0 : i32
        %dma_start3A_936 = tpu.memref_slice %arg4[%add3A_931, %dma_start3A_932, %add3A_267, %dma_start3A_935] : memref<200x4x128x1024xf32, #tpu.memory_space<hbm>> -> memref<1x1x1x1024xf32, #tpu.memory_space<hbm>>
        %dma_start3A_937 = tpu.memref_squeeze %dma_start3A_936 : memref<1x1x1x1024xf32, #tpu.memory_space<hbm>> -> memref<1024xf32, #tpu.memory_space<hbm>>
        %dma_start3A_938 = arith.constant 0 : i32
        %dma_start3A_939 = tpu.memref_slice %arg4[%add3A_931, %dma_start3A_932, %add3A_267, %dma_start3A_938] : memref<200x4x128x1024xf32, #tpu.memory_space<hbm>> -> memref<1x1x1x1024xf32, #tpu.memory_space<hbm>>
        %dma_start3A_940 = tpu.memref_squeeze %dma_start3A_939 : memref<1x1x1x1024xf32, #tpu.memory_space<hbm>> -> memref<1024xf32, #tpu.memory_space<hbm>>
        %dma_start3A_941 = arith.constant 14336 : i32
        %dma_start3A_942 = tpu.memref_slice %arg9[%dma_start3A_941] : memref<16384xf32, #tpu.memory_space<vmem>> -> memref<1024xf32, #tpu.memory_space<vmem>>
        tpu.enqueue_dma source(%dma_start3A_942 : memref<1024xf32, #tpu.memory_space<vmem>>) target(%dma_start3A_940 : memref<1024xf32, #tpu.memory_space<hbm>>) target_semaphore(%arg13 : memref<!tpu.dma_semaphore, #tpu.memory_space<semaphore_mem>>)
        %mul3A_943 = arith.constant 4 : i32
        %mul3A_944 = arith.muli %add3A_702, %mul3A_943 : i32
        %add3A_945 = arith.constant 3 : i32
        %add3A_946 = arith.addi %mul3A_944, %add3A_945 : i32
        %dma_start3A_947 = arith.constant 3 : i32
        %dma_start3A_948 = arith.constant 15360 : i32
        %dma_start3A_949 = tpu.memref_slice %arg9[%dma_start3A_948] : memref<16384xf32, #tpu.memory_space<vmem>> -> memref<1024xf32, #tpu.memory_space<vmem>>
        %dma_start3A_950 = arith.constant 0 : i32
        %dma_start3A_951 = tpu.memref_slice %arg4[%add3A_946, %dma_start3A_947, %add3A_267, %dma_start3A_950] : memref<200x4x128x1024xf32, #tpu.memory_space<hbm>> -> memref<1x1x1x1024xf32, #tpu.memory_space<hbm>>
        %dma_start3A_952 = tpu.memref_squeeze %dma_start3A_951 : memref<1x1x1x1024xf32, #tpu.memory_space<hbm>> -> memref<1024xf32, #tpu.memory_space<hbm>>
        %dma_start3A_953 = arith.constant 0 : i32
        %dma_start3A_954 = tpu.memref_slice %arg4[%add3A_946, %dma_start3A_947, %add3A_267, %dma_start3A_953] : memref<200x4x128x1024xf32, #tpu.memory_space<hbm>> -> memref<1x1x1x1024xf32, #tpu.memory_space<hbm>>
        %dma_start3A_955 = tpu.memref_squeeze %dma_start3A_954 : memref<1x1x1x1024xf32, #tpu.memory_space<hbm>> -> memref<1024xf32, #tpu.memory_space<hbm>>
        %dma_start3A_956 = arith.constant 15360 : i32
        %dma_start3A_957 = tpu.memref_slice %arg9[%dma_start3A_956] : memref<16384xf32, #tpu.memory_space<vmem>> -> memref<1024xf32, #tpu.memory_space<vmem>>
        tpu.enqueue_dma source(%dma_start3A_957 : memref<1024xf32, #tpu.memory_space<vmem>>) target(%dma_start3A_955 : memref<1024xf32, #tpu.memory_space<hbm>>) target_semaphore(%arg13 : memref<!tpu.dma_semaphore, #tpu.memory_space<semaphore_mem>>)
        %add3A_958 = arith.constant 1 : i32
        %add3A_959 = arith.addi %add3A_700, %add3A_958 : i32
        %lt3A_960 = arith.constant 49 : i32
        %lt3A_961 = arith.cmpi slt, %add3A_959, %lt3A_960 : i32
        %convert_element_type3A_962 = arith.extui %lt3A_961 : i1 to i32
        %cond3A_963 = arith.constant 0 : i32
        %cond3A_964 = arith.cmpi ne, %convert_element_type3A_962, %cond3A_963 : i32
        scf.if %cond3A_964 {
          %add3A_1219 = arith.constant 1 : i32
          %add3A_1220 = arith.addi %add3A_959, %add3A_1219 : i32
          %mul3A_1221 = arith.constant 512 : i32
          %mul3A_1222 = arith.muli %add3A_1220, %mul3A_1221 : i32
          %dma_start3A_1223 = tpu.memref_slice %arg6[%mul3A_1222] : memref<25600xi32, #tpu.memory_space<vmem>> -> memref<512xi32, #tpu.memory_space<vmem>>
          %dma_start3A_1224 = arith.constant 0 : i32
          %dma_start3A_1225 = arith.constant 0 : i32
          %dma_start3A_1226 = tpu.memref_slice %arg3[%dma_start3A_1224, %dma_start3A_1225] : memref<100000x32xf32, #tpu.memory_space<hbm>> -> memref<100000x32xf32, #tpu.memory_space<hbm>>
          tpu.enqueue_indirect_dma source(%dma_start3A_1226 : memref<100000x32xf32, #tpu.memory_space<hbm>>) target(%arg7 : memref<512x32xf32, #tpu.memory_space<vmem>>) offsets(%dma_start3A_1223 : memref<512xi32, #tpu.memory_space<vmem>>) semaphore(%arg11 : memref<!tpu.dma_semaphore, #tpu.memory_space<semaphore_mem>>)
        } else {
        }
        %dma_wait3A_965 = arith.constant 0 : i32
        %dma_wait3A_966 = arith.constant 0 : i32
        %dma_wait3A_967 = tpu.memref_slice %arg3[%dma_wait3A_965, %dma_wait3A_966] : memref<100000x32xf32, #tpu.memory_space<hbm>> -> memref<512x32xf32, #tpu.memory_space<hbm>>
        %dma_wait3A_968 = arith.constant 0 : i32
        %dma_wait3A_969 = arith.constant 0 : i32
        %dma_wait3A_970 = tpu.memref_slice %arg3[%dma_wait3A_968, %dma_wait3A_969] : memref<100000x32xf32, #tpu.memory_space<hbm>> -> memref<512x32xf32, #tpu.memory_space<hbm>>
        tpu.wait_dma2 semaphore(%arg12 : memref<!tpu.dma_semaphore, #tpu.memory_space<semaphore_mem>>) src(%dma_wait3A_970 : memref<512x32xf32, #tpu.memory_space<hbm>>) dst(%arg8 : memref<512x32xf32, #tpu.memory_space<vmem>>)
        %ge3A_971 = arith.constant 2 : i32
        %ge3A_972 = arith.cmpi sge, %add3A_959, %ge3A_971 : i32
        %convert_element_type3A_973 = arith.extui %ge3A_972 : i1 to i32
        %cond3A_974 = arith.constant 0 : i32
        %cond3A_975 = arith.cmpi ne, %convert_element_type3A_973, %cond3A_974 : i32
        scf.if %cond3A_975 {
          %dma_wait3A_1219 = arith.constant 0 : i32
          %dma_wait3A_1220 = arith.constant 0 : i32
          %dma_wait3A_1221 = arith.constant 0 : i32
          %dma_wait3A_1222 = arith.constant 0 : i32
          %dma_wait3A_1223 = tpu.memref_slice %arg10[%dma_wait3A_1222] : memref<16384xf32, #tpu.memory_space<vmem>> -> memref<1024xf32, #tpu.memory_space<vmem>>
          %dma_wait3A_1224 = arith.constant 0 : i32
          %dma_wait3A_1225 = tpu.memref_slice %arg4[%dma_wait3A_1219, %dma_wait3A_1220, %dma_wait3A_1221, %dma_wait3A_1224] : memref<200x4x128x1024xf32, #tpu.memory_space<hbm>> -> memref<1x1x1x1024xf32, #tpu.memory_space<hbm>>
          %dma_wait3A_1226 = tpu.memref_squeeze %dma_wait3A_1225 : memref<1x1x1x1024xf32, #tpu.memory_space<hbm>> -> memref<1024xf32, #tpu.memory_space<hbm>>
          %dma_wait3A_1227 = arith.constant 0 : i32
          %dma_wait3A_1228 = tpu.memref_slice %arg10[%dma_wait3A_1227] : memref<16384xf32, #tpu.memory_space<vmem>> -> memref<1024xf32, #tpu.memory_space<vmem>>
          %dma_wait3A_1229 = arith.constant 0 : i32
          %dma_wait3A_1230 = tpu.memref_slice %arg4[%dma_wait3A_1219, %dma_wait3A_1220, %dma_wait3A_1221, %dma_wait3A_1229] : memref<200x4x128x1024xf32, #tpu.memory_space<hbm>> -> memref<1x1x1x1024xf32, #tpu.memory_space<hbm>>
          %dma_wait3A_1231 = tpu.memref_squeeze %dma_wait3A_1230 : memref<1x1x1x1024xf32, #tpu.memory_space<hbm>> -> memref<1024xf32, #tpu.memory_space<hbm>>
          tpu.wait_dma2 semaphore(%arg14 : memref<!tpu.dma_semaphore, #tpu.memory_space<semaphore_mem>>) src(%dma_wait3A_1231 : memref<1024xf32, #tpu.memory_space<hbm>>) dst(%dma_wait3A_1228 : memref<1024xf32, #tpu.memory_space<vmem>>)
          %dma_wait3A_1232 = arith.constant 0 : i32
          %dma_wait3A_1233 = arith.constant 0 : i32
          %dma_wait3A_1234 = arith.constant 0 : i32
          %dma_wait3A_1235 = arith.constant 0 : i32
          %dma_wait3A_1236 = tpu.memref_slice %arg10[%dma_wait3A_1235] : memref<16384xf32, #tpu.memory_space<vmem>> -> memref<1024xf32, #tpu.memory_space<vmem>>
          %dma_wait3A_1237 = arith.constant 0 : i32
          %dma_wait3A_1238 = tpu.memref_slice %arg4[%dma_wait3A_1232, %dma_wait3A_1233, %dma_wait3A_1234, %dma_wait3A_1237] : memref<200x4x128x1024xf32, #tpu.memory_space<hbm>> -> memref<1x1x1x1024xf32, #tpu.memory_space<hbm>>
          %dma_wait3A_1239 = tpu.memref_squeeze %dma_wait3A_1238 : memref<1x1x1x1024xf32, #tpu.memory_space<hbm>> -> memref<1024xf32, #tpu.memory_space<hbm>>
          %dma_wait3A_1240 = arith.constant 0 : i32
          %dma_wait3A_1241 = tpu.memref_slice %arg10[%dma_wait3A_1240] : memref<16384xf32, #tpu.memory_space<vmem>> -> memref<1024xf32, #tpu.memory_space<vmem>>
          %dma_wait3A_1242 = arith.constant 0 : i32
          %dma_wait3A_1243 = tpu.memref_slice %arg4[%dma_wait3A_1232, %dma_wait3A_1233, %dma_wait3A_1234, %dma_wait3A_1242] : memref<200x4x128x1024xf32, #tpu.memory_space<hbm>> -> memref<1x1x1x1024xf32, #tpu.memory_space<hbm>>
          %dma_wait3A_1244 = tpu.memref_squeeze %dma_wait3A_1243 : memref<1x1x1x1024xf32, #tpu.memory_space<hbm>> -> memref<1024xf32, #tpu.memory_space<hbm>>
          tpu.wait_dma2 semaphore(%arg14 : memref<!tpu.dma_semaphore, #tpu.memory_space<semaphore_mem>>) src(%dma_wait3A_1244 : memref<1024xf32, #tpu.memory_space<hbm>>) dst(%dma_wait3A_1241 : memref<1024xf32, #tpu.memory_space<vmem>>)
          %dma_wait3A_1245 = arith.constant 0 : i32
          %dma_wait3A_1246 = arith.constant 0 : i32
          %dma_wait3A_1247 = arith.constant 0 : i32
          %dma_wait3A_1248 = arith.constant 0 : i32
          %dma_wait3A_1249 = tpu.memref_slice %arg10[%dma_wait3A_1248] : memref<16384xf32, #tpu.memory_space<vmem>> -> memref<1024xf32, #tpu.memory_space<vmem>>
          %dma_wait3A_1250 = arith.constant 0 : i32
          %dma_wait3A_1251 = tpu.memref_slice %arg4[%dma_wait3A_1245, %dma_wait3A_1246, %dma_wait3A_1247, %dma_wait3A_1250] : memref<200x4x128x1024xf32, #tpu.memory_space<hbm>> -> memref<1x1x1x1024xf32, #tpu.memory_space<hbm>>
          %dma_wait3A_1252 = tpu.memref_squeeze %dma_wait3A_1251 : memref<1x1x1x1024xf32, #tpu.memory_space<hbm>> -> memref<1024xf32, #tpu.memory_space<hbm>>
          %dma_wait3A_1253 = arith.constant 0 : i32
          %dma_wait3A_1254 = tpu.memref_slice %arg10[%dma_wait3A_1253] : memref<16384xf32, #tpu.memory_space<vmem>> -> memref<1024xf32, #tpu.memory_space<vmem>>
          %dma_wait3A_1255 = arith.constant 0 : i32
          %dma_wait3A_1256 = tpu.memref_slice %arg4[%dma_wait3A_1245, %dma_wait3A_1246, %dma_wait3A_1247, %dma_wait3A_1255] : memref<200x4x128x1024xf32, #tpu.memory_space<hbm>> -> memref<1x1x1x1024xf32, #tpu.memory_space<hbm>>
          %dma_wait3A_1257 = tpu.memref_squeeze %dma_wait3A_1256 : memref<1x1x1x1024xf32, #tpu.memory_space<hbm>> -> memref<1024xf32, #tpu.memory_space<hbm>>
          tpu.wait_dma2 semaphore(%arg14 : memref<!tpu.dma_semaphore, #tpu.memory_space<semaphore_mem>>) src(%dma_wait3A_1257 : memref<1024xf32, #tpu.memory_space<hbm>>) dst(%dma_wait3A_1254 : memref<1024xf32, #tpu.memory_space<vmem>>)
          %dma_wait3A_1258 = arith.constant 0 : i32
          %dma_wait3A_1259 = arith.constant 0 : i32
          %dma_wait3A_1260 = arith.constant 0 : i32
          %dma_wait3A_1261 = arith.constant 0 : i32
          %dma_wait3A_1262 = tpu.memref_slice %arg10[%dma_wait3A_1261] : memref<16384xf32, #tpu.memory_space<vmem>> -> memref<1024xf32, #tpu.memory_space<vmem>>
          %dma_wait3A_1263 = arith.constant 0 : i32
          %dma_wait3A_1264 = tpu.memref_slice %arg4[%dma_wait3A_1258, %dma_wait3A_1259, %dma_wait3A_1260, %dma_wait3A_1263] : memref<200x4x128x1024xf32, #tpu.memory_space<hbm>> -> memref<1x1x1x1024xf32, #tpu.memory_space<hbm>>
          %dma_wait3A_1265 = tpu.memref_squeeze %dma_wait3A_1264 : memref<1x1x1x1024xf32, #tpu.memory_space<hbm>> -> memref<1024xf32, #tpu.memory_space<hbm>>
          %dma_wait3A_1266 = arith.constant 0 : i32
          %dma_wait3A_1267 = tpu.memref_slice %arg10[%dma_wait3A_1266] : memref<16384xf32, #tpu.memory_space<vmem>> -> memref<1024xf32, #tpu.memory_space<vmem>>
          %dma_wait3A_1268 = arith.constant 0 : i32
          %dma_wait3A_1269 = tpu.memref_slice %arg4[%dma_wait3A_1258, %dma_wait3A_1259, %dma_wait3A_1260, %dma_wait3A_1268] : memref<200x4x128x1024xf32, #tpu.memory_space<hbm>> -> memref<1x1x1x1024xf32, #tpu.memory_space<hbm>>
          %dma_wait3A_1270 = tpu.memref_squeeze %dma_wait3A_1269 : memref<1x1x1x1024xf32, #tpu.memory_space<hbm>> -> memref<1024xf32, #tpu.memory_space<hbm>>
          tpu.wait_dma2 semaphore(%arg14 : memref<!tpu.dma_semaphore, #tpu.memory_space<semaphore_mem>>) src(%dma_wait3A_1270 : memref<1024xf32, #tpu.memory_space<hbm>>) dst(%dma_wait3A_1267 : memref<1024xf32, #tpu.memory_space<vmem>>)
          %dma_wait3A_1271 = arith.constant 0 : i32
          %dma_wait3A_1272 = arith.constant 0 : i32
          %dma_wait3A_1273 = arith.constant 0 : i32
          %dma_wait3A_1274 = arith.constant 0 : i32
          %dma_wait3A_1275 = tpu.memref_slice %arg10[%dma_wait3A_1274] : memref<16384xf32, #tpu.memory_space<vmem>> -> memref<1024xf32, #tpu.memory_space<vmem>>
          %dma_wait3A_1276 = arith.constant 0 : i32
          %dma_wait3A_1277 = tpu.memref_slice %arg4[%dma_wait3A_1271, %dma_wait3A_1272, %dma_wait3A_1273, %dma_wait3A_1276] : memref<200x4x128x1024xf32, #tpu.memory_space<hbm>> -> memref<1x1x1x1024xf32, #tpu.memory_space<hbm>>
          %dma_wait3A_1278 = tpu.memref_squeeze %dma_wait3A_1277 : memref<1x1x1x1024xf32, #tpu.memory_space<hbm>> -> memref<1024xf32, #tpu.memory_space<hbm>>
          %dma_wait3A_1279 = arith.constant 0 : i32
          %dma_wait3A_1280 = tpu.memref_slice %arg10[%dma_wait3A_1279] : memref<16384xf32, #tpu.memory_space<vmem>> -> memref<1024xf32, #tpu.memory_space<vmem>>
          %dma_wait3A_1281 = arith.constant 0 : i32
          %dma_wait3A_1282 = tpu.memref_slice %arg4[%dma_wait3A_1271, %dma_wait3A_1272, %dma_wait3A_1273, %dma_wait3A_1281] : memref<200x4x128x1024xf32, #tpu.memory_space<hbm>> -> memref<1x1x1x1024xf32, #tpu.memory_space<hbm>>
          %dma_wait3A_1283 = tpu.memref_squeeze %dma_wait3A_1282 : memref<1x1x1x1024xf32, #tpu.memory_space<hbm>> -> memref<1024xf32, #tpu.memory_space<hbm>>
          tpu.wait_dma2 semaphore(%arg14 : memref<!tpu.dma_semaphore, #tpu.memory_space<semaphore_mem>>) src(%dma_wait3A_1283 : memref<1024xf32, #tpu.memory_space<hbm>>) dst(%dma_wait3A_1280 : memref<1024xf32, #tpu.memory_space<vmem>>)
          %dma_wait3A_1284 = arith.constant 0 : i32
          %dma_wait3A_1285 = arith.constant 0 : i32
          %dma_wait3A_1286 = arith.constant 0 : i32
          %dma_wait3A_1287 = arith.constant 0 : i32
          %dma_wait3A_1288 = tpu.memref_slice %arg10[%dma_wait3A_1287] : memref<16384xf32, #tpu.memory_space<vmem>> -> memref<1024xf32, #tpu.memory_space<vmem>>
          %dma_wait3A_1289 = arith.constant 0 : i32
          %dma_wait3A_1290 = tpu.memref_slice %arg4[%dma_wait3A_1284, %dma_wait3A_1285, %dma_wait3A_1286, %dma_wait3A_1289] : memref<200x4x128x1024xf32, #tpu.memory_space<hbm>> -> memref<1x1x1x1024xf32, #tpu.memory_space<hbm>>
          %dma_wait3A_1291 = tpu.memref_squeeze %dma_wait3A_1290 : memref<1x1x1x1024xf32, #tpu.memory_space<hbm>> -> memref<1024xf32, #tpu.memory_space<hbm>>
          %dma_wait3A_1292 = arith.constant 0 : i32
          %dma_wait3A_1293 = tpu.memref_slice %arg10[%dma_wait3A_1292] : memref<16384xf32, #tpu.memory_space<vmem>> -> memref<1024xf32, #tpu.memory_space<vmem>>
          %dma_wait3A_1294 = arith.constant 0 : i32
          %dma_wait3A_1295 = tpu.memref_slice %arg4[%dma_wait3A_1284, %dma_wait3A_1285, %dma_wait3A_1286, %dma_wait3A_1294] : memref<200x4x128x1024xf32, #tpu.memory_space<hbm>> -> memref<1x1x1x1024xf32, #tpu.memory_space<hbm>>
          %dma_wait3A_1296 = tpu.memref_squeeze %dma_wait3A_1295 : memref<1x1x1x1024xf32, #tpu.memory_space<hbm>> -> memref<1024xf32, #tpu.memory_space<hbm>>
          tpu.wait_dma2 semaphore(%arg14 : memref<!tpu.dma_semaphore, #tpu.memory_space<semaphore_mem>>) src(%dma_wait3A_1296 : memref<1024xf32, #tpu.memory_space<hbm>>) dst(%dma_wait3A_1293 : memref<1024xf32, #tpu.memory_space<vmem>>)
          %dma_wait3A_1297 = arith.constant 0 : i32
          %dma_wait3A_1298 = arith.constant 0 : i32
          %dma_wait3A_1299 = arith.constant 0 : i32
          %dma_wait3A_1300 = arith.constant 0 : i32
          %dma_wait3A_1301 = tpu.memref_slice %arg10[%dma_wait3A_1300] : memref<16384xf32, #tpu.memory_space<vmem>> -> memref<1024xf32, #tpu.memory_space<vmem>>
          %dma_wait3A_1302 = arith.constant 0 : i32
          %dma_wait3A_1303 = tpu.memref_slice %arg4[%dma_wait3A_1297, %dma_wait3A_1298, %dma_wait3A_1299, %dma_wait3A_1302] : memref<200x4x128x1024xf32, #tpu.memory_space<hbm>> -> memref<1x1x1x1024xf32, #tpu.memory_space<hbm>>
          %dma_wait3A_1304 = tpu.memref_squeeze %dma_wait3A_1303 : memref<1x1x1x1024xf32, #tpu.memory_space<hbm>> -> memref<1024xf32, #tpu.memory_space<hbm>>
          %dma_wait3A_1305 = arith.constant 0 : i32
          %dma_wait3A_1306 = tpu.memref_slice %arg10[%dma_wait3A_1305] : memref<16384xf32, #tpu.memory_space<vmem>> -> memref<1024xf32, #tpu.memory_space<vmem>>
          %dma_wait3A_1307 = arith.constant 0 : i32
          %dma_wait3A_1308 = tpu.memref_slice %arg4[%dma_wait3A_1297, %dma_wait3A_1298, %dma_wait3A_1299, %dma_wait3A_1307] : memref<200x4x128x1024xf32, #tpu.memory_space<hbm>> -> memref<1x1x1x1024xf32, #tpu.memory_space<hbm>>
          %dma_wait3A_1309 = tpu.memref_squeeze %dma_wait3A_1308 : memref<1x1x1x1024xf32, #tpu.memory_space<hbm>> -> memref<1024xf32, #tpu.memory_space<hbm>>
          tpu.wait_dma2 semaphore(%arg14 : memref<!tpu.dma_semaphore, #tpu.memory_space<semaphore_mem>>) src(%dma_wait3A_1309 : memref<1024xf32, #tpu.memory_space<hbm>>) dst(%dma_wait3A_1306 : memref<1024xf32, #tpu.memory_space<vmem>>)
          %dma_wait3A_1310 = arith.constant 0 : i32
          %dma_wait3A_1311 = arith.constant 0 : i32
          %dma_wait3A_1312 = arith.constant 0 : i32
          %dma_wait3A_1313 = arith.constant 0 : i32
          %dma_wait3A_1314 = tpu.memref_slice %arg10[%dma_wait3A_1313] : memref<16384xf32, #tpu.memory_space<vmem>> -> memref<1024xf32, #tpu.memory_space<vmem>>
          %dma_wait3A_1315 = arith.constant 0 : i32
          %dma_wait3A_1316 = tpu.memref_slice %arg4[%dma_wait3A_1310, %dma_wait3A_1311, %dma_wait3A_1312, %dma_wait3A_1315] : memref<200x4x128x1024xf32, #tpu.memory_space<hbm>> -> memref<1x1x1x1024xf32, #tpu.memory_space<hbm>>
          %dma_wait3A_1317 = tpu.memref_squeeze %dma_wait3A_1316 : memref<1x1x1x1024xf32, #tpu.memory_space<hbm>> -> memref<1024xf32, #tpu.memory_space<hbm>>
          %dma_wait3A_1318 = arith.constant 0 : i32
          %dma_wait3A_1319 = tpu.memref_slice %arg10[%dma_wait3A_1318] : memref<16384xf32, #tpu.memory_space<vmem>> -> memref<1024xf32, #tpu.memory_space<vmem>>
          %dma_wait3A_1320 = arith.constant 0 : i32
          %dma_wait3A_1321 = tpu.memref_slice %arg4[%dma_wait3A_1310, %dma_wait3A_1311, %dma_wait3A_1312, %dma_wait3A_1320] : memref<200x4x128x1024xf32, #tpu.memory_space<hbm>> -> memref<1x1x1x1024xf32, #tpu.memory_space<hbm>>
          %dma_wait3A_1322 = tpu.memref_squeeze %dma_wait3A_1321 : memref<1x1x1x1024xf32, #tpu.memory_space<hbm>> -> memref<1024xf32, #tpu.memory_space<hbm>>
          tpu.wait_dma2 semaphore(%arg14 : memref<!tpu.dma_semaphore, #tpu.memory_space<semaphore_mem>>) src(%dma_wait3A_1322 : memref<1024xf32, #tpu.memory_space<hbm>>) dst(%dma_wait3A_1319 : memref<1024xf32, #tpu.memory_space<vmem>>)
          %dma_wait3A_1323 = arith.constant 0 : i32
          %dma_wait3A_1324 = arith.constant 0 : i32
          %dma_wait3A_1325 = arith.constant 0 : i32
          %dma_wait3A_1326 = arith.constant 0 : i32
          %dma_wait3A_1327 = tpu.memref_slice %arg10[%dma_wait3A_1326] : memref<16384xf32, #tpu.memory_space<vmem>> -> memref<1024xf32, #tpu.memory_space<vmem>>
          %dma_wait3A_1328 = arith.constant 0 : i32
          %dma_wait3A_1329 = tpu.memref_slice %arg4[%dma_wait3A_1323, %dma_wait3A_1324, %dma_wait3A_1325, %dma_wait3A_1328] : memref<200x4x128x1024xf32, #tpu.memory_space<hbm>> -> memref<1x1x1x1024xf32, #tpu.memory_space<hbm>>
          %dma_wait3A_1330 = tpu.memref_squeeze %dma_wait3A_1329 : memref<1x1x1x1024xf32, #tpu.memory_space<hbm>> -> memref<1024xf32, #tpu.memory_space<hbm>>
          %dma_wait3A_1331 = arith.constant 0 : i32
          %dma_wait3A_1332 = tpu.memref_slice %arg10[%dma_wait3A_1331] : memref<16384xf32, #tpu.memory_space<vmem>> -> memref<1024xf32, #tpu.memory_space<vmem>>
          %dma_wait3A_1333 = arith.constant 0 : i32
          %dma_wait3A_1334 = tpu.memref_slice %arg4[%dma_wait3A_1323, %dma_wait3A_1324, %dma_wait3A_1325, %dma_wait3A_1333] : memref<200x4x128x1024xf32, #tpu.memory_space<hbm>> -> memref<1x1x1x1024xf32, #tpu.memory_space<hbm>>
          %dma_wait3A_1335 = tpu.memref_squeeze %dma_wait3A_1334 : memref<1x1x1x1024xf32, #tpu.memory_space<hbm>> -> memref<1024xf32, #tpu.memory_space<hbm>>
          tpu.wait_dma2 semaphore(%arg14 : memref<!tpu.dma_semaphore, #tpu.memory_space<semaphore_mem>>) src(%dma_wait3A_1335 : memref<1024xf32, #tpu.memory_space<hbm>>) dst(%dma_wait3A_1332 : memref<1024xf32, #tpu.memory_space<vmem>>)
          %dma_wait3A_1336 = arith.constant 0 : i32
          %dma_wait3A_1337 = arith.constant 0 : i32
          %dma_wait3A_1338 = arith.constant 0 : i32
          %dma_wait3A_1339 = arith.constant 0 : i32
          %dma_wait3A_1340 = tpu.memref_slice %arg10[%dma_wait3A_1339] : memref<16384xf32, #tpu.memory_space<vmem>> -> memref<1024xf32, #tpu.memory_space<vmem>>
          %dma_wait3A_1341 = arith.constant 0 : i32
          %dma_wait3A_1342 = tpu.memref_slice %arg4[%dma_wait3A_1336, %dma_wait3A_1337, %dma_wait3A_1338, %dma_wait3A_1341] : memref<200x4x128x1024xf32, #tpu.memory_space<hbm>> -> memref<1x1x1x1024xf32, #tpu.memory_space<hbm>>
          %dma_wait3A_1343 = tpu.memref_squeeze %dma_wait3A_1342 : memref<1x1x1x1024xf32, #tpu.memory_space<hbm>> -> memref<1024xf32, #tpu.memory_space<hbm>>
          %dma_wait3A_1344 = arith.constant 0 : i32
          %dma_wait3A_1345 = tpu.memref_slice %arg10[%dma_wait3A_1344] : memref<16384xf32, #tpu.memory_space<vmem>> -> memref<1024xf32, #tpu.memory_space<vmem>>
          %dma_wait3A_1346 = arith.constant 0 : i32
          %dma_wait3A_1347 = tpu.memref_slice %arg4[%dma_wait3A_1336, %dma_wait3A_1337, %dma_wait3A_1338, %dma_wait3A_1346] : memref<200x4x128x1024xf32, #tpu.memory_space<hbm>> -> memref<1x1x1x1024xf32, #tpu.memory_space<hbm>>
          %dma_wait3A_1348 = tpu.memref_squeeze %dma_wait3A_1347 : memref<1x1x1x1024xf32, #tpu.memory_space<hbm>> -> memref<1024xf32, #tpu.memory_space<hbm>>
          tpu.wait_dma2 semaphore(%arg14 : memref<!tpu.dma_semaphore, #tpu.memory_space<semaphore_mem>>) src(%dma_wait3A_1348 : memref<1024xf32, #tpu.memory_space<hbm>>) dst(%dma_wait3A_1345 : memref<1024xf32, #tpu.memory_space<vmem>>)
          %dma_wait3A_1349 = arith.constant 0 : i32
          %dma_wait3A_1350 = arith.constant 0 : i32
          %dma_wait3A_1351 = arith.constant 0 : i32
          %dma_wait3A_1352 = arith.constant 0 : i32
          %dma_wait3A_1353 = tpu.memref_slice %arg10[%dma_wait3A_1352] : memref<16384xf32, #tpu.memory_space<vmem>> -> memref<1024xf32, #tpu.memory_space<vmem>>
          %dma_wait3A_1354 = arith.constant 0 : i32
          %dma_wait3A_1355 = tpu.memref_slice %arg4[%dma_wait3A_1349, %dma_wait3A_1350, %dma_wait3A_1351, %dma_wait3A_1354] : memref<200x4x128x1024xf32, #tpu.memory_space<hbm>> -> memref<1x1x1x1024xf32, #tpu.memory_space<hbm>>
          %dma_wait3A_1356 = tpu.memref_squeeze %dma_wait3A_1355 : memref<1x1x1x1024xf32, #tpu.memory_space<hbm>> -> memref<1024xf32, #tpu.memory_space<hbm>>
          %dma_wait3A_1357 = arith.constant 0 : i32
          %dma_wait3A_1358 = tpu.memref_slice %arg10[%dma_wait3A_1357] : memref<16384xf32, #tpu.memory_space<vmem>> -> memref<1024xf32, #tpu.memory_space<vmem>>
          %dma_wait3A_1359 = arith.constant 0 : i32
          %dma_wait3A_1360 = tpu.memref_slice %arg4[%dma_wait3A_1349, %dma_wait3A_1350, %dma_wait3A_1351, %dma_wait3A_1359] : memref<200x4x128x1024xf32, #tpu.memory_space<hbm>> -> memref<1x1x1x1024xf32, #tpu.memory_space<hbm>>
          %dma_wait3A_1361 = tpu.memref_squeeze %dma_wait3A_1360 : memref<1x1x1x1024xf32, #tpu.memory_space<hbm>> -> memref<1024xf32, #tpu.memory_space<hbm>>
          tpu.wait_dma2 semaphore(%arg14 : memref<!tpu.dma_semaphore, #tpu.memory_space<semaphore_mem>>) src(%dma_wait3A_1361 : memref<1024xf32, #tpu.memory_space<hbm>>) dst(%dma_wait3A_1358 : memref<1024xf32, #tpu.memory_space<vmem>>)
          %dma_wait3A_1362 = arith.constant 0 : i32
          %dma_wait3A_1363 = arith.constant 0 : i32
          %dma_wait3A_1364 = arith.constant 0 : i32
          %dma_wait3A_1365 = arith.constant 0 : i32
          %dma_wait3A_1366 = tpu.memref_slice %arg10[%dma_wait3A_1365] : memref<16384xf32, #tpu.memory_space<vmem>> -> memref<1024xf32, #tpu.memory_space<vmem>>
          %dma_wait3A_1367 = arith.constant 0 : i32
          %dma_wait3A_1368 = tpu.memref_slice %arg4[%dma_wait3A_1362, %dma_wait3A_1363, %dma_wait3A_1364, %dma_wait3A_1367] : memref<200x4x128x1024xf32, #tpu.memory_space<hbm>> -> memref<1x1x1x1024xf32, #tpu.memory_space<hbm>>
          %dma_wait3A_1369 = tpu.memref_squeeze %dma_wait3A_1368 : memref<1x1x1x1024xf32, #tpu.memory_space<hbm>> -> memref<1024xf32, #tpu.memory_space<hbm>>
          %dma_wait3A_1370 = arith.constant 0 : i32
          %dma_wait3A_1371 = tpu.memref_slice %arg10[%dma_wait3A_1370] : memref<16384xf32, #tpu.memory_space<vmem>> -> memref<1024xf32, #tpu.memory_space<vmem>>
          %dma_wait3A_1372 = arith.constant 0 : i32
          %dma_wait3A_1373 = tpu.memref_slice %arg4[%dma_wait3A_1362, %dma_wait3A_1363, %dma_wait3A_1364, %dma_wait3A_1372] : memref<200x4x128x1024xf32, #tpu.memory_space<hbm>> -> memref<1x1x1x1024xf32, #tpu.memory_space<hbm>>
          %dma_wait3A_1374 = tpu.memref_squeeze %dma_wait3A_1373 : memref<1x1x1x1024xf32, #tpu.memory_space<hbm>> -> memref<1024xf32, #tpu.memory_space<hbm>>
          tpu.wait_dma2 semaphore(%arg14 : memref<!tpu.dma_semaphore, #tpu.memory_space<semaphore_mem>>) src(%dma_wait3A_1374 : memref<1024xf32, #tpu.memory_space<hbm>>) dst(%dma_wait3A_1371 : memref<1024xf32, #tpu.memory_space<vmem>>)
          %dma_wait3A_1375 = arith.constant 0 : i32
          %dma_wait3A_1376 = arith.constant 0 : i32
          %dma_wait3A_1377 = arith.constant 0 : i32
          %dma_wait3A_1378 = arith.constant 0 : i32
          %dma_wait3A_1379 = tpu.memref_slice %arg10[%dma_wait3A_1378] : memref<16384xf32, #tpu.memory_space<vmem>> -> memref<1024xf32, #tpu.memory_space<vmem>>
          %dma_wait3A_1380 = arith.constant 0 : i32
          %dma_wait3A_1381 = tpu.memref_slice %arg4[%dma_wait3A_1375, %dma_wait3A_1376, %dma_wait3A_1377, %dma_wait3A_1380] : memref<200x4x128x1024xf32, #tpu.memory_space<hbm>> -> memref<1x1x1x1024xf32, #tpu.memory_space<hbm>>
          %dma_wait3A_1382 = tpu.memref_squeeze %dma_wait3A_1381 : memref<1x1x1x1024xf32, #tpu.memory_space<hbm>> -> memref<1024xf32, #tpu.memory_space<hbm>>
          %dma_wait3A_1383 = arith.constant 0 : i32
          %dma_wait3A_1384 = tpu.memref_slice %arg10[%dma_wait3A_1383] : memref<16384xf32, #tpu.memory_space<vmem>> -> memref<1024xf32, #tpu.memory_space<vmem>>
          %dma_wait3A_1385 = arith.constant 0 : i32
          %dma_wait3A_1386 = tpu.memref_slice %arg4[%dma_wait3A_1375, %dma_wait3A_1376, %dma_wait3A_1377, %dma_wait3A_1385] : memref<200x4x128x1024xf32, #tpu.memory_space<hbm>> -> memref<1x1x1x1024xf32, #tpu.memory_space<hbm>>
          %dma_wait3A_1387 = tpu.memref_squeeze %dma_wait3A_1386 : memref<1x1x1x1024xf32, #tpu.memory_space<hbm>> -> memref<1024xf32, #tpu.memory_space<hbm>>
          tpu.wait_dma2 semaphore(%arg14 : memref<!tpu.dma_semaphore, #tpu.memory_space<semaphore_mem>>) src(%dma_wait3A_1387 : memref<1024xf32, #tpu.memory_space<hbm>>) dst(%dma_wait3A_1384 : memref<1024xf32, #tpu.memory_space<vmem>>)
          %dma_wait3A_1388 = arith.constant 0 : i32
          %dma_wait3A_1389 = arith.constant 0 : i32
          %dma_wait3A_1390 = arith.constant 0 : i32
          %dma_wait3A_1391 = arith.constant 0 : i32
          %dma_wait3A_1392 = tpu.memref_slice %arg10[%dma_wait3A_1391] : memref<16384xf32, #tpu.memory_space<vmem>> -> memref<1024xf32, #tpu.memory_space<vmem>>
          %dma_wait3A_1393 = arith.constant 0 : i32
          %dma_wait3A_1394 = tpu.memref_slice %arg4[%dma_wait3A_1388, %dma_wait3A_1389, %dma_wait3A_1390, %dma_wait3A_1393] : memref<200x4x128x1024xf32, #tpu.memory_space<hbm>> -> memref<1x1x1x1024xf32, #tpu.memory_space<hbm>>
          %dma_wait3A_1395 = tpu.memref_squeeze %dma_wait3A_1394 : memref<1x1x1x1024xf32, #tpu.memory_space<hbm>> -> memref<1024xf32, #tpu.memory_space<hbm>>
          %dma_wait3A_1396 = arith.constant 0 : i32
          %dma_wait3A_1397 = tpu.memref_slice %arg10[%dma_wait3A_1396] : memref<16384xf32, #tpu.memory_space<vmem>> -> memref<1024xf32, #tpu.memory_space<vmem>>
          %dma_wait3A_1398 = arith.constant 0 : i32
          %dma_wait3A_1399 = tpu.memref_slice %arg4[%dma_wait3A_1388, %dma_wait3A_1389, %dma_wait3A_1390, %dma_wait3A_1398] : memref<200x4x128x1024xf32, #tpu.memory_space<hbm>> -> memref<1x1x1x1024xf32, #tpu.memory_space<hbm>>
          %dma_wait3A_1400 = tpu.memref_squeeze %dma_wait3A_1399 : memref<1x1x1x1024xf32, #tpu.memory_space<hbm>> -> memref<1024xf32, #tpu.memory_space<hbm>>
          tpu.wait_dma2 semaphore(%arg14 : memref<!tpu.dma_semaphore, #tpu.memory_space<semaphore_mem>>) src(%dma_wait3A_1400 : memref<1024xf32, #tpu.memory_space<hbm>>) dst(%dma_wait3A_1397 : memref<1024xf32, #tpu.memory_space<vmem>>)
          %dma_wait3A_1401 = arith.constant 0 : i32
          %dma_wait3A_1402 = arith.constant 0 : i32
          %dma_wait3A_1403 = arith.constant 0 : i32
          %dma_wait3A_1404 = arith.constant 0 : i32
          %dma_wait3A_1405 = tpu.memref_slice %arg10[%dma_wait3A_1404] : memref<16384xf32, #tpu.memory_space<vmem>> -> memref<1024xf32, #tpu.memory_space<vmem>>
          %dma_wait3A_1406 = arith.constant 0 : i32
          %dma_wait3A_1407 = tpu.memref_slice %arg4[%dma_wait3A_1401, %dma_wait3A_1402, %dma_wait3A_1403, %dma_wait3A_1406] : memref<200x4x128x1024xf32, #tpu.memory_space<hbm>> -> memref<1x1x1x1024xf32, #tpu.memory_space<hbm>>
          %dma_wait3A_1408 = tpu.memref_squeeze %dma_wait3A_1407 : memref<1x1x1x1024xf32, #tpu.memory_space<hbm>> -> memref<1024xf32, #tpu.memory_space<hbm>>
          %dma_wait3A_1409 = arith.constant 0 : i32
          %dma_wait3A_1410 = tpu.memref_slice %arg10[%dma_wait3A_1409] : memref<16384xf32, #tpu.memory_space<vmem>> -> memref<1024xf32, #tpu.memory_space<vmem>>
          %dma_wait3A_1411 = arith.constant 0 : i32
          %dma_wait3A_1412 = tpu.memref_slice %arg4[%dma_wait3A_1401, %dma_wait3A_1402, %dma_wait3A_1403, %dma_wait3A_1411] : memref<200x4x128x1024xf32, #tpu.memory_space<hbm>> -> memref<1x1x1x1024xf32, #tpu.memory_space<hbm>>
          %dma_wait3A_1413 = tpu.memref_squeeze %dma_wait3A_1412 : memref<1x1x1x1024xf32, #tpu.memory_space<hbm>> -> memref<1024xf32, #tpu.memory_space<hbm>>
          tpu.wait_dma2 semaphore(%arg14 : memref<!tpu.dma_semaphore, #tpu.memory_space<semaphore_mem>>) src(%dma_wait3A_1413 : memref<1024xf32, #tpu.memory_space<hbm>>) dst(%dma_wait3A_1410 : memref<1024xf32, #tpu.memory_space<vmem>>)
          %dma_wait3A_1414 = arith.constant 0 : i32
          %dma_wait3A_1415 = arith.constant 0 : i32
          %dma_wait3A_1416 = arith.constant 0 : i32
          %dma_wait3A_1417 = arith.constant 0 : i32
          %dma_wait3A_1418 = tpu.memref_slice %arg10[%dma_wait3A_1417] : memref<16384xf32, #tpu.memory_space<vmem>> -> memref<1024xf32, #tpu.memory_space<vmem>>
          %dma_wait3A_1419 = arith.constant 0 : i32
          %dma_wait3A_1420 = tpu.memref_slice %arg4[%dma_wait3A_1414, %dma_wait3A_1415, %dma_wait3A_1416, %dma_wait3A_1419] : memref<200x4x128x1024xf32, #tpu.memory_space<hbm>> -> memref<1x1x1x1024xf32, #tpu.memory_space<hbm>>
          %dma_wait3A_1421 = tpu.memref_squeeze %dma_wait3A_1420 : memref<1x1x1x1024xf32, #tpu.memory_space<hbm>> -> memref<1024xf32, #tpu.memory_space<hbm>>
          %dma_wait3A_1422 = arith.constant 0 : i32
          %dma_wait3A_1423 = tpu.memref_slice %arg10[%dma_wait3A_1422] : memref<16384xf32, #tpu.memory_space<vmem>> -> memref<1024xf32, #tpu.memory_space<vmem>>
          %dma_wait3A_1424 = arith.constant 0 : i32
          %dma_wait3A_1425 = tpu.memref_slice %arg4[%dma_wait3A_1414, %dma_wait3A_1415, %dma_wait3A_1416, %dma_wait3A_1424] : memref<200x4x128x1024xf32, #tpu.memory_space<hbm>> -> memref<1x1x1x1024xf32, #tpu.memory_space<hbm>>
          %dma_wait3A_1426 = tpu.memref_squeeze %dma_wait3A_1425 : memref<1x1x1x1024xf32, #tpu.memory_space<hbm>> -> memref<1024xf32, #tpu.memory_space<hbm>>
          tpu.wait_dma2 semaphore(%arg14 : memref<!tpu.dma_semaphore, #tpu.memory_space<semaphore_mem>>) src(%dma_wait3A_1426 : memref<1024xf32, #tpu.memory_space<hbm>>) dst(%dma_wait3A_1423 : memref<1024xf32, #tpu.memory_space<vmem>>)
        } else {
        }
        %parallel_loop3A_976 = arith.constant 0 : i32
        %parallel_loop3A_977 = arith.constant 512 : i32
        %parallel_loop3A_978 = arith.constant 16 : i32
        scf.for %parallel_loop3A_1219 = %parallel_loop3A_976 to %parallel_loop3A_977 step %parallel_loop3A_978  : i32 {
          %parallel_loop3A_1220 = arith.constant 128 : i32
          %parallel_loop3A_1221 = arith.divsi %parallel_loop3A_1219, %parallel_loop3A_1220 : i32
          %parallel_loop3A_1222 = arith.constant 0 : i32
          %parallel_loop3A_1223 = arith.cmpi sgt, %parallel_loop3A_1219, %parallel_loop3A_1222 : i32
          %parallel_loop3A_1224 = arith.extui %parallel_loop3A_1223 : i1 to i32
          %parallel_loop3A_1225 = arith.constant 0 : i32
          %parallel_loop3A_1226 = arith.cmpi slt, %parallel_loop3A_1219, %parallel_loop3A_1225 : i32
          %parallel_loop3A_1227 = arith.extui %parallel_loop3A_1226 : i1 to i32
          %parallel_loop3A_1228 = arith.subi %parallel_loop3A_1224, %parallel_loop3A_1227 : i32
          %parallel_loop3A_1229 = arith.constant 0 : i32
          %parallel_loop3A_1230 = arith.cmpi sgt, %parallel_loop3A_1220, %parallel_loop3A_1229 : i32
          %parallel_loop3A_1231 = arith.extui %parallel_loop3A_1230 : i1 to i32
          %parallel_loop3A_1232 = arith.constant 0 : i32
          %parallel_loop3A_1233 = arith.cmpi slt, %parallel_loop3A_1220, %parallel_loop3A_1232 : i32
          %parallel_loop3A_1234 = arith.extui %parallel_loop3A_1233 : i1 to i32
          %parallel_loop3A_1235 = arith.subi %parallel_loop3A_1231, %parallel_loop3A_1234 : i32
          %parallel_loop3A_1236 = arith.cmpi ne, %parallel_loop3A_1228, %parallel_loop3A_1235 : i32
          %parallel_loop3A_1237 = arith.remsi %parallel_loop3A_1219, %parallel_loop3A_1220 : i32
          %parallel_loop3A_1238 = arith.constant 0 : i32
          %parallel_loop3A_1239 = arith.cmpi ne, %parallel_loop3A_1237, %parallel_loop3A_1238 : i32
          %parallel_loop3A_1240 = arith.andi %parallel_loop3A_1236, %parallel_loop3A_1239 : i1
          %parallel_loop3A_1241 = arith.constant 1 : i32
          %parallel_loop3A_1242 = arith.subi %parallel_loop3A_1221, %parallel_loop3A_1241 : i32
          %parallel_loop3A_1243 = arith.select %parallel_loop3A_1240, %parallel_loop3A_1242, %parallel_loop3A_1221 : i32
          %parallel_loop3A_1244 = arith.constant 3968 : i32
          %parallel_loop3A_1245 = arith.muli %parallel_loop3A_1243, %parallel_loop3A_1244 : i32
          %parallel_loop3A_1246 = arith.addi %parallel_loop3A_1245, %parallel_loop3A_1219 : i32
          %parallel_loop3A_1247 = vector.broadcast %parallel_loop3A_1219 : i32 to vector<16xi32>
          %parallel_loop3A_1248 = arith.addi %parallel_loop3A_1247, %iota3A : vector<16xi32>
          %parallel_loop3A_1249 = arith.constant 0 : i32
          %parallel_loop3A_1250 = arith.addi %parallel_loop3A_1246, %parallel_loop3A_1249 : i32
          %parallel_loop3A_1251 = arith.constant 0 : i32
          %parallel_loop3A_1252 = vector.broadcast %parallel_loop3A_1251 : i32 to vector<16xi32>
          %parallel_loop3A_1253 = arith.addi %and3A_5, %parallel_loop3A_1252 : vector<16xi32>
          %parallel_loop3A_1254 = tpu.vector_load_idx %arg8[%parallel_loop3A_1248, %parallel_loop3A_1253] : memref<512x32xf32, #tpu.memory_space<vmem>>[vector<16xi32>, vector<16xi32>], vector<16xf32>,
          %parallel_loop3A_1255 = vector.broadcast %parallel_loop3A_1250 : i32 to vector<16xi32>
          %parallel_loop3A_1256 = arith.addi %add3A_105, %parallel_loop3A_1255 : vector<16xi32>
          tpu.vector_store_idx %arg10[%parallel_loop3A_1256], %parallel_loop3A_1254 : memref<16384xf32, #tpu.memory_space<vmem>>[vector<16xi32>], vector<16xf32>,
          %parallel_loop3A_1257 = arith.constant 0 : i32
          %parallel_loop3A_1258 = vector.broadcast %parallel_loop3A_1257 : i32 to vector<16xi32>
          %parallel_loop3A_1259 = arith.addi %and3A_11, %parallel_loop3A_1258 : vector<16xi32>
          %parallel_loop3A_1260 = tpu.vector_load_idx %arg8[%parallel_loop3A_1248, %parallel_loop3A_1259] : memref<512x32xf32, #tpu.memory_space<vmem>>[vector<16xi32>, vector<16xi32>], vector<16xf32>,
          %parallel_loop3A_1261 = vector.broadcast %parallel_loop3A_1250 : i32 to vector<16xi32>
          %parallel_loop3A_1262 = arith.addi %add3A_115, %parallel_loop3A_1261 : vector<16xi32>
          tpu.vector_store_idx %arg10[%parallel_loop3A_1262], %parallel_loop3A_1260 : memref<16384xf32, #tpu.memory_space<vmem>>[vector<16xi32>], vector<16xf32>,
          %parallel_loop3A_1263 = arith.constant 0 : i32
          %parallel_loop3A_1264 = vector.broadcast %parallel_loop3A_1263 : i32 to vector<16xi32>
          %parallel_loop3A_1265 = arith.addi %and3A_17, %parallel_loop3A_1264 : vector<16xi32>
          %parallel_loop3A_1266 = tpu.vector_load_idx %arg8[%parallel_loop3A_1248, %parallel_loop3A_1265] : memref<512x32xf32, #tpu.memory_space<vmem>>[vector<16xi32>, vector<16xi32>], vector<16xf32>,
          %parallel_loop3A_1267 = vector.broadcast %parallel_loop3A_1250 : i32 to vector<16xi32>
          %parallel_loop3A_1268 = arith.addi %add3A_125, %parallel_loop3A_1267 : vector<16xi32>
          tpu.vector_store_idx %arg10[%parallel_loop3A_1268], %parallel_loop3A_1266 : memref<16384xf32, #tpu.memory_space<vmem>>[vector<16xi32>], vector<16xf32>,
          %parallel_loop3A_1269 = arith.constant 0 : i32
          %parallel_loop3A_1270 = vector.broadcast %parallel_loop3A_1269 : i32 to vector<16xi32>
          %parallel_loop3A_1271 = arith.addi %and3A_23, %parallel_loop3A_1270 : vector<16xi32>
          %parallel_loop3A_1272 = tpu.vector_load_idx %arg8[%parallel_loop3A_1248, %parallel_loop3A_1271] : memref<512x32xf32, #tpu.memory_space<vmem>>[vector<16xi32>, vector<16xi32>], vector<16xf32>,
          %parallel_loop3A_1273 = vector.broadcast %parallel_loop3A_1250 : i32 to vector<16xi32>
          %parallel_loop3A_1274 = arith.addi %add3A_135, %parallel_loop3A_1273 : vector<16xi32>
          tpu.vector_store_idx %arg10[%parallel_loop3A_1274], %parallel_loop3A_1272 : memref<16384xf32, #tpu.memory_space<vmem>>[vector<16xi32>], vector<16xf32>,
          %parallel_loop3A_1275 = arith.constant 0 : i32
          %parallel_loop3A_1276 = vector.broadcast %parallel_loop3A_1275 : i32 to vector<16xi32>
          %parallel_loop3A_1277 = arith.addi %and3A_29, %parallel_loop3A_1276 : vector<16xi32>
          %parallel_loop3A_1278 = tpu.vector_load_idx %arg8[%parallel_loop3A_1248, %parallel_loop3A_1277] : memref<512x32xf32, #tpu.memory_space<vmem>>[vector<16xi32>, vector<16xi32>], vector<16xf32>,
          %parallel_loop3A_1279 = vector.broadcast %parallel_loop3A_1250 : i32 to vector<16xi32>
          %parallel_loop3A_1280 = arith.addi %add3A_145, %parallel_loop3A_1279 : vector<16xi32>
          tpu.vector_store_idx %arg10[%parallel_loop3A_1280], %parallel_loop3A_1278 : memref<16384xf32, #tpu.memory_space<vmem>>[vector<16xi32>], vector<16xf32>,
          %parallel_loop3A_1281 = arith.constant 0 : i32
          %parallel_loop3A_1282 = vector.broadcast %parallel_loop3A_1281 : i32 to vector<16xi32>
          %parallel_loop3A_1283 = arith.addi %and3A_35, %parallel_loop3A_1282 : vector<16xi32>
          %parallel_loop3A_1284 = tpu.vector_load_idx %arg8[%parallel_loop3A_1248, %parallel_loop3A_1283] : memref<512x32xf32, #tpu.memory_space<vmem>>[vector<16xi32>, vector<16xi32>], vector<16xf32>,
          %parallel_loop3A_1285 = vector.broadcast %parallel_loop3A_1250 : i32 to vector<16xi32>
          %parallel_loop3A_1286 = arith.addi %add3A_155, %parallel_loop3A_1285 : vector<16xi32>
          tpu.vector_store_idx %arg10[%parallel_loop3A_1286], %parallel_loop3A_1284 : memref<16384xf32, #tpu.memory_space<vmem>>[vector<16xi32>], vector<16xf32>,
          %parallel_loop3A_1287 = arith.constant 0 : i32
          %parallel_loop3A_1288 = vector.broadcast %parallel_loop3A_1287 : i32 to vector<16xi32>
          %parallel_loop3A_1289 = arith.addi %and3A_41, %parallel_loop3A_1288 : vector<16xi32>
          %parallel_loop3A_1290 = tpu.vector_load_idx %arg8[%parallel_loop3A_1248, %parallel_loop3A_1289] : memref<512x32xf32, #tpu.memory_space<vmem>>[vector<16xi32>, vector<16xi32>], vector<16xf32>,
          %parallel_loop3A_1291 = vector.broadcast %parallel_loop3A_1250 : i32 to vector<16xi32>
          %parallel_loop3A_1292 = arith.addi %add3A_165, %parallel_loop3A_1291 : vector<16xi32>
          tpu.vector_store_idx %arg10[%parallel_loop3A_1292], %parallel_loop3A_1290 : memref<16384xf32, #tpu.memory_space<vmem>>[vector<16xi32>], vector<16xf32>,
          %parallel_loop3A_1293 = arith.constant 0 : i32
          %parallel_loop3A_1294 = vector.broadcast %parallel_loop3A_1293 : i32 to vector<16xi32>
          %parallel_loop3A_1295 = arith.addi %and3A_47, %parallel_loop3A_1294 : vector<16xi32>
          %parallel_loop3A_1296 = tpu.vector_load_idx %arg8[%parallel_loop3A_1248, %parallel_loop3A_1295] : memref<512x32xf32, #tpu.memory_space<vmem>>[vector<16xi32>, vector<16xi32>], vector<16xf32>,
          %parallel_loop3A_1297 = vector.broadcast %parallel_loop3A_1250 : i32 to vector<16xi32>
          %parallel_loop3A_1298 = arith.addi %add3A_175, %parallel_loop3A_1297 : vector<16xi32>
          tpu.vector_store_idx %arg10[%parallel_loop3A_1298], %parallel_loop3A_1296 : memref<16384xf32, #tpu.memory_space<vmem>>[vector<16xi32>], vector<16xf32>,
          %parallel_loop3A_1299 = arith.constant 0 : i32
          %parallel_loop3A_1300 = vector.broadcast %parallel_loop3A_1299 : i32 to vector<16xi32>
          %parallel_loop3A_1301 = arith.addi %and3A_53, %parallel_loop3A_1300 : vector<16xi32>
          %parallel_loop3A_1302 = tpu.vector_load_idx %arg8[%parallel_loop3A_1248, %parallel_loop3A_1301] : memref<512x32xf32, #tpu.memory_space<vmem>>[vector<16xi32>, vector<16xi32>], vector<16xf32>,
          %parallel_loop3A_1303 = vector.broadcast %parallel_loop3A_1250 : i32 to vector<16xi32>
          %parallel_loop3A_1304 = arith.addi %add3A_185, %parallel_loop3A_1303 : vector<16xi32>
          tpu.vector_store_idx %arg10[%parallel_loop3A_1304], %parallel_loop3A_1302 : memref<16384xf32, #tpu.memory_space<vmem>>[vector<16xi32>], vector<16xf32>,
          %parallel_loop3A_1305 = arith.constant 0 : i32
          %parallel_loop3A_1306 = vector.broadcast %parallel_loop3A_1305 : i32 to vector<16xi32>
          %parallel_loop3A_1307 = arith.addi %and3A_59, %parallel_loop3A_1306 : vector<16xi32>
          %parallel_loop3A_1308 = tpu.vector_load_idx %arg8[%parallel_loop3A_1248, %parallel_loop3A_1307] : memref<512x32xf32, #tpu.memory_space<vmem>>[vector<16xi32>, vector<16xi32>], vector<16xf32>,
          %parallel_loop3A_1309 = vector.broadcast %parallel_loop3A_1250 : i32 to vector<16xi32>
          %parallel_loop3A_1310 = arith.addi %add3A_195, %parallel_loop3A_1309 : vector<16xi32>
          tpu.vector_store_idx %arg10[%parallel_loop3A_1310], %parallel_loop3A_1308 : memref<16384xf32, #tpu.memory_space<vmem>>[vector<16xi32>], vector<16xf32>,
          %parallel_loop3A_1311 = arith.constant 0 : i32
          %parallel_loop3A_1312 = vector.broadcast %parallel_loop3A_1311 : i32 to vector<16xi32>
          %parallel_loop3A_1313 = arith.addi %and3A_65, %parallel_loop3A_1312 : vector<16xi32>
          %parallel_loop3A_1314 = tpu.vector_load_idx %arg8[%parallel_loop3A_1248, %parallel_loop3A_1313] : memref<512x32xf32, #tpu.memory_space<vmem>>[vector<16xi32>, vector<16xi32>], vector<16xf32>,
          %parallel_loop3A_1315 = vector.broadcast %parallel_loop3A_1250 : i32 to vector<16xi32>
          %parallel_loop3A_1316 = arith.addi %add3A_205, %parallel_loop3A_1315 : vector<16xi32>
          tpu.vector_store_idx %arg10[%parallel_loop3A_1316], %parallel_loop3A_1314 : memref<16384xf32, #tpu.memory_space<vmem>>[vector<16xi32>], vector<16xf32>,
          %parallel_loop3A_1317 = arith.constant 0 : i32
          %parallel_loop3A_1318 = vector.broadcast %parallel_loop3A_1317 : i32 to vector<16xi32>
          %parallel_loop3A_1319 = arith.addi %and3A_71, %parallel_loop3A_1318 : vector<16xi32>
          %parallel_loop3A_1320 = tpu.vector_load_idx %arg8[%parallel_loop3A_1248, %parallel_loop3A_1319] : memref<512x32xf32, #tpu.memory_space<vmem>>[vector<16xi32>, vector<16xi32>], vector<16xf32>,
          %parallel_loop3A_1321 = vector.broadcast %parallel_loop3A_1250 : i32 to vector<16xi32>
          %parallel_loop3A_1322 = arith.addi %add3A_215, %parallel_loop3A_1321 : vector<16xi32>
          tpu.vector_store_idx %arg10[%parallel_loop3A_1322], %parallel_loop3A_1320 : memref<16384xf32, #tpu.memory_space<vmem>>[vector<16xi32>], vector<16xf32>,
          %parallel_loop3A_1323 = arith.constant 0 : i32
          %parallel_loop3A_1324 = vector.broadcast %parallel_loop3A_1323 : i32 to vector<16xi32>
          %parallel_loop3A_1325 = arith.addi %and3A_77, %parallel_loop3A_1324 : vector<16xi32>
          %parallel_loop3A_1326 = tpu.vector_load_idx %arg8[%parallel_loop3A_1248, %parallel_loop3A_1325] : memref<512x32xf32, #tpu.memory_space<vmem>>[vector<16xi32>, vector<16xi32>], vector<16xf32>,
          %parallel_loop3A_1327 = vector.broadcast %parallel_loop3A_1250 : i32 to vector<16xi32>
          %parallel_loop3A_1328 = arith.addi %add3A_225, %parallel_loop3A_1327 : vector<16xi32>
          tpu.vector_store_idx %arg10[%parallel_loop3A_1328], %parallel_loop3A_1326 : memref<16384xf32, #tpu.memory_space<vmem>>[vector<16xi32>], vector<16xf32>,
          %parallel_loop3A_1329 = arith.constant 0 : i32
          %parallel_loop3A_1330 = vector.broadcast %parallel_loop3A_1329 : i32 to vector<16xi32>
          %parallel_loop3A_1331 = arith.addi %and3A_83, %parallel_loop3A_1330 : vector<16xi32>
          %parallel_loop3A_1332 = tpu.vector_load_idx %arg8[%parallel_loop3A_1248, %parallel_loop3A_1331] : memref<512x32xf32, #tpu.memory_space<vmem>>[vector<16xi32>, vector<16xi32>], vector<16xf32>,
          %parallel_loop3A_1333 = vector.broadcast %parallel_loop3A_1250 : i32 to vector<16xi32>
          %parallel_loop3A_1334 = arith.addi %add3A_235, %parallel_loop3A_1333 : vector<16xi32>
          tpu.vector_store_idx %arg10[%parallel_loop3A_1334], %parallel_loop3A_1332 : memref<16384xf32, #tpu.memory_space<vmem>>[vector<16xi32>], vector<16xf32>,
          %parallel_loop3A_1335 = arith.constant 0 : i32
          %parallel_loop3A_1336 = vector.broadcast %parallel_loop3A_1335 : i32 to vector<16xi32>
          %parallel_loop3A_1337 = arith.addi %and3A_89, %parallel_loop3A_1336 : vector<16xi32>
          %parallel_loop3A_1338 = tpu.vector_load_idx %arg8[%parallel_loop3A_1248, %parallel_loop3A_1337] : memref<512x32xf32, #tpu.memory_space<vmem>>[vector<16xi32>, vector<16xi32>], vector<16xf32>,
          %parallel_loop3A_1339 = vector.broadcast %parallel_loop3A_1250 : i32 to vector<16xi32>
          %parallel_loop3A_1340 = arith.addi %add3A_245, %parallel_loop3A_1339 : vector<16xi32>
          tpu.vector_store_idx %arg10[%parallel_loop3A_1340], %parallel_loop3A_1338 : memref<16384xf32, #tpu.memory_space<vmem>>[vector<16xi32>], vector<16xf32>,
          %parallel_loop3A_1341 = arith.constant 0 : i32
          %parallel_loop3A_1342 = vector.broadcast %parallel_loop3A_1341 : i32 to vector<16xi32>
          %parallel_loop3A_1343 = arith.addi %and3A_95, %parallel_loop3A_1342 : vector<16xi32>
          %parallel_loop3A_1344 = tpu.vector_load_idx %arg8[%parallel_loop3A_1248, %parallel_loop3A_1343] : memref<512x32xf32, #tpu.memory_space<vmem>>[vector<16xi32>, vector<16xi32>], vector<16xf32>,
          %parallel_loop3A_1345 = vector.broadcast %parallel_loop3A_1250 : i32 to vector<16xi32>
          %parallel_loop3A_1346 = arith.addi %add3A_255, %parallel_loop3A_1345 : vector<16xi32>
          tpu.vector_store_idx %arg10[%parallel_loop3A_1346], %parallel_loop3A_1344 : memref<16384xf32, #tpu.memory_space<vmem>>[vector<16xi32>], vector<16xf32>,
          %parallel_loop3A_1347 = arith.constant 2048 : i32
          %parallel_loop3A_1348 = arith.addi %parallel_loop3A_1246, %parallel_loop3A_1347 : i32
          %parallel_loop3A_1349 = arith.constant 16 : i32
          %parallel_loop3A_1350 = vector.broadcast %parallel_loop3A_1349 : i32 to vector<16xi32>
          %parallel_loop3A_1351 = arith.addi %and3A_5, %parallel_loop3A_1350 : vector<16xi32>
          %parallel_loop3A_1352 = tpu.vector_load_idx %arg8[%parallel_loop3A_1248, %parallel_loop3A_1351] : memref<512x32xf32, #tpu.memory_space<vmem>>[vector<16xi32>, vector<16xi32>], vector<16xf32>,
          %parallel_loop3A_1353 = vector.broadcast %parallel_loop3A_1348 : i32 to vector<16xi32>
          %parallel_loop3A_1354 = arith.addi %add3A_105, %parallel_loop3A_1353 : vector<16xi32>
          tpu.vector_store_idx %arg10[%parallel_loop3A_1354], %parallel_loop3A_1352 : memref<16384xf32, #tpu.memory_space<vmem>>[vector<16xi32>], vector<16xf32>,
          %parallel_loop3A_1355 = arith.constant 16 : i32
          %parallel_loop3A_1356 = vector.broadcast %parallel_loop3A_1355 : i32 to vector<16xi32>
          %parallel_loop3A_1357 = arith.addi %and3A_11, %parallel_loop3A_1356 : vector<16xi32>
          %parallel_loop3A_1358 = tpu.vector_load_idx %arg8[%parallel_loop3A_1248, %parallel_loop3A_1357] : memref<512x32xf32, #tpu.memory_space<vmem>>[vector<16xi32>, vector<16xi32>], vector<16xf32>,
          %parallel_loop3A_1359 = vector.broadcast %parallel_loop3A_1348 : i32 to vector<16xi32>
          %parallel_loop3A_1360 = arith.addi %add3A_115, %parallel_loop3A_1359 : vector<16xi32>
          tpu.vector_store_idx %arg10[%parallel_loop3A_1360], %parallel_loop3A_1358 : memref<16384xf32, #tpu.memory_space<vmem>>[vector<16xi32>], vector<16xf32>,
          %parallel_loop3A_1361 = arith.constant 16 : i32
          %parallel_loop3A_1362 = vector.broadcast %parallel_loop3A_1361 : i32 to vector<16xi32>
          %parallel_loop3A_1363 = arith.addi %and3A_17, %parallel_loop3A_1362 : vector<16xi32>
          %parallel_loop3A_1364 = tpu.vector_load_idx %arg8[%parallel_loop3A_1248, %parallel_loop3A_1363] : memref<512x32xf32, #tpu.memory_space<vmem>>[vector<16xi32>, vector<16xi32>], vector<16xf32>,
          %parallel_loop3A_1365 = vector.broadcast %parallel_loop3A_1348 : i32 to vector<16xi32>
          %parallel_loop3A_1366 = arith.addi %add3A_125, %parallel_loop3A_1365 : vector<16xi32>
          tpu.vector_store_idx %arg10[%parallel_loop3A_1366], %parallel_loop3A_1364 : memref<16384xf32, #tpu.memory_space<vmem>>[vector<16xi32>], vector<16xf32>,
          %parallel_loop3A_1367 = arith.constant 16 : i32
          %parallel_loop3A_1368 = vector.broadcast %parallel_loop3A_1367 : i32 to vector<16xi32>
          %parallel_loop3A_1369 = arith.addi %and3A_23, %parallel_loop3A_1368 : vector<16xi32>
          %parallel_loop3A_1370 = tpu.vector_load_idx %arg8[%parallel_loop3A_1248, %parallel_loop3A_1369] : memref<512x32xf32, #tpu.memory_space<vmem>>[vector<16xi32>, vector<16xi32>], vector<16xf32>,
          %parallel_loop3A_1371 = vector.broadcast %parallel_loop3A_1348 : i32 to vector<16xi32>
          %parallel_loop3A_1372 = arith.addi %add3A_135, %parallel_loop3A_1371 : vector<16xi32>
          tpu.vector_store_idx %arg10[%parallel_loop3A_1372], %parallel_loop3A_1370 : memref<16384xf32, #tpu.memory_space<vmem>>[vector<16xi32>], vector<16xf32>,
          %parallel_loop3A_1373 = arith.constant 16 : i32
          %parallel_loop3A_1374 = vector.broadcast %parallel_loop3A_1373 : i32 to vector<16xi32>
          %parallel_loop3A_1375 = arith.addi %and3A_29, %parallel_loop3A_1374 : vector<16xi32>
          %parallel_loop3A_1376 = tpu.vector_load_idx %arg8[%parallel_loop3A_1248, %parallel_loop3A_1375] : memref<512x32xf32, #tpu.memory_space<vmem>>[vector<16xi32>, vector<16xi32>], vector<16xf32>,
          %parallel_loop3A_1377 = vector.broadcast %parallel_loop3A_1348 : i32 to vector<16xi32>
          %parallel_loop3A_1378 = arith.addi %add3A_145, %parallel_loop3A_1377 : vector<16xi32>
          tpu.vector_store_idx %arg10[%parallel_loop3A_1378], %parallel_loop3A_1376 : memref<16384xf32, #tpu.memory_space<vmem>>[vector<16xi32>], vector<16xf32>,
          %parallel_loop3A_1379 = arith.constant 16 : i32
          %parallel_loop3A_1380 = vector.broadcast %parallel_loop3A_1379 : i32 to vector<16xi32>
          %parallel_loop3A_1381 = arith.addi %and3A_35, %parallel_loop3A_1380 : vector<16xi32>
          %parallel_loop3A_1382 = tpu.vector_load_idx %arg8[%parallel_loop3A_1248, %parallel_loop3A_1381] : memref<512x32xf32, #tpu.memory_space<vmem>>[vector<16xi32>, vector<16xi32>], vector<16xf32>,
          %parallel_loop3A_1383 = vector.broadcast %parallel_loop3A_1348 : i32 to vector<16xi32>
          %parallel_loop3A_1384 = arith.addi %add3A_155, %parallel_loop3A_1383 : vector<16xi32>
          tpu.vector_store_idx %arg10[%parallel_loop3A_1384], %parallel_loop3A_1382 : memref<16384xf32, #tpu.memory_space<vmem>>[vector<16xi32>], vector<16xf32>,
          %parallel_loop3A_1385 = arith.constant 16 : i32
          %parallel_loop3A_1386 = vector.broadcast %parallel_loop3A_1385 : i32 to vector<16xi32>
          %parallel_loop3A_1387 = arith.addi %and3A_41, %parallel_loop3A_1386 : vector<16xi32>
          %parallel_loop3A_1388 = tpu.vector_load_idx %arg8[%parallel_loop3A_1248, %parallel_loop3A_1387] : memref<512x32xf32, #tpu.memory_space<vmem>>[vector<16xi32>, vector<16xi32>], vector<16xf32>,
          %parallel_loop3A_1389 = vector.broadcast %parallel_loop3A_1348 : i32 to vector<16xi32>
          %parallel_loop3A_1390 = arith.addi %add3A_165, %parallel_loop3A_1389 : vector<16xi32>
          tpu.vector_store_idx %arg10[%parallel_loop3A_1390], %parallel_loop3A_1388 : memref<16384xf32, #tpu.memory_space<vmem>>[vector<16xi32>], vector<16xf32>,
          %parallel_loop3A_1391 = arith.constant 16 : i32
          %parallel_loop3A_1392 = vector.broadcast %parallel_loop3A_1391 : i32 to vector<16xi32>
          %parallel_loop3A_1393 = arith.addi %and3A_47, %parallel_loop3A_1392 : vector<16xi32>
          %parallel_loop3A_1394 = tpu.vector_load_idx %arg8[%parallel_loop3A_1248, %parallel_loop3A_1393] : memref<512x32xf32, #tpu.memory_space<vmem>>[vector<16xi32>, vector<16xi32>], vector<16xf32>,
          %parallel_loop3A_1395 = vector.broadcast %parallel_loop3A_1348 : i32 to vector<16xi32>
          %parallel_loop3A_1396 = arith.addi %add3A_175, %parallel_loop3A_1395 : vector<16xi32>
          tpu.vector_store_idx %arg10[%parallel_loop3A_1396], %parallel_loop3A_1394 : memref<16384xf32, #tpu.memory_space<vmem>>[vector<16xi32>], vector<16xf32>,
          %parallel_loop3A_1397 = arith.constant 16 : i32
          %parallel_loop3A_1398 = vector.broadcast %parallel_loop3A_1397 : i32 to vector<16xi32>
          %parallel_loop3A_1399 = arith.addi %and3A_53, %parallel_loop3A_1398 : vector<16xi32>
          %parallel_loop3A_1400 = tpu.vector_load_idx %arg8[%parallel_loop3A_1248, %parallel_loop3A_1399] : memref<512x32xf32, #tpu.memory_space<vmem>>[vector<16xi32>, vector<16xi32>], vector<16xf32>,
          %parallel_loop3A_1401 = vector.broadcast %parallel_loop3A_1348 : i32 to vector<16xi32>
          %parallel_loop3A_1402 = arith.addi %add3A_185, %parallel_loop3A_1401 : vector<16xi32>
          tpu.vector_store_idx %arg10[%parallel_loop3A_1402], %parallel_loop3A_1400 : memref<16384xf32, #tpu.memory_space<vmem>>[vector<16xi32>], vector<16xf32>,
          %parallel_loop3A_1403 = arith.constant 16 : i32
          %parallel_loop3A_1404 = vector.broadcast %parallel_loop3A_1403 : i32 to vector<16xi32>
          %parallel_loop3A_1405 = arith.addi %and3A_59, %parallel_loop3A_1404 : vector<16xi32>
          %parallel_loop3A_1406 = tpu.vector_load_idx %arg8[%parallel_loop3A_1248, %parallel_loop3A_1405] : memref<512x32xf32, #tpu.memory_space<vmem>>[vector<16xi32>, vector<16xi32>], vector<16xf32>,
          %parallel_loop3A_1407 = vector.broadcast %parallel_loop3A_1348 : i32 to vector<16xi32>
          %parallel_loop3A_1408 = arith.addi %add3A_195, %parallel_loop3A_1407 : vector<16xi32>
          tpu.vector_store_idx %arg10[%parallel_loop3A_1408], %parallel_loop3A_1406 : memref<16384xf32, #tpu.memory_space<vmem>>[vector<16xi32>], vector<16xf32>,
          %parallel_loop3A_1409 = arith.constant 16 : i32
          %parallel_loop3A_1410 = vector.broadcast %parallel_loop3A_1409 : i32 to vector<16xi32>
          %parallel_loop3A_1411 = arith.addi %and3A_65, %parallel_loop3A_1410 : vector<16xi32>
          %parallel_loop3A_1412 = tpu.vector_load_idx %arg8[%parallel_loop3A_1248, %parallel_loop3A_1411] : memref<512x32xf32, #tpu.memory_space<vmem>>[vector<16xi32>, vector<16xi32>], vector<16xf32>,
          %parallel_loop3A_1413 = vector.broadcast %parallel_loop3A_1348 : i32 to vector<16xi32>
          %parallel_loop3A_1414 = arith.addi %add3A_205, %parallel_loop3A_1413 : vector<16xi32>
          tpu.vector_store_idx %arg10[%parallel_loop3A_1414], %parallel_loop3A_1412 : memref<16384xf32, #tpu.memory_space<vmem>>[vector<16xi32>], vector<16xf32>,
          %parallel_loop3A_1415 = arith.constant 16 : i32
          %parallel_loop3A_1416 = vector.broadcast %parallel_loop3A_1415 : i32 to vector<16xi32>
          %parallel_loop3A_1417 = arith.addi %and3A_71, %parallel_loop3A_1416 : vector<16xi32>
          %parallel_loop3A_1418 = tpu.vector_load_idx %arg8[%parallel_loop3A_1248, %parallel_loop3A_1417] : memref<512x32xf32, #tpu.memory_space<vmem>>[vector<16xi32>, vector<16xi32>], vector<16xf32>,
          %parallel_loop3A_1419 = vector.broadcast %parallel_loop3A_1348 : i32 to vector<16xi32>
          %parallel_loop3A_1420 = arith.addi %add3A_215, %parallel_loop3A_1419 : vector<16xi32>
          tpu.vector_store_idx %arg10[%parallel_loop3A_1420], %parallel_loop3A_1418 : memref<16384xf32, #tpu.memory_space<vmem>>[vector<16xi32>], vector<16xf32>,
          %parallel_loop3A_1421 = arith.constant 16 : i32
          %parallel_loop3A_1422 = vector.broadcast %parallel_loop3A_1421 : i32 to vector<16xi32>
          %parallel_loop3A_1423 = arith.addi %and3A_77, %parallel_loop3A_1422 : vector<16xi32>
          %parallel_loop3A_1424 = tpu.vector_load_idx %arg8[%parallel_loop3A_1248, %parallel_loop3A_1423] : memref<512x32xf32, #tpu.memory_space<vmem>>[vector<16xi32>, vector<16xi32>], vector<16xf32>,
          %parallel_loop3A_1425 = vector.broadcast %parallel_loop3A_1348 : i32 to vector<16xi32>
          %parallel_loop3A_1426 = arith.addi %add3A_225, %parallel_loop3A_1425 : vector<16xi32>
          tpu.vector_store_idx %arg10[%parallel_loop3A_1426], %parallel_loop3A_1424 : memref<16384xf32, #tpu.memory_space<vmem>>[vector<16xi32>], vector<16xf32>,
          %parallel_loop3A_1427 = arith.constant 16 : i32
          %parallel_loop3A_1428 = vector.broadcast %parallel_loop3A_1427 : i32 to vector<16xi32>
          %parallel_loop3A_1429 = arith.addi %and3A_83, %parallel_loop3A_1428 : vector<16xi32>
          %parallel_loop3A_1430 = tpu.vector_load_idx %arg8[%parallel_loop3A_1248, %parallel_loop3A_1429] : memref<512x32xf32, #tpu.memory_space<vmem>>[vector<16xi32>, vector<16xi32>], vector<16xf32>,
          %parallel_loop3A_1431 = vector.broadcast %parallel_loop3A_1348 : i32 to vector<16xi32>
          %parallel_loop3A_1432 = arith.addi %add3A_235, %parallel_loop3A_1431 : vector<16xi32>
          tpu.vector_store_idx %arg10[%parallel_loop3A_1432], %parallel_loop3A_1430 : memref<16384xf32, #tpu.memory_space<vmem>>[vector<16xi32>], vector<16xf32>,
          %parallel_loop3A_1433 = arith.constant 16 : i32
          %parallel_loop3A_1434 = vector.broadcast %parallel_loop3A_1433 : i32 to vector<16xi32>
          %parallel_loop3A_1435 = arith.addi %and3A_89, %parallel_loop3A_1434 : vector<16xi32>
          %parallel_loop3A_1436 = tpu.vector_load_idx %arg8[%parallel_loop3A_1248, %parallel_loop3A_1435] : memref<512x32xf32, #tpu.memory_space<vmem>>[vector<16xi32>, vector<16xi32>], vector<16xf32>,
          %parallel_loop3A_1437 = vector.broadcast %parallel_loop3A_1348 : i32 to vector<16xi32>
          %parallel_loop3A_1438 = arith.addi %add3A_245, %parallel_loop3A_1437 : vector<16xi32>
          tpu.vector_store_idx %arg10[%parallel_loop3A_1438], %parallel_loop3A_1436 : memref<16384xf32, #tpu.memory_space<vmem>>[vector<16xi32>], vector<16xf32>,
          %parallel_loop3A_1439 = arith.constant 16 : i32
          %parallel_loop3A_1440 = vector.broadcast %parallel_loop3A_1439 : i32 to vector<16xi32>
          %parallel_loop3A_1441 = arith.addi %and3A_95, %parallel_loop3A_1440 : vector<16xi32>
          %parallel_loop3A_1442 = tpu.vector_load_idx %arg8[%parallel_loop3A_1248, %parallel_loop3A_1441] : memref<512x32xf32, #tpu.memory_space<vmem>>[vector<16xi32>, vector<16xi32>], vector<16xf32>,
          %parallel_loop3A_1443 = vector.broadcast %parallel_loop3A_1348 : i32 to vector<16xi32>
          %parallel_loop3A_1444 = arith.addi %add3A_255, %parallel_loop3A_1443 : vector<16xi32>
          tpu.vector_store_idx %arg10[%parallel_loop3A_1444], %parallel_loop3A_1442 : memref<16384xf32, #tpu.memory_space<vmem>>[vector<16xi32>], vector<16xf32>,
        } {sc.loop_unroll_factor = 1 : i64, sc.parallel_access}
        %mul3A_979 = arith.constant 4 : i32
        %mul3A_980 = arith.muli %add3A_959, %mul3A_979 : i32
        %add3A_981 = arith.constant 0 : i32
        %add3A_982 = arith.addi %mul3A_980, %add3A_981 : i32
        %dma_start3A_983 = arith.constant 0 : i32
        %dma_start3A_984 = arith.constant 0 : i32
        %dma_start3A_985 = tpu.memref_slice %arg10[%dma_start3A_984] : memref<16384xf32, #tpu.memory_space<vmem>> -> memref<1024xf32, #tpu.memory_space<vmem>>
        %dma_start3A_986 = arith.constant 0 : i32
        %dma_start3A_987 = tpu.memref_slice %arg4[%add3A_982, %dma_start3A_983, %add3A_267, %dma_start3A_986] : memref<200x4x128x1024xf32, #tpu.memory_space<hbm>> -> memref<1x1x1x1024xf32, #tpu.memory_space<hbm>>
        %dma_start3A_988 = tpu.memref_squeeze %dma_start3A_987 : memref<1x1x1x1024xf32, #tpu.memory_space<hbm>> -> memref<1024xf32, #tpu.memory_space<hbm>>
        %dma_start3A_989 = arith.constant 0 : i32
        %dma_start3A_990 = tpu.memref_slice %arg4[%add3A_982, %dma_start3A_983, %add3A_267, %dma_start3A_989] : memref<200x4x128x1024xf32, #tpu.memory_space<hbm>> -> memref<1x1x1x1024xf32, #tpu.memory_space<hbm>>
        %dma_start3A_991 = tpu.memref_squeeze %dma_start3A_990 : memref<1x1x1x1024xf32, #tpu.memory_space<hbm>> -> memref<1024xf32, #tpu.memory_space<hbm>>
        %dma_start3A_992 = arith.constant 0 : i32
        %dma_start3A_993 = tpu.memref_slice %arg10[%dma_start3A_992] : memref<16384xf32, #tpu.memory_space<vmem>> -> memref<1024xf32, #tpu.memory_space<vmem>>
        tpu.enqueue_dma source(%dma_start3A_993 : memref<1024xf32, #tpu.memory_space<vmem>>) target(%dma_start3A_991 : memref<1024xf32, #tpu.memory_space<hbm>>) target_semaphore(%arg14 : memref<!tpu.dma_semaphore, #tpu.memory_space<semaphore_mem>>)
        %mul3A_994 = arith.constant 4 : i32
        %mul3A_995 = arith.muli %add3A_959, %mul3A_994 : i32
        %add3A_996 = arith.constant 0 : i32
        %add3A_997 = arith.addi %mul3A_995, %add3A_996 : i32
        %dma_start3A_998 = arith.constant 1 : i32
        %dma_start3A_999 = arith.constant 1024 : i32
        %dma_start3A_1000 = tpu.memref_slice %arg10[%dma_start3A_999] : memref<16384xf32, #tpu.memory_space<vmem>> -> memref<1024xf32, #tpu.memory_space<vmem>>
        %dma_start3A_1001 = arith.constant 0 : i32
        %dma_start3A_1002 = tpu.memref_slice %arg4[%add3A_997, %dma_start3A_998, %add3A_267, %dma_start3A_1001] : memref<200x4x128x1024xf32, #tpu.memory_space<hbm>> -> memref<1x1x1x1024xf32, #tpu.memory_space<hbm>>
        %dma_start3A_1003 = tpu.memref_squeeze %dma_start3A_1002 : memref<1x1x1x1024xf32, #tpu.memory_space<hbm>> -> memref<1024xf32, #tpu.memory_space<hbm>>
        %dma_start3A_1004 = arith.constant 0 : i32
        %dma_start3A_1005 = tpu.memref_slice %arg4[%add3A_997, %dma_start3A_998, %add3A_267, %dma_start3A_1004] : memref<200x4x128x1024xf32, #tpu.memory_space<hbm>> -> memref<1x1x1x1024xf32, #tpu.memory_space<hbm>>
        %dma_start3A_1006 = tpu.memref_squeeze %dma_start3A_1005 : memref<1x1x1x1024xf32, #tpu.memory_space<hbm>> -> memref<1024xf32, #tpu.memory_space<hbm>>
        %dma_start3A_1007 = arith.constant 1024 : i32
        %dma_start3A_1008 = tpu.memref_slice %arg10[%dma_start3A_1007] : memref<16384xf32, #tpu.memory_space<vmem>> -> memref<1024xf32, #tpu.memory_space<vmem>>
        tpu.enqueue_dma source(%dma_start3A_1008 : memref<1024xf32, #tpu.memory_space<vmem>>) target(%dma_start3A_1006 : memref<1024xf32, #tpu.memory_space<hbm>>) target_semaphore(%arg14 : memref<!tpu.dma_semaphore, #tpu.memory_space<semaphore_mem>>)
        %mul3A_1009 = arith.constant 4 : i32
        %mul3A_1010 = arith.muli %add3A_959, %mul3A_1009 : i32
        %add3A_1011 = arith.constant 0 : i32
        %add3A_1012 = arith.addi %mul3A_1010, %add3A_1011 : i32
        %dma_start3A_1013 = arith.constant 2 : i32
        %dma_start3A_1014 = arith.constant 2048 : i32
        %dma_start3A_1015 = tpu.memref_slice %arg10[%dma_start3A_1014] : memref<16384xf32, #tpu.memory_space<vmem>> -> memref<1024xf32, #tpu.memory_space<vmem>>
        %dma_start3A_1016 = arith.constant 0 : i32
        %dma_start3A_1017 = tpu.memref_slice %arg4[%add3A_1012, %dma_start3A_1013, %add3A_267, %dma_start3A_1016] : memref<200x4x128x1024xf32, #tpu.memory_space<hbm>> -> memref<1x1x1x1024xf32, #tpu.memory_space<hbm>>
        %dma_start3A_1018 = tpu.memref_squeeze %dma_start3A_1017 : memref<1x1x1x1024xf32, #tpu.memory_space<hbm>> -> memref<1024xf32, #tpu.memory_space<hbm>>
        %dma_start3A_1019 = arith.constant 0 : i32
        %dma_start3A_1020 = tpu.memref_slice %arg4[%add3A_1012, %dma_start3A_1013, %add3A_267, %dma_start3A_1019] : memref<200x4x128x1024xf32, #tpu.memory_space<hbm>> -> memref<1x1x1x1024xf32, #tpu.memory_space<hbm>>
        %dma_start3A_1021 = tpu.memref_squeeze %dma_start3A_1020 : memref<1x1x1x1024xf32, #tpu.memory_space<hbm>> -> memref<1024xf32, #tpu.memory_space<hbm>>
        %dma_start3A_1022 = arith.constant 2048 : i32
        %dma_start3A_1023 = tpu.memref_slice %arg10[%dma_start3A_1022] : memref<16384xf32, #tpu.memory_space<vmem>> -> memref<1024xf32, #tpu.memory_space<vmem>>
        tpu.enqueue_dma source(%dma_start3A_1023 : memref<1024xf32, #tpu.memory_space<vmem>>) target(%dma_start3A_1021 : memref<1024xf32, #tpu.memory_space<hbm>>) target_semaphore(%arg14 : memref<!tpu.dma_semaphore, #tpu.memory_space<semaphore_mem>>)
        %mul3A_1024 = arith.constant 4 : i32
        %mul3A_1025 = arith.muli %add3A_959, %mul3A_1024 : i32
        %add3A_1026 = arith.constant 0 : i32
        %add3A_1027 = arith.addi %mul3A_1025, %add3A_1026 : i32
        %dma_start3A_1028 = arith.constant 3 : i32
        %dma_start3A_1029 = arith.constant 3072 : i32
        %dma_start3A_1030 = tpu.memref_slice %arg10[%dma_start3A_1029] : memref<16384xf32, #tpu.memory_space<vmem>> -> memref<1024xf32, #tpu.memory_space<vmem>>
        %dma_start3A_1031 = arith.constant 0 : i32
        %dma_start3A_1032 = tpu.memref_slice %arg4[%add3A_1027, %dma_start3A_1028, %add3A_267, %dma_start3A_1031] : memref<200x4x128x1024xf32, #tpu.memory_space<hbm>> -> memref<1x1x1x1024xf32, #tpu.memory_space<hbm>>
        %dma_start3A_1033 = tpu.memref_squeeze %dma_start3A_1032 : memref<1x1x1x1024xf32, #tpu.memory_space<hbm>> -> memref<1024xf32, #tpu.memory_space<hbm>>
        %dma_start3A_1034 = arith.constant 0 : i32
        %dma_start3A_1035 = tpu.memref_slice %arg4[%add3A_1027, %dma_start3A_1028, %add3A_267, %dma_start3A_1034] : memref<200x4x128x1024xf32, #tpu.memory_space<hbm>> -> memref<1x1x1x1024xf32, #tpu.memory_space<hbm>>
        %dma_start3A_1036 = tpu.memref_squeeze %dma_start3A_1035 : memref<1x1x1x1024xf32, #tpu.memory_space<hbm>> -> memref<1024xf32, #tpu.memory_space<hbm>>
        %dma_start3A_1037 = arith.constant 3072 : i32
        %dma_start3A_1038 = tpu.memref_slice %arg10[%dma_start3A_1037] : memref<16384xf32, #tpu.memory_space<vmem>> -> memref<1024xf32, #tpu.memory_space<vmem>>
        tpu.enqueue_dma source(%dma_start3A_1038 : memref<1024xf32, #tpu.memory_space<vmem>>) target(%dma_start3A_1036 : memref<1024xf32, #tpu.memory_space<hbm>>) target_semaphore(%arg14 : memref<!tpu.dma_semaphore, #tpu.memory_space<semaphore_mem>>)
        %mul3A_1039 = arith.constant 4 : i32
        %mul3A_1040 = arith.muli %add3A_959, %mul3A_1039 : i32
        %add3A_1041 = arith.constant 1 : i32
        %add3A_1042 = arith.addi %mul3A_1040, %add3A_1041 : i32
        %dma_start3A_1043 = arith.constant 0 : i32
        %dma_start3A_1044 = arith.constant 4096 : i32
        %dma_start3A_1045 = tpu.memref_slice %arg10[%dma_start3A_1044] : memref<16384xf32, #tpu.memory_space<vmem>> -> memref<1024xf32, #tpu.memory_space<vmem>>
        %dma_start3A_1046 = arith.constant 0 : i32
        %dma_start3A_1047 = tpu.memref_slice %arg4[%add3A_1042, %dma_start3A_1043, %add3A_267, %dma_start3A_1046] : memref<200x4x128x1024xf32, #tpu.memory_space<hbm>> -> memref<1x1x1x1024xf32, #tpu.memory_space<hbm>>
        %dma_start3A_1048 = tpu.memref_squeeze %dma_start3A_1047 : memref<1x1x1x1024xf32, #tpu.memory_space<hbm>> -> memref<1024xf32, #tpu.memory_space<hbm>>
        %dma_start3A_1049 = arith.constant 0 : i32
        %dma_start3A_1050 = tpu.memref_slice %arg4[%add3A_1042, %dma_start3A_1043, %add3A_267, %dma_start3A_1049] : memref<200x4x128x1024xf32, #tpu.memory_space<hbm>> -> memref<1x1x1x1024xf32, #tpu.memory_space<hbm>>
        %dma_start3A_1051 = tpu.memref_squeeze %dma_start3A_1050 : memref<1x1x1x1024xf32, #tpu.memory_space<hbm>> -> memref<1024xf32, #tpu.memory_space<hbm>>
        %dma_start3A_1052 = arith.constant 4096 : i32
        %dma_start3A_1053 = tpu.memref_slice %arg10[%dma_start3A_1052] : memref<16384xf32, #tpu.memory_space<vmem>> -> memref<1024xf32, #tpu.memory_space<vmem>>
        tpu.enqueue_dma source(%dma_start3A_1053 : memref<1024xf32, #tpu.memory_space<vmem>>) target(%dma_start3A_1051 : memref<1024xf32, #tpu.memory_space<hbm>>) target_semaphore(%arg14 : memref<!tpu.dma_semaphore, #tpu.memory_space<semaphore_mem>>)
        %mul3A_1054 = arith.constant 4 : i32
        %mul3A_1055 = arith.muli %add3A_959, %mul3A_1054 : i32
        %add3A_1056 = arith.constant 1 : i32
        %add3A_1057 = arith.addi %mul3A_1055, %add3A_1056 : i32
        %dma_start3A_1058 = arith.constant 1 : i32
        %dma_start3A_1059 = arith.constant 5120 : i32
        %dma_start3A_1060 = tpu.memref_slice %arg10[%dma_start3A_1059] : memref<16384xf32, #tpu.memory_space<vmem>> -> memref<1024xf32, #tpu.memory_space<vmem>>
        %dma_start3A_1061 = arith.constant 0 : i32
        %dma_start3A_1062 = tpu.memref_slice %arg4[%add3A_1057, %dma_start3A_1058, %add3A_267, %dma_start3A_1061] : memref<200x4x128x1024xf32, #tpu.memory_space<hbm>> -> memref<1x1x1x1024xf32, #tpu.memory_space<hbm>>
        %dma_start3A_1063 = tpu.memref_squeeze %dma_start3A_1062 : memref<1x1x1x1024xf32, #tpu.memory_space<hbm>> -> memref<1024xf32, #tpu.memory_space<hbm>>
        %dma_start3A_1064 = arith.constant 0 : i32
        %dma_start3A_1065 = tpu.memref_slice %arg4[%add3A_1057, %dma_start3A_1058, %add3A_267, %dma_start3A_1064] : memref<200x4x128x1024xf32, #tpu.memory_space<hbm>> -> memref<1x1x1x1024xf32, #tpu.memory_space<hbm>>
        %dma_start3A_1066 = tpu.memref_squeeze %dma_start3A_1065 : memref<1x1x1x1024xf32, #tpu.memory_space<hbm>> -> memref<1024xf32, #tpu.memory_space<hbm>>
        %dma_start3A_1067 = arith.constant 5120 : i32
        %dma_start3A_1068 = tpu.memref_slice %arg10[%dma_start3A_1067] : memref<16384xf32, #tpu.memory_space<vmem>> -> memref<1024xf32, #tpu.memory_space<vmem>>
        tpu.enqueue_dma source(%dma_start3A_1068 : memref<1024xf32, #tpu.memory_space<vmem>>) target(%dma_start3A_1066 : memref<1024xf32, #tpu.memory_space<hbm>>) target_semaphore(%arg14 : memref<!tpu.dma_semaphore, #tpu.memory_space<semaphore_mem>>)
        %mul3A_1069 = arith.constant 4 : i32
        %mul3A_1070 = arith.muli %add3A_959, %mul3A_1069 : i32
        %add3A_1071 = arith.constant 1 : i32
        %add3A_1072 = arith.addi %mul3A_1070, %add3A_1071 : i32
        %dma_start3A_1073 = arith.constant 2 : i32
        %dma_start3A_1074 = arith.constant 6144 : i32
        %dma_start3A_1075 = tpu.memref_slice %arg10[%dma_start3A_1074] : memref<16384xf32, #tpu.memory_space<vmem>> -> memref<1024xf32, #tpu.memory_space<vmem>>
        %dma_start3A_1076 = arith.constant 0 : i32
        %dma_start3A_1077 = tpu.memref_slice %arg4[%add3A_1072, %dma_start3A_1073, %add3A_267, %dma_start3A_1076] : memref<200x4x128x1024xf32, #tpu.memory_space<hbm>> -> memref<1x1x1x1024xf32, #tpu.memory_space<hbm>>
        %dma_start3A_1078 = tpu.memref_squeeze %dma_start3A_1077 : memref<1x1x1x1024xf32, #tpu.memory_space<hbm>> -> memref<1024xf32, #tpu.memory_space<hbm>>
        %dma_start3A_1079 = arith.constant 0 : i32
        %dma_start3A_1080 = tpu.memref_slice %arg4[%add3A_1072, %dma_start3A_1073, %add3A_267, %dma_start3A_1079] : memref<200x4x128x1024xf32, #tpu.memory_space<hbm>> -> memref<1x1x1x1024xf32, #tpu.memory_space<hbm>>
        %dma_start3A_1081 = tpu.memref_squeeze %dma_start3A_1080 : memref<1x1x1x1024xf32, #tpu.memory_space<hbm>> -> memref<1024xf32, #tpu.memory_space<hbm>>
        %dma_start3A_1082 = arith.constant 6144 : i32
        %dma_start3A_1083 = tpu.memref_slice %arg10[%dma_start3A_1082] : memref<16384xf32, #tpu.memory_space<vmem>> -> memref<1024xf32, #tpu.memory_space<vmem>>
        tpu.enqueue_dma source(%dma_start3A_1083 : memref<1024xf32, #tpu.memory_space<vmem>>) target(%dma_start3A_1081 : memref<1024xf32, #tpu.memory_space<hbm>>) target_semaphore(%arg14 : memref<!tpu.dma_semaphore, #tpu.memory_space<semaphore_mem>>)
        %mul3A_1084 = arith.constant 4 : i32
        %mul3A_1085 = arith.muli %add3A_959, %mul3A_1084 : i32
        %add3A_1086 = arith.constant 1 : i32
        %add3A_1087 = arith.addi %mul3A_1085, %add3A_1086 : i32
        %dma_start3A_1088 = arith.constant 3 : i32
        %dma_start3A_1089 = arith.constant 7168 : i32
        %dma_start3A_1090 = tpu.memref_slice %arg10[%dma_start3A_1089] : memref<16384xf32, #tpu.memory_space<vmem>> -> memref<1024xf32, #tpu.memory_space<vmem>>
        %dma_start3A_1091 = arith.constant 0 : i32
        %dma_start3A_1092 = tpu.memref_slice %arg4[%add3A_1087, %dma_start3A_1088, %add3A_267, %dma_start3A_1091] : memref<200x4x128x1024xf32, #tpu.memory_space<hbm>> -> memref<1x1x1x1024xf32, #tpu.memory_space<hbm>>
        %dma_start3A_1093 = tpu.memref_squeeze %dma_start3A_1092 : memref<1x1x1x1024xf32, #tpu.memory_space<hbm>> -> memref<1024xf32, #tpu.memory_space<hbm>>
        %dma_start3A_1094 = arith.constant 0 : i32
        %dma_start3A_1095 = tpu.memref_slice %arg4[%add3A_1087, %dma_start3A_1088, %add3A_267, %dma_start3A_1094] : memref<200x4x128x1024xf32, #tpu.memory_space<hbm>> -> memref<1x1x1x1024xf32, #tpu.memory_space<hbm>>
        %dma_start3A_1096 = tpu.memref_squeeze %dma_start3A_1095 : memref<1x1x1x1024xf32, #tpu.memory_space<hbm>> -> memref<1024xf32, #tpu.memory_space<hbm>>
        %dma_start3A_1097 = arith.constant 7168 : i32
        %dma_start3A_1098 = tpu.memref_slice %arg10[%dma_start3A_1097] : memref<16384xf32, #tpu.memory_space<vmem>> -> memref<1024xf32, #tpu.memory_space<vmem>>
        tpu.enqueue_dma source(%dma_start3A_1098 : memref<1024xf32, #tpu.memory_space<vmem>>) target(%dma_start3A_1096 : memref<1024xf32, #tpu.memory_space<hbm>>) target_semaphore(%arg14 : memref<!tpu.dma_semaphore, #tpu.memory_space<semaphore_mem>>)
        %mul3A_1099 = arith.constant 4 : i32
        %mul3A_1100 = arith.muli %add3A_959, %mul3A_1099 : i32
        %add3A_1101 = arith.constant 2 : i32
        %add3A_1102 = arith.addi %mul3A_1100, %add3A_1101 : i32
        %dma_start3A_1103 = arith.constant 0 : i32
        %dma_start3A_1104 = arith.constant 8192 : i32
        %dma_start3A_1105 = tpu.memref_slice %arg10[%dma_start3A_1104] : memref<16384xf32, #tpu.memory_space<vmem>> -> memref<1024xf32, #tpu.memory_space<vmem>>
        %dma_start3A_1106 = arith.constant 0 : i32
        %dma_start3A_1107 = tpu.memref_slice %arg4[%add3A_1102, %dma_start3A_1103, %add3A_267, %dma_start3A_1106] : memref<200x4x128x1024xf32, #tpu.memory_space<hbm>> -> memref<1x1x1x1024xf32, #tpu.memory_space<hbm>>
        %dma_start3A_1108 = tpu.memref_squeeze %dma_start3A_1107 : memref<1x1x1x1024xf32, #tpu.memory_space<hbm>> -> memref<1024xf32, #tpu.memory_space<hbm>>
        %dma_start3A_1109 = arith.constant 0 : i32
        %dma_start3A_1110 = tpu.memref_slice %arg4[%add3A_1102, %dma_start3A_1103, %add3A_267, %dma_start3A_1109] : memref<200x4x128x1024xf32, #tpu.memory_space<hbm>> -> memref<1x1x1x1024xf32, #tpu.memory_space<hbm>>
        %dma_start3A_1111 = tpu.memref_squeeze %dma_start3A_1110 : memref<1x1x1x1024xf32, #tpu.memory_space<hbm>> -> memref<1024xf32, #tpu.memory_space<hbm>>
        %dma_start3A_1112 = arith.constant 8192 : i32
        %dma_start3A_1113 = tpu.memref_slice %arg10[%dma_start3A_1112] : memref<16384xf32, #tpu.memory_space<vmem>> -> memref<1024xf32, #tpu.memory_space<vmem>>
        tpu.enqueue_dma source(%dma_start3A_1113 : memref<1024xf32, #tpu.memory_space<vmem>>) target(%dma_start3A_1111 : memref<1024xf32, #tpu.memory_space<hbm>>) target_semaphore(%arg14 : memref<!tpu.dma_semaphore, #tpu.memory_space<semaphore_mem>>)
        %mul3A_1114 = arith.constant 4 : i32
        %mul3A_1115 = arith.muli %add3A_959, %mul3A_1114 : i32
        %add3A_1116 = arith.constant 2 : i32
        %add3A_1117 = arith.addi %mul3A_1115, %add3A_1116 : i32
        %dma_start3A_1118 = arith.constant 1 : i32
        %dma_start3A_1119 = arith.constant 9216 : i32
        %dma_start3A_1120 = tpu.memref_slice %arg10[%dma_start3A_1119] : memref<16384xf32, #tpu.memory_space<vmem>> -> memref<1024xf32, #tpu.memory_space<vmem>>
        %dma_start3A_1121 = arith.constant 0 : i32
        %dma_start3A_1122 = tpu.memref_slice %arg4[%add3A_1117, %dma_start3A_1118, %add3A_267, %dma_start3A_1121] : memref<200x4x128x1024xf32, #tpu.memory_space<hbm>> -> memref<1x1x1x1024xf32, #tpu.memory_space<hbm>>
        %dma_start3A_1123 = tpu.memref_squeeze %dma_start3A_1122 : memref<1x1x1x1024xf32, #tpu.memory_space<hbm>> -> memref<1024xf32, #tpu.memory_space<hbm>>
        %dma_start3A_1124 = arith.constant 0 : i32
        %dma_start3A_1125 = tpu.memref_slice %arg4[%add3A_1117, %dma_start3A_1118, %add3A_267, %dma_start3A_1124] : memref<200x4x128x1024xf32, #tpu.memory_space<hbm>> -> memref<1x1x1x1024xf32, #tpu.memory_space<hbm>>
        %dma_start3A_1126 = tpu.memref_squeeze %dma_start3A_1125 : memref<1x1x1x1024xf32, #tpu.memory_space<hbm>> -> memref<1024xf32, #tpu.memory_space<hbm>>
        %dma_start3A_1127 = arith.constant 9216 : i32
        %dma_start3A_1128 = tpu.memref_slice %arg10[%dma_start3A_1127] : memref<16384xf32, #tpu.memory_space<vmem>> -> memref<1024xf32, #tpu.memory_space<vmem>>
        tpu.enqueue_dma source(%dma_start3A_1128 : memref<1024xf32, #tpu.memory_space<vmem>>) target(%dma_start3A_1126 : memref<1024xf32, #tpu.memory_space<hbm>>) target_semaphore(%arg14 : memref<!tpu.dma_semaphore, #tpu.memory_space<semaphore_mem>>)
        %mul3A_1129 = arith.constant 4 : i32
        %mul3A_1130 = arith.muli %add3A_959, %mul3A_1129 : i32
        %add3A_1131 = arith.constant 2 : i32
        %add3A_1132 = arith.addi %mul3A_1130, %add3A_1131 : i32
        %dma_start3A_1133 = arith.constant 2 : i32
        %dma_start3A_1134 = arith.constant 10240 : i32
        %dma_start3A_1135 = tpu.memref_slice %arg10[%dma_start3A_1134] : memref<16384xf32, #tpu.memory_space<vmem>> -> memref<1024xf32, #tpu.memory_space<vmem>>
        %dma_start3A_1136 = arith.constant 0 : i32
        %dma_start3A_1137 = tpu.memref_slice %arg4[%add3A_1132, %dma_start3A_1133, %add3A_267, %dma_start3A_1136] : memref<200x4x128x1024xf32, #tpu.memory_space<hbm>> -> memref<1x1x1x1024xf32, #tpu.memory_space<hbm>>
        %dma_start3A_1138 = tpu.memref_squeeze %dma_start3A_1137 : memref<1x1x1x1024xf32, #tpu.memory_space<hbm>> -> memref<1024xf32, #tpu.memory_space<hbm>>
        %dma_start3A_1139 = arith.constant 0 : i32
        %dma_start3A_1140 = tpu.memref_slice %arg4[%add3A_1132, %dma_start3A_1133, %add3A_267, %dma_start3A_1139] : memref<200x4x128x1024xf32, #tpu.memory_space<hbm>> -> memref<1x1x1x1024xf32, #tpu.memory_space<hbm>>
        %dma_start3A_1141 = tpu.memref_squeeze %dma_start3A_1140 : memref<1x1x1x1024xf32, #tpu.memory_space<hbm>> -> memref<1024xf32, #tpu.memory_space<hbm>>
        %dma_start3A_1142 = arith.constant 10240 : i32
        %dma_start3A_1143 = tpu.memref_slice %arg10[%dma_start3A_1142] : memref<16384xf32, #tpu.memory_space<vmem>> -> memref<1024xf32, #tpu.memory_space<vmem>>
        tpu.enqueue_dma source(%dma_start3A_1143 : memref<1024xf32, #tpu.memory_space<vmem>>) target(%dma_start3A_1141 : memref<1024xf32, #tpu.memory_space<hbm>>) target_semaphore(%arg14 : memref<!tpu.dma_semaphore, #tpu.memory_space<semaphore_mem>>)
        %mul3A_1144 = arith.constant 4 : i32
        %mul3A_1145 = arith.muli %add3A_959, %mul3A_1144 : i32
        %add3A_1146 = arith.constant 2 : i32
        %add3A_1147 = arith.addi %mul3A_1145, %add3A_1146 : i32
        %dma_start3A_1148 = arith.constant 3 : i32
        %dma_start3A_1149 = arith.constant 11264 : i32
        %dma_start3A_1150 = tpu.memref_slice %arg10[%dma_start3A_1149] : memref<16384xf32, #tpu.memory_space<vmem>> -> memref<1024xf32, #tpu.memory_space<vmem>>
        %dma_start3A_1151 = arith.constant 0 : i32
        %dma_start3A_1152 = tpu.memref_slice %arg4[%add3A_1147, %dma_start3A_1148, %add3A_267, %dma_start3A_1151] : memref<200x4x128x1024xf32, #tpu.memory_space<hbm>> -> memref<1x1x1x1024xf32, #tpu.memory_space<hbm>>
        %dma_start3A_1153 = tpu.memref_squeeze %dma_start3A_1152 : memref<1x1x1x1024xf32, #tpu.memory_space<hbm>> -> memref<1024xf32, #tpu.memory_space<hbm>>
        %dma_start3A_1154 = arith.constant 0 : i32
        %dma_start3A_1155 = tpu.memref_slice %arg4[%add3A_1147, %dma_start3A_1148, %add3A_267, %dma_start3A_1154] : memref<200x4x128x1024xf32, #tpu.memory_space<hbm>> -> memref<1x1x1x1024xf32, #tpu.memory_space<hbm>>
        %dma_start3A_1156 = tpu.memref_squeeze %dma_start3A_1155 : memref<1x1x1x1024xf32, #tpu.memory_space<hbm>> -> memref<1024xf32, #tpu.memory_space<hbm>>
        %dma_start3A_1157 = arith.constant 11264 : i32
        %dma_start3A_1158 = tpu.memref_slice %arg10[%dma_start3A_1157] : memref<16384xf32, #tpu.memory_space<vmem>> -> memref<1024xf32, #tpu.memory_space<vmem>>
        tpu.enqueue_dma source(%dma_start3A_1158 : memref<1024xf32, #tpu.memory_space<vmem>>) target(%dma_start3A_1156 : memref<1024xf32, #tpu.memory_space<hbm>>) target_semaphore(%arg14 : memref<!tpu.dma_semaphore, #tpu.memory_space<semaphore_mem>>)
        %mul3A_1159 = arith.constant 4 : i32
        %mul3A_1160 = arith.muli %add3A_959, %mul3A_1159 : i32
        %add3A_1161 = arith.constant 3 : i32
        %add3A_1162 = arith.addi %mul3A_1160, %add3A_1161 : i32
        %dma_start3A_1163 = arith.constant 0 : i32
        %dma_start3A_1164 = arith.constant 12288 : i32
        %dma_start3A_1165 = tpu.memref_slice %arg10[%dma_start3A_1164] : memref<16384xf32, #tpu.memory_space<vmem>> -> memref<1024xf32, #tpu.memory_space<vmem>>
        %dma_start3A_1166 = arith.constant 0 : i32
        %dma_start3A_1167 = tpu.memref_slice %arg4[%add3A_1162, %dma_start3A_1163, %add3A_267, %dma_start3A_1166] : memref<200x4x128x1024xf32, #tpu.memory_space<hbm>> -> memref<1x1x1x1024xf32, #tpu.memory_space<hbm>>
        %dma_start3A_1168 = tpu.memref_squeeze %dma_start3A_1167 : memref<1x1x1x1024xf32, #tpu.memory_space<hbm>> -> memref<1024xf32, #tpu.memory_space<hbm>>
        %dma_start3A_1169 = arith.constant 0 : i32
        %dma_start3A_1170 = tpu.memref_slice %arg4[%add3A_1162, %dma_start3A_1163, %add3A_267, %dma_start3A_1169] : memref<200x4x128x1024xf32, #tpu.memory_space<hbm>> -> memref<1x1x1x1024xf32, #tpu.memory_space<hbm>>
        %dma_start3A_1171 = tpu.memref_squeeze %dma_start3A_1170 : memref<1x1x1x1024xf32, #tpu.memory_space<hbm>> -> memref<1024xf32, #tpu.memory_space<hbm>>
        %dma_start3A_1172 = arith.constant 12288 : i32
        %dma_start3A_1173 = tpu.memref_slice %arg10[%dma_start3A_1172] : memref<16384xf32, #tpu.memory_space<vmem>> -> memref<1024xf32, #tpu.memory_space<vmem>>
        tpu.enqueue_dma source(%dma_start3A_1173 : memref<1024xf32, #tpu.memory_space<vmem>>) target(%dma_start3A_1171 : memref<1024xf32, #tpu.memory_space<hbm>>) target_semaphore(%arg14 : memref<!tpu.dma_semaphore, #tpu.memory_space<semaphore_mem>>)
        %mul3A_1174 = arith.constant 4 : i32
        %mul3A_1175 = arith.muli %add3A_959, %mul3A_1174 : i32
        %add3A_1176 = arith.constant 3 : i32
        %add3A_1177 = arith.addi %mul3A_1175, %add3A_1176 : i32
        %dma_start3A_1178 = arith.constant 1 : i32
        %dma_start3A_1179 = arith.constant 13312 : i32
        %dma_start3A_1180 = tpu.memref_slice %arg10[%dma_start3A_1179] : memref<16384xf32, #tpu.memory_space<vmem>> -> memref<1024xf32, #tpu.memory_space<vmem>>
        %dma_start3A_1181 = arith.constant 0 : i32
        %dma_start3A_1182 = tpu.memref_slice %arg4[%add3A_1177, %dma_start3A_1178, %add3A_267, %dma_start3A_1181] : memref<200x4x128x1024xf32, #tpu.memory_space<hbm>> -> memref<1x1x1x1024xf32, #tpu.memory_space<hbm>>
        %dma_start3A_1183 = tpu.memref_squeeze %dma_start3A_1182 : memref<1x1x1x1024xf32, #tpu.memory_space<hbm>> -> memref<1024xf32, #tpu.memory_space<hbm>>
        %dma_start3A_1184 = arith.constant 0 : i32
        %dma_start3A_1185 = tpu.memref_slice %arg4[%add3A_1177, %dma_start3A_1178, %add3A_267, %dma_start3A_1184] : memref<200x4x128x1024xf32, #tpu.memory_space<hbm>> -> memref<1x1x1x1024xf32, #tpu.memory_space<hbm>>
        %dma_start3A_1186 = tpu.memref_squeeze %dma_start3A_1185 : memref<1x1x1x1024xf32, #tpu.memory_space<hbm>> -> memref<1024xf32, #tpu.memory_space<hbm>>
        %dma_start3A_1187 = arith.constant 13312 : i32
        %dma_start3A_1188 = tpu.memref_slice %arg10[%dma_start3A_1187] : memref<16384xf32, #tpu.memory_space<vmem>> -> memref<1024xf32, #tpu.memory_space<vmem>>
        tpu.enqueue_dma source(%dma_start3A_1188 : memref<1024xf32, #tpu.memory_space<vmem>>) target(%dma_start3A_1186 : memref<1024xf32, #tpu.memory_space<hbm>>) target_semaphore(%arg14 : memref<!tpu.dma_semaphore, #tpu.memory_space<semaphore_mem>>)
        %mul3A_1189 = arith.constant 4 : i32
        %mul3A_1190 = arith.muli %add3A_959, %mul3A_1189 : i32
        %add3A_1191 = arith.constant 3 : i32
        %add3A_1192 = arith.addi %mul3A_1190, %add3A_1191 : i32
        %dma_start3A_1193 = arith.constant 2 : i32
        %dma_start3A_1194 = arith.constant 14336 : i32
        %dma_start3A_1195 = tpu.memref_slice %arg10[%dma_start3A_1194] : memref<16384xf32, #tpu.memory_space<vmem>> -> memref<1024xf32, #tpu.memory_space<vmem>>
        %dma_start3A_1196 = arith.constant 0 : i32
        %dma_start3A_1197 = tpu.memref_slice %arg4[%add3A_1192, %dma_start3A_1193, %add3A_267, %dma_start3A_1196] : memref<200x4x128x1024xf32, #tpu.memory_space<hbm>> -> memref<1x1x1x1024xf32, #tpu.memory_space<hbm>>
        %dma_start3A_1198 = tpu.memref_squeeze %dma_start3A_1197 : memref<1x1x1x1024xf32, #tpu.memory_space<hbm>> -> memref<1024xf32, #tpu.memory_space<hbm>>
        %dma_start3A_1199 = arith.constant 0 : i32
        %dma_start3A_1200 = tpu.memref_slice %arg4[%add3A_1192, %dma_start3A_1193, %add3A_267, %dma_start3A_1199] : memref<200x4x128x1024xf32, #tpu.memory_space<hbm>> -> memref<1x1x1x1024xf32, #tpu.memory_space<hbm>>
        %dma_start3A_1201 = tpu.memref_squeeze %dma_start3A_1200 : memref<1x1x1x1024xf32, #tpu.memory_space<hbm>> -> memref<1024xf32, #tpu.memory_space<hbm>>
        %dma_start3A_1202 = arith.constant 14336 : i32
        %dma_start3A_1203 = tpu.memref_slice %arg10[%dma_start3A_1202] : memref<16384xf32, #tpu.memory_space<vmem>> -> memref<1024xf32, #tpu.memory_space<vmem>>
        tpu.enqueue_dma source(%dma_start3A_1203 : memref<1024xf32, #tpu.memory_space<vmem>>) target(%dma_start3A_1201 : memref<1024xf32, #tpu.memory_space<hbm>>) target_semaphore(%arg14 : memref<!tpu.dma_semaphore, #tpu.memory_space<semaphore_mem>>)
        %mul3A_1204 = arith.constant 4 : i32
        %mul3A_1205 = arith.muli %add3A_959, %mul3A_1204 : i32
        %add3A_1206 = arith.constant 3 : i32
        %add3A_1207 = arith.addi %mul3A_1205, %add3A_1206 : i32
        %dma_start3A_1208 = arith.constant 3 : i32
        %dma_start3A_1209 = arith.constant 15360 : i32
        %dma_start3A_1210 = tpu.memref_slice %arg10[%dma_start3A_1209] : memref<16384xf32, #tpu.memory_space<vmem>> -> memref<1024xf32, #tpu.memory_space<vmem>>
        %dma_start3A_1211 = arith.constant 0 : i32
        %dma_start3A_1212 = tpu.memref_slice %arg4[%add3A_1207, %dma_start3A_1208, %add3A_267, %dma_start3A_1211] : memref<200x4x128x1024xf32, #tpu.memory_space<hbm>> -> memref<1x1x1x1024xf32, #tpu.memory_space<hbm>>
        %dma_start3A_1213 = tpu.memref_squeeze %dma_start3A_1212 : memref<1x1x1x1024xf32, #tpu.memory_space<hbm>> -> memref<1024xf32, #tpu.memory_space<hbm>>
        %dma_start3A_1214 = arith.constant 0 : i32
        %dma_start3A_1215 = tpu.memref_slice %arg4[%add3A_1207, %dma_start3A_1208, %add3A_267, %dma_start3A_1214] : memref<200x4x128x1024xf32, #tpu.memory_space<hbm>> -> memref<1x1x1x1024xf32, #tpu.memory_space<hbm>>
        %dma_start3A_1216 = tpu.memref_squeeze %dma_start3A_1215 : memref<1x1x1x1024xf32, #tpu.memory_space<hbm>> -> memref<1024xf32, #tpu.memory_space<hbm>>
        %dma_start3A_1217 = arith.constant 15360 : i32
        %dma_start3A_1218 = tpu.memref_slice %arg10[%dma_start3A_1217] : memref<16384xf32, #tpu.memory_space<vmem>> -> memref<1024xf32, #tpu.memory_space<vmem>>
        tpu.enqueue_dma source(%dma_start3A_1218 : memref<1024xf32, #tpu.memory_space<vmem>>) target(%dma_start3A_1216 : memref<1024xf32, #tpu.memory_space<hbm>>) target_semaphore(%arg14 : memref<!tpu.dma_semaphore, #tpu.memory_space<semaphore_mem>>)
      }
      %scan3A_280 = arith.constant 25 : i32
      %dma_wait3A = arith.constant 0 : i32
      %dma_wait3A_281 = arith.constant 0 : i32
      %dma_wait3A_282 = arith.constant 0 : i32
      %dma_wait3A_283 = arith.constant 0 : i32
      %dma_wait3A_284 = tpu.memref_slice %arg9[%dma_wait3A_283] : memref<16384xf32, #tpu.memory_space<vmem>> -> memref<1024xf32, #tpu.memory_space<vmem>>
      %dma_wait3A_285 = arith.constant 0 : i32
      %dma_wait3A_286 = tpu.memref_slice %arg4[%dma_wait3A, %dma_wait3A_281, %dma_wait3A_282, %dma_wait3A_285] : memref<200x4x128x1024xf32, #tpu.memory_space<hbm>> -> memref<1x1x1x1024xf32, #tpu.memory_space<hbm>>
      %dma_wait3A_287 = tpu.memref_squeeze %dma_wait3A_286 : memref<1x1x1x1024xf32, #tpu.memory_space<hbm>> -> memref<1024xf32, #tpu.memory_space<hbm>>
      %dma_wait3A_288 = arith.constant 0 : i32
      %dma_wait3A_289 = tpu.memref_slice %arg9[%dma_wait3A_288] : memref<16384xf32, #tpu.memory_space<vmem>> -> memref<1024xf32, #tpu.memory_space<vmem>>
      %dma_wait3A_290 = arith.constant 0 : i32
      %dma_wait3A_291 = tpu.memref_slice %arg4[%dma_wait3A, %dma_wait3A_281, %dma_wait3A_282, %dma_wait3A_290] : memref<200x4x128x1024xf32, #tpu.memory_space<hbm>> -> memref<1x1x1x1024xf32, #tpu.memory_space<hbm>>
      %dma_wait3A_292 = tpu.memref_squeeze %dma_wait3A_291 : memref<1x1x1x1024xf32, #tpu.memory_space<hbm>> -> memref<1024xf32, #tpu.memory_space<hbm>>
      tpu.wait_dma2 semaphore(%arg13 : memref<!tpu.dma_semaphore, #tpu.memory_space<semaphore_mem>>) src(%dma_wait3A_292 : memref<1024xf32, #tpu.memory_space<hbm>>) dst(%dma_wait3A_289 : memref<1024xf32, #tpu.memory_space<vmem>>)
      %dma_wait3A_293 = arith.constant 0 : i32
      %dma_wait3A_294 = arith.constant 0 : i32
      %dma_wait3A_295 = arith.constant 0 : i32
      %dma_wait3A_296 = arith.constant 0 : i32
      %dma_wait3A_297 = tpu.memref_slice %arg9[%dma_wait3A_296] : memref<16384xf32, #tpu.memory_space<vmem>> -> memref<1024xf32, #tpu.memory_space<vmem>>
      %dma_wait3A_298 = arith.constant 0 : i32
      %dma_wait3A_299 = tpu.memref_slice %arg4[%dma_wait3A_293, %dma_wait3A_294, %dma_wait3A_295, %dma_wait3A_298] : memref<200x4x128x1024xf32, #tpu.memory_space<hbm>> -> memref<1x1x1x1024xf32, #tpu.memory_space<hbm>>
      %dma_wait3A_300 = tpu.memref_squeeze %dma_wait3A_299 : memref<1x1x1x1024xf32, #tpu.memory_space<hbm>> -> memref<1024xf32, #tpu.memory_space<hbm>>
      %dma_wait3A_301 = arith.constant 0 : i32
      %dma_wait3A_302 = tpu.memref_slice %arg9[%dma_wait3A_301] : memref<16384xf32, #tpu.memory_space<vmem>> -> memref<1024xf32, #tpu.memory_space<vmem>>
      %dma_wait3A_303 = arith.constant 0 : i32
      %dma_wait3A_304 = tpu.memref_slice %arg4[%dma_wait3A_293, %dma_wait3A_294, %dma_wait3A_295, %dma_wait3A_303] : memref<200x4x128x1024xf32, #tpu.memory_space<hbm>> -> memref<1x1x1x1024xf32, #tpu.memory_space<hbm>>
      %dma_wait3A_305 = tpu.memref_squeeze %dma_wait3A_304 : memref<1x1x1x1024xf32, #tpu.memory_space<hbm>> -> memref<1024xf32, #tpu.memory_space<hbm>>
      tpu.wait_dma2 semaphore(%arg13 : memref<!tpu.dma_semaphore, #tpu.memory_space<semaphore_mem>>) src(%dma_wait3A_305 : memref<1024xf32, #tpu.memory_space<hbm>>) dst(%dma_wait3A_302 : memref<1024xf32, #tpu.memory_space<vmem>>)
      %dma_wait3A_306 = arith.constant 0 : i32
      %dma_wait3A_307 = arith.constant 0 : i32
      %dma_wait3A_308 = arith.constant 0 : i32
      %dma_wait3A_309 = arith.constant 0 : i32
      %dma_wait3A_310 = tpu.memref_slice %arg9[%dma_wait3A_309] : memref<16384xf32, #tpu.memory_space<vmem>> -> memref<1024xf32, #tpu.memory_space<vmem>>
      %dma_wait3A_311 = arith.constant 0 : i32
      %dma_wait3A_312 = tpu.memref_slice %arg4[%dma_wait3A_306, %dma_wait3A_307, %dma_wait3A_308, %dma_wait3A_311] : memref<200x4x128x1024xf32, #tpu.memory_space<hbm>> -> memref<1x1x1x1024xf32, #tpu.memory_space<hbm>>
      %dma_wait3A_313 = tpu.memref_squeeze %dma_wait3A_312 : memref<1x1x1x1024xf32, #tpu.memory_space<hbm>> -> memref<1024xf32, #tpu.memory_space<hbm>>
      %dma_wait3A_314 = arith.constant 0 : i32
      %dma_wait3A_315 = tpu.memref_slice %arg9[%dma_wait3A_314] : memref<16384xf32, #tpu.memory_space<vmem>> -> memref<1024xf32, #tpu.memory_space<vmem>>
      %dma_wait3A_316 = arith.constant 0 : i32
      %dma_wait3A_317 = tpu.memref_slice %arg4[%dma_wait3A_306, %dma_wait3A_307, %dma_wait3A_308, %dma_wait3A_316] : memref<200x4x128x1024xf32, #tpu.memory_space<hbm>> -> memref<1x1x1x1024xf32, #tpu.memory_space<hbm>>
      %dma_wait3A_318 = tpu.memref_squeeze %dma_wait3A_317 : memref<1x1x1x1024xf32, #tpu.memory_space<hbm>> -> memref<1024xf32, #tpu.memory_space<hbm>>
      tpu.wait_dma2 semaphore(%arg13 : memref<!tpu.dma_semaphore, #tpu.memory_space<semaphore_mem>>) src(%dma_wait3A_318 : memref<1024xf32, #tpu.memory_space<hbm>>) dst(%dma_wait3A_315 : memref<1024xf32, #tpu.memory_space<vmem>>)
      %dma_wait3A_319 = arith.constant 0 : i32
      %dma_wait3A_320 = arith.constant 0 : i32
      %dma_wait3A_321 = arith.constant 0 : i32
      %dma_wait3A_322 = arith.constant 0 : i32
      %dma_wait3A_323 = tpu.memref_slice %arg9[%dma_wait3A_322] : memref<16384xf32, #tpu.memory_space<vmem>> -> memref<1024xf32, #tpu.memory_space<vmem>>
      %dma_wait3A_324 = arith.constant 0 : i32
      %dma_wait3A_325 = tpu.memref_slice %arg4[%dma_wait3A_319, %dma_wait3A_320, %dma_wait3A_321, %dma_wait3A_324] : memref<200x4x128x1024xf32, #tpu.memory_space<hbm>> -> memref<1x1x1x1024xf32, #tpu.memory_space<hbm>>
      %dma_wait3A_326 = tpu.memref_squeeze %dma_wait3A_325 : memref<1x1x1x1024xf32, #tpu.memory_space<hbm>> -> memref<1024xf32, #tpu.memory_space<hbm>>
      %dma_wait3A_327 = arith.constant 0 : i32
      %dma_wait3A_328 = tpu.memref_slice %arg9[%dma_wait3A_327] : memref<16384xf32, #tpu.memory_space<vmem>> -> memref<1024xf32, #tpu.memory_space<vmem>>
      %dma_wait3A_329 = arith.constant 0 : i32
      %dma_wait3A_330 = tpu.memref_slice %arg4[%dma_wait3A_319, %dma_wait3A_320, %dma_wait3A_321, %dma_wait3A_329] : memref<200x4x128x1024xf32, #tpu.memory_space<hbm>> -> memref<1x1x1x1024xf32, #tpu.memory_space<hbm>>
      %dma_wait3A_331 = tpu.memref_squeeze %dma_wait3A_330 : memref<1x1x1x1024xf32, #tpu.memory_space<hbm>> -> memref<1024xf32, #tpu.memory_space<hbm>>
      tpu.wait_dma2 semaphore(%arg13 : memref<!tpu.dma_semaphore, #tpu.memory_space<semaphore_mem>>) src(%dma_wait3A_331 : memref<1024xf32, #tpu.memory_space<hbm>>) dst(%dma_wait3A_328 : memref<1024xf32, #tpu.memory_space<vmem>>)
      %dma_wait3A_332 = arith.constant 0 : i32
      %dma_wait3A_333 = arith.constant 0 : i32
      %dma_wait3A_334 = arith.constant 0 : i32
      %dma_wait3A_335 = arith.constant 0 : i32
      %dma_wait3A_336 = tpu.memref_slice %arg9[%dma_wait3A_335] : memref<16384xf32, #tpu.memory_space<vmem>> -> memref<1024xf32, #tpu.memory_space<vmem>>
      %dma_wait3A_337 = arith.constant 0 : i32
      %dma_wait3A_338 = tpu.memref_slice %arg4[%dma_wait3A_332, %dma_wait3A_333, %dma_wait3A_334, %dma_wait3A_337] : memref<200x4x128x1024xf32, #tpu.memory_space<hbm>> -> memref<1x1x1x1024xf32, #tpu.memory_space<hbm>>
      %dma_wait3A_339 = tpu.memref_squeeze %dma_wait3A_338 : memref<1x1x1x1024xf32, #tpu.memory_space<hbm>> -> memref<1024xf32, #tpu.memory_space<hbm>>
      %dma_wait3A_340 = arith.constant 0 : i32
      %dma_wait3A_341 = tpu.memref_slice %arg9[%dma_wait3A_340] : memref<16384xf32, #tpu.memory_space<vmem>> -> memref<1024xf32, #tpu.memory_space<vmem>>
      %dma_wait3A_342 = arith.constant 0 : i32
      %dma_wait3A_343 = tpu.memref_slice %arg4[%dma_wait3A_332, %dma_wait3A_333, %dma_wait3A_334, %dma_wait3A_342] : memref<200x4x128x1024xf32, #tpu.memory_space<hbm>> -> memref<1x1x1x1024xf32, #tpu.memory_space<hbm>>
      %dma_wait3A_344 = tpu.memref_squeeze %dma_wait3A_343 : memref<1x1x1x1024xf32, #tpu.memory_space<hbm>> -> memref<1024xf32, #tpu.memory_space<hbm>>
      tpu.wait_dma2 semaphore(%arg13 : memref<!tpu.dma_semaphore, #tpu.memory_space<semaphore_mem>>) src(%dma_wait3A_344 : memref<1024xf32, #tpu.memory_space<hbm>>) dst(%dma_wait3A_341 : memref<1024xf32, #tpu.memory_space<vmem>>)
      %dma_wait3A_345 = arith.constant 0 : i32
      %dma_wait3A_346 = arith.constant 0 : i32
      %dma_wait3A_347 = arith.constant 0 : i32
      %dma_wait3A_348 = arith.constant 0 : i32
      %dma_wait3A_349 = tpu.memref_slice %arg9[%dma_wait3A_348] : memref<16384xf32, #tpu.memory_space<vmem>> -> memref<1024xf32, #tpu.memory_space<vmem>>
      %dma_wait3A_350 = arith.constant 0 : i32
      %dma_wait3A_351 = tpu.memref_slice %arg4[%dma_wait3A_345, %dma_wait3A_346, %dma_wait3A_347, %dma_wait3A_350] : memref<200x4x128x1024xf32, #tpu.memory_space<hbm>> -> memref<1x1x1x1024xf32, #tpu.memory_space<hbm>>
      %dma_wait3A_352 = tpu.memref_squeeze %dma_wait3A_351 : memref<1x1x1x1024xf32, #tpu.memory_space<hbm>> -> memref<1024xf32, #tpu.memory_space<hbm>>
      %dma_wait3A_353 = arith.constant 0 : i32
      %dma_wait3A_354 = tpu.memref_slice %arg9[%dma_wait3A_353] : memref<16384xf32, #tpu.memory_space<vmem>> -> memref<1024xf32, #tpu.memory_space<vmem>>
      %dma_wait3A_355 = arith.constant 0 : i32
      %dma_wait3A_356 = tpu.memref_slice %arg4[%dma_wait3A_345, %dma_wait3A_346, %dma_wait3A_347, %dma_wait3A_355] : memref<200x4x128x1024xf32, #tpu.memory_space<hbm>> -> memref<1x1x1x1024xf32, #tpu.memory_space<hbm>>
      %dma_wait3A_357 = tpu.memref_squeeze %dma_wait3A_356 : memref<1x1x1x1024xf32, #tpu.memory_space<hbm>> -> memref<1024xf32, #tpu.memory_space<hbm>>
      tpu.wait_dma2 semaphore(%arg13 : memref<!tpu.dma_semaphore, #tpu.memory_space<semaphore_mem>>) src(%dma_wait3A_357 : memref<1024xf32, #tpu.memory_space<hbm>>) dst(%dma_wait3A_354 : memref<1024xf32, #tpu.memory_space<vmem>>)
      %dma_wait3A_358 = arith.constant 0 : i32
      %dma_wait3A_359 = arith.constant 0 : i32
      %dma_wait3A_360 = arith.constant 0 : i32
      %dma_wait3A_361 = arith.constant 0 : i32
      %dma_wait3A_362 = tpu.memref_slice %arg9[%dma_wait3A_361] : memref<16384xf32, #tpu.memory_space<vmem>> -> memref<1024xf32, #tpu.memory_space<vmem>>
      %dma_wait3A_363 = arith.constant 0 : i32
      %dma_wait3A_364 = tpu.memref_slice %arg4[%dma_wait3A_358, %dma_wait3A_359, %dma_wait3A_360, %dma_wait3A_363] : memref<200x4x128x1024xf32, #tpu.memory_space<hbm>> -> memref<1x1x1x1024xf32, #tpu.memory_space<hbm>>
      %dma_wait3A_365 = tpu.memref_squeeze %dma_wait3A_364 : memref<1x1x1x1024xf32, #tpu.memory_space<hbm>> -> memref<1024xf32, #tpu.memory_space<hbm>>
      %dma_wait3A_366 = arith.constant 0 : i32
      %dma_wait3A_367 = tpu.memref_slice %arg9[%dma_wait3A_366] : memref<16384xf32, #tpu.memory_space<vmem>> -> memref<1024xf32, #tpu.memory_space<vmem>>
      %dma_wait3A_368 = arith.constant 0 : i32
      %dma_wait3A_369 = tpu.memref_slice %arg4[%dma_wait3A_358, %dma_wait3A_359, %dma_wait3A_360, %dma_wait3A_368] : memref<200x4x128x1024xf32, #tpu.memory_space<hbm>> -> memref<1x1x1x1024xf32, #tpu.memory_space<hbm>>
      %dma_wait3A_370 = tpu.memref_squeeze %dma_wait3A_369 : memref<1x1x1x1024xf32, #tpu.memory_space<hbm>> -> memref<1024xf32, #tpu.memory_space<hbm>>
      tpu.wait_dma2 semaphore(%arg13 : memref<!tpu.dma_semaphore, #tpu.memory_space<semaphore_mem>>) src(%dma_wait3A_370 : memref<1024xf32, #tpu.memory_space<hbm>>) dst(%dma_wait3A_367 : memref<1024xf32, #tpu.memory_space<vmem>>)
      %dma_wait3A_371 = arith.constant 0 : i32
      %dma_wait3A_372 = arith.constant 0 : i32
      %dma_wait3A_373 = arith.constant 0 : i32
      %dma_wait3A_374 = arith.constant 0 : i32
      %dma_wait3A_375 = tpu.memref_slice %arg9[%dma_wait3A_374] : memref<16384xf32, #tpu.memory_space<vmem>> -> memref<1024xf32, #tpu.memory_space<vmem>>
      %dma_wait3A_376 = arith.constant 0 : i32
      %dma_wait3A_377 = tpu.memref_slice %arg4[%dma_wait3A_371, %dma_wait3A_372, %dma_wait3A_373, %dma_wait3A_376] : memref<200x4x128x1024xf32, #tpu.memory_space<hbm>> -> memref<1x1x1x1024xf32, #tpu.memory_space<hbm>>
      %dma_wait3A_378 = tpu.memref_squeeze %dma_wait3A_377 : memref<1x1x1x1024xf32, #tpu.memory_space<hbm>> -> memref<1024xf32, #tpu.memory_space<hbm>>
      %dma_wait3A_379 = arith.constant 0 : i32
      %dma_wait3A_380 = tpu.memref_slice %arg9[%dma_wait3A_379] : memref<16384xf32, #tpu.memory_space<vmem>> -> memref<1024xf32, #tpu.memory_space<vmem>>
      %dma_wait3A_381 = arith.constant 0 : i32
      %dma_wait3A_382 = tpu.memref_slice %arg4[%dma_wait3A_371, %dma_wait3A_372, %dma_wait3A_373, %dma_wait3A_381] : memref<200x4x128x1024xf32, #tpu.memory_space<hbm>> -> memref<1x1x1x1024xf32, #tpu.memory_space<hbm>>
      %dma_wait3A_383 = tpu.memref_squeeze %dma_wait3A_382 : memref<1x1x1x1024xf32, #tpu.memory_space<hbm>> -> memref<1024xf32, #tpu.memory_space<hbm>>
      tpu.wait_dma2 semaphore(%arg13 : memref<!tpu.dma_semaphore, #tpu.memory_space<semaphore_mem>>) src(%dma_wait3A_383 : memref<1024xf32, #tpu.memory_space<hbm>>) dst(%dma_wait3A_380 : memref<1024xf32, #tpu.memory_space<vmem>>)
      %dma_wait3A_384 = arith.constant 0 : i32
      %dma_wait3A_385 = arith.constant 0 : i32
      %dma_wait3A_386 = arith.constant 0 : i32
      %dma_wait3A_387 = arith.constant 0 : i32
      %dma_wait3A_388 = tpu.memref_slice %arg9[%dma_wait3A_387] : memref<16384xf32, #tpu.memory_space<vmem>> -> memref<1024xf32, #tpu.memory_space<vmem>>
      %dma_wait3A_389 = arith.constant 0 : i32
      %dma_wait3A_390 = tpu.memref_slice %arg4[%dma_wait3A_384, %dma_wait3A_385, %dma_wait3A_386, %dma_wait3A_389] : memref<200x4x128x1024xf32, #tpu.memory_space<hbm>> -> memref<1x1x1x1024xf32, #tpu.memory_space<hbm>>
      %dma_wait3A_391 = tpu.memref_squeeze %dma_wait3A_390 : memref<1x1x1x1024xf32, #tpu.memory_space<hbm>> -> memref<1024xf32, #tpu.memory_space<hbm>>
      %dma_wait3A_392 = arith.constant 0 : i32
      %dma_wait3A_393 = tpu.memref_slice %arg9[%dma_wait3A_392] : memref<16384xf32, #tpu.memory_space<vmem>> -> memref<1024xf32, #tpu.memory_space<vmem>>
      %dma_wait3A_394 = arith.constant 0 : i32
      %dma_wait3A_395 = tpu.memref_slice %arg4[%dma_wait3A_384, %dma_wait3A_385, %dma_wait3A_386, %dma_wait3A_394] : memref<200x4x128x1024xf32, #tpu.memory_space<hbm>> -> memref<1x1x1x1024xf32, #tpu.memory_space<hbm>>
      %dma_wait3A_396 = tpu.memref_squeeze %dma_wait3A_395 : memref<1x1x1x1024xf32, #tpu.memory_space<hbm>> -> memref<1024xf32, #tpu.memory_space<hbm>>
      tpu.wait_dma2 semaphore(%arg13 : memref<!tpu.dma_semaphore, #tpu.memory_space<semaphore_mem>>) src(%dma_wait3A_396 : memref<1024xf32, #tpu.memory_space<hbm>>) dst(%dma_wait3A_393 : memref<1024xf32, #tpu.memory_space<vmem>>)
      %dma_wait3A_397 = arith.constant 0 : i32
      %dma_wait3A_398 = arith.constant 0 : i32
      %dma_wait3A_399 = arith.constant 0 : i32
      %dma_wait3A_400 = arith.constant 0 : i32
      %dma_wait3A_401 = tpu.memref_slice %arg9[%dma_wait3A_400] : memref<16384xf32, #tpu.memory_space<vmem>> -> memref<1024xf32, #tpu.memory_space<vmem>>
      %dma_wait3A_402 = arith.constant 0 : i32
      %dma_wait3A_403 = tpu.memref_slice %arg4[%dma_wait3A_397, %dma_wait3A_398, %dma_wait3A_399, %dma_wait3A_402] : memref<200x4x128x1024xf32, #tpu.memory_space<hbm>> -> memref<1x1x1x1024xf32, #tpu.memory_space<hbm>>
      %dma_wait3A_404 = tpu.memref_squeeze %dma_wait3A_403 : memref<1x1x1x1024xf32, #tpu.memory_space<hbm>> -> memref<1024xf32, #tpu.memory_space<hbm>>
      %dma_wait3A_405 = arith.constant 0 : i32
      %dma_wait3A_406 = tpu.memref_slice %arg9[%dma_wait3A_405] : memref<16384xf32, #tpu.memory_space<vmem>> -> memref<1024xf32, #tpu.memory_space<vmem>>
      %dma_wait3A_407 = arith.constant 0 : i32
      %dma_wait3A_408 = tpu.memref_slice %arg4[%dma_wait3A_397, %dma_wait3A_398, %dma_wait3A_399, %dma_wait3A_407] : memref<200x4x128x1024xf32, #tpu.memory_space<hbm>> -> memref<1x1x1x1024xf32, #tpu.memory_space<hbm>>
      %dma_wait3A_409 = tpu.memref_squeeze %dma_wait3A_408 : memref<1x1x1x1024xf32, #tpu.memory_space<hbm>> -> memref<1024xf32, #tpu.memory_space<hbm>>
      tpu.wait_dma2 semaphore(%arg13 : memref<!tpu.dma_semaphore, #tpu.memory_space<semaphore_mem>>) src(%dma_wait3A_409 : memref<1024xf32, #tpu.memory_space<hbm>>) dst(%dma_wait3A_406 : memref<1024xf32, #tpu.memory_space<vmem>>)
      %dma_wait3A_410 = arith.constant 0 : i32
      %dma_wait3A_411 = arith.constant 0 : i32
      %dma_wait3A_412 = arith.constant 0 : i32
      %dma_wait3A_413 = arith.constant 0 : i32
      %dma_wait3A_414 = tpu.memref_slice %arg9[%dma_wait3A_413] : memref<16384xf32, #tpu.memory_space<vmem>> -> memref<1024xf32, #tpu.memory_space<vmem>>
      %dma_wait3A_415 = arith.constant 0 : i32
      %dma_wait3A_416 = tpu.memref_slice %arg4[%dma_wait3A_410, %dma_wait3A_411, %dma_wait3A_412, %dma_wait3A_415] : memref<200x4x128x1024xf32, #tpu.memory_space<hbm>> -> memref<1x1x1x1024xf32, #tpu.memory_space<hbm>>
      %dma_wait3A_417 = tpu.memref_squeeze %dma_wait3A_416 : memref<1x1x1x1024xf32, #tpu.memory_space<hbm>> -> memref<1024xf32, #tpu.memory_space<hbm>>
      %dma_wait3A_418 = arith.constant 0 : i32
      %dma_wait3A_419 = tpu.memref_slice %arg9[%dma_wait3A_418] : memref<16384xf32, #tpu.memory_space<vmem>> -> memref<1024xf32, #tpu.memory_space<vmem>>
      %dma_wait3A_420 = arith.constant 0 : i32
      %dma_wait3A_421 = tpu.memref_slice %arg4[%dma_wait3A_410, %dma_wait3A_411, %dma_wait3A_412, %dma_wait3A_420] : memref<200x4x128x1024xf32, #tpu.memory_space<hbm>> -> memref<1x1x1x1024xf32, #tpu.memory_space<hbm>>
      %dma_wait3A_422 = tpu.memref_squeeze %dma_wait3A_421 : memref<1x1x1x1024xf32, #tpu.memory_space<hbm>> -> memref<1024xf32, #tpu.memory_space<hbm>>
      tpu.wait_dma2 semaphore(%arg13 : memref<!tpu.dma_semaphore, #tpu.memory_space<semaphore_mem>>) src(%dma_wait3A_422 : memref<1024xf32, #tpu.memory_space<hbm>>) dst(%dma_wait3A_419 : memref<1024xf32, #tpu.memory_space<vmem>>)
      %dma_wait3A_423 = arith.constant 0 : i32
      %dma_wait3A_424 = arith.constant 0 : i32
      %dma_wait3A_425 = arith.constant 0 : i32
      %dma_wait3A_426 = arith.constant 0 : i32
      %dma_wait3A_427 = tpu.memref_slice %arg9[%dma_wait3A_426] : memref<16384xf32, #tpu.memory_space<vmem>> -> memref<1024xf32, #tpu.memory_space<vmem>>
      %dma_wait3A_428 = arith.constant 0 : i32
      %dma_wait3A_429 = tpu.memref_slice %arg4[%dma_wait3A_423, %dma_wait3A_424, %dma_wait3A_425, %dma_wait3A_428] : memref<200x4x128x1024xf32, #tpu.memory_space<hbm>> -> memref<1x1x1x1024xf32, #tpu.memory_space<hbm>>
      %dma_wait3A_430 = tpu.memref_squeeze %dma_wait3A_429 : memref<1x1x1x1024xf32, #tpu.memory_space<hbm>> -> memref<1024xf32, #tpu.memory_space<hbm>>
      %dma_wait3A_431 = arith.constant 0 : i32
      %dma_wait3A_432 = tpu.memref_slice %arg9[%dma_wait3A_431] : memref<16384xf32, #tpu.memory_space<vmem>> -> memref<1024xf32, #tpu.memory_space<vmem>>
      %dma_wait3A_433 = arith.constant 0 : i32
      %dma_wait3A_434 = tpu.memref_slice %arg4[%dma_wait3A_423, %dma_wait3A_424, %dma_wait3A_425, %dma_wait3A_433] : memref<200x4x128x1024xf32, #tpu.memory_space<hbm>> -> memref<1x1x1x1024xf32, #tpu.memory_space<hbm>>
      %dma_wait3A_435 = tpu.memref_squeeze %dma_wait3A_434 : memref<1x1x1x1024xf32, #tpu.memory_space<hbm>> -> memref<1024xf32, #tpu.memory_space<hbm>>
      tpu.wait_dma2 semaphore(%arg13 : memref<!tpu.dma_semaphore, #tpu.memory_space<semaphore_mem>>) src(%dma_wait3A_435 : memref<1024xf32, #tpu.memory_space<hbm>>) dst(%dma_wait3A_432 : memref<1024xf32, #tpu.memory_space<vmem>>)
      %dma_wait3A_436 = arith.constant 0 : i32
      %dma_wait3A_437 = arith.constant 0 : i32
      %dma_wait3A_438 = arith.constant 0 : i32
      %dma_wait3A_439 = arith.constant 0 : i32
      %dma_wait3A_440 = tpu.memref_slice %arg9[%dma_wait3A_439] : memref<16384xf32, #tpu.memory_space<vmem>> -> memref<1024xf32, #tpu.memory_space<vmem>>
      %dma_wait3A_441 = arith.constant 0 : i32
      %dma_wait3A_442 = tpu.memref_slice %arg4[%dma_wait3A_436, %dma_wait3A_437, %dma_wait3A_438, %dma_wait3A_441] : memref<200x4x128x1024xf32, #tpu.memory_space<hbm>> -> memref<1x1x1x1024xf32, #tpu.memory_space<hbm>>
      %dma_wait3A_443 = tpu.memref_squeeze %dma_wait3A_442 : memref<1x1x1x1024xf32, #tpu.memory_space<hbm>> -> memref<1024xf32, #tpu.memory_space<hbm>>
      %dma_wait3A_444 = arith.constant 0 : i32
      %dma_wait3A_445 = tpu.memref_slice %arg9[%dma_wait3A_444] : memref<16384xf32, #tpu.memory_space<vmem>> -> memref<1024xf32, #tpu.memory_space<vmem>>
      %dma_wait3A_446 = arith.constant 0 : i32
      %dma_wait3A_447 = tpu.memref_slice %arg4[%dma_wait3A_436, %dma_wait3A_437, %dma_wait3A_438, %dma_wait3A_446] : memref<200x4x128x1024xf32, #tpu.memory_space<hbm>> -> memref<1x1x1x1024xf32, #tpu.memory_space<hbm>>
      %dma_wait3A_448 = tpu.memref_squeeze %dma_wait3A_447 : memref<1x1x1x1024xf32, #tpu.memory_space<hbm>> -> memref<1024xf32, #tpu.memory_space<hbm>>
      tpu.wait_dma2 semaphore(%arg13 : memref<!tpu.dma_semaphore, #tpu.memory_space<semaphore_mem>>) src(%dma_wait3A_448 : memref<1024xf32, #tpu.memory_space<hbm>>) dst(%dma_wait3A_445 : memref<1024xf32, #tpu.memory_space<vmem>>)
      %dma_wait3A_449 = arith.constant 0 : i32
      %dma_wait3A_450 = arith.constant 0 : i32
      %dma_wait3A_451 = arith.constant 0 : i32
      %dma_wait3A_452 = arith.constant 0 : i32
      %dma_wait3A_453 = tpu.memref_slice %arg9[%dma_wait3A_452] : memref<16384xf32, #tpu.memory_space<vmem>> -> memref<1024xf32, #tpu.memory_space<vmem>>
      %dma_wait3A_454 = arith.constant 0 : i32
      %dma_wait3A_455 = tpu.memref_slice %arg4[%dma_wait3A_449, %dma_wait3A_450, %dma_wait3A_451, %dma_wait3A_454] : memref<200x4x128x1024xf32, #tpu.memory_space<hbm>> -> memref<1x1x1x1024xf32, #tpu.memory_space<hbm>>
      %dma_wait3A_456 = tpu.memref_squeeze %dma_wait3A_455 : memref<1x1x1x1024xf32, #tpu.memory_space<hbm>> -> memref<1024xf32, #tpu.memory_space<hbm>>
      %dma_wait3A_457 = arith.constant 0 : i32
      %dma_wait3A_458 = tpu.memref_slice %arg9[%dma_wait3A_457] : memref<16384xf32, #tpu.memory_space<vmem>> -> memref<1024xf32, #tpu.memory_space<vmem>>
      %dma_wait3A_459 = arith.constant 0 : i32
      %dma_wait3A_460 = tpu.memref_slice %arg4[%dma_wait3A_449, %dma_wait3A_450, %dma_wait3A_451, %dma_wait3A_459] : memref<200x4x128x1024xf32, #tpu.memory_space<hbm>> -> memref<1x1x1x1024xf32, #tpu.memory_space<hbm>>
      %dma_wait3A_461 = tpu.memref_squeeze %dma_wait3A_460 : memref<1x1x1x1024xf32, #tpu.memory_space<hbm>> -> memref<1024xf32, #tpu.memory_space<hbm>>
      tpu.wait_dma2 semaphore(%arg13 : memref<!tpu.dma_semaphore, #tpu.memory_space<semaphore_mem>>) src(%dma_wait3A_461 : memref<1024xf32, #tpu.memory_space<hbm>>) dst(%dma_wait3A_458 : memref<1024xf32, #tpu.memory_space<vmem>>)
      %dma_wait3A_462 = arith.constant 0 : i32
      %dma_wait3A_463 = arith.constant 0 : i32
      %dma_wait3A_464 = arith.constant 0 : i32
      %dma_wait3A_465 = arith.constant 0 : i32
      %dma_wait3A_466 = tpu.memref_slice %arg9[%dma_wait3A_465] : memref<16384xf32, #tpu.memory_space<vmem>> -> memref<1024xf32, #tpu.memory_space<vmem>>
      %dma_wait3A_467 = arith.constant 0 : i32
      %dma_wait3A_468 = tpu.memref_slice %arg4[%dma_wait3A_462, %dma_wait3A_463, %dma_wait3A_464, %dma_wait3A_467] : memref<200x4x128x1024xf32, #tpu.memory_space<hbm>> -> memref<1x1x1x1024xf32, #tpu.memory_space<hbm>>
      %dma_wait3A_469 = tpu.memref_squeeze %dma_wait3A_468 : memref<1x1x1x1024xf32, #tpu.memory_space<hbm>> -> memref<1024xf32, #tpu.memory_space<hbm>>
      %dma_wait3A_470 = arith.constant 0 : i32
      %dma_wait3A_471 = tpu.memref_slice %arg9[%dma_wait3A_470] : memref<16384xf32, #tpu.memory_space<vmem>> -> memref<1024xf32, #tpu.memory_space<vmem>>
      %dma_wait3A_472 = arith.constant 0 : i32
      %dma_wait3A_473 = tpu.memref_slice %arg4[%dma_wait3A_462, %dma_wait3A_463, %dma_wait3A_464, %dma_wait3A_472] : memref<200x4x128x1024xf32, #tpu.memory_space<hbm>> -> memref<1x1x1x1024xf32, #tpu.memory_space<hbm>>
      %dma_wait3A_474 = tpu.memref_squeeze %dma_wait3A_473 : memref<1x1x1x1024xf32, #tpu.memory_space<hbm>> -> memref<1024xf32, #tpu.memory_space<hbm>>
      tpu.wait_dma2 semaphore(%arg13 : memref<!tpu.dma_semaphore, #tpu.memory_space<semaphore_mem>>) src(%dma_wait3A_474 : memref<1024xf32, #tpu.memory_space<hbm>>) dst(%dma_wait3A_471 : memref<1024xf32, #tpu.memory_space<vmem>>)
      %dma_wait3A_475 = arith.constant 0 : i32
      %dma_wait3A_476 = arith.constant 0 : i32
      %dma_wait3A_477 = arith.constant 0 : i32
      %dma_wait3A_478 = arith.constant 0 : i32
      %dma_wait3A_479 = tpu.memref_slice %arg9[%dma_wait3A_478] : memref<16384xf32, #tpu.memory_space<vmem>> -> memref<1024xf32, #tpu.memory_space<vmem>>
      %dma_wait3A_480 = arith.constant 0 : i32
      %dma_wait3A_481 = tpu.memref_slice %arg4[%dma_wait3A_475, %dma_wait3A_476, %dma_wait3A_477, %dma_wait3A_480] : memref<200x4x128x1024xf32, #tpu.memory_space<hbm>> -> memref<1x1x1x1024xf32, #tpu.memory_space<hbm>>
      %dma_wait3A_482 = tpu.memref_squeeze %dma_wait3A_481 : memref<1x1x1x1024xf32, #tpu.memory_space<hbm>> -> memref<1024xf32, #tpu.memory_space<hbm>>
      %dma_wait3A_483 = arith.constant 0 : i32
      %dma_wait3A_484 = tpu.memref_slice %arg9[%dma_wait3A_483] : memref<16384xf32, #tpu.memory_space<vmem>> -> memref<1024xf32, #tpu.memory_space<vmem>>
      %dma_wait3A_485 = arith.constant 0 : i32
      %dma_wait3A_486 = tpu.memref_slice %arg4[%dma_wait3A_475, %dma_wait3A_476, %dma_wait3A_477, %dma_wait3A_485] : memref<200x4x128x1024xf32, #tpu.memory_space<hbm>> -> memref<1x1x1x1024xf32, #tpu.memory_space<hbm>>
      %dma_wait3A_487 = tpu.memref_squeeze %dma_wait3A_486 : memref<1x1x1x1024xf32, #tpu.memory_space<hbm>> -> memref<1024xf32, #tpu.memory_space<hbm>>
      tpu.wait_dma2 semaphore(%arg13 : memref<!tpu.dma_semaphore, #tpu.memory_space<semaphore_mem>>) src(%dma_wait3A_487 : memref<1024xf32, #tpu.memory_space<hbm>>) dst(%dma_wait3A_484 : memref<1024xf32, #tpu.memory_space<vmem>>)
      %dma_wait3A_488 = arith.constant 0 : i32
      %dma_wait3A_489 = arith.constant 0 : i32
      %dma_wait3A_490 = arith.constant 0 : i32
      %dma_wait3A_491 = arith.constant 0 : i32
      %dma_wait3A_492 = tpu.memref_slice %arg10[%dma_wait3A_491] : memref<16384xf32, #tpu.memory_space<vmem>> -> memref<1024xf32, #tpu.memory_space<vmem>>
      %dma_wait3A_493 = arith.constant 0 : i32
      %dma_wait3A_494 = tpu.memref_slice %arg4[%dma_wait3A_488, %dma_wait3A_489, %dma_wait3A_490, %dma_wait3A_493] : memref<200x4x128x1024xf32, #tpu.memory_space<hbm>> -> memref<1x1x1x1024xf32, #tpu.memory_space<hbm>>
      %dma_wait3A_495 = tpu.memref_squeeze %dma_wait3A_494 : memref<1x1x1x1024xf32, #tpu.memory_space<hbm>> -> memref<1024xf32, #tpu.memory_space<hbm>>
      %dma_wait3A_496 = arith.constant 0 : i32
      %dma_wait3A_497 = tpu.memref_slice %arg10[%dma_wait3A_496] : memref<16384xf32, #tpu.memory_space<vmem>> -> memref<1024xf32, #tpu.memory_space<vmem>>
      %dma_wait3A_498 = arith.constant 0 : i32
      %dma_wait3A_499 = tpu.memref_slice %arg4[%dma_wait3A_488, %dma_wait3A_489, %dma_wait3A_490, %dma_wait3A_498] : memref<200x4x128x1024xf32, #tpu.memory_space<hbm>> -> memref<1x1x1x1024xf32, #tpu.memory_space<hbm>>
      %dma_wait3A_500 = tpu.memref_squeeze %dma_wait3A_499 : memref<1x1x1x1024xf32, #tpu.memory_space<hbm>> -> memref<1024xf32, #tpu.memory_space<hbm>>
      tpu.wait_dma2 semaphore(%arg14 : memref<!tpu.dma_semaphore, #tpu.memory_space<semaphore_mem>>) src(%dma_wait3A_500 : memref<1024xf32, #tpu.memory_space<hbm>>) dst(%dma_wait3A_497 : memref<1024xf32, #tpu.memory_space<vmem>>)
      %dma_wait3A_501 = arith.constant 0 : i32
      %dma_wait3A_502 = arith.constant 0 : i32
      %dma_wait3A_503 = arith.constant 0 : i32
      %dma_wait3A_504 = arith.constant 0 : i32
      %dma_wait3A_505 = tpu.memref_slice %arg10[%dma_wait3A_504] : memref<16384xf32, #tpu.memory_space<vmem>> -> memref<1024xf32, #tpu.memory_space<vmem>>
      %dma_wait3A_506 = arith.constant 0 : i32
      %dma_wait3A_507 = tpu.memref_slice %arg4[%dma_wait3A_501, %dma_wait3A_502, %dma_wait3A_503, %dma_wait3A_506] : memref<200x4x128x1024xf32, #tpu.memory_space<hbm>> -> memref<1x1x1x1024xf32, #tpu.memory_space<hbm>>
      %dma_wait3A_508 = tpu.memref_squeeze %dma_wait3A_507 : memref<1x1x1x1024xf32, #tpu.memory_space<hbm>> -> memref<1024xf32, #tpu.memory_space<hbm>>
      %dma_wait3A_509 = arith.constant 0 : i32
      %dma_wait3A_510 = tpu.memref_slice %arg10[%dma_wait3A_509] : memref<16384xf32, #tpu.memory_space<vmem>> -> memref<1024xf32, #tpu.memory_space<vmem>>
      %dma_wait3A_511 = arith.constant 0 : i32
      %dma_wait3A_512 = tpu.memref_slice %arg4[%dma_wait3A_501, %dma_wait3A_502, %dma_wait3A_503, %dma_wait3A_511] : memref<200x4x128x1024xf32, #tpu.memory_space<hbm>> -> memref<1x1x1x1024xf32, #tpu.memory_space<hbm>>
      %dma_wait3A_513 = tpu.memref_squeeze %dma_wait3A_512 : memref<1x1x1x1024xf32, #tpu.memory_space<hbm>> -> memref<1024xf32, #tpu.memory_space<hbm>>
      tpu.wait_dma2 semaphore(%arg14 : memref<!tpu.dma_semaphore, #tpu.memory_space<semaphore_mem>>) src(%dma_wait3A_513 : memref<1024xf32, #tpu.memory_space<hbm>>) dst(%dma_wait3A_510 : memref<1024xf32, #tpu.memory_space<vmem>>)
      %dma_wait3A_514 = arith.constant 0 : i32
      %dma_wait3A_515 = arith.constant 0 : i32
      %dma_wait3A_516 = arith.constant 0 : i32
      %dma_wait3A_517 = arith.constant 0 : i32
      %dma_wait3A_518 = tpu.memref_slice %arg10[%dma_wait3A_517] : memref<16384xf32, #tpu.memory_space<vmem>> -> memref<1024xf32, #tpu.memory_space<vmem>>
      %dma_wait3A_519 = arith.constant 0 : i32
      %dma_wait3A_520 = tpu.memref_slice %arg4[%dma_wait3A_514, %dma_wait3A_515, %dma_wait3A_516, %dma_wait3A_519] : memref<200x4x128x1024xf32, #tpu.memory_space<hbm>> -> memref<1x1x1x1024xf32, #tpu.memory_space<hbm>>
      %dma_wait3A_521 = tpu.memref_squeeze %dma_wait3A_520 : memref<1x1x1x1024xf32, #tpu.memory_space<hbm>> -> memref<1024xf32, #tpu.memory_space<hbm>>
      %dma_wait3A_522 = arith.constant 0 : i32
      %dma_wait3A_523 = tpu.memref_slice %arg10[%dma_wait3A_522] : memref<16384xf32, #tpu.memory_space<vmem>> -> memref<1024xf32, #tpu.memory_space<vmem>>
      %dma_wait3A_524 = arith.constant 0 : i32
      %dma_wait3A_525 = tpu.memref_slice %arg4[%dma_wait3A_514, %dma_wait3A_515, %dma_wait3A_516, %dma_wait3A_524] : memref<200x4x128x1024xf32, #tpu.memory_space<hbm>> -> memref<1x1x1x1024xf32, #tpu.memory_space<hbm>>
      %dma_wait3A_526 = tpu.memref_squeeze %dma_wait3A_525 : memref<1x1x1x1024xf32, #tpu.memory_space<hbm>> -> memref<1024xf32, #tpu.memory_space<hbm>>
      tpu.wait_dma2 semaphore(%arg14 : memref<!tpu.dma_semaphore, #tpu.memory_space<semaphore_mem>>) src(%dma_wait3A_526 : memref<1024xf32, #tpu.memory_space<hbm>>) dst(%dma_wait3A_523 : memref<1024xf32, #tpu.memory_space<vmem>>)
      %dma_wait3A_527 = arith.constant 0 : i32
      %dma_wait3A_528 = arith.constant 0 : i32
      %dma_wait3A_529 = arith.constant 0 : i32
      %dma_wait3A_530 = arith.constant 0 : i32
      %dma_wait3A_531 = tpu.memref_slice %arg10[%dma_wait3A_530] : memref<16384xf32, #tpu.memory_space<vmem>> -> memref<1024xf32, #tpu.memory_space<vmem>>
      %dma_wait3A_532 = arith.constant 0 : i32
      %dma_wait3A_533 = tpu.memref_slice %arg4[%dma_wait3A_527, %dma_wait3A_528, %dma_wait3A_529, %dma_wait3A_532] : memref<200x4x128x1024xf32, #tpu.memory_space<hbm>> -> memref<1x1x1x1024xf32, #tpu.memory_space<hbm>>
      %dma_wait3A_534 = tpu.memref_squeeze %dma_wait3A_533 : memref<1x1x1x1024xf32, #tpu.memory_space<hbm>> -> memref<1024xf32, #tpu.memory_space<hbm>>
      %dma_wait3A_535 = arith.constant 0 : i32
      %dma_wait3A_536 = tpu.memref_slice %arg10[%dma_wait3A_535] : memref<16384xf32, #tpu.memory_space<vmem>> -> memref<1024xf32, #tpu.memory_space<vmem>>
      %dma_wait3A_537 = arith.constant 0 : i32
      %dma_wait3A_538 = tpu.memref_slice %arg4[%dma_wait3A_527, %dma_wait3A_528, %dma_wait3A_529, %dma_wait3A_537] : memref<200x4x128x1024xf32, #tpu.memory_space<hbm>> -> memref<1x1x1x1024xf32, #tpu.memory_space<hbm>>
      %dma_wait3A_539 = tpu.memref_squeeze %dma_wait3A_538 : memref<1x1x1x1024xf32, #tpu.memory_space<hbm>> -> memref<1024xf32, #tpu.memory_space<hbm>>
      tpu.wait_dma2 semaphore(%arg14 : memref<!tpu.dma_semaphore, #tpu.memory_space<semaphore_mem>>) src(%dma_wait3A_539 : memref<1024xf32, #tpu.memory_space<hbm>>) dst(%dma_wait3A_536 : memref<1024xf32, #tpu.memory_space<vmem>>)
      %dma_wait3A_540 = arith.constant 0 : i32
      %dma_wait3A_541 = arith.constant 0 : i32
      %dma_wait3A_542 = arith.constant 0 : i32
      %dma_wait3A_543 = arith.constant 0 : i32
      %dma_wait3A_544 = tpu.memref_slice %arg10[%dma_wait3A_543] : memref<16384xf32, #tpu.memory_space<vmem>> -> memref<1024xf32, #tpu.memory_space<vmem>>
      %dma_wait3A_545 = arith.constant 0 : i32
      %dma_wait3A_546 = tpu.memref_slice %arg4[%dma_wait3A_540, %dma_wait3A_541, %dma_wait3A_542, %dma_wait3A_545] : memref<200x4x128x1024xf32, #tpu.memory_space<hbm>> -> memref<1x1x1x1024xf32, #tpu.memory_space<hbm>>
      %dma_wait3A_547 = tpu.memref_squeeze %dma_wait3A_546 : memref<1x1x1x1024xf32, #tpu.memory_space<hbm>> -> memref<1024xf32, #tpu.memory_space<hbm>>
      %dma_wait3A_548 = arith.constant 0 : i32
      %dma_wait3A_549 = tpu.memref_slice %arg10[%dma_wait3A_548] : memref<16384xf32, #tpu.memory_space<vmem>> -> memref<1024xf32, #tpu.memory_space<vmem>>
      %dma_wait3A_550 = arith.constant 0 : i32
      %dma_wait3A_551 = tpu.memref_slice %arg4[%dma_wait3A_540, %dma_wait3A_541, %dma_wait3A_542, %dma_wait3A_550] : memref<200x4x128x1024xf32, #tpu.memory_space<hbm>> -> memref<1x1x1x1024xf32, #tpu.memory_space<hbm>>
      %dma_wait3A_552 = tpu.memref_squeeze %dma_wait3A_551 : memref<1x1x1x1024xf32, #tpu.memory_space<hbm>> -> memref<1024xf32, #tpu.memory_space<hbm>>
      tpu.wait_dma2 semaphore(%arg14 : memref<!tpu.dma_semaphore, #tpu.memory_space<semaphore_mem>>) src(%dma_wait3A_552 : memref<1024xf32, #tpu.memory_space<hbm>>) dst(%dma_wait3A_549 : memref<1024xf32, #tpu.memory_space<vmem>>)
      %dma_wait3A_553 = arith.constant 0 : i32
      %dma_wait3A_554 = arith.constant 0 : i32
      %dma_wait3A_555 = arith.constant 0 : i32
      %dma_wait3A_556 = arith.constant 0 : i32
      %dma_wait3A_557 = tpu.memref_slice %arg10[%dma_wait3A_556] : memref<16384xf32, #tpu.memory_space<vmem>> -> memref<1024xf32, #tpu.memory_space<vmem>>
      %dma_wait3A_558 = arith.constant 0 : i32
      %dma_wait3A_559 = tpu.memref_slice %arg4[%dma_wait3A_553, %dma_wait3A_554, %dma_wait3A_555, %dma_wait3A_558] : memref<200x4x128x1024xf32, #tpu.memory_space<hbm>> -> memref<1x1x1x1024xf32, #tpu.memory_space<hbm>>
      %dma_wait3A_560 = tpu.memref_squeeze %dma_wait3A_559 : memref<1x1x1x1024xf32, #tpu.memory_space<hbm>> -> memref<1024xf32, #tpu.memory_space<hbm>>
      %dma_wait3A_561 = arith.constant 0 : i32
      %dma_wait3A_562 = tpu.memref_slice %arg10[%dma_wait3A_561] : memref<16384xf32, #tpu.memory_space<vmem>> -> memref<1024xf32, #tpu.memory_space<vmem>>
      %dma_wait3A_563 = arith.constant 0 : i32
      %dma_wait3A_564 = tpu.memref_slice %arg4[%dma_wait3A_553, %dma_wait3A_554, %dma_wait3A_555, %dma_wait3A_563] : memref<200x4x128x1024xf32, #tpu.memory_space<hbm>> -> memref<1x1x1x1024xf32, #tpu.memory_space<hbm>>
      %dma_wait3A_565 = tpu.memref_squeeze %dma_wait3A_564 : memref<1x1x1x1024xf32, #tpu.memory_space<hbm>> -> memref<1024xf32, #tpu.memory_space<hbm>>
      tpu.wait_dma2 semaphore(%arg14 : memref<!tpu.dma_semaphore, #tpu.memory_space<semaphore_mem>>) src(%dma_wait3A_565 : memref<1024xf32, #tpu.memory_space<hbm>>) dst(%dma_wait3A_562 : memref<1024xf32, #tpu.memory_space<vmem>>)
      %dma_wait3A_566 = arith.constant 0 : i32
      %dma_wait3A_567 = arith.constant 0 : i32
      %dma_wait3A_568 = arith.constant 0 : i32
      %dma_wait3A_569 = arith.constant 0 : i32
      %dma_wait3A_570 = tpu.memref_slice %arg10[%dma_wait3A_569] : memref<16384xf32, #tpu.memory_space<vmem>> -> memref<1024xf32, #tpu.memory_space<vmem>>
      %dma_wait3A_571 = arith.constant 0 : i32
      %dma_wait3A_572 = tpu.memref_slice %arg4[%dma_wait3A_566, %dma_wait3A_567, %dma_wait3A_568, %dma_wait3A_571] : memref<200x4x128x1024xf32, #tpu.memory_space<hbm>> -> memref<1x1x1x1024xf32, #tpu.memory_space<hbm>>
      %dma_wait3A_573 = tpu.memref_squeeze %dma_wait3A_572 : memref<1x1x1x1024xf32, #tpu.memory_space<hbm>> -> memref<1024xf32, #tpu.memory_space<hbm>>
      %dma_wait3A_574 = arith.constant 0 : i32
      %dma_wait3A_575 = tpu.memref_slice %arg10[%dma_wait3A_574] : memref<16384xf32, #tpu.memory_space<vmem>> -> memref<1024xf32, #tpu.memory_space<vmem>>
      %dma_wait3A_576 = arith.constant 0 : i32
      %dma_wait3A_577 = tpu.memref_slice %arg4[%dma_wait3A_566, %dma_wait3A_567, %dma_wait3A_568, %dma_wait3A_576] : memref<200x4x128x1024xf32, #tpu.memory_space<hbm>> -> memref<1x1x1x1024xf32, #tpu.memory_space<hbm>>
      %dma_wait3A_578 = tpu.memref_squeeze %dma_wait3A_577 : memref<1x1x1x1024xf32, #tpu.memory_space<hbm>> -> memref<1024xf32, #tpu.memory_space<hbm>>
      tpu.wait_dma2 semaphore(%arg14 : memref<!tpu.dma_semaphore, #tpu.memory_space<semaphore_mem>>) src(%dma_wait3A_578 : memref<1024xf32, #tpu.memory_space<hbm>>) dst(%dma_wait3A_575 : memref<1024xf32, #tpu.memory_space<vmem>>)
      %dma_wait3A_579 = arith.constant 0 : i32
      %dma_wait3A_580 = arith.constant 0 : i32
      %dma_wait3A_581 = arith.constant 0 : i32
      %dma_wait3A_582 = arith.constant 0 : i32
      %dma_wait3A_583 = tpu.memref_slice %arg10[%dma_wait3A_582] : memref<16384xf32, #tpu.memory_space<vmem>> -> memref<1024xf32, #tpu.memory_space<vmem>>
      %dma_wait3A_584 = arith.constant 0 : i32
      %dma_wait3A_585 = tpu.memref_slice %arg4[%dma_wait3A_579, %dma_wait3A_580, %dma_wait3A_581, %dma_wait3A_584] : memref<200x4x128x1024xf32, #tpu.memory_space<hbm>> -> memref<1x1x1x1024xf32, #tpu.memory_space<hbm>>
      %dma_wait3A_586 = tpu.memref_squeeze %dma_wait3A_585 : memref<1x1x1x1024xf32, #tpu.memory_space<hbm>> -> memref<1024xf32, #tpu.memory_space<hbm>>
      %dma_wait3A_587 = arith.constant 0 : i32
      %dma_wait3A_588 = tpu.memref_slice %arg10[%dma_wait3A_587] : memref<16384xf32, #tpu.memory_space<vmem>> -> memref<1024xf32, #tpu.memory_space<vmem>>
      %dma_wait3A_589 = arith.constant 0 : i32
      %dma_wait3A_590 = tpu.memref_slice %arg4[%dma_wait3A_579, %dma_wait3A_580, %dma_wait3A_581, %dma_wait3A_589] : memref<200x4x128x1024xf32, #tpu.memory_space<hbm>> -> memref<1x1x1x1024xf32, #tpu.memory_space<hbm>>
      %dma_wait3A_591 = tpu.memref_squeeze %dma_wait3A_590 : memref<1x1x1x1024xf32, #tpu.memory_space<hbm>> -> memref<1024xf32, #tpu.memory_space<hbm>>
      tpu.wait_dma2 semaphore(%arg14 : memref<!tpu.dma_semaphore, #tpu.memory_space<semaphore_mem>>) src(%dma_wait3A_591 : memref<1024xf32, #tpu.memory_space<hbm>>) dst(%dma_wait3A_588 : memref<1024xf32, #tpu.memory_space<vmem>>)
      %dma_wait3A_592 = arith.constant 0 : i32
      %dma_wait3A_593 = arith.constant 0 : i32
      %dma_wait3A_594 = arith.constant 0 : i32
      %dma_wait3A_595 = arith.constant 0 : i32
      %dma_wait3A_596 = tpu.memref_slice %arg10[%dma_wait3A_595] : memref<16384xf32, #tpu.memory_space<vmem>> -> memref<1024xf32, #tpu.memory_space<vmem>>
      %dma_wait3A_597 = arith.constant 0 : i32
      %dma_wait3A_598 = tpu.memref_slice %arg4[%dma_wait3A_592, %dma_wait3A_593, %dma_wait3A_594, %dma_wait3A_597] : memref<200x4x128x1024xf32, #tpu.memory_space<hbm>> -> memref<1x1x1x1024xf32, #tpu.memory_space<hbm>>
      %dma_wait3A_599 = tpu.memref_squeeze %dma_wait3A_598 : memref<1x1x1x1024xf32, #tpu.memory_space<hbm>> -> memref<1024xf32, #tpu.memory_space<hbm>>
      %dma_wait3A_600 = arith.constant 0 : i32
      %dma_wait3A_601 = tpu.memref_slice %arg10[%dma_wait3A_600] : memref<16384xf32, #tpu.memory_space<vmem>> -> memref<1024xf32, #tpu.memory_space<vmem>>
      %dma_wait3A_602 = arith.constant 0 : i32
      %dma_wait3A_603 = tpu.memref_slice %arg4[%dma_wait3A_592, %dma_wait3A_593, %dma_wait3A_594, %dma_wait3A_602] : memref<200x4x128x1024xf32, #tpu.memory_space<hbm>> -> memref<1x1x1x1024xf32, #tpu.memory_space<hbm>>
      %dma_wait3A_604 = tpu.memref_squeeze %dma_wait3A_603 : memref<1x1x1x1024xf32, #tpu.memory_space<hbm>> -> memref<1024xf32, #tpu.memory_space<hbm>>
      tpu.wait_dma2 semaphore(%arg14 : memref<!tpu.dma_semaphore, #tpu.memory_space<semaphore_mem>>) src(%dma_wait3A_604 : memref<1024xf32, #tpu.memory_space<hbm>>) dst(%dma_wait3A_601 : memref<1024xf32, #tpu.memory_space<vmem>>)
      %dma_wait3A_605 = arith.constant 0 : i32
      %dma_wait3A_606 = arith.constant 0 : i32
      %dma_wait3A_607 = arith.constant 0 : i32
      %dma_wait3A_608 = arith.constant 0 : i32
      %dma_wait3A_609 = tpu.memref_slice %arg10[%dma_wait3A_608] : memref<16384xf32, #tpu.memory_space<vmem>> -> memref<1024xf32, #tpu.memory_space<vmem>>
      %dma_wait3A_610 = arith.constant 0 : i32
      %dma_wait3A_611 = tpu.memref_slice %arg4[%dma_wait3A_605, %dma_wait3A_606, %dma_wait3A_607, %dma_wait3A_610] : memref<200x4x128x1024xf32, #tpu.memory_space<hbm>> -> memref<1x1x1x1024xf32, #tpu.memory_space<hbm>>
      %dma_wait3A_612 = tpu.memref_squeeze %dma_wait3A_611 : memref<1x1x1x1024xf32, #tpu.memory_space<hbm>> -> memref<1024xf32, #tpu.memory_space<hbm>>
      %dma_wait3A_613 = arith.constant 0 : i32
      %dma_wait3A_614 = tpu.memref_slice %arg10[%dma_wait3A_613] : memref<16384xf32, #tpu.memory_space<vmem>> -> memref<1024xf32, #tpu.memory_space<vmem>>
      %dma_wait3A_615 = arith.constant 0 : i32
      %dma_wait3A_616 = tpu.memref_slice %arg4[%dma_wait3A_605, %dma_wait3A_606, %dma_wait3A_607, %dma_wait3A_615] : memref<200x4x128x1024xf32, #tpu.memory_space<hbm>> -> memref<1x1x1x1024xf32, #tpu.memory_space<hbm>>
      %dma_wait3A_617 = tpu.memref_squeeze %dma_wait3A_616 : memref<1x1x1x1024xf32, #tpu.memory_space<hbm>> -> memref<1024xf32, #tpu.memory_space<hbm>>
      tpu.wait_dma2 semaphore(%arg14 : memref<!tpu.dma_semaphore, #tpu.memory_space<semaphore_mem>>) src(%dma_wait3A_617 : memref<1024xf32, #tpu.memory_space<hbm>>) dst(%dma_wait3A_614 : memref<1024xf32, #tpu.memory_space<vmem>>)
      %dma_wait3A_618 = arith.constant 0 : i32
      %dma_wait3A_619 = arith.constant 0 : i32
      %dma_wait3A_620 = arith.constant 0 : i32
      %dma_wait3A_621 = arith.constant 0 : i32
      %dma_wait3A_622 = tpu.memref_slice %arg10[%dma_wait3A_621] : memref<16384xf32, #tpu.memory_space<vmem>> -> memref<1024xf32, #tpu.memory_space<vmem>>
      %dma_wait3A_623 = arith.constant 0 : i32
      %dma_wait3A_624 = tpu.memref_slice %arg4[%dma_wait3A_618, %dma_wait3A_619, %dma_wait3A_620, %dma_wait3A_623] : memref<200x4x128x1024xf32, #tpu.memory_space<hbm>> -> memref<1x1x1x1024xf32, #tpu.memory_space<hbm>>
      %dma_wait3A_625 = tpu.memref_squeeze %dma_wait3A_624 : memref<1x1x1x1024xf32, #tpu.memory_space<hbm>> -> memref<1024xf32, #tpu.memory_space<hbm>>
      %dma_wait3A_626 = arith.constant 0 : i32
      %dma_wait3A_627 = tpu.memref_slice %arg10[%dma_wait3A_626] : memref<16384xf32, #tpu.memory_space<vmem>> -> memref<1024xf32, #tpu.memory_space<vmem>>
      %dma_wait3A_628 = arith.constant 0 : i32
      %dma_wait3A_629 = tpu.memref_slice %arg4[%dma_wait3A_618, %dma_wait3A_619, %dma_wait3A_620, %dma_wait3A_628] : memref<200x4x128x1024xf32, #tpu.memory_space<hbm>> -> memref<1x1x1x1024xf32, #tpu.memory_space<hbm>>
      %dma_wait3A_630 = tpu.memref_squeeze %dma_wait3A_629 : memref<1x1x1x1024xf32, #tpu.memory_space<hbm>> -> memref<1024xf32, #tpu.memory_space<hbm>>
      tpu.wait_dma2 semaphore(%arg14 : memref<!tpu.dma_semaphore, #tpu.memory_space<semaphore_mem>>) src(%dma_wait3A_630 : memref<1024xf32, #tpu.memory_space<hbm>>) dst(%dma_wait3A_627 : memref<1024xf32, #tpu.memory_space<vmem>>)
      %dma_wait3A_631 = arith.constant 0 : i32
      %dma_wait3A_632 = arith.constant 0 : i32
      %dma_wait3A_633 = arith.constant 0 : i32
      %dma_wait3A_634 = arith.constant 0 : i32
      %dma_wait3A_635 = tpu.memref_slice %arg10[%dma_wait3A_634] : memref<16384xf32, #tpu.memory_space<vmem>> -> memref<1024xf32, #tpu.memory_space<vmem>>
      %dma_wait3A_636 = arith.constant 0 : i32
      %dma_wait3A_637 = tpu.memref_slice %arg4[%dma_wait3A_631, %dma_wait3A_632, %dma_wait3A_633, %dma_wait3A_636] : memref<200x4x128x1024xf32, #tpu.memory_space<hbm>> -> memref<1x1x1x1024xf32, #tpu.memory_space<hbm>>
      %dma_wait3A_638 = tpu.memref_squeeze %dma_wait3A_637 : memref<1x1x1x1024xf32, #tpu.memory_space<hbm>> -> memref<1024xf32, #tpu.memory_space<hbm>>
      %dma_wait3A_639 = arith.constant 0 : i32
      %dma_wait3A_640 = tpu.memref_slice %arg10[%dma_wait3A_639] : memref<16384xf32, #tpu.memory_space<vmem>> -> memref<1024xf32, #tpu.memory_space<vmem>>
      %dma_wait3A_641 = arith.constant 0 : i32
      %dma_wait3A_642 = tpu.memref_slice %arg4[%dma_wait3A_631, %dma_wait3A_632, %dma_wait3A_633, %dma_wait3A_641] : memref<200x4x128x1024xf32, #tpu.memory_space<hbm>> -> memref<1x1x1x1024xf32, #tpu.memory_space<hbm>>
      %dma_wait3A_643 = tpu.memref_squeeze %dma_wait3A_642 : memref<1x1x1x1024xf32, #tpu.memory_space<hbm>> -> memref<1024xf32, #tpu.memory_space<hbm>>
      tpu.wait_dma2 semaphore(%arg14 : memref<!tpu.dma_semaphore, #tpu.memory_space<semaphore_mem>>) src(%dma_wait3A_643 : memref<1024xf32, #tpu.memory_space<hbm>>) dst(%dma_wait3A_640 : memref<1024xf32, #tpu.memory_space<vmem>>)
      %dma_wait3A_644 = arith.constant 0 : i32
      %dma_wait3A_645 = arith.constant 0 : i32
      %dma_wait3A_646 = arith.constant 0 : i32
      %dma_wait3A_647 = arith.constant 0 : i32
      %dma_wait3A_648 = tpu.memref_slice %arg10[%dma_wait3A_647] : memref<16384xf32, #tpu.memory_space<vmem>> -> memref<1024xf32, #tpu.memory_space<vmem>>
      %dma_wait3A_649 = arith.constant 0 : i32
      %dma_wait3A_650 = tpu.memref_slice %arg4[%dma_wait3A_644, %dma_wait3A_645, %dma_wait3A_646, %dma_wait3A_649] : memref<200x4x128x1024xf32, #tpu.memory_space<hbm>> -> memref<1x1x1x1024xf32, #tpu.memory_space<hbm>>
      %dma_wait3A_651 = tpu.memref_squeeze %dma_wait3A_650 : memref<1x1x1x1024xf32, #tpu.memory_space<hbm>> -> memref<1024xf32, #tpu.memory_space<hbm>>
      %dma_wait3A_652 = arith.constant 0 : i32
      %dma_wait3A_653 = tpu.memref_slice %arg10[%dma_wait3A_652] : memref<16384xf32, #tpu.memory_space<vmem>> -> memref<1024xf32, #tpu.memory_space<vmem>>
      %dma_wait3A_654 = arith.constant 0 : i32
      %dma_wait3A_655 = tpu.memref_slice %arg4[%dma_wait3A_644, %dma_wait3A_645, %dma_wait3A_646, %dma_wait3A_654] : memref<200x4x128x1024xf32, #tpu.memory_space<hbm>> -> memref<1x1x1x1024xf32, #tpu.memory_space<hbm>>
      %dma_wait3A_656 = tpu.memref_squeeze %dma_wait3A_655 : memref<1x1x1x1024xf32, #tpu.memory_space<hbm>> -> memref<1024xf32, #tpu.memory_space<hbm>>
      tpu.wait_dma2 semaphore(%arg14 : memref<!tpu.dma_semaphore, #tpu.memory_space<semaphore_mem>>) src(%dma_wait3A_656 : memref<1024xf32, #tpu.memory_space<hbm>>) dst(%dma_wait3A_653 : memref<1024xf32, #tpu.memory_space<vmem>>)
      %dma_wait3A_657 = arith.constant 0 : i32
      %dma_wait3A_658 = arith.constant 0 : i32
      %dma_wait3A_659 = arith.constant 0 : i32
      %dma_wait3A_660 = arith.constant 0 : i32
      %dma_wait3A_661 = tpu.memref_slice %arg10[%dma_wait3A_660] : memref<16384xf32, #tpu.memory_space<vmem>> -> memref<1024xf32, #tpu.memory_space<vmem>>
      %dma_wait3A_662 = arith.constant 0 : i32
      %dma_wait3A_663 = tpu.memref_slice %arg4[%dma_wait3A_657, %dma_wait3A_658, %dma_wait3A_659, %dma_wait3A_662] : memref<200x4x128x1024xf32, #tpu.memory_space<hbm>> -> memref<1x1x1x1024xf32, #tpu.memory_space<hbm>>
      %dma_wait3A_664 = tpu.memref_squeeze %dma_wait3A_663 : memref<1x1x1x1024xf32, #tpu.memory_space<hbm>> -> memref<1024xf32, #tpu.memory_space<hbm>>
      %dma_wait3A_665 = arith.constant 0 : i32
      %dma_wait3A_666 = tpu.memref_slice %arg10[%dma_wait3A_665] : memref<16384xf32, #tpu.memory_space<vmem>> -> memref<1024xf32, #tpu.memory_space<vmem>>
      %dma_wait3A_667 = arith.constant 0 : i32
      %dma_wait3A_668 = tpu.memref_slice %arg4[%dma_wait3A_657, %dma_wait3A_658, %dma_wait3A_659, %dma_wait3A_667] : memref<200x4x128x1024xf32, #tpu.memory_space<hbm>> -> memref<1x1x1x1024xf32, #tpu.memory_space<hbm>>
      %dma_wait3A_669 = tpu.memref_squeeze %dma_wait3A_668 : memref<1x1x1x1024xf32, #tpu.memory_space<hbm>> -> memref<1024xf32, #tpu.memory_space<hbm>>
      tpu.wait_dma2 semaphore(%arg14 : memref<!tpu.dma_semaphore, #tpu.memory_space<semaphore_mem>>) src(%dma_wait3A_669 : memref<1024xf32, #tpu.memory_space<hbm>>) dst(%dma_wait3A_666 : memref<1024xf32, #tpu.memory_space<vmem>>)
      %dma_wait3A_670 = arith.constant 0 : i32
      %dma_wait3A_671 = arith.constant 0 : i32
      %dma_wait3A_672 = arith.constant 0 : i32
      %dma_wait3A_673 = arith.constant 0 : i32
      %dma_wait3A_674 = tpu.memref_slice %arg10[%dma_wait3A_673] : memref<16384xf32, #tpu.memory_space<vmem>> -> memref<1024xf32, #tpu.memory_space<vmem>>
      %dma_wait3A_675 = arith.constant 0 : i32
      %dma_wait3A_676 = tpu.memref_slice %arg4[%dma_wait3A_670, %dma_wait3A_671, %dma_wait3A_672, %dma_wait3A_675] : memref<200x4x128x1024xf32, #tpu.memory_space<hbm>> -> memref<1x1x1x1024xf32, #tpu.memory_space<hbm>>
      %dma_wait3A_677 = tpu.memref_squeeze %dma_wait3A_676 : memref<1x1x1x1024xf32, #tpu.memory_space<hbm>> -> memref<1024xf32, #tpu.memory_space<hbm>>
      %dma_wait3A_678 = arith.constant 0 : i32
      %dma_wait3A_679 = tpu.memref_slice %arg10[%dma_wait3A_678] : memref<16384xf32, #tpu.memory_space<vmem>> -> memref<1024xf32, #tpu.memory_space<vmem>>
      %dma_wait3A_680 = arith.constant 0 : i32
      %dma_wait3A_681 = tpu.memref_slice %arg4[%dma_wait3A_670, %dma_wait3A_671, %dma_wait3A_672, %dma_wait3A_680] : memref<200x4x128x1024xf32, #tpu.memory_space<hbm>> -> memref<1x1x1x1024xf32, #tpu.memory_space<hbm>>
      %dma_wait3A_682 = tpu.memref_squeeze %dma_wait3A_681 : memref<1x1x1x1024xf32, #tpu.memory_space<hbm>> -> memref<1024xf32, #tpu.memory_space<hbm>>
      tpu.wait_dma2 semaphore(%arg14 : memref<!tpu.dma_semaphore, #tpu.memory_space<semaphore_mem>>) src(%dma_wait3A_682 : memref<1024xf32, #tpu.memory_space<hbm>>) dst(%dma_wait3A_679 : memref<1024xf32, #tpu.memory_space<vmem>>)
      %dma_wait3A_683 = arith.constant 0 : i32
      %dma_wait3A_684 = arith.constant 0 : i32
      %dma_wait3A_685 = arith.constant 0 : i32
      %dma_wait3A_686 = arith.constant 0 : i32
      %dma_wait3A_687 = tpu.memref_slice %arg10[%dma_wait3A_686] : memref<16384xf32, #tpu.memory_space<vmem>> -> memref<1024xf32, #tpu.memory_space<vmem>>
      %dma_wait3A_688 = arith.constant 0 : i32
      %dma_wait3A_689 = tpu.memref_slice %arg4[%dma_wait3A_683, %dma_wait3A_684, %dma_wait3A_685, %dma_wait3A_688] : memref<200x4x128x1024xf32, #tpu.memory_space<hbm>> -> memref<1x1x1x1024xf32, #tpu.memory_space<hbm>>
      %dma_wait3A_690 = tpu.memref_squeeze %dma_wait3A_689 : memref<1x1x1x1024xf32, #tpu.memory_space<hbm>> -> memref<1024xf32, #tpu.memory_space<hbm>>
      %dma_wait3A_691 = arith.constant 0 : i32
      %dma_wait3A_692 = tpu.memref_slice %arg10[%dma_wait3A_691] : memref<16384xf32, #tpu.memory_space<vmem>> -> memref<1024xf32, #tpu.memory_space<vmem>>
      %dma_wait3A_693 = arith.constant 0 : i32
      %dma_wait3A_694 = tpu.memref_slice %arg4[%dma_wait3A_683, %dma_wait3A_684, %dma_wait3A_685, %dma_wait3A_693] : memref<200x4x128x1024xf32, #tpu.memory_space<hbm>> -> memref<1x1x1x1024xf32, #tpu.memory_space<hbm>>
      %dma_wait3A_695 = tpu.memref_squeeze %dma_wait3A_694 : memref<1x1x1x1024xf32, #tpu.memory_space<hbm>> -> memref<1024xf32, #tpu.memory_space<hbm>>
      tpu.wait_dma2 semaphore(%arg14 : memref<!tpu.dma_semaphore, #tpu.memory_space<semaphore_mem>>) src(%dma_wait3A_695 : memref<1024xf32, #tpu.memory_space<hbm>>) dst(%dma_wait3A_692 : memref<1024xf32, #tpu.memory_space<vmem>>)
    }
    %scan3A_259 = arith.constant 4 : i32
    return
  }
}

</mosaic_0001>

<sc_bundles>
// kernel: kernel.3.cloned.1.call-start
scs
__scs_entry_jumppad:
0x0: {  	(pc) =	sbr.rel $0x88, $3  }
0x1: {  	(tag) =	ssettag $0x0;
	lr =	simm.s32 $0x1  }
0x2: {  	[smem:$0x3F9F] =	sst lr;
	_ =	strace $0xD0000000  }
0x3: {  	_ = 	snop  }
0x4: {  	_ = 	snop  }
0x5: {  	_ = 	snop  }
0x6: {  	_ = 	snop  }
0x7: {  	_ = 	snop  }
__scs_overlays_trampoline_lowered:
0x8: {  	[smem:$0x3FAE] =	sst s0  }
0x9: {  	[smem:$0x3FAF] =	sst s1  }
0xa: {  	[smem:$0x3FB0] =	sst s2  }
0xb: {  	[smem:$0x3FB1] =	sst s3  }
0xc: {  	[smem:$0x3FB2] =	sst s4  }
0xd: {  	[smem:$0x3FB3] =	sst s5  }
0xe: {  	[smem:$0x3FB4] =	sst s6  }
0xf: {  	[smem:$0x3FB5] =	sst s7  }
0x10: {  	[smem:$0x3FB6] =	sst s8  }
0x11: {  	[smem:$0x3FB7] =	sst s9;
	s0 =	simm.s32 @!p0 $0x0  }
0x12: {  	s1 =	sld [smem:$0x3F9D];
	s0 =	simm.s32 @p0 $0x1  }
0x13: {  	[smem:$0x3FB8] =	sst s0;
	s0 =	simm.s32 @!p1 $0x0  }
0x14: {  	s2 =	sld [smem:$0x3F9C];
	s0 =	simm.s32 @p1 $0x1  }
0x15: {  	[smem:$0x3FB9] =	sst s0;
	s0 =	simm.s32 @!p2 $0x0  }
0x16: {  	s3 =	sld [smem:$0x3FDB];
	s0 =	simm.s32 @p2 $0x1  }
0x17: {  	s4 =	simm.s32 $0x1BF5;
	[smem:$0x3FBB] =	sst s0  }
0x18: {  	s0 =	sld [smem:$0x3F9E];
	_ =	swait.ge [sflag:s4], $0x0  }
0x19: {  	s7 =	sld [smem:$0x3F9F]  }
0x1a: {  	s8 =	sadd.s32 $0xFFFFE003, lr  }
0x1b: {  	s9 =	sadd.s32 $0xFFFFFEF7, lr;
	s5 =	simm.s32 $0xFFFFFFFF;
	p2 =	slt.u32 s8, $0xFFFFF086  }
0x1c: {  	p1 =	slt.u32 s9, $0xF7A;
	s5 =	simm.s32 @!p2 $0x0  }
0x1d: {  	s5 =	simm.s32 @p1 $0x1;
	p0 =	seq.s32 s7, s2  }
0x1e: {  	s7 =	smul.u32 @!p0 $0xF7A, s2;
	p2 =	seq.s32 @!p0 s5, $0x0  }
0x1f: {  	s9 =	smul.u32 $0xF7A, s1;
	s8 =	simm.s32 @!p0 $0x1BF5;
	p2 =	por !p2, p0  }
0x20: {  	[sflag:s8] =	ssyncset.s32 @!p0 $0xFFFFF086;
	s6 =	sadd.s32 @!p0 s3, s7;
	s7 =	simm.s32 @!p0 $0x108  }
0x21: {  	s3 =	sadd.s32 s3, s9;
	s6 =	sadd.s32 @!p0 $0x88, s6;
	s7 =	simm.s32 @p2 $0x1082  }
0x22: {  	[simem:s7], [sflag:s8] =	dma.local @!p0 [hbm:s6], $0xF7A  }
0x23: {  	s9 =	sor.u32 $0xD0000000, s2;
	s6 =	simm.s32 $0x108;
	_ =	swait.ge @!p0 [sflag:s8], $0x0  }
0x24: {  	s3 =	sadd.s32 $0x88, s3;
	s6 =	simm.s32 @!p1 $0x1082;
	[sflag:s4] =	ssyncset.s32 $0xFFFFF086  }
0x25: {  	[simem:s6], [sflag:s4] =	dma.local [hbm:s3], $0xF7A  }
0x26: {  	[smem:$0x3F9F] =	sst s1;
	(tag) =	ssettag s2;
	_ =	strace s9  }
0x27: {  	s1 =	sld [smem:$0x3FAF]  }
0x28: {  	s2 =	sld [smem:$0x3FB0]  }
0x29: {  	s4 =	sld [smem:$0x3FB2]  }
0x2a: {  	p0 =	seq.s32 s5, $0x0;
	s5 =	sld [smem:$0x3FB3]  }
0x2b: {  	s6 =	sld [smem:$0x3FB4]  }
0x2c: {  	s7 =	sld [smem:$0x3FB5]  }
0x2d: {  	s3 =	simm.s32 $0x108;
	s8 =	sld [smem:$0x3FB6]  }
0x2e: {  	s3 =	simm.s32 @!p0 $0x1082;
	s9 =	sld [smem:$0x3FB7]  }
0x2f: {  	lr =	sadd.s32 s0, s3;
	s0 =	sld [smem:$0x3FAE]  }
0x30: {  	s3 =	sld [smem:$0x3FB1]  }
0x31: {  	[smem:$0x3FBA] =	sst s10  }
0x32: {  	s10 =	sld [smem:$0x3FB8];
	_ =	sdelay $0x3  }
0x33: {  	p0 =	seq.s32 s10, $0x1;
	s10 =	sld [smem:$0x3FBA];
	_ =	sdelay $0x3  }
0x34: {  	[smem:$0x3FBA] =	sst s10  }
0x35: {  	s10 =	sld [smem:$0x3FB9];
	_ =	sdelay $0x3  }
0x36: {  	p1 =	seq.s32 s10, $0x1;
	s10 =	sld [smem:$0x3FBA];
	_ =	sdelay $0x3  }
0x37: {  	[smem:$0x3FBA] =	sst s10  }
0x38: {  	s10 =	sld [smem:$0x3FBB]  }
0x39: {  	_ = 	snop;
	(pc) =	sbr.ind lr, $3  }
0x3a: {  	_ = 	snop  }
0x3b: {  	_ = 	snop  }
0x3c: {  	p2 =	seq.s32 s10, $0x1;
	s10 =	sld [smem:$0x3FBA]  }
0x3d: {  	_ =	shalt  }
0x3e: {  	_ =	shalt  }
0x3f: {  	_ =	shalt  }
0x40: {  	_ =	shalt  }
0x41: {  	_ =	shalt  }
0x42: {  	_ =	shalt  }
0x43: {  	_ =	shalt  }
0x44: {  	_ =	shalt  }
0x45: {  	_ =	shalt  }
0x46: {  	_ =	shalt  }
0x47: {  	_ =	shalt  }
0x48: {  	_ =	shalt  }
0x49: {  	_ =	shalt  }
0x4a: {  	_ =	shalt  }
0x4b: {  	_ =	shalt  }
0x4c: {  	_ =	shalt  }
0x4d: {  	_ =	shalt  }
0x4e: {  	_ =	shalt  }
0x4f: {  	_ =	shalt  }
0x50: {  	_ =	shalt  }
0x51: {  	_ =	shalt  }
0x52: {  	_ =	shalt  }
0x53: {  	_ =	shalt  }
0x54: {  	_ =	shalt  }
0x55: {  	_ =	shalt  }
0x56: {  	_ =	shalt  }
0x57: {  	_ =	shalt  }
0x58: {  	_ =	shalt  }
0x59: {  	_ =	shalt  }
0x5a: {  	_ =	shalt  }
0x5b: {  	_ =	shalt  }
0x5c: {  	_ =	shalt  }
0x5d: {  	_ =	shalt  }
0x5e: {  	_ =	shalt  }
0x5f: {  	_ =	shalt  }
0x60: {  	_ =	shalt  }
0x61: {  	_ =	shalt  }
0x62: {  	_ =	shalt  }
0x63: {  	_ =	shalt  }
0x64: {  	_ =	shalt  }
0x65: {  	_ =	shalt  }
0x66: {  	_ =	shalt  }
0x67: {  	_ =	shalt  }
0x68: {  	_ =	shalt  }
0x69: {  	_ =	shalt  }
0x6a: {  	_ =	shalt  }
0x6b: {  	_ =	shalt  }
0x6c: {  	_ =	shalt  }
0x6d: {  	_ =	shalt  }
0x6e: {  	_ =	shalt  }
0x6f: {  	_ =	shalt  }
0x70: {  	_ =	shalt  }
0x71: {  	_ =	shalt  }
0x72: {  	_ =	shalt  }
0x73: {  	_ =	shalt  }
0x74: {  	_ =	shalt  }
0x75: {  	_ =	shalt  }
0x76: {  	_ =	shalt  }
0x77: {  	_ =	shalt  }
0x78: {  	_ =	shalt  }
0x79: {  	_ =	shalt  }
0x7a: {  	_ =	shalt  }
0x7b: {  	_ =	shalt  }
0x7c: {  	_ =	shalt  }
0x7d: {  	_ =	shalt  }
0x7e: {  	_ =	shalt  }
0x7f: {  	_ =	shalt  }
0x80: {  	_ =	shalt  }
0x81: {  	_ =	shalt  }
0x82: {  	_ =	shalt  }
0x83: {  	_ =	shalt  }
0x84: {  	_ =	shalt  }
0x85: {  	_ =	shalt  }
0x86: {  	_ =	shalt  }
0x87: {  	_ =	shalt  }
.Lfunc_end0:
.L_simem_size_0:
called_computation_lowered:
.L_overlay_start_0:
0x88: {  	s2 =	sld [smem:$0x3FD9]  }
0x89: {  	s3 =	sld [smem:$0x3FFE];
	_ =	sdelay $0x1  }
0x8a: {  	s1 =	srdreg.scid  }
0x8b: {  	s0 =	sand.u32 $0x1, s1  }
0x8c: {  	s17 =	sshll.u32 s0, $0xA;
	s2 =	sadd.s32 s3, s2  }
0x8d: {  	s2 =	sadd.s32 s2, s17  }
0x8e: {  	[smem:$0x3FC6] =	sst s2  }
0x8f: {  	_ = 	snop  }
0x90: {  	s2 =	sld [smem:$0x3FD0];
	(tm) =	ssettm $0x1  }
0x91: {  	s18 =	sld [smem:$0x3FFB];
	_ =	sdelay $0x3  }
0x92: {  	_ =	strace s18  }
0x93: {  	s3 =	sld [smem:$0x3FFC];
	_ =	sdelay $0x3  }
0x94: {  	_ =	strace s3  }
0x95: {  	s3 =	sld [smem:$0x3FFD];
	_ =	sdelay $0x3  }
0x96: {  	_ =	strace s3  }
0x97: {  	_ =	strace $0x8FFFFFFF  }
0x98: {  	s19 =	sld [smem:$0x3FDB];
	_ =	sdelay $0x1  }
0x99: {  	s4 =	simm.s32 $_scs_section_size  }
0x9a: {  	s5 =	simm.s32 $_size__tile_overlayer_lowered;
	s6 =	simm.s32 $_tile_overlayer_lowered  }
0x9b: {  	s22 =	simm.s32 $0x1BFF;
	s21 =	sshll.u32 s6, $0x1;
	s3 =	sadd.s32 s4, s19  }
0x9c: {  	s7 =	simm.s32 $0x0;
	s20 =	sshll.u32 s5, $0x1;
	s5 =	sadd.s32 s21, s3  }
0x9d: {  	[timem:s7], [sflag:s22] =	dma.local [hbm:s5], s20  }
0x9e: {  	_ =	swait.ge [sflag:s22], s20  }
0x9f: {  	s4 =	ssub.s32 $0x0, s20;
	[sflag:s22] =	ssyncset.done $0x0  }
0xa0: {  	[sflag:s22] =	ssyncadd.s32 s4;
	_ =	sdelay $0x1  }
0xa1: {  	s23 =	simm.s32 $0x1B8B  }
0xa2: {  	_ =	swait.ge [sflag:s23], $0x1  }
0xa3: {  	[sflag:s23] =	ssyncset.done $0x0  }
0xa4: {  	s25 =	simm.s32 $0x1B8E;
	s24 =	sld [smem:$0x3FFE];
	[sflag:s23] =	ssyncadd.s32 $0xFFFFFFFF  }
0xa5: {  	s26 =	simm.s32 $execute0_lowered;
	[smem:$0x3FD2] =	sst s25  }
0xa6: {  	s5 =	sshll.u32 s26, $0x1;
	_ =	strace $0x80000046;
	[dreg:$0x1] =	wrdreg $0xFFFFFFFF  }
0xa7: {  	s28 =	simm.s32 $_size_execute0_lowered;
	s3 =	sadd.s32 s3, s5;
	[dreg:$0x0] =	wrdreg $0x0  }
0xa8: {  	s5 =	sshll.u32 s28, $0x1;
	[dreg:$0x2] =	wrdreg s3  }
0xa9: {  	[dreg:$0x3] =	wrdreg s5  }
0xaa: {  	[dreg:$0x4] =	wrdreg $0xC0  }
0xab: {  	_ =	task [dreg:s7], $0x5FFFF  }
0xac: {  	[dreg:$0x1] =	wrdreg $0xFFFFFFFF  }
0xad: {  	[dreg:$0x0] =	wrdreg $0x60  }
0xae: {  	[dreg:$0x2] =	wrdreg s24  }
0xaf: {  	[dreg:$0x3] =	wrdreg s2  }
0xb0: {  	[dreg:$0x4] =	wrdreg $0x9  }
0xb1: {  	_ =	task.clear_ibuf [dreg:s7], $0x5FFFF;
	_ =	strace $0x90000046  }
0xb2: {  	s29 =	simm.s32 $0x9;
	_ =	strace $0x80000048  }
0xb3: {  	_ =	swait.ge [sflag:s29], $0x1  }
0xb4: {  	[sflag:s29] =	ssyncadd.s32 $0xFFFFFFFF  }
0xb5: {  	_ =	strace $0x90000048  }
0xb6: {  	_ =	sfence  }
0xb7: {  	s30 =	sld [smem:$0x0];
	_ =	sdelay $0x2  }
0xb8: {  	s31 =	sshll.u32 s1, $0xD;
	s1 =	sshrl.u32 s1, $0x2  }
0xb9: {  	s3 =	sand.u32 $0x4000, s31;
	s1 =	sadd.s32 s1, s30  }
0xba: {  	s0 =	sor.u32 s3, s0;
	s1 =	sshll.u32 s1, $0x11  }
0xbb: {  	s0 =	sor.u32 s1, s0  }
0xbc: {  	s0 =	sadd.s32 $0x8F2B, s0  }
0xbd: {  	[sflag:s0] =	ssyncadd.remote.s32 $0x1  }
0xbe: {  	_ =	sfence.sel $0xFFFF  }
0xbf: {  	[dreg:$0x0] =	wrdreg $0xFFFFFFFF;
	(pc) =	sbr.abs _section_cstart, $3  }
0xc0: {  	[dreg:$0x1] =	wrdreg $0xFFFFFFFF  }
0xc1: {  	_ =	task.clear_ibuf [dreg:s7], $0x2FFFF;
	_ =	strace $0x9FFFFFFF  }
0xc2: {  	(tm) =	ssettm $0x7FFFFFFF  }
0xc3: {  	_ =	shalt  }
tec
execute0_lowered:
.L_overlay_start_1:
0x0: {  	(tag) =	ssettag $0x1  }
0x1: {  	v28 =	vlaneseq.u32;
	v0 =	vimm.s32 $0xFEDCBA9  }
0x2: {  	vm8 =	vcmask $0x300;
	v1 =	vimm.s32 $0xF;
	vm10 =	vcmask $0x704  }
0x3: {  	v2 =	vimm.s32 $0x87654321;
	vm11 =	vcmask $0xB08;
	vm12 =	vcmask $0xF0C  }
0x4: {  	vm13 =	vcmask $0x1310;
	vm14 =	vcmask $0x1714;
	vm9 =	vcmask $0x1B18  }
0x5: {  	vm7 =	vcmask $0x1F1C;
	vm6 =	vcmask $0x2320;
	v4 =	vimm.s32 $0x8F  }
0x6: {  	vm5 =	vcmask $0x2724;
	vm4 =	vcmask $0x2B28;
	vm3 =	vcmask $0x2F2C  }
0x7: {  	vm1 =	vcmask $0x3330;
	vm0 =	vcmask $0x3734;
	v63 =	vimm.s32 $0x10FEDCBA  }
0x8: {  	v5 =	vimm.s32 $0x98765432;
	vm2 =	vcmask $0x3B38;
	v33 =	vimm.s32 $0x10F  }
0x9: {  	v39 =	vimm.s32 $0x210FEDCB;
	v7 =	vimm.s32 $0xA9876543;
	v44 =	vimm.s32 $0x18F  }
0xa: {  	v53 =	vimm.s32 $0x3210FEDC;
	v11 =	vimm.s32 $0x20F;
	v15 =	vimm.s32 $0x28F  }
0xb: {  	v19 =	vimm.s32 $0xEDCBA987;
	v25 =	vimm.s32 $0xFEDCBA98;
	v30 =	vmul.u32 $0xC8, v28  }
0xc: {  	v47 =	vmul.u32 $0x20, v28;
	v0 =	vunpack.c.l.s4.s8 v0;
	v1 =	vsel vm8, $0x80, v1  }
0xd: {  	v2 =	vunpack.c.l.s4.s8 v2;
	v4 =	vsel vm8, $0x100, v4;
	v5 =	vunpack.c.l.s4.s8 v5  }
0xe: {  	v37 =	vsel vm8, $0x180, v33;
	v7 =	vunpack.c.l.s4.s8 v7;
	v11 =	vsel vm8, $0x280, v11  }
0xf: {  	v19 =	vunpack.c.l.s4.s8 v19;
	v25 =	vunpack.c.l.s4.s8 v25;
	v1 =	vsel vm10, $0x101, v1  }
0x10: {  	v4 =	vsel vm10, $0x181, v4;
	v11 =	vsel vm10, $0x301, v11;
	v32 =	vadd.s32 $0xC80, v30  }
0x11: {  	v34 =	vadd.s32 $0x1900, v30;
	v36 =	vadd.s32 $0x2580, v30;
	v48 =	vadd.s32 $0x3200, v30  }
0x12: {  	v50 =	vadd.s32 $0x3E80, v30;
	v51 =	vadd.s32 $0x4B00, v30;
	v52 =	vadd.s32 $0x5780, v30  }
0x13: {  	v1 =	vsel vm11, $0x182, v1;
	v0 =	vunpack.c.0.s8.s32 v0;
	v4 =	vsel vm11, $0x202, v4  }
0x14: {  	v8 =	vunpack.c.0.s8.s32 v5;
	v5 =	vunpack.c.l.s4.s8 v39;
	v42 =	vunpack.c.0.s8.s32 v7  }
0x15: {  	v7 =	vsel vm8, $0x200, v44;
	v55 =	vsel vm11, $0x382, v11;
	v25 =	vunpack.c.0.s8.s32 v25  }
0x16: {  	v3 =	vsel vm12, $0x203, v1;
	v1 =	vunpack.c.0.s8.s32 v2;
	v4 =	vsel vm12, $0x283, v4  }
0x17: {  	v46 =	vsel vm10, $0x281, v7;
	v7 =	vunpack.c.l.s4.s8 v53;
	v60 =	vsel vm13, $0x284, v3  }
0x18: {  	v62 =	vsel vm13, $0x304, v4;
	v4 =	vunpack.c.l.s4.s8 v63;
	v41 =	vunpack.c.0.s8.s32 v5  }
0x19: {  	v63 =	vimm.s32 $0x101F1E1D;
	v2 =	vsel vm14, $0x305, v60;
	v61 =	vcombine.low v1, v0  }
0x1a: {  	v7 =	vunpack.c.0.s8.s32 v7;
	v0 =	vcombine.low v0, v1;
	v2 =	vsel vm9, $0x386, v2  }
0x1b: {  	v6 =	vunpack.c.0.s8.s32 v4;
	v2 =	vsel vm7, $0x407, v2;
	v3 =	vand.u32 $0xF, v61  }
0x1c: {  	v0 =	vand.u32 $0xF, v0;
	v2 =	vsel vm6, $0x488, v2;
	[tilespmem:$0x1FD40] =	vst v3;
	v3 =	vsel vm14, $0x385, v62  }
0x1d: {  	v38 =	vcombine.low v8, v6;
	v2 =	vsel vm5, $0x509, v2;
	v3 =	vsel vm9, $0x406, v3  }
0x1e: {  	v6 =	vcombine.low v6, v8;
	v2 =	vsel vm4, $0x58A, v2;
	v3 =	vsel vm7, $0x487, v3  }
0x1f: {  	v62 =	vimm.s32 $0x1C1B1A19;
	v2 =	vsel vm3, $0x60B, v2;
	v3 =	vsel vm6, $0x508, v3  }
0x20: {  	v4 =	vand.u32 $0xF, v38;
	v2 =	vsel vm1, $0x68C, v2;
	v3 =	vsel vm5, $0x589, v3  }
0x21: {  	v2 =	vsel vm0, $0x70D, v2;
	v35 =	vsel vm4, $0x60A, v3;
	v3 =	vsel vm10, $0x201, v37  }
0x22: {  	v12 =	vsel vm2, $0x78E, v2;
	v2 =	vsel vm3, $0x68B, v35;
	v3 =	vsel vm11, $0x282, v3  }
0x23: {  	v6 =	vand.u32 $0xF, v6;
	v3 =	vsel vm12, $0x303, v3;
	v40 =	vsel vm1, $0x70C, v2  }
0x24: {  	[tilespmem:$0x1FD50] =	vst v4;
	v2 =	vcombine.low v41, v42;
	v9 =	vsel vm13, $0x384, v3;
	v4 =	vsel vm0, $0x78D, v40  }
0x25: {  	v40 =	vimm.s32 $0x58F;
	v43 =	vsel vm14, $0x405, v9;
	v9 =	vcombine.low v42, v41  }
0x26: {  	[tilespmem:$0x1FDC0] =	vst v6;
	v14 =	vsel vm2, $0xE, v4;
	v6 =	vsel vm8, $0x600, v40;
	v5 =	vsel vm9, $0x486, v43  }
0x27: {  	v60 =	vand.u32 $0xF, v2;
	v6 =	vsel vm10, $0x681, v6;
	v5 =	vsel vm7, $0x507, v5  }
0x28: {  	v49 =	vand.u32 $0xF, v9;
	v9 =	vimm.s32 $0xBA987654;
	v6 =	vsel vm11, $0x702, v6  }
0x29: {  	v45 =	vsel vm6, $0x588, v5;
	v5 =	vsel vm11, $0x302, v46;
	v9 =	vunpack.c.l.s4.s8 v9  }
0x2a: {  	v6 =	vsel vm12, $0x783, v6;
	v46 =	vimm.s32 $0x60F;
	v4 =	vsel vm5, $0x609, v45  }
0x2b: {  	v5 =	vsel vm12, $0x383, v5;
	v6 =	vsel vm13, $0x4, v6;
	v2 =	vsel vm8, $0x680, v46  }
0x2c: {  	v46 =	vunpack.c.0.s8.s32 v62;
	v4 =	vsel vm4, $0x68A, v4;
	v5 =	vsel vm13, $0x404, v5  }
0x2d: {  	v9 =	vunpack.c.0.s8.s32 v9;
	v6 =	vsel vm14, $0x85, v6;
	v53 =	vsel vm10, $0x701, v2  }
0x2e: {  	v4 =	vsel vm3, $0x70B, v4;
	v5 =	vsel vm14, $0x485, v5;
	v6 =	vsel vm9, $0x106, v6  }
0x2f: {  	v4 =	vsel vm1, $0x78C, v4;
	v5 =	vsel vm9, $0x506, v5;
	v13 =	vcombine.low v9, v7  }
0x30: {  	v6 =	vsel vm7, $0x187, v6;
	v45 =	vcombine.low v7, v9;
	v5 =	vsel vm7, $0x587, v5  }
0x31: {  	v4 =	vsel vm0, $0xD, v4;
	v41 =	vsel vm6, $0x208, v6;
	v5 =	vsel vm6, $0x608, v5  }
0x32: {  	v16 =	vsel vm2, $0x8E, v4;
	v11 =	vand.u32 $0xF, v13;
	v13 =	vimm.s32 $0xCBA98765  }
0x33: {  	v43 =	vsel vm5, $0x289, v41;
	v5 =	vsel vm5, $0x689, v5;
	[tilespmem:$0x1FD70] =	vst v11;
	v11 =	vimm.s32 $0x43210FED  }
0x34: {  	v13 =	vunpack.c.l.s4.s8 v13;
	v44 =	vsel vm4, $0x30A, v43;
	v43 =	vimm.s32 $0x18171615  }
0x35: {  	v54 =	vsel vm4, $0x70A, v5;
	v5 =	vsel vm12, $0x403, v55;
	v11 =	vunpack.c.l.s4.s8 v11  }
0x36: {  	v55 =	vimm.s32 $0x68F;
	v3 =	vunpack.c.0.s8.s32 v43;
	v43 =	vimm.s32 $0x1A191817  }
0x37: {  	v4 =	vsel vm3, $0x78B, v54;
	v5 =	vsel vm13, $0x484, v5;
	v21 =	vunpack.c.0.s8.s32 v13  }
0x38: {  	v54 =	vsel vm11, $0x782, v53;
	v4 =	vsel vm1, $0xC, v4;
	v5 =	vsel vm14, $0x505, v5  }
0x39: {  	v17 =	vunpack.c.0.s8.s32 v11;
	v11 =	vsel vm8, $0x300, v15;
	v5 =	vsel vm9, $0x586, v5  }
0x3a: {  	v11 =	vsel vm10, $0x381, v11;
	v4 =	vsel vm0, $0x8D, v4;
	v5 =	vsel vm7, $0x607, v5  }
0x3b: {  	v11 =	vsel vm11, $0x402, v11;
	v13 =	vcombine.low v21, v17;
	v18 =	vsel vm2, $0x10E, v4  }
0x3c: {  	[tilespmem:$0x1FD60] =	vst v49;
	v49 =	vcombine.low v17, v21;
	v21 =	vand.u32 $0xF, v45;
	v5 =	vsel vm6, $0x688, v5  }
0x3d: {  	v45 =	vimm.s32 $0x11101F1E;
	v11 =	vsel vm12, $0x483, v11;
	v5 =	vsel vm5, $0x709, v5  }
0x3e: {  	v57 =	vsel vm13, $0x504, v11;
	v11 =	vand.u32 $0xF, v13;
	v13 =	vimm.s32 $0x30F  }
0x3f: {  	v41 =	vand.u32 $0xF, v49;
	v5 =	vsel vm4, $0x78A, v5;
	[tilespmem:$0x1FD80] =	vst v11;
	v11 =	vimm.s32 $0x543210FE  }
0x40: {  	v13 =	vsel vm8, $0x380, v13;
	v56 =	vsel vm3, $0xB, v5;
	v5 =	vsel vm14, $0x585, v57  }
0x41: {  	v58 =	vunpack.c.l.s4.s8 v11;
	v11 =	vimm.s32 $0xDCBA9876;
	v5 =	vsel vm9, $0x606, v5  }
0x42: {  	v13 =	vsel vm10, $0x401, v13;
	v4 =	vsel vm1, $0x8C, v56;
	v5 =	vsel vm7, $0x687, v5  }
0x43: {  	v11 =	vunpack.c.l.s4.s8 v11;
	v4 =	vsel vm0, $0x10D, v4;
	v5 =	vsel vm6, $0x708, v5  }
0x44: {  	v13 =	vsel vm11, $0x482, v13;
	v20 =	vsel vm2, $0x18E, v4;
	v5 =	vsel vm5, $0x789, v5  }
0x45: {  	v4 =	vunpack.c.0.s8.s32 v58;
	v59 =	vunpack.c.0.s8.s32 v11;
	v15 =	vsel vm4, $0xA, v5  }
0x46: {  	v13 =	vsel vm12, $0x503, v13;
	v11 =	vsel vm3, $0x8B, v15;
	v15 =	vimm.s32 $0x6543210F  }
0x47: {  	v13 =	vsel vm13, $0x584, v13;
	v22 =	vcombine.low v59, v4;
	v15 =	vunpack.c.l.s4.s8 v15  }
0x48: {  	v24 =	vsel vm14, $0x605, v13;
	v13 =	vunpack.c.0.s8.s32 v19;
	v23 =	vsel vm1, $0x10C, v11  }
0x49: {  	v19 =	vand.u32 $0xF, v22;
	v11 =	vunpack.c.0.s8.s32 v15;
	v15 =	vsel vm9, $0x686, v24  }
0x4a: {  	v49 =	vor.u32 $0x10, v28;
	[tilespmem:$0x1FD90] =	vst v19;
	v19 =	vsel vm0, $0x18D, v23;
	v15 =	vsel vm7, $0x707, v15  }
0x4b: {  	v24 =	vimm.s32 $0x38F;
	v22 =	vsel vm2, $0x20E, v19;
	v15 =	vsel vm6, $0x788, v15  }
0x4c: {  	v19 =	vsel vm8, $0x400, v24;
	v23 =	vcombine.low v13, v11;
	v15 =	vsel vm5, $0x9, v15  }
0x4d: {  	v56 =	vimm.s32 $0x70F;
	v19 =	vsel vm10, $0x481, v19;
	v15 =	vsel vm4, $0x8A, v15  }
0x4e: {  	v19 =	vsel vm11, $0x502, v19;
	v23 =	vand.u32 $0xF, v23;
	v15 =	vsel vm3, $0x10B, v15  }
0x4f: {  	v19 =	vsel vm12, $0x583, v19;
	[tilespmem:$0x1FDA0] =	vst v23;
	v23 =	vimm.s32 $0x40F;
	v15 =	vsel vm1, $0x18C, v15  }
0x50: {  	v19 =	vsel vm13, $0x604, v19;
	v23 =	vsel vm8, $0x480, v23;
	v15 =	vsel vm0, $0x20D, v15  }
0x51: {  	v23 =	vsel vm10, $0x501, v23;
	v24 =	vsel vm2, $0x28E, v15;
	v15 =	vsel vm14, $0x685, v19  }
0x52: {  	v2 =	vsel vm8, $0x780, v56;
	v19 =	vsel vm11, $0x582, v23;
	v15 =	vsel vm9, $0x706, v15  }
0x53: {  	v56 =	vunpack.c.0.s8.s32 v63;
	v19 =	vsel vm12, $0x603, v19;
	v15 =	vsel vm7, $0x787, v15  }
0x54: {  	v23 =	vimm.s32 $0x76543210;
	v19 =	vsel vm13, $0x684, v19;
	v15 =	vsel vm6, $0x8, v15  }
0x55: {  	v23 =	vunpack.c.l.s4.s8 v23;
	v19 =	vsel vm14, $0x705, v19;
	v15 =	vsel vm5, $0x89, v15  }
0x56: {  	v2 =	vsel vm10, $0x1, v2;
	v19 =	vsel vm9, $0x786, v19;
	v26 =	vsel vm4, $0x10A, v15  }
0x57: {  	v19 =	vsel vm7, $0x7, v19;
	v15 =	vunpack.c.0.s8.s32 v23;
	v23 =	vsel vm3, $0x18B, v26  }
0x58: {  	v2 =	vsel vm11, $0x82, v2;
	v26 =	vsel vm6, $0x88, v19;
	v23 =	vsel vm1, $0x20C, v23  }
0x59: {  	v19 =	vand.u32 $0xF, v25;
	v25 =	vsel vm5, $0x109, v26;
	v23 =	vsel vm0, $0x28D, v23  }
0x5a: {  	v33 =	vsel vm4, $0x18A, v25;
	v25 =	vsel vm2, $0x30E, v23;
	v23 =	vimm.s32 $0x48F  }
0x5b: {  	v2 =	vsel vm12, $0x103, v2;
	v1 =	vsel vm3, $0x20B, v33;
	v37 =	vsel vm8, $0x500, v23  }
0x5c: {  	v35 =	vsel vm1, $0x28C, v1;
	v23 =	vimm.s32 $0x50F;
	v1 =	vsel vm10, $0x581, v37  }
0x5d: {  	v59 =	vcombine.low v4, v59;
	v8 =	vsel vm8, $0x580, v23;
	v1 =	vsel vm11, $0x602, v1  }
0x5e: {  	[tilespmem:$0x1FDB0] =	vst v0;
	v0 =	vsel vm0, $0x30D, v35;
	v39 =	vsel vm10, $0x601, v8;
	v38 =	vsel vm12, $0x683, v1  }
0x5f: {  	v27 =	vsel vm2, $0x38E, v0;
	v1 =	vsel vm11, $0x682, v39;
	v0 =	vsel vm13, $0x704, v38  }
0x60: {  	s0 =	rddreg [dreg:$0x0];
	s2 =	simm.s32 $0x0;
	v5 =	vunpack.c.0.s8.s32 v45;
	v1 =	vsel vm12, $0x703, v1;
	v0 =	vsel vm14, $0x785, v0  }
0x61: {  	[smem:$0x7FF] =	sst s2;
	v2 =	vsel vm13, $0x184, v2;
	v1 =	vsel vm13, $0x784, v1;
	v0 =	vsel vm9, $0x6, v0  }
0x62: {  	s1 =	rddreg [dreg:$0x1];
	v53 =	vand.u32 $0xF, v59;
	_ =	strace $0x80000047;
	[tilespmem:$0x1FDD0] =	vst v46;
	v1 =	vsel vm14, $0x5, v1;
	v0 =	vsel vm7, $0x87, v0  }
0x63: {  	v59 =	vimm.s32 $0x1E1D1C1B;
	[tilespmem:$0x1FDE0] =	vst v56;
	v1 =	vsel vm9, $0x86, v1;
	v0 =	vsel vm6, $0x108, v0  }
0x64: {  	v45 =	vunpack.c.0.s8.s32 v59;
	[tilespmem:$0x1FE00] =	vst v3;
	v1 =	vsel vm7, $0x107, v1;
	v0 =	vsel vm5, $0x189, v0  }
0x65: {  	v59 =	vunpack.c.0.s8.s32 v43;
	[tilespmem:$0x1FE40] =	vst v5;
	v1 =	vsel vm6, $0x188, v1;
	v0 =	vsel vm4, $0x20A, v0  }
0x66: {  	v2 =	vsel vm14, $0x205, v2;
	[tilespmem:$0x1FE70] =	vst v45;
	v1 =	vsel vm5, $0x209, v1;
	v0 =	vsel vm3, $0x28B, v0  }
0x67: {  	v2 =	vsel vm9, $0x286, v2;
	[tilespmem:$0x1FEA0] =	vst v59;
	v1 =	vsel vm4, $0x28A, v1;
	v0 =	vsel vm1, $0x30C, v0  }
0x68: {  	v2 =	vsel vm7, $0x307, v2;
	[tilespmem:$0x1FEF0] =	vst v30;
	v1 =	vsel vm3, $0x30B, v1;
	v0 =	vsel vm0, $0x38D, v0  }
0x69: {  	v2 =	vsel vm6, $0x388, v2;
	[tilespmem:$0x1FF00] =	vst v32;
	v1 =	vsel vm1, $0x38C, v1;
	v29 =	vsel vm2, $0x40E, v0  }
0x6a: {  	[tilespmem:$0x1FF10] =	vst v34;
	v42 =	vsel vm0, $0x40D, v1;
	v0 =	vsel vm3, $0x38B, v44;
	v1 =	vsel vm8, $0x700, v55  }
0x6b: {  	v2 =	vsel vm5, $0x409, v2;
	[tilespmem:$0x1FF20] =	vst v36;
	v0 =	vsel vm1, $0x40C, v0;
	v1 =	vsel vm10, $0x781, v1  }
0x6c: {  	v61 =	vcombine.low v11, v13;
	[tilespmem:$0x1FF30] =	vst v48;
	v0 =	vsel vm0, $0x48D, v0;
	v1 =	vsel vm11, $0x2, v1  }
0x6d: {  	[tilespmem:$0x1FF40] =	vst v50;
	v33 =	vsel vm2, $0x50E, v0;
	v0 =	vsel vm12, $0x3, v54;
	v1 =	vsel vm12, $0x83, v1  }
0x6e: {  	v58 =	vsel vm4, $0x48A, v2;
	[tilespmem:$0x1FF50] =	vst v51;
	v0 =	vsel vm13, $0x84, v0;
	v1 =	vsel vm13, $0x104, v1  }
0x6f: {  	[tilespmem:$0x1FF60] =	vst v52;
	v38 =	vimm.s32 $0x14131211;
	v0 =	vsel vm14, $0x105, v0;
	v1 =	vsel vm14, $0x185, v1  }
0x70: {  	[tilespmem:$0x1FF70] =	vst v21;
	v8 =	vunpack.c.0.s8.s32 v38;
	v0 =	vsel vm9, $0x186, v0;
	v1 =	vsel vm9, $0x206, v1  }
0x71: {  	[tilespmem:$0x1FF80] =	vst v41;
	v44 =	vimm.s32 $0x1D1C1B1A;
	v0 =	vsel vm7, $0x207, v0;
	v1 =	vsel vm7, $0x287, v1  }
0x72: {  	[tilespmem:$0x1FFA0] =	vst v53;
	v55 =	vcombine.low v19, v15;
	v0 =	vsel vm6, $0x288, v0;
	v1 =	vsel vm6, $0x308, v1  }
0x73: {  	[tilespmem:$0x1FFB0] =	vst v60;
	v4 =	vunpack.c.0.s8.s32 v44;
	v0 =	vsel vm5, $0x309, v0;
	v1 =	vsel vm5, $0x389, v1  }
0x74: {  	[tilespmem:$0x1FFC0] =	vst v49;
	v0 =	vsel vm4, $0x38A, v0;
	v57 =	vsel vm4, $0x40A, v1;
	v1 =	vsel vm3, $0x50B, v58  }
0x75: {  	[tilespmem:$0x1FFE0] =	vst v47;
	v54 =	vand.u32 $0xF, v61;
	v0 =	vsel vm3, $0x40B, v0;
	v1 =	vsel vm1, $0x58C, v1  }
0x76: {  	[tilespmem:$0x1FDF0] =	vst v8;
	v58 =	vimm.s32 $0x19181716;
	v0 =	vsel vm1, $0x48C, v0;
	v1 =	vsel vm0, $0x60D, v1  }
0x77: {  	[tilespmem:$0x1FFD0] =	vst v55;
	v0 =	vsel vm0, $0x50D, v0;
	v39 =	vsel vm2, $0x68E, v1;
	v1 =	vunpack.c.0.s8.s32 v58  }
0x78: {  	[tilespmem:$0x1FE30] =	vst v4;
	v58 =	vimm.s32 $0x17161514;
	v35 =	vsel vm2, $0x58E, v0;
	v0 =	vsel vm3, $0x48B, v57  }
0x79: {  	s8 =	simm.s32 $0xC800;
	[tilespmem:$0x1FF90] =	vst v54;
	v63 =	vunpack.c.0.s8.s32 v58;
	v0 =	vsel vm1, $0x50C, v0  }
0x7a: {  	s9 =	simm.s32 $0x10800;
	s10 =	simm.s32 $0x14800;
	s16 =	simm.s32 $0x1A800;
	[tilespmem:$0x1FE60] =	vst v1;
	v0 =	vsel vm0, $0x58D, v0;
	vm0 =	vcmask $0x1F10  }
0x7b: {  	s3 =	srdreg.scid;
	s7 =	stileid.u32;
	v38 =	vimm.s32 $0x1211101F;
	v57 =	vimm.s32 $0x15141312;
	[tilespmem:$0x1FED0] =	vst v63;
	v7 =	vsel vm0, v56, v46  }
0x7c: {  	s17 =	simm.s32 $0x1AC00;
	s18 =	simm.s32 $0x1B000;
	s19 =	simm.s32 $0x1B400;
	v37 =	vsel vm2, $0x60E, v0;
	v8 =	vsel vm0, v3, v8;
	v0 =	vunpack.c.0.s8.s32 v57;
	[tilespmem:$0x1FE10] =	vst v7  }
0x7d: {  	s14 =	simm.s32 $0x1;
	s20 =	simm.s32 $0x1B800;
	s21 =	simm.s32 $0x1BC00;
	v31 =	vsel vm2, $0x48E, v42;
	v42 =	vimm.s32 $0x16151413;
	v56 =	vunpack.c.0.s8.s32 v38;
	[tilespmem:$0x1FE20] =	vst v8  }
0x7e: {  	s31 =	simm.s32 $0x2;
	s22 =	simm.s32 $0x1C000;
	s23 =	simm.s32 $0x1C400;
	v46 =	vimm.s32 $0x13121110;
	v57 =	vunpack.c.0.s8.s32 v42;
	[tilespmem:$0x1FE50] =	vst v0  }
0x7f: {  	s24 =	simm.s32 $0x3;
	s25 =	simm.s32 $0x4;
	s3 =	sand.u32 $0x1, s3;
	v44 =	vimm.s32 $0x1F1E1D1C;
	v1 =	vunpack.c.0.s8.s32 v46;
	[tilespmem:$0x1FE80] =	vst v56  }
0x80: {  	s30 =	sshll.u32 s7, $0x3;
	s4 =	ssub.s32 $0x2, s3;
	s3 =	sshll.u32 s3, $0x2;
	[tilespmem:$0x1FE90] =	vst v57;
	v0 =	vunpack.c.0.s8.s32 v44  }
0x81: {  	s5 =	sadd.s32 $0x1400, s0;
	s6 =	sshrl.u32 s4, $0x1;
	s3 =	sor.u32 s3, s30;
	v61 =	vimm.s32 $0x1B1A1918;
	v62 =	vcombine.low v8, v7;
	[tilespmem:$0x1FEC0] =	vst v1  }
0x82: {  	s29 =	ssub.s32 s4, s6;
	s6 =	simm.s32 $0x200;
	[dreg:$0x3] =	wrdreg s5;
	[tilespmem:$0x1FEB0] =	vst v0;
	v0 =	vunpack.c.0.s8.s32 v61  }
0x83: {  	s5 =	sadd.s32 $0x65400, s0;
	[dreg:$0x4] =	wrdreg s3;
	s0 =	smax.u32 s29, $0x1;
	[tilespmem:$0x1FFF0] =	vst v62  }
0x84: {  	v10 =	vmul.u32 $0x81, v28;
	s4 =	simm.s32 $0x0;
	v40 =	vand.u32 $0x7, v28;
	[dreg:$0x5] =	wrdreg s0;
	s0 =	simm.s32 $0x18800;
	[tilespmem:$0x1FEE0] =	vst v0  }
.LBB2_1:
0x85: {  	[dreg:$0x6] =	wrdreg s4;
	s4 =	simm.s32 $0x0  }
.LBB2_2:
0x86: {  	s3 =	rddreg [dreg:$0x4]  }
0x87: {  	s30 =	simm.s32 $0x0;
	s3 =	sadd.s32 s3, s4  }
0x88: {  	v0 =	vmov s30;
	s7 =	smul.u32 $0xC80, s3  }
0x89: {  	s11 =	rddreg [dreg:$0x3];
	v6 =	vand.u32 $0xFF, v0  }
0x8a: {  	[dreg:$0x7] =	wrdreg s4;
	s12 =	simm.s32 $0x5;
	v0 =	vadd.s32 v30, v6;
	s7 =	sadd.s32 s11, s7  }
0x8b: {  	[tilespmem:s30], [sflag:$0x5] =	stream.linear.gather [hbm4b:s7+s30], $0x6400, $0x38;
	[tilespmem:$0x1C800] =	vst v63  }
0x8c: {  	_ =	swait.ge [sflag:s12], $0x6400  }
0x8d: {  	[sflag:s12] =	ssyncset.done $0x0  }
0x8e: {  	s13 =	simm.s32 $0x1;
	[sflag:s12] =	ssyncadd.s32 $0xFFFF9C00  }
0x8f: {  	v1 =	vmov s13;
	v0 =	vld.idx.msk [tilespmem:v0+s2+$0x0], $0xffff  }
0x90: {  	v2 =	vand.u32 $0xFF, v1;
	v1 =	vadd.s32 v32, v6  }
0x91: {  	v3 =	vadd.s32 v30, v2;
	_ =	sdelay $0x1  }
0x92: {  	s13 =	simm.s32 $0x6440  }
0x93: {  	[tilespmem:s13+$0xFFFFFFC0] =	vst v0  }
0x94: {  	s15 =	simm.s32 $0x2;
	v1 =	vld.idx.msk [tilespmem:v1+s2+$0x0], $0xffff  }
0x95: {  	v4 =	vadd.s32 v34, v6;
	v3 =	vld.idx.msk [tilespmem:v3+s2+$0x0], $0xffff;
	v0 =	vmov s15  }
0x96: {  	v5 =	vadd.s32 v32, v2;
	v0 =	vand.u32 $0xFF, v0  }
0x97: {  	v7 =	vadd.s32 v30, v0;
	_ =	sdelay $0x1  }
0x98: {  	s7 =	simm.s32 $0x64C0;
	[tilespmem:s13+$0xFFFFFFD0] =	vst v1  }
0x99: {  	[tilespmem:s7+$0xFFFFFFC0] =	vst v3;
	v3 =	vld.idx.msk [tilespmem:v4+s2+$0x0], $0xffff  }
0x9a: {  	s26 =	simm.s32 $0x3;
	v4 =	vld.idx.msk [tilespmem:v5+s2+$0x0], $0xffff;
	v5 =	vadd.s32 v36, v6  }
0x9b: {  	v8 =	vadd.s32 v34, v2;
	v1 =	vmov s26;
	v7 =	vld.idx.msk [tilespmem:v7+s2+$0x0], $0xffff  }
0x9c: {  	v9 =	vadd.s32 v32, v0;
	v1 =	vand.u32 $0xFF, v1  }
0x9d: {  	v11 =	vadd.s32 v30, v1  }
0x9e: {  	[tilespmem:s13+$0xFFFFFFE0] =	vst v3  }
0x9f: {  	s4 =	simm.s32 $0x6540;
	[tilespmem:s7+$0xFFFFFFD0] =	vst v4;
	v4 =	vld.idx.msk [tilespmem:v5+s2+$0x0], $0xffff  }
0xa0: {  	[tilespmem:s4+$0xFFFFFFC0] =	vst v7;
	v7 =	vadd.s32 v48, v6;
	v5 =	vld.idx.msk [tilespmem:v8+s2+$0x0], $0xffff  }
0xa1: {  	s29 =	simm.s32 $0x4;
	v8 =	vld.idx.msk [tilespmem:v9+s2+$0x0], $0xffff;
	v9 =	vadd.s32 v36, v2  }
0xa2: {  	v13 =	vadd.s32 v34, v0;
	v3 =	vmov s29;
	v11 =	vld.idx.msk [tilespmem:v11+s2+$0x0], $0xffff  }
0xa3: {  	v15 =	vadd.s32 v32, v1;
	v3 =	vand.u32 $0xFF, v3  }
0xa4: {  	v17 =	vadd.s32 v30, v3;
	[tilespmem:s13+$0xFFFFFFF0] =	vst v4  }
0xa5: {  	[tilespmem:s7+$0xFFFFFFE0] =	vst v5;
	v5 =	vld.idx.msk [tilespmem:v7+s2+$0x0], $0xffff  }
0xa6: {  	s11 =	simm.s32 $0x65C0;
	[tilespmem:s4+$0xFFFFFFD0] =	vst v8;
	v8 =	vadd.s32 v50, v6;
	v7 =	vld.idx.msk [tilespmem:v9+s2+$0x0], $0xffff  }
0xa7: {  	[tilespmem:s11+$0xFFFFFFC0] =	vst v11;
	v11 =	vadd.s32 v48, v2;
	v9 =	vld.idx.msk [tilespmem:v13+s2+$0x0], $0xffff  }
0xa8: {  	s12 =	simm.s32 $0x5;
	v13 =	vld.idx.msk [tilespmem:v15+s2+$0x0], $0xffff;
	v15 =	vadd.s32 v36, v0  }
0xa9: {  	v19 =	vadd.s32 v34, v1;
	v4 =	vmov s12;
	v17 =	vld.idx.msk [tilespmem:v17+s2+$0x0], $0xffff  }
0xaa: {  	v58 =	vmov v21;
	v21 =	vadd.s32 v32, v3;
	v4 =	vand.u32 $0xFF, v4;
	[tilespmem:s13+$0x0] =	vst v5  }
0xab: {  	v5 =	vadd.s32 v30, v4;
	[tilespmem:s7+$0xFFFFFFF0] =	vst v7;
	v7 =	vld.idx.msk [tilespmem:v8+s2+$0x0], $0xffff  }
0xac: {  	[tilespmem:s4+$0xFFFFFFE0] =	vst v9;
	v9 =	vadd.s32 v51, v6;
	v8 =	vld.idx.msk [tilespmem:v11+s2+$0x0], $0xffff  }
0xad: {  	s12 =	simm.s32 $0x6640;
	[tilespmem:s11+$0xFFFFFFD0] =	vst v13;
	v13 =	vadd.s32 v50, v2;
	v11 =	vld.idx.msk [tilespmem:v15+s2+$0x0], $0xffff  }
0xae: {  	[tilespmem:s12+$0xFFFFFFC0] =	vst v17;
	v17 =	vadd.s32 v48, v0;
	v15 =	vld.idx.msk [tilespmem:v19+s2+$0x0], $0xffff  }
0xaf: {  	s15 =	simm.s32 $0x6;
	v19 =	vld.idx.msk [tilespmem:v21+s2+$0x0], $0xffff;
	v21 =	vadd.s32 v36, v1  }
0xb0: {  	v26 =	vadd.s32 v34, v3;
	v23 =	vld.idx.msk [tilespmem:v5+s2+$0x0], $0xffff;
	v5 =	vmov s15;
	[tilespmem:s13+$0x10] =	vst v7  }
0xb1: {  	v42 =	vadd.s32 v32, v4;
	v5 =	vand.u32 $0xFF, v5;
	[tilespmem:s7+$0x0] =	vst v8;
	v43 =	vld.idx.msk [tilespmem:v9+s2+$0x0], $0xffff  }
0xb2: {  	[tilespmem:s4+$0xFFFFFFF0] =	vst v11;
	v44 =	vadd.s32 v30, v5;
	v45 =	vld.idx.msk [tilespmem:v13+s2+$0x0], $0xffff  }
0xb3: {  	v63 =	vadd.s32 v52, v6;
	[tilespmem:s11+$0xFFFFFFE0] =	vst v15;
	v7 =	vld.idx.msk [tilespmem:v17+s2+$0x0], $0xffff  }
0xb4: {  	s26 =	simm.s32 $0x66C0;
	[tilespmem:s12+$0xFFFFFFD0] =	vst v19;
	v6 =	vld.idx.msk [tilespmem:v21+s2+$0x0], $0xffff;
	v13 =	vadd.s32 v51, v2  }
0xb5: {  	v11 =	vld.idx.msk [tilespmem:v26+s2+$0x0], $0xffff;
	v9 =	vadd.s32 v50, v0;
	[tilespmem:s26+$0xFFFFFFC0] =	vst v23  }
0xb6: {  	v8 =	vadd.s32 v48, v1;
	v17 =	vld.idx.msk [tilespmem:v42+s2+$0x0], $0xffff  }
0xb7: {  	v56 =	vmov v49;
	s30 =	simm.s32 $0x7;
	v15 =	vadd.s32 v36, v3;
	v21 =	vld.idx.msk [tilespmem:v44+s2+$0x0], $0xffff;
	[tilespmem:s13+$0x20] =	vst v43  }
0xb8: {  	v49 =	vmovc v41;
	v41 =	vmovc v60;
	v38 =	vmov v47;
	s28 =	simm.s32 $0x8;
	s15 =	simm.s32 $0x66C0;
	v26 =	vmov s30;
	v23 =	vadd.s32 v34, v4;
	[tilespmem:s7+$0x10] =	vst v45;
	v19 =	vld.idx.msk [tilespmem:v63+s2+$0x0], $0xffff  }
.LBB2_3:
0xb9: {  	p0 =	sne.s32 s28, $0xC7;
	v26 =	vand.u32 $0xFF, v26;
	v42 =	vadd.s32 v32, v5;
	[tilespmem:s4+$0x0] =	vst v7;
	v43 =	vld.idx.msk [tilespmem:v13+s2+$0x0], $0xffff  }
0xba: {  	v44 =	vadd.s32 v30, v26;
	[tilespmem:s11+$0xFFFFFFF0] =	vst v6;
	v45 =	vld.idx.msk [tilespmem:v9+s2+$0x0], $0xffff  }
0xbb: {  	v47 =	vadd.s32 v52, v2;
	v2 =	vmovc v0;
	v0 =	vmov v1;
	v1 =	vmov v3;
	[tilespmem:s12+$0xFFFFFFE0] =	vst v11;
	v7 =	vld.idx.msk [tilespmem:v8+s2+$0x0], $0xffff  }
.Ltmp0:
0xbc: {  	s15 =	sadd.s32 $0x80, s15;
	v3 =	vmovc v4;
	v4 =	vmov v5;
	v13 =	vadd.s32 v51, v2;
	v5 =	vmov v26;
	[tilespmem:s26+$0xFFFFFFD0] =	vst v17;
	v6 =	vld.idx.msk [tilespmem:v15+s2+$0x0], $0xffff;
	(pc) =	sbr.rel @p0 .LBB2_3-.Ltmp0, $4  }
0xbd: {  	v9 =	vadd.s32 v50, v0;
	[tilespmem:s15+$0xFFFFFFC0] =	vst v21;
	v11 =	vld.idx.msk [tilespmem:v23+s2+$0x0], $0xffff  }
0xbe: {  	v8 =	vadd.s32 v48, v1;
	v17 =	vld.idx.msk [tilespmem:v42+s2+$0x0], $0xffff;
	[tilespmem:s13+$0x30] =	vst v19;
	s13 =	smov.u32 s7;
	s7 =	smov.u32 s4;
	s4 =	smov.u32 s11  }
0xbf: {  	v15 =	vadd.s32 v36, v3;
	s11 =	smov.u32 s12;
	s12 =	smov.u32 s26;
	s26 =	smov.u32 s15;
	v21 =	vld.idx.msk [tilespmem:v44+s2+$0x0], $0xffff;
	[tilespmem:s13+$0x20] =	vst v43  }
0xc0: {  	v26 =	vmov s28;
	s28 =	sadd.s32 $0x1, s28;
	v23 =	vadd.s32 v34, v4;
	[tilespmem:s7+$0x10] =	vst v45;
	v19 =	vld.idx.msk [tilespmem:v47+s2+$0x0], $0xffff  }
0xc1: {  	v26 =	vand.u32 $0xFF, v26  }
0xc2: {  	v42 =	vadd.s32 v30, v26;
	_ =	sdelay $0x2  }
0xc3: {  	v43 =	vadd.s32 v32, v5;
	_ =	sdelay $0x1  }
0xc4: {  	v42 =	vld.idx.msk [tilespmem:v42+s2+$0x0], $0xffff  }
0xc5: {  	s28 =	sadd.s32 $0x80, s15;
	v44 =	vadd.s32 v32, v26  }
0xc6: {  	[tilespmem:s28+$0xFFFFFFC0] =	vst v21  }
0xc7: {  	v21 =	vld.idx.msk [tilespmem:v43+s2+$0x0], $0xffff  }
0xc8: {  	v61 =	vadd.s32 v34, v5;
	s29 =	sadd.s32 $0x80, s28  }
0xc9: {  	[tilespmem:s29+$0xFFFFFFC0] =	vst v42  }
0xca: {  	[tilespmem:s26+$0xFFFFFFD0] =	vst v17;
	v63 =	vld.idx.msk [tilespmem:v44+s2+$0x0], $0xffff  }
0xcb: {  	v32 =	vadd.s32 v34, v26;
	v17 =	vld.idx.msk [tilespmem:v23+s2+$0x0], $0xffff  }
0xcc: {  	[tilespmem:s28+$0xFFFFFFD0] =	vst v21;
	v21 =	vadd.s32 v36, v4  }
0xcd: {  	v23 =	vld.idx.msk [tilespmem:v61+s2+$0x0], $0xffff  }
0xce: {  	[tilespmem:s13+$0x30] =	vst v19;
	v19 =	vadd.s32 v36, v5  }
0xcf: {  	[tilespmem:s29+$0xFFFFFFD0] =	vst v63  }
0xd0: {  	[tilespmem:s26+$0xFFFFFFE0] =	vst v17;
	v34 =	vld.idx.msk [tilespmem:v32+s2+$0x0], $0xffff  }
0xd1: {  	[tilespmem:s4+$0x0] =	vst v7;
	v44 =	vadd.s32 v36, v26;
	v17 =	vld.idx.msk [tilespmem:v21+s2+$0x0], $0xffff  }
0xd2: {  	v13 =	vld.idx.msk [tilespmem:v13+s2+$0x0], $0xffff;
	v21 =	vadd.s32 v48, v4;
	[tilespmem:s28+$0xFFFFFFE0] =	vst v23  }
0xd3: {  	[tilespmem:s12+$0xFFFFFFE0] =	vst v11;
	v19 =	vld.idx.msk [tilespmem:v19+s2+$0x0], $0xffff  }
0xd4: {  	[tilespmem:s11+$0xFFFFFFF0] =	vst v6;
	v11 =	vld.idx.msk [tilespmem:v15+s2+$0x0], $0xffff  }
0xd5: {  	v9 =	vld.idx.msk [tilespmem:v9+s2+$0x0], $0xffff;
	v15 =	vadd.s32 v48, v3;
	[tilespmem:s29+$0xFFFFFFE0] =	vst v34  }
0xd6: {  	v45 =	vadd.s32 v48, v5;
	[tilespmem:s26+$0xFFFFFFF0] =	vst v17;
	v7 =	vld.idx.msk [tilespmem:v44+s2+$0x0], $0xffff  }
0xd7: {  	[tilespmem:s7+$0x20] =	vst v13;
	v13 =	vadd.s32 v48, v26;
	v21 =	vld.idx.msk [tilespmem:v21+s2+$0x0], $0xffff  }
0xd8: {  	v8 =	vld.idx.msk [tilespmem:v8+s2+$0x0], $0xffff;
	[tilespmem:s28+$0xFFFFFFF0] =	vst v19;
	v19 =	vadd.s32 v50, v4  }
0xd9: {  	[tilespmem:s12+$0xFFFFFFF0] =	vst v11;
	v11 =	vadd.s32 v50, v1  }
0xda: {  	v2 =	vadd.s32 v52, v2;
	[tilespmem:s4+$0x10] =	vst v9;
	v15 =	vld.idx.msk [tilespmem:v15+s2+$0x0], $0xffff  }
0xdb: {  	v17 =	vadd.s32 v50, v3;
	v6 =	vld.idx.msk [tilespmem:v45+s2+$0x0], $0xffff;
	[tilespmem:s29+$0xFFFFFFF0] =	vst v7  }
0xdc: {  	v46 =	vadd.s32 v50, v5;
	[tilespmem:s26+$0x0] =	vst v21;
	v9 =	vld.idx.msk [tilespmem:v13+s2+$0x0], $0xffff  }
0xdd: {  	[tilespmem:s11+$0x0] =	vst v8;
	v8 =	vadd.s32 v50, v26;
	v19 =	vld.idx.msk [tilespmem:v19+s2+$0x0], $0xffff  }
0xde: {  	v47 =	vadd.s32 v51, v4;
	v11 =	vld.idx.msk [tilespmem:v11+s2+$0x0], $0xffff  }
0xdf: {  	v2 =	vld.idx.msk [tilespmem:v2+s2+$0x0], $0xffff;
	[tilespmem:s12+$0x0] =	vst v15;
	v13 =	vadd.s32 v51, v0  }
0xe0: {  	v15 =	vadd.s32 v51, v1;
	v17 =	vld.idx.msk [tilespmem:v17+s2+$0x0], $0xffff;
	[tilespmem:s28+$0x0] =	vst v6  }
0xe1: {  	v21 =	vadd.s32 v51, v3;
	v7 =	vld.idx.msk [tilespmem:v46+s2+$0x0], $0xffff;
	[tilespmem:s29+$0x0] =	vst v9  }
0xe2: {  	v48 =	vadd.s32 v51, v5;
	[tilespmem:s26+$0x10] =	vst v19;
	v8 =	vld.idx.msk [tilespmem:v8+s2+$0x0], $0xffff  }
0xe3: {  	[tilespmem:s11+$0x10] =	vst v11;
	v11 =	vadd.s32 v51, v26;
	v6 =	vld.idx.msk [tilespmem:v47+s2+$0x0], $0xffff  }
0xe4: {  	v59 =	vadd.s32 v52, v4;
	[tilespmem:s7+$0x30] =	vst v2;
	v9 =	vld.idx.msk [tilespmem:v13+s2+$0x0], $0xffff  }
0xe5: {  	v50 =	vadd.s32 v52, v0;
	[tilespmem:s12+$0x10] =	vst v17;
	v13 =	vld.idx.msk [tilespmem:v15+s2+$0x0], $0xffff  }
0xe6: {  	v51 =	vadd.s32 v52, v1;
	[tilespmem:s28+$0x10] =	vst v7;
	v15 =	vld.idx.msk [tilespmem:v21+s2+$0x0], $0xffff  }
0xe7: {  	v57 =	vadd.s32 v52, v3;
	v2 =	vld.idx.msk [tilespmem:v48+s2+$0x0], $0xffff;
	[tilespmem:s29+$0x10] =	vst v8  }
0xe8: {  	v60 =	vadd.s32 v52, v5;
	[tilespmem:s26+$0x20] =	vst v6;
	v61 =	vld.idx.msk [tilespmem:v11+s2+$0x0], $0xffff  }
0xe9: {  	v4 =	vld.idx.msk [tilespmem:v59+s2+$0x0], $0xffff;
	[tilespmem:s4+$0x20] =	vst v9;
	v8 =	vadd.s32 v52, v26  }
0xea: {  	[tilespmem:s11+$0x20] =	vst v13;
	v0 =	vld.idx.msk [tilespmem:v50+s2+$0x0], $0xffff  }
0xeb: {  	[tilespmem:s12+$0x20] =	vst v15;
	v1 =	vld.idx.msk [tilespmem:v51+s2+$0x0], $0xffff  }
0xec: {  	[tilespmem:s28+$0x20] =	vst v2;
	v3 =	vld.idx.msk [tilespmem:v57+s2+$0x0], $0xffff  }
0xed: {  	v2 =	vld.idx.msk [tilespmem:v60+s2+$0x0], $0xffff;
	[tilespmem:s29+$0x20] =	vst v61  }
0xee: {  	[tilespmem:s26+$0x30] =	vst v4;
	v63 =	vld.idx.msk [tilespmem:v8+s2+$0x0], $0xffff  }
0xef: {  	[tilespmem:s4+$0x30] =	vst v0  }
0xf0: {  	[tilespmem:s11+$0x30] =	vst v1  }
0xf1: {  	[tilespmem:s12+$0x30] =	vst v3  }
0xf2: {  	[tilespmem:s28+$0x30] =	vst v2  }
0xf3: {  	[tilespmem:s29+$0x30] =	vst v63  }
0xf4: {  	v46 =	vld [tilespmem:$0x1FD40]  }
0xf5: {  	v11 =	vld [tilespmem:$0x1FD50]  }
0xf6: {  	v28 =	vld [tilespmem:$0x1FD60]  }
0xf7: {  	v57 =	vld [tilespmem:$0x1FD70]  }
0xf8: {  	v30 =	vld [tilespmem:$0x1FD80]  }
0xf9: {  	v32 =	vld [tilespmem:$0x1FD90]  }
0xfa: {  	s30 =	simm.s32 $0x6400;
	v34 =	vld [tilespmem:$0x1FDA0]  }
0xfb: {  	s26 =	sshll.u32 s3, $0xA;
	s28 =	simm.s32 $0x0;
	s29 =	simm.s32 $0x0;
	v36 =	vld [tilespmem:$0x1FDB0]  }
0xfc: {  	v47 =	vmovc v38;
	v21 =	vmovc v58;
	v60 =	vmov v41;
	v41 =	vmov v49;
	v49 =	vmov v56;
	[tilespmem:s8], [sflag:$0x1] =	stream.indirect.gather [hbm4b:s5+s6], $0x20, s30, s6, $0xb8;
	v48 =	vld [tilespmem:$0x1FDC0]  }
.LBB2_5:
0xfd: {  	s3 =	sshll.u32 s29, $0xA  }
0xfe: {  	s3 =	sand.u32 $0x3FFFFC00, s3  }
0xff: {  	s4 =	sadd.s32 $0x6600, s3  }
0x100: {  	[tilespmem:s9], [sflag:$0x2] =	stream.indirect.gather [hbm4b:s5+s6], $0x20, s4, s6, $0xb8;
	[tilespmem:$0x1C800] =	vst v63  }
0x101: {  	_ =	swait.ge [sflag:s14], $0x4000  }
0x102: {  	p0 =	seq.s32 s29, $0x0;
	[sflag:s14] =	ssyncset.done $0x0  }
0x103: {  	s7 =	simm.s32 @!p0 $0x3;
	[sflag:s14] =	ssyncadd.s32 $0xFFFFC000  }
0x104: {  	_ =	swait.ge @!p0 [sflag:s7], $0x400  }
0x105: {  	[sflag:s7] =	ssyncset.done @!p0 $0x0  }
0x106: {  	[sflag:s7] =	ssyncadd.s32 @!p0 $0xFFFFFC00  }
0x107: {  	_ =	swait.ge @!p0 [sflag:s7], $0x400  }
0x108: {  	[sflag:s7] =	ssyncset.done @!p0 $0x0  }
0x109: {  	[sflag:s7] =	ssyncadd.s32 @!p0 $0xFFFFFC00  }
0x10a: {  	_ =	swait.ge @!p0 [sflag:s7], $0x400  }
0x10b: {  	[sflag:s7] =	ssyncset.done @!p0 $0x0  }
0x10c: {  	[sflag:s7] =	ssyncadd.s32 @!p0 $0xFFFFFC00  }
0x10d: {  	_ =	swait.ge @!p0 [sflag:s7], $0x400  }
0x10e: {  	[sflag:s7] =	ssyncset.done @!p0 $0x0  }
0x10f: {  	[sflag:s7] =	ssyncadd.s32 @!p0 $0xFFFFFC00  }
0x110: {  	_ =	swait.ge @!p0 [sflag:s7], $0x400  }
0x111: {  	[sflag:s7] =	ssyncset.done @!p0 $0x0  }
0x112: {  	[sflag:s7] =	ssyncadd.s32 @!p0 $0xFFFFFC00  }
0x113: {  	_ =	swait.ge @!p0 [sflag:s7], $0x400  }
0x114: {  	[sflag:s7] =	ssyncset.done @!p0 $0x0  }
0x115: {  	[sflag:s7] =	ssyncadd.s32 @!p0 $0xFFFFFC00  }
0x116: {  	_ =	swait.ge @!p0 [sflag:s7], $0x400  }
0x117: {  	[sflag:s7] =	ssyncset.done @!p0 $0x0  }
0x118: {  	[sflag:s7] =	ssyncadd.s32 @!p0 $0xFFFFFC00  }
0x119: {  	_ =	swait.ge @!p0 [sflag:s7], $0x400  }
0x11a: {  	[sflag:s7] =	ssyncset.done @!p0 $0x0  }
0x11b: {  	[sflag:s7] =	ssyncadd.s32 @!p0 $0xFFFFFC00  }
0x11c: {  	_ =	swait.ge @!p0 [sflag:s7], $0x400  }
0x11d: {  	[sflag:s7] =	ssyncset.done @!p0 $0x0  }
0x11e: {  	[sflag:s7] =	ssyncadd.s32 @!p0 $0xFFFFFC00  }
0x11f: {  	_ =	swait.ge @!p0 [sflag:s7], $0x400  }
0x120: {  	[sflag:s7] =	ssyncset.done @!p0 $0x0  }
0x121: {  	[sflag:s7] =	ssyncadd.s32 @!p0 $0xFFFFFC00  }
0x122: {  	_ =	swait.ge @!p0 [sflag:s7], $0x400  }
0x123: {  	[sflag:s7] =	ssyncset.done @!p0 $0x0  }
0x124: {  	[sflag:s7] =	ssyncadd.s32 @!p0 $0xFFFFFC00  }
0x125: {  	_ =	swait.ge @!p0 [sflag:s7], $0x400  }
0x126: {  	[sflag:s7] =	ssyncset.done @!p0 $0x0  }
0x127: {  	[sflag:s7] =	ssyncadd.s32 @!p0 $0xFFFFFC00  }
0x128: {  	_ =	swait.ge @!p0 [sflag:s7], $0x400  }
0x129: {  	[sflag:s7] =	ssyncset.done @!p0 $0x0  }
0x12a: {  	[sflag:s7] =	ssyncadd.s32 @!p0 $0xFFFFFC00  }
0x12b: {  	_ =	swait.ge @!p0 [sflag:s7], $0x400  }
0x12c: {  	v0 =	vmov s28;
	[sflag:s7] =	ssyncset.done @!p0 $0x0  }
0x12d: {  	v0 =	vshll.u32 v0, $0x5;
	[sflag:s7] =	ssyncadd.s32 @!p0 $0xFFFFFC00  }
0x12e: {  	s15 =	simm.s32 $0x0;
	v7 =	vlaneseq.u32;
	v42 =	vor.u32 v47, v0;
	_ =	swait.ge @!p0 [sflag:s7], $0x400  }
0x12f: {  	v0 =	vor.u32 v7, v42;
	s4 =	smul.u32 $0xF80, s15;
	[sflag:s7] =	ssyncset.done @!p0 $0x0  }
0x130: {  	[sflag:s7] =	ssyncadd.s32 @!p0 $0xFFFFFC00  }
0x131: {  	s4 =	sadd.s32 $0x0, s4;
	_ =	swait.ge @!p0 [sflag:s7], $0x400  }
0x132: {  	v1 =	vadd.s32 s4, v10;
	[sflag:s7] =	ssyncset.done @!p0 $0x0  }
0x133: {  	v1 =	vand.u32 $0x7FFFFFF8, v1;
	[sflag:s7] =	ssyncadd.s32 @!p0 $0xFFFFFC00  }
0x134: {  	v1 =	vor.u32 v40, v1;
	v0 =	vld.idx.msk [tilespmem:v0+s8+$0x0], $0xffff  }
0x135: {  	v2 =	vor.u32 v46, v42;
	_ =	sdelay $0x2  }
0x136: {  	v3 =	vadd.s32 s4, v12  }
0x137: {  	[tilespmem:v1+s10+$0x0] =	vst.idx.msk $0xffff, v0;
	v0 =	vand.u32 $0x7FFFFFF8, v3  }
0x138: {  	v1 =	vld.idx.msk [tilespmem:v2+s8+$0x0], $0xffff;
	v0 =	vor.u32 v40, v0  }
0x139: {  	v2 =	vor.u32 v11, v42;
	_ =	sdelay $0x2  }
0x13a: {  	v3 =	vadd.s32 s4, v14  }
0x13b: {  	[tilespmem:v0+s10+$0x0] =	vst.idx.msk $0xffff, v1;
	v0 =	vand.u32 $0x7FFFFFF8, v3  }
0x13c: {  	v1 =	vld.idx.msk [tilespmem:v2+s8+$0x0], $0xffff;
	v0 =	vor.u32 v40, v0  }
0x13d: {  	v2 =	vor.u32 v28, v42;
	_ =	sdelay $0x2  }
0x13e: {  	v3 =	vadd.s32 s4, v16  }
0x13f: {  	[tilespmem:v0+s10+$0x0] =	vst.idx.msk $0xffff, v1;
	v0 =	vand.u32 $0x7FFFFFF8, v3  }
0x140: {  	v1 =	vld.idx.msk [tilespmem:v2+s8+$0x0], $0xffff;
	v0 =	vor.u32 v40, v0  }
0x141: {  	v2 =	vor.u32 v57, v42;
	_ =	sdelay $0x2  }
0x142: {  	v3 =	vadd.s32 s4, v18  }
0x143: {  	[tilespmem:v0+s10+$0x0] =	vst.idx.msk $0xffff, v1;
	v0 =	vand.u32 $0x7FFFFFF8, v3  }
0x144: {  	v1 =	vld.idx.msk [tilespmem:v2+s8+$0x0], $0xffff;
	v0 =	vor.u32 v40, v0  }
0x145: {  	v2 =	vor.u32 v30, v42;
	_ =	sdelay $0x2  }
0x146: {  	v3 =	vadd.s32 s4, v20  }
0x147: {  	[tilespmem:v0+s10+$0x0] =	vst.idx.msk $0xffff, v1;
	v0 =	vand.u32 $0x7FFFFFF8, v3  }
0x148: {  	v1 =	vld.idx.msk [tilespmem:v2+s8+$0x0], $0xffff;
	v0 =	vor.u32 v40, v0  }
0x149: {  	v2 =	vor.u32 v32, v42;
	_ =	sdelay $0x2  }
0x14a: {  	v3 =	vadd.s32 s4, v22  }
0x14b: {  	[tilespmem:v0+s10+$0x0] =	vst.idx.msk $0xffff, v1;
	v0 =	vand.u32 $0x7FFFFFF8, v3  }
0x14c: {  	v1 =	vld.idx.msk [tilespmem:v2+s8+$0x0], $0xffff;
	v0 =	vor.u32 v40, v0  }
0x14d: {  	v2 =	vor.u32 v34, v42;
	_ =	sdelay $0x2  }
0x14e: {  	s11 =	simm.s32 $0x10;
	v3 =	vadd.s32 s4, v24  }
0x14f: {  	[tilespmem:v0+s10+$0x0] =	vst.idx.msk $0xffff, v1;
	v0 =	vand.u32 $0x7FFFFFF8, v3;
	v1 =	vmov s11  }
0x150: {  	v2 =	vld.idx.msk [tilespmem:v2+s8+$0x0], $0xffff;
	v0 =	vor.u32 v40, v0;
	v1 =	vshll.u32 v1, $0x5  }
0x151: {  	s12 =	simm.s32 $0x0;
	v3 =	vor.u32 v55, v42;
	v58 =	vor.u32 v47, v1  }
0x152: {  	s7 =	smul.u32 $0xF80, s12;
	v1 =	vor.u32 v7, v58;
	_ =	sdelay $0x1  }
0x153: {  	v4 =	vadd.s32 s4, v25;
	s12 =	sadd.s32 $0x10, s7  }
0x154: {  	[tilespmem:v0+s10+$0x0] =	vst.idx.msk $0xffff, v2;
	v0 =	vand.u32 $0x7FFFFFF8, v4;
	v2 =	vadd.s32 s12, v10  }
0x155: {  	v3 =	vld.idx.msk [tilespmem:v3+s8+$0x0], $0xffff;
	v0 =	vor.u32 v40, v0;
	v2 =	vand.u32 $0x7FFFFFF8, v2  }
0x156: {  	v4 =	vor.u32 v36, v42;
	v1 =	vld.idx.msk [tilespmem:v1+s8+$0x0], $0xffff;
	v2 =	vor.u32 v40, v2  }
0x157: {  	v5 =	vor.u32 v46, v58;
	_ =	sdelay $0x1  }
0x158: {  	v6 =	vadd.s32 s4, v27  }
0x159: {  	[tilespmem:v0+s10+$0x0] =	vst.idx.msk $0xffff, v3;
	v0 =	vand.u32 $0x7FFFFFF8, v6;
	v3 =	vadd.s32 s12, v12  }
0x15a: {  	v4 =	vld.idx.msk [tilespmem:v4+s8+$0x0], $0xffff;
	[tilespmem:v2+s10+$0x0] =	vst.idx.msk $0xffff, v1;
	v0 =	vor.u32 v40, v0;
	v1 =	vand.u32 $0x7FFFFFF8, v3  }
0x15b: {  	v3 =	vor.u32 v48, v42;
	v2 =	vld.idx.msk [tilespmem:v5+s8+$0x0], $0xffff;
	v1 =	vor.u32 v40, v1  }
0x15c: {  	v5 =	vor.u32 v11, v58;
	_ =	sdelay $0x1  }
0x15d: {  	v6 =	vadd.s32 s4, v29  }
0x15e: {  	[tilespmem:v0+s10+$0x0] =	vst.idx.msk $0xffff, v4;
	v0 =	vand.u32 $0x7FFFFFF8, v6;
	v4 =	vadd.s32 s12, v14  }
0x15f: {  	v3 =	vld.idx.msk [tilespmem:v3+s8+$0x0], $0xffff;
	[tilespmem:v1+s10+$0x0] =	vst.idx.msk $0xffff, v2;
	v0 =	vor.u32 v40, v0;
	v1 =	vand.u32 $0x7FFFFFF8, v4  }
0x160: {  	v4 =	vor.u32 v60, v42;
	v2 =	vld.idx.msk [tilespmem:v5+s8+$0x0], $0xffff;
	v1 =	vor.u32 v40, v1  }
0x161: {  	v5 =	vor.u32 v28, v58;
	_ =	sdelay $0x1  }
0x162: {  	v6 =	vadd.s32 s4, v31  }
0x163: {  	[tilespmem:v0+s10+$0x0] =	vst.idx.msk $0xffff, v3;
	v0 =	vand.u32 $0x7FFFFFF8, v6;
	v3 =	vadd.s32 s12, v16  }
0x164: {  	v4 =	vld.idx.msk [tilespmem:v4+s8+$0x0], $0xffff;
	[tilespmem:v1+s10+$0x0] =	vst.idx.msk $0xffff, v2;
	v0 =	vor.u32 v40, v0;
	v1 =	vand.u32 $0x7FFFFFF8, v3  }
0x165: {  	v3 =	vor.u32 v21, v42;
	v2 =	vld.idx.msk [tilespmem:v5+s8+$0x0], $0xffff;
	v1 =	vor.u32 v40, v1  }
0x166: {  	v5 =	vor.u32 v57, v58;
	_ =	sdelay $0x1  }
0x167: {  	v6 =	vadd.s32 s4, v33  }
0x168: {  	[tilespmem:v0+s10+$0x0] =	vst.idx.msk $0xffff, v4;
	v0 =	vand.u32 $0x7FFFFFF8, v6;
	v4 =	vadd.s32 s12, v18  }
0x169: {  	v3 =	vld.idx.msk [tilespmem:v3+s8+$0x0], $0xffff;
	[tilespmem:v1+s10+$0x0] =	vst.idx.msk $0xffff, v2;
	v0 =	vor.u32 v40, v0;
	v1 =	vand.u32 $0x7FFFFFF8, v4  }
0x16a: {  	v4 =	vor.u32 v41, v42;
	v2 =	vld.idx.msk [tilespmem:v5+s8+$0x0], $0xffff;
	v1 =	vor.u32 v40, v1  }
0x16b: {  	v5 =	vor.u32 v30, v58;
	_ =	sdelay $0x1  }
0x16c: {  	v6 =	vadd.s32 s4, v35  }
0x16d: {  	[tilespmem:v0+s10+$0x0] =	vst.idx.msk $0xffff, v3;
	v0 =	vand.u32 $0x7FFFFFF8, v6;
	v3 =	vadd.s32 s12, v20  }
0x16e: {  	v4 =	vld.idx.msk [tilespmem:v4+s8+$0x0], $0xffff;
	[tilespmem:v1+s10+$0x0] =	vst.idx.msk $0xffff, v2;
	v0 =	vor.u32 v40, v0;
	v1 =	vand.u32 $0x7FFFFFF8, v3  }
0x16f: {  	v3 =	vor.u32 v53, v42;
	v2 =	vld.idx.msk [tilespmem:v5+s8+$0x0], $0xffff;
	v1 =	vor.u32 v40, v1  }
0x170: {  	v5 =	vor.u32 v32, v58;
	_ =	sdelay $0x1  }
0x171: {  	v6 =	vadd.s32 s4, v37  }
0x172: {  	[tilespmem:v0+s10+$0x0] =	vst.idx.msk $0xffff, v4;
	v0 =	vand.u32 $0x7FFFFFF8, v6;
	v4 =	vadd.s32 s12, v22  }
0x173: {  	v3 =	vld.idx.msk [tilespmem:v3+s8+$0x0], $0xffff;
	[tilespmem:v1+s10+$0x0] =	vst.idx.msk $0xffff, v2;
	v0 =	vor.u32 v40, v0;
	v1 =	vand.u32 $0x7FFFFFF8, v4  }
0x174: {  	v4 =	vor.u32 v54, v42;
	v2 =	vld.idx.msk [tilespmem:v5+s8+$0x0], $0xffff;
	v1 =	vor.u32 v40, v1  }
0x175: {  	v5 =	vor.u32 v34, v58;
	_ =	sdelay $0x1  }
0x176: {  	v6 =	vadd.s32 s4, v39  }
0x177: {  	[tilespmem:v0+s10+$0x0] =	vst.idx.msk $0xffff, v3;
	v0 =	vand.u32 $0x7FFFFFF8, v6;
	v3 =	vadd.s32 s12, v24  }
0x178: {  	v4 =	vld.idx.msk [tilespmem:v4+s8+$0x0], $0xffff;
	[tilespmem:v1+s10+$0x0] =	vst.idx.msk $0xffff, v2;
	v0 =	vor.u32 v40, v0;
	v1 =	vand.u32 $0x7FFFFFF8, v3  }
0x179: {  	v3 =	vor.u32 v49, v42;
	v2 =	vld.idx.msk [tilespmem:v5+s8+$0x0], $0xffff;
	v1 =	vor.u32 v40, v1  }
0x17a: {  	v6 =	vor.u32 v55, v58  }
0x17b: {  	s13 =	simm.s32 $0x20  }
0x17c: {  	v5 =	vmov s13  }
0x17d: {  	v5 =	vshll.u32 v5, $0x5;
	[tilespmem:v0+s10+$0x0] =	vst.idx.msk $0xffff, v4  }
0x17e: {  	s15 =	simm.s32 $0x0;
	v59 =	vor.u32 v47, v5;
	v3 =	vld.idx.msk [tilespmem:v3+s8+$0x0], $0xffff;
	[tilespmem:v1+s10+$0x0] =	vst.idx.msk $0xffff, v2  }
0x17f: {  	s30 =	sadd.s32 $0x800, s4;
	s4 =	smul.u32 $0xF80, s15;
	v5 =	vor.u32 v7, v59;
	v2 =	vld.idx.msk [tilespmem:v6+s8+$0x0], $0xffff  }
0x180: {  	v7 =	vadd.s32 s30, v10;
	v23 =	vld [tilespmem:$0x1FE30]  }
0x181: {  	s4 =	sadd.s32 $0x20, s4;
	v0 =	vand.u32 $0x7FFFFFF8, v7;
	v4 =	vadd.s32 s12, v25;
	v26 =	vld [tilespmem:$0x1FE40]  }
0x182: {  	v0 =	vor.u32 v40, v0;
	v1 =	vand.u32 $0x7FFFFFF8, v4;
	v6 =	vadd.s32 s4, v10;
	v44 =	vld [tilespmem:$0x1FE50]  }
0x183: {  	v4 =	vor.u32 v62, v42;
	v1 =	vor.u32 v40, v1;
	v45 =	vld [tilespmem:$0x1FE60];
	v6 =	vand.u32 $0x7FFFFFF8, v6  }
0x184: {  	v7 =	vor.u32 v36, v58;
	v5 =	vld.idx.msk [tilespmem:v5+s8+$0x0], $0xffff;
	v6 =	vor.u32 v40, v6;
	_ =	sdelay $0x1  }
0x185: {  	v9 =	vadd.s32 s30, v12  }
0x186: {  	v8 =	vor.u32 v46, v59;
	[tilespmem:v0+s10+$0x0] =	vst.idx.msk $0xffff, v3;
	v0 =	vand.u32 $0x7FFFFFF8, v9;
	v9 =	vadd.s32 s12, v27  }
0x187: {  	v43 =	vsel vm0, v26, v23;
	v19 =	vsel vm0, v45, v44;
	v4 =	vld.idx.msk [tilespmem:v4+s8+$0x0], $0xffff;
	[tilespmem:v1+s10+$0x0] =	vst.idx.msk $0xffff, v2  }
0x188: {  	v0 =	vor.u32 v40, v0;
	v1 =	vand.u32 $0x7FFFFFF8, v9;
	v2 =	vld.idx.msk [tilespmem:v7+s8+$0x0], $0xffff;
	[tilespmem:v6+s10+$0x0] =	vst.idx.msk $0xffff, v5  }
0x189: {  	v3 =	vcombine.low v19, v43;
	v7 =	vadd.s32 s4, v12;
	v1 =	vor.u32 v40, v1;
	v50 =	vld [tilespmem:$0x1FE70]  }
0x18a: {  	v5 =	vand.u32 $0x7FFFFFF8, v7;
	v6 =	vor.u32 v48, v58;
	v51 =	vld [tilespmem:$0x1FE80]  }
0x18b: {  	v3 =	vor.u32 v3, v42;
	v7 =	vld.idx.msk [tilespmem:v8+s8+$0x0], $0xffff;
	v5 =	vor.u32 v40, v5  }
0x18c: {  	v52 =	vld [tilespmem:$0x1FE90]  }
0x18d: {  	v46 =	vmov v53;
	v9 =	vadd.s32 s30, v14;
	v53 =	vld [tilespmem:$0x1FEA0];
	v8 =	vor.u32 v11, v59;
	[tilespmem:v0+s10+$0x0] =	vst.idx.msk $0xffff, v4  }
0x18e: {  	v0 =	vand.u32 $0x7FFFFFF8, v9;
	v9 =	vadd.s32 s12, v29;
	[tilespmem:v1+s10+$0x0] =	vst.idx.msk $0xffff, v2  }
0x18f: {  	v1 =	vand.u32 $0x7FFFFFF8, v9;
	v2 =	vld.idx.msk [tilespmem:v6+s8+$0x0], $0xffff  }
0x190: {  	v6 =	vadd.s32 s4, v14;
	v1 =	vor.u32 v40, v1;
	v3 =	vld.idx.msk [tilespmem:v3+s8+$0x0], $0xffff;
	[tilespmem:v5+s10+$0x0] =	vst.idx.msk $0xffff, v7  }
0x191: {  	v0 =	vor.u32 v40, v0;
	v5 =	vand.u32 $0x7FFFFFF8, v6;
	v56 =	vld [tilespmem:$0x1FEB0]  }
0x192: {  	v7 =	vld.idx.msk [tilespmem:v8+s8+$0x0], $0xffff;
	v5 =	vor.u32 v40, v5  }
0x193: {  	v55 =	vld [tilespmem:$0x1FEC0]  }
0x194: {  	v61 =	vld [tilespmem:$0x1FED0]  }
0x195: {  	v63 =	vld [tilespmem:$0x1FEE0];
	[tilespmem:v1+s10+$0x0] =	vst.idx.msk $0xffff, v2  }
0x196: {  	[tilespmem:v0+s10+$0x0] =	vst.idx.msk $0xffff, v3  }
0x197: {  	v9 =	vadd.s32 s30, v16;
	[tilespmem:v5+s10+$0x0] =	vst.idx.msk $0xffff, v7  }
0x198: {  	v15 =	vsel vm0, v51, v50;
	v0 =	vand.u32 $0x7FFFFFF8, v9;
	v9 =	vadd.s32 s12, v31;
	v7 =	vld [tilespmem:$0x1FDE0]  }
0x199: {  	v17 =	vsel vm0, v53, v52;
	v8 =	vor.u32 v28, v59;
	v1 =	vand.u32 $0x7FFFFFF8, v9;
	v9 =	vld [tilespmem:$0x1FDF0]  }
0x19a: {  	v4 =	vcombine.low v17, v15;
	_ =	sdelay $0x1  }
0x19b: {  	v4 =	vor.u32 v4, v42  }
0x19c: {  	v6 =	vor.u32 v60, v58  }
0x19d: {  	v38 =	vsel vm0, v9, v7;
	v7 =	vld.idx.msk [tilespmem:v8+s8+$0x0], $0xffff  }
0x19e: {  	v11 =	vsel vm0, v55, v56;
	v13 =	vsel vm0, v63, v61;
	v8 =	vld [tilespmem:$0x1FDD0]  }
0x19f: {  	v3 =	vcombine.low v13, v11;
	v9 =	vld [tilespmem:$0x1FE00]  }
0x1a0: {  	v0 =	vor.u32 v40, v0;
	v4 =	vld.idx.msk [tilespmem:v4+s8+$0x0], $0xffff  }
0x1a1: {  	v2 =	vld.idx.msk [tilespmem:v6+s8+$0x0], $0xffff;
	v6 =	vadd.s32 s4, v16;
	v1 =	vor.u32 v40, v1;
	v3 =	vor.u32 v3, v42  }
0x1a2: {  	v5 =	vand.u32 $0x7FFFFFF8, v6;
	v6 =	vor.u32 v21, v58  }
0x1a3: {  	v5 =	vor.u32 v40, v5  }
0x1a4: {  	v21 =	vor.u32 v57, v59;
	v9 =	vsel vm0, v8, v9;
	v8 =	vadd.s32 s30, v18  }
0x1a5: {  	[tilespmem:v0+s10+$0x0] =	vst.idx.msk $0xffff, v4;
	v0 =	vand.u32 $0x7FFFFFF8, v8;
	v4 =	vcombine.low v9, v38;
	v8 =	vadd.s32 s12, v33  }
0x1a6: {  	[tilespmem:v1+s10+$0x0] =	vst.idx.msk $0xffff, v2;
	v3 =	vld.idx.msk [tilespmem:v3+s8+$0x0], $0xffff;
	v0 =	vor.u32 v40, v0;
	v1 =	vand.u32 $0x7FFFFFF8, v8  }
0x1a7: {  	v2 =	vld.idx.msk [tilespmem:v6+s8+$0x0], $0xffff;
	v6 =	vadd.s32 s4, v18;
	v4 =	vor.u32 v4, v42;
	v1 =	vor.u32 v40, v1  }
0x1a8: {  	[tilespmem:v5+s10+$0x0] =	vst.idx.msk $0xffff, v7;
	v5 =	vand.u32 $0x7FFFFFF8, v6;
	v6 =	vor.u32 v41, v58  }
0x1a9: {  	v47 =	vsel vm0, v23, v45;
	v23 =	vadd.s32 s30, v20  }
0x1aa: {  	v7 =	vld.idx.msk [tilespmem:v21+s8+$0x0], $0xffff;
	v5 =	vor.u32 v40, v5;
	v21 =	vor.u32 v30, v59;
	v8 =	vsel vm0, v44, v26  }
0x1ab: {  	[tilespmem:v0+s10+$0x0] =	vst.idx.msk $0xffff, v3;
	v0 =	vand.u32 $0x7FFFFFF8, v23;
	v3 =	vcombine.low v47, v8;
	v23 =	vadd.s32 s12, v35  }
0x1ac: {  	v4 =	vld.idx.msk [tilespmem:v4+s8+$0x0], $0xffff;
	[tilespmem:v1+s10+$0x0] =	vst.idx.msk $0xffff, v2;
	v1 =	vor.u32 v40, v0;
	v0 =	vand.u32 $0x7FFFFFF8, v23  }
0x1ad: {  	v2 =	vld.idx.msk [tilespmem:v6+s8+$0x0], $0xffff;
	v23 =	vor.u32 v40, v0  }
0x1ae: {  	v3 =	vor.u32 v3, v42;
	v6 =	vadd.s32 s4, v20  }
0x1af: {  	[tilespmem:v5+s10+$0x0] =	vst.idx.msk $0xffff, v7;
	v5 =	vor.u32 v46, v58;
	v0 =	vand.u32 $0x7FFFFFF8, v6  }
0x1b0: {  	v26 =	vor.u32 v32, v59;
	v6 =	vld.idx.msk [tilespmem:v21+s8+$0x0], $0xffff;
	v21 =	vor.u32 v40, v0  }
0x1b1: {  	v7 =	vsel vm0, v52, v51;
	v0 =	vsel vm0, v50, v53;
	[tilespmem:v1+s10+$0x0] =	vst.idx.msk $0xffff, v4;
	v1 =	vadd.s32 s30, v22  }
0x1b2: {  	v4 =	vcombine.low v0, v7;
	v1 =	vand.u32 $0x7FFFFFF8, v1;
	[tilespmem:v23+s10+$0x0] =	vst.idx.msk $0xffff, v2;
	v2 =	vadd.s32 s12, v37  }
0x1b3: {  	v3 =	vld.idx.msk [tilespmem:v3+s8+$0x0], $0xffff;
	v1 =	vor.u32 v40, v1;
	v2 =	vand.u32 $0x7FFFFFF8, v2  }
0x1b4: {  	v23 =	vadd.s32 s4, v22;
	v5 =	vld.idx.msk [tilespmem:v5+s8+$0x0], $0xffff;
	v4 =	vor.u32 v4, v42;
	v2 =	vor.u32 v40, v2  }
0x1b5: {  	[tilespmem:v21+s10+$0x0] =	vst.idx.msk $0xffff, v6;
	v6 =	vand.u32 $0x7FFFFFF8, v23;
	v23 =	vor.u32 v54, v58  }
0x1b6: {  	v41 =	vld.idx.msk [tilespmem:v26+s8+$0x0], $0xffff;
	v6 =	vor.u32 v40, v6  }
0x1b7: {  	v57 =	vor.u32 v34, v59;
	v21 =	vsel vm0, v61, v55;
	v26 =	vsel vm0, v56, v63  }
0x1b8: {  	[tilespmem:v1+s10+$0x0] =	vst.idx.msk $0xffff, v3;
	v3 =	vcombine.low v26, v21  }
0x1b9: {  	v63 =	vadd.s32 s30, v24;
	v21 =	vld.idx.msk [tilespmem:v4+s8+$0x0], $0xffff;
	[tilespmem:v2+s10+$0x0] =	vst.idx.msk $0xffff, v5  }
0x1ba: {  	v45 =	vmovc v11;
	v60 =	vmov v38;
	v1 =	vand.u32 $0x7FFFFFF8, v63;
	v2 =	vadd.s32 s12, v39;
	v53 =	vld.idx.msk [tilespmem:v23+s8+$0x0], $0xffff;
	[tilespmem:$0x1FD30] =	vst v3  }
0x1bb: {  	v44 =	vmovc v15;
	v26 =	vor.u32 v40, v1;
	v1 =	vand.u32 $0x7FFFFFF8, v2;
	v2 =	vadd.s32 s4, v24;
	[tilespmem:v6+s10+$0x0] =	vst.idx.msk $0xffff, v41  }
0x1bc: {  	v51 =	vmovc v43;
	v46 =	vlaneseq.u32;
	v50 =	vmovc v19;
	v55 =	vor.u32 v49, v58;
	v61 =	vmov v17;
	v56 =	vld.idx.msk [tilespmem:v57+s8+$0x0], $0xffff  }
0x1bd: {  	v4 =	vmovc v47;
	v5 =	vmovc v7;
	v23 =	vor.u32 v3, v42;
	v54 =	vor.u32 v40, v1;
	v41 =	vmov v62;
	v62 =	vld [tilespmem:$0x1FE10]  }
0x1be: {  	s7 =	sshll.u32 s29, $0x1;
	s11 =	simm.s32 $0x30;
	v52 =	vand.u32 $0x7FFFFFF8, v2;
	v6 =	vmovc v0;
	v3 =	vmovc v9;
	v49 =	vld [tilespmem:$0x1FE20];
	v2 =	vmov v13;
	v1 =	vmov v8  }
.LBB2_6:
0x1bf: {  	v30 =	vld [tilespmem:$0x1FFD0];
	_ =	sdelay $0x1  }
0x1c0: {  	[tilespmem:v26+s10+$0x0] =	vst.idx.msk $0xffff, v21;
	v26 =	vld [tilespmem:$0x1FFE0];
	_ =	sdelay $0x1  }
0x1c1: {  	v28 =	vor.u32 v40, v52  }
0x1c2: {  	v57 =	vmov s11;
	v21 =	vadd.s32 s30, v25;
	v34 =	vor.u32 v30, v59  }
0x1c3: {  	s13 =	sadd.s32 $0x800, s12;
	v63 =	vshll.u32 v57, $0x5;
	v21 =	vand.u32 $0x7FFFFFF8, v21  }
0x1c4: {  	v23 =	vld.idx.msk [tilespmem:v23+s8+$0x0], $0xffff;
	v32 =	vadd.s32 s13, v10;
	v52 =	vor.u32 v26, v63;
	v63 =	vcombine.low v62, v49  }
0x1c5: {  	s15 =	sshrl.u32 s11, $0x7;
	[tilespmem:v54+s10+$0x0] =	vst.idx.msk $0xffff, v53;
	v21 =	vor.u32 v40, v21;
	v53 =	vand.u32 $0x7FFFFFF8, v32;
	v26 =	vor.u32 v46, v52  }
0x1c6: {  	s12 =	smov.u32 s4;
	s4 =	smul.u32 $0xF80, s15;
	v54 =	vld.idx.msk [tilespmem:v55+s8+$0x0], $0xffff;
	v53 =	vor.u32 v40, v53;
	[tilespmem:v28+s10+$0x0] =	vst.idx.msk $0xffff, v56;
	v55 =	vor.u32 v63, v42  }
0x1c7: {  	v57 =	vor.u32 v41, v58;
	v28 =	vadd.s32 s12, v25;
	v56 =	vld.idx.msk [tilespmem:v34+s8+$0x0], $0xffff  }
0x1c8: {  	s4 =	sadd.s32 s4, s11;
	v28 =	vand.u32 $0x7FFFFFF8, v28;
	v34 =	vld [tilespmem:$0x1FD40]  }
0x1c9: {  	v32 =	vor.u32 v36, v59;
	v30 =	vadd.s32 s4, v10;
	v28 =	vor.u32 v40, v28  }
0x1ca: {  	v36 =	vcombine.low v51, v50;
	v30 =	vand.u32 $0x7FFFFFF8, v30;
	v26 =	vld.idx.msk [tilespmem:v26+s8+$0x0], $0xffff;
	[tilespmem:v21+s10+$0x0] =	vst.idx.msk $0xffff, v23  }
0x1cb: {  	v51 =	vmov v43;
	v23 =	vor.u32 v40, v30;
	v30 =	vld.idx.msk [tilespmem:v55+s8+$0x0], $0xffff;
	[tilespmem:v53+s10+$0x0] =	vst.idx.msk $0xffff, v54  }
0x1cc: {  	v21 =	vadd.s32 s30, v27;
	v54 =	vld.idx.msk [tilespmem:v57+s8+$0x0], $0xffff;
	v57 =	vcombine.low v19, v51  }
0x1cd: {  	v21 =	vand.u32 $0x7FFFFFF8, v21;
	v55 =	vor.u32 v34, v52;
	v34 =	vadd.s32 s13, v12  }
0x1ce: {  	v21 =	vor.u32 v40, v21;
	[tilespmem:v28+s10+$0x0] =	vst.idx.msk $0xffff, v56;
	v56 =	vor.u32 v57, v58;
	v57 =	vld [tilespmem:$0x1FD50];
	v53 =	vand.u32 $0x7FFFFFF8, v34  }
0x1cf: {  	v36 =	vor.u32 v36, v42;
	v28 =	vadd.s32 s12, v27;
	v53 =	vor.u32 v40, v53  }
0x1d0: {  	v32 =	vld.idx.msk [tilespmem:v32+s8+$0x0], $0xffff;
	v28 =	vand.u32 $0x7FFFFFF8, v28;
	[tilespmem:v23+s10+$0x0] =	vst.idx.msk $0xffff, v26;
	v23 =	vadd.s32 s4, v12  }
0x1d1: {  	v26 =	vor.u32 v40, v28;
	v23 =	vand.u32 $0x7FFFFFF8, v23  }
0x1d2: {  	v23 =	vor.u32 v40, v23;
	v28 =	vld.idx.msk [tilespmem:v55+s8+$0x0], $0xffff;
	v55 =	vor.u32 v48, v59  }
0x1d3: {  	[tilespmem:v21+s10+$0x0] =	vst.idx.msk $0xffff, v30;
	v57 =	vor.u32 v57, v52  }
0x1d4: {  	v30 =	vld.idx.msk [tilespmem:v36+s8+$0x0], $0xffff;
	[tilespmem:v53+s10+$0x0] =	vst.idx.msk $0xffff, v54  }
0x1d5: {  	v34 =	vcombine.low v44, v61;
	v44 =	vmovc v15;
	v61 =	vadd.s32 s13, v14;
	v21 =	vadd.s32 s30, v29;
	v54 =	vld.idx.msk [tilespmem:v56+s8+$0x0], $0xffff  }
0x1d6: {  	v21 =	vand.u32 $0x7FFFFFF8, v21;
	v36 =	vcombine.low v17, v44;
	v53 =	vand.u32 $0x7FFFFFF8, v61;
	[tilespmem:v26+s10+$0x0] =	vst.idx.msk $0xffff, v32;
	v56 =	vld [tilespmem:$0x1FFB0]  }
0x1d7: {  	v21 =	vor.u32 v40, v21;
	v32 =	vor.u32 v40, v53;
	v53 =	vld.idx.msk [tilespmem:v55+s8+$0x0], $0xffff;
	[tilespmem:v23+s10+$0x0] =	vst.idx.msk $0xffff, v28  }
0x1d8: {  	v34 =	vor.u32 v34, v42;
	v26 =	vadd.s32 s12, v29;
	v28 =	vld.idx.msk [tilespmem:v57+s8+$0x0], $0xffff  }
0x1d9: {  	v26 =	vand.u32 $0x7FFFFFF8, v26;
	v55 =	vor.u32 v36, v58;
	v57 =	vld [tilespmem:$0x1FD60]  }
0x1da: {  	v26 =	vor.u32 v40, v26  }
0x1db: {  	v56 =	vor.u32 v56, v59  }
0x1dc: {  	v23 =	vadd.s32 s4, v14;
	[tilespmem:v21+s10+$0x0] =	vst.idx.msk $0xffff, v30  }
0x1dd: {  	v36 =	vcombine.low v45, v2;
	v23 =	vand.u32 $0x7FFFFFF8, v23;
	v30 =	vld.idx.msk [tilespmem:v34+s8+$0x0], $0xffff;
	[tilespmem:v32+s10+$0x0] =	vst.idx.msk $0xffff, v54  }
0x1de: {  	v23 =	vor.u32 v40, v23;
	v54 =	vld.idx.msk [tilespmem:v55+s8+$0x0], $0xffff;
	v34 =	vor.u32 v57, v52;
	v57 =	vadd.s32 s13, v16  }
0x1df: {  	v21 =	vadd.s32 s30, v31;
	[tilespmem:v26+s10+$0x0] =	vst.idx.msk $0xffff, v53;
	v32 =	vand.u32 $0x7FFFFFF8, v57;
	v57 =	vor.u32 v36, v42;
	v36 =	vld [tilespmem:$0x1FF70]  }
0x1e0: {  	v45 =	vmov v11;
	v21 =	vand.u32 $0x7FFFFFF8, v21;
	v53 =	vld.idx.msk [tilespmem:v56+s8+$0x0], $0xffff  }
0x1e1: {  	v21 =	vor.u32 v40, v21;
	v55 =	vcombine.low v13, v45;
	v56 =	vld [tilespmem:$0x1FD70]  }
0x1e2: {  	v26 =	vadd.s32 s12, v31;
	v32 =	vor.u32 v40, v32  }
0x1e3: {  	v26 =	vand.u32 $0x7FFFFFF8, v26;
	v55 =	vor.u32 v55, v58;
	[tilespmem:v23+s10+$0x0] =	vst.idx.msk $0xffff, v28;
	v23 =	vadd.s32 s4, v16  }
0x1e4: {  	v26 =	vor.u32 v40, v26;
	v23 =	vand.u32 $0x7FFFFFF8, v23  }
0x1e5: {  	v23 =	vor.u32 v40, v23;
	v28 =	vld.idx.msk [tilespmem:v34+s8+$0x0], $0xffff;
	v34 =	vor.u32 v36, v59  }
0x1e6: {  	[tilespmem:v21+s10+$0x0] =	vst.idx.msk $0xffff, v30;
	v56 =	vor.u32 v56, v52  }
0x1e7: {  	v30 =	vld.idx.msk [tilespmem:v57+s8+$0x0], $0xffff;
	[tilespmem:v32+s10+$0x0] =	vst.idx.msk $0xffff, v54  }
0x1e8: {  	v54 =	vld.idx.msk [tilespmem:v55+s8+$0x0], $0xffff  }
0x1e9: {  	[tilespmem:v26+s10+$0x0] =	vst.idx.msk $0xffff, v53;
	v55 =	vld [tilespmem:$0x1FF80]  }
0x1ea: {  	v3 =	vcombine.low v60, v3;
	v60 =	vmov v38;
	v21 =	vadd.s32 s30, v33;
	v34 =	vld.idx.msk [tilespmem:v34+s8+$0x0], $0xffff;
	[tilespmem:v23+s10+$0x0] =	vst.idx.msk $0xffff, v28  }
0x1eb: {  	v21 =	vand.u32 $0x7FFFFFF8, v21;
	v57 =	vadd.s32 s13, v18;
	v36 =	vcombine.low v9, v60;
	v28 =	vld.idx.msk [tilespmem:v56+s8+$0x0], $0xffff  }
0x1ec: {  	v21 =	vor.u32 v40, v21;
	v32 =	vand.u32 $0x7FFFFFF8, v57;
	v26 =	vadd.s32 s12, v33;
	v56 =	vld [tilespmem:$0x1FD80]  }
0x1ed: {  	v57 =	vor.u32 v3, v42;
	v32 =	vor.u32 v40, v32;
	v26 =	vand.u32 $0x7FFFFFF8, v26  }
0x1ee: {  	v53 =	vor.u32 v36, v58;
	v26 =	vor.u32 v40, v26;
	v23 =	vadd.s32 s4, v18  }
0x1ef: {  	v23 =	vand.u32 $0x7FFFFFF8, v23;
	v55 =	vor.u32 v55, v59  }
0x1f0: {  	v23 =	vor.u32 v40, v23  }
0x1f1: {  	[tilespmem:v21+s10+$0x0] =	vst.idx.msk $0xffff, v30;
	v56 =	vor.u32 v56, v52  }
0x1f2: {  	v30 =	vld.idx.msk [tilespmem:v57+s8+$0x0], $0xffff;
	[tilespmem:v32+s10+$0x0] =	vst.idx.msk $0xffff, v54  }
0x1f3: {  	v53 =	vld.idx.msk [tilespmem:v53+s8+$0x0], $0xffff;
	[tilespmem:v26+s10+$0x0] =	vst.idx.msk $0xffff, v34  }
0x1f4: {  	v34 =	vld.idx.msk [tilespmem:v55+s8+$0x0], $0xffff  }
0x1f5: {  	v21 =	vadd.s32 s30, v35;
	[tilespmem:v23+s10+$0x0] =	vst.idx.msk $0xffff, v28;
	v55 =	vld [tilespmem:$0x1FFA0]  }
0x1f6: {  	v4 =	vcombine.low v1, v4;
	v1 =	vmov v8;
	v21 =	vand.u32 $0x7FFFFFF8, v21;
	v28 =	vld.idx.msk [tilespmem:v56+s8+$0x0], $0xffff  }
0x1f7: {  	v36 =	vcombine.low v47, v1;
	v57 =	vadd.s32 s13, v20;
	v21 =	vor.u32 v40, v21;
	v56 =	vld [tilespmem:$0x1FD90]  }
0x1f8: {  	v32 =	vand.u32 $0x7FFFFFF8, v57;
	v57 =	vor.u32 v4, v42;
	v26 =	vadd.s32 s12, v35  }
0x1f9: {  	v32 =	vor.u32 v40, v32;
	v26 =	vand.u32 $0x7FFFFFF8, v26;
	v23 =	vadd.s32 s4, v20  }
0x1fa: {  	v54 =	vor.u32 v36, v58;
	v26 =	vor.u32 v40, v26;
	v23 =	vand.u32 $0x7FFFFFF8, v23  }
0x1fb: {  	v23 =	vor.u32 v40, v23;
	v55 =	vor.u32 v55, v59  }
0x1fc: {  	v56 =	vor.u32 v56, v52  }
0x1fd: {  	[tilespmem:v21+s10+$0x0] =	vst.idx.msk $0xffff, v30;
	v21 =	vadd.s32 s30, v37  }
0x1fe: {  	v30 =	vld.idx.msk [tilespmem:v57+s8+$0x0], $0xffff;
	v21 =	vand.u32 $0x7FFFFFF8, v21;
	[tilespmem:v32+s10+$0x0] =	vst.idx.msk $0xffff, v53;
	v57 =	vadd.s32 s13, v22  }
0x1ff: {  	v21 =	vor.u32 v40, v21;
	v53 =	vld.idx.msk [tilespmem:v54+s8+$0x0], $0xffff;
	v32 =	vand.u32 $0x7FFFFFF8, v57;
	[tilespmem:v26+s10+$0x0] =	vst.idx.msk $0xffff, v34  }
0x200: {  	v26 =	vor.u32 v40, v32;
	v32 =	vld.idx.msk [tilespmem:v55+s8+$0x0], $0xffff;
	[tilespmem:v23+s10+$0x0] =	vst.idx.msk $0xffff, v28  }
0x201: {  	v34 =	vld.idx.msk [tilespmem:v56+s8+$0x0], $0xffff  }
0x202: {  	v6 =	vcombine.low v5, v6;
	v5 =	vmov v7;
	v23 =	vadd.s32 s4, v22;
	v56 =	vld [tilespmem:$0x1FF90]  }
0x203: {  	v36 =	vadd.s32 s12, v37;
	v54 =	vcombine.low v0, v5;
	v23 =	vand.u32 $0x7FFFFFF8, v23  }
0x204: {  	v57 =	vor.u32 v6, v42;
	v42 =	vmov v58;
	[tilespmem:v21+s10+$0x0] =	vst.idx.msk $0xffff, v30;
	v30 =	vor.u32 v40, v23;
	v23 =	vld [tilespmem:$0x1FDA0]  }
0x205: {  	v36 =	vand.u32 $0x7FFFFFF8, v36;
	v58 =	vmovc v59;
	v59 =	vmov v52;
	v52 =	vor.u32 v54, v42  }
0x206: {  	v28 =	vor.u32 v40, v36  }
0x207: {  	v54 =	vor.u32 v56, v58  }
0x208: {  	v21 =	vadd.s32 s30, v39;
	s30 =	smov.u32 s13  }
0x209: {  	v57 =	vld.idx.msk [tilespmem:v57+s8+$0x0], $0xffff;
	v21 =	vand.u32 $0x7FFFFFF8, v21;
	[tilespmem:v26+s10+$0x0] =	vst.idx.msk $0xffff, v53;
	v55 =	vor.u32 v23, v59;
	v23 =	vadd.s32 s30, v24  }
0x20a: {  	v36 =	vor.u32 v40, v21;
	v21 =	vld.idx.msk [tilespmem:v52+s8+$0x0], $0xffff;
	v23 =	vand.u32 $0x7FFFFFF8, v23  }
0x20b: {  	[tilespmem:v28+s10+$0x0] =	vst.idx.msk $0xffff, v32;
	v28 =	vadd.s32 s12, v39;
	v26 =	vor.u32 v40, v23;
	v23 =	vld [tilespmem:$0x1FD30]  }
0x20c: {  	v28 =	vand.u32 $0x7FFFFFF8, v28;
	v53 =	vld.idx.msk [tilespmem:v54+s8+$0x0], $0xffff  }
0x20d: {  	p1 =	slt.u32 s11, $0x1F0;
	v54 =	vor.u32 v40, v28;
	v28 =	vld [tilespmem:$0x1FFC0]  }
.Ltmp1:
0x20e: {  	_ = 	snop;
	(pc) =	sbr.rel @p1 .LBB2_6-.Ltmp1, $4  }
0x20f: {  	_ = 	snop  }
0x210: {  	v50 =	vmov v19;
	v61 =	vmov v17;
	[tilespmem:v30+s10+$0x0] =	vst.idx.msk $0xffff, v34  }
0x211: {  	v2 =	vmovc v13;
	v3 =	vmovc v9;
	v4 =	vmov v47;
	v6 =	vmov v0;
	v30 =	vadd.s32 s4, v24;
	v56 =	vld.idx.msk [tilespmem:v55+s8+$0x0], $0xffff  }
0x212: {  	s11 =	sadd.s32 $0x10, s11;
	v52 =	vand.u32 $0x7FFFFFF8, v30;
	[tilespmem:v36+s10+$0x0] =	vst.idx.msk $0xffff, v57;
	v36 =	vld [tilespmem:$0x1FDB0];
	v23 =	vor.u32 v23, v42;
	v55 =	vor.u32 v28, v58  }
0x213: {  	v62 =	vld [tilespmem:$0x1FFD0];
	_ =	sdelay $0x3  }
0x214: {  	v28 =	vor.u32 v40, v52  }
0x215: {  	v30 =	vor.u32 v62, v59;
	_ =	sdelay $0x2  }
0x216: {  	v32 =	vadd.s32 s4, v25  }
0x217: {  	[tilespmem:v28+s10+$0x0] =	vst.idx.msk $0xffff, v56;
	v28 =	vand.u32 $0x7FFFFFF8, v32  }
0x218: {  	v28 =	vor.u32 v40, v28;
	v30 =	vld.idx.msk [tilespmem:v30+s8+$0x0], $0xffff  }
0x219: {  	v57 =	vor.u32 v36, v59;
	_ =	sdelay $0x2  }
0x21a: {  	v34 =	vadd.s32 s4, v27  }
0x21b: {  	[tilespmem:v28+s10+$0x0] =	vst.idx.msk $0xffff, v30;
	v28 =	vand.u32 $0x7FFFFFF8, v34  }
0x21c: {  	v30 =	vld.idx.msk [tilespmem:v57+s8+$0x0], $0xffff;
	v28 =	vor.u32 v40, v28;
	_ =	sdelay $0x2  }
0x21d: {  	v36 =	vor.u32 v48, v59;
	_ =	sdelay $0x1  }
0x21e: {  	[tilespmem:v28+s10+$0x0] =	vst.idx.msk $0xffff, v30  }
0x21f: {  	v46 =	vadd.s32 s4, v29;
	v49 =	vld [tilespmem:$0x1FFB0]  }
0x220: {  	v28 =	vand.u32 $0x7FFFFFF8, v46  }
0x221: {  	v30 =	vld.idx.msk [tilespmem:v36+s8+$0x0], $0xffff;
	v28 =	vor.u32 v40, v28;
	_ =	sdelay $0x2  }
0x222: {  	v48 =	vor.u32 v49, v59;
	_ =	sdelay $0x1  }
0x223: {  	[tilespmem:v28+s10+$0x0] =	vst.idx.msk $0xffff, v30  }
0x224: {  	v52 =	vadd.s32 s4, v31;
	v56 =	vld [tilespmem:$0x1FF70]  }
0x225: {  	v28 =	vand.u32 $0x7FFFFFF8, v52  }
0x226: {  	v28 =	vor.u32 v40, v28;
	v30 =	vld.idx.msk [tilespmem:v48+s8+$0x0], $0xffff;
	_ =	sdelay $0x2  }
0x227: {  	v32 =	vor.u32 v56, v59;
	_ =	sdelay $0x1  }
0x228: {  	[tilespmem:v28+s10+$0x0] =	vst.idx.msk $0xffff, v30  }
0x229: {  	v57 =	vadd.s32 s4, v33;
	v36 =	vld [tilespmem:$0x1FF80]  }
0x22a: {  	v28 =	vand.u32 $0x7FFFFFF8, v57  }
0x22b: {  	v30 =	vld.idx.msk [tilespmem:v32+s8+$0x0], $0xffff;
	v28 =	vor.u32 v40, v28;
	_ =	sdelay $0x2  }
0x22c: {  	v32 =	vor.u32 v36, v59;
	_ =	sdelay $0x1  }
0x22d: {  	[tilespmem:v28+s10+$0x0] =	vst.idx.msk $0xffff, v30  }
0x22e: {  	v46 =	vadd.s32 s4, v35;
	v48 =	vld [tilespmem:$0x1FFA0]  }
0x22f: {  	v28 =	vand.u32 $0x7FFFFFF8, v46  }
0x230: {  	v28 =	vor.u32 v40, v28;
	v30 =	vld.idx.msk [tilespmem:v32+s8+$0x0], $0xffff;
	_ =	sdelay $0x2  }
0x231: {  	v32 =	vor.u32 v48, v59;
	_ =	sdelay $0x1  }
0x232: {  	[tilespmem:v28+s10+$0x0] =	vst.idx.msk $0xffff, v30  }
0x233: {  	v52 =	vadd.s32 s4, v37;
	v56 =	vld [tilespmem:$0x1FF90]  }
0x234: {  	v28 =	vand.u32 $0x7FFFFFF8, v52  }
0x235: {  	v30 =	vld.idx.msk [tilespmem:v32+s8+$0x0], $0xffff;
	v28 =	vor.u32 v40, v28;
	_ =	sdelay $0x2  }
0x236: {  	v32 =	vor.u32 v56, v59;
	_ =	sdelay $0x1  }
0x237: {  	[tilespmem:v28+s10+$0x0] =	vst.idx.msk $0xffff, v30  }
0x238: {  	v57 =	vadd.s32 s4, v39;
	v36 =	vld [tilespmem:$0x1FFC0]  }
0x239: {  	v28 =	vand.u32 $0x7FFFFFF8, v57  }
0x23a: {  	v28 =	vor.u32 v40, v28;
	v30 =	vld.idx.msk [tilespmem:v32+s8+$0x0], $0xffff  }
0x23b: {  	s11 =	sadd.s32 $0x800, s12  }
0x23c: {  	v46 =	vadd.s32 s11, v10  }
0x23d: {  	v34 =	vand.u32 $0x7FFFFFF8, v46;
	[tilespmem:v54+s10+$0x0] =	vst.idx.msk $0xffff, v53;
	v32 =	vor.u32 v36, v59  }
0x23e: {  	v34 =	vor.u32 v40, v34;
	v56 =	vld.idx.msk [tilespmem:v55+s8+$0x0], $0xffff  }
0x23f: {  	s15 =	sadd.s32 $0x800, s4;
	[tilespmem:v28+s10+$0x0] =	vst.idx.msk $0xffff, v30;
	v30 =	vor.u32 v41, v58  }
0x240: {  	v48 =	vadd.s32 s15, v10  }
0x241: {  	v28 =	vand.u32 $0x7FFFFFF8, v48  }
0x242: {  	v57 =	vadd.s32 s11, v12;
	v32 =	vld.idx.msk [tilespmem:v32+s8+$0x0], $0xffff;
	v28 =	vor.u32 v40, v28  }
0x243: {  	v36 =	vor.u32 v41, v59;
	[tilespmem:v34+s10+$0x0] =	vst.idx.msk $0xffff, v56;
	v56 =	vcombine.low v19, v43;
	v41 =	vand.u32 $0x7FFFFFF8, v57  }
0x244: {  	v34 =	vor.u32 v40, v41;
	v30 =	vld.idx.msk [tilespmem:v30+s8+$0x0], $0xffff  }
0x245: {  	v48 =	vor.u32 v56, v58  }
0x246: {  	v46 =	vadd.s32 s15, v12  }
0x247: {  	[tilespmem:v28+s10+$0x0] =	vst.idx.msk $0xffff, v32;
	v28 =	vand.u32 $0x7FFFFFF8, v46  }
0x248: {  	v41 =	vadd.s32 s11, v14;
	v36 =	vld.idx.msk [tilespmem:v36+s8+$0x0], $0xffff;
	v28 =	vor.u32 v40, v28  }
0x249: {  	v52 =	vcombine.low v17, v15;
	v57 =	vor.u32 v56, v59;
	[tilespmem:v34+s10+$0x0] =	vst.idx.msk $0xffff, v30;
	v30 =	vand.u32 $0x7FFFFFF8, v41  }
0x24a: {  	v32 =	vld.idx.msk [tilespmem:v48+s8+$0x0], $0xffff;
	v30 =	vor.u32 v40, v30  }
0x24b: {  	v48 =	vor.u32 v52, v58  }
0x24c: {  	v46 =	vadd.s32 s15, v14  }
0x24d: {  	[tilespmem:v28+s10+$0x0] =	vst.idx.msk $0xffff, v36;
	v28 =	vand.u32 $0x7FFFFFF8, v46  }
0x24e: {  	v41 =	vadd.s32 s11, v16;
	v36 =	vld.idx.msk [tilespmem:v57+s8+$0x0], $0xffff;
	v28 =	vor.u32 v40, v28  }
0x24f: {  	v55 =	vcombine.low v13, v11;
	v57 =	vor.u32 v52, v59;
	[tilespmem:v30+s10+$0x0] =	vst.idx.msk $0xffff, v32;
	v30 =	vand.u32 $0x7FFFFFF8, v41  }
0x250: {  	v34 =	vld.idx.msk [tilespmem:v48+s8+$0x0], $0xffff;
	v30 =	vor.u32 v40, v30  }
0x251: {  	v48 =	vor.u32 v55, v58  }
0x252: {  	v46 =	vadd.s32 s15, v16  }
0x253: {  	[tilespmem:v28+s10+$0x0] =	vst.idx.msk $0xffff, v36;
	v28 =	vand.u32 $0x7FFFFFF8, v46  }
0x254: {  	v41 =	vadd.s32 s11, v18;
	v36 =	vld.idx.msk [tilespmem:v57+s8+$0x0], $0xffff;
	v28 =	vor.u32 v40, v28  }
0x255: {  	v54 =	vcombine.low v9, v38;
	v57 =	vor.u32 v55, v59;
	[tilespmem:v30+s10+$0x0] =	vst.idx.msk $0xffff, v34;
	v30 =	vand.u32 $0x7FFFFFF8, v41  }
0x256: {  	v32 =	vld.idx.msk [tilespmem:v48+s8+$0x0], $0xffff;
	v30 =	vor.u32 v40, v30  }
0x257: {  	v34 =	vor.u32 v54, v58  }
0x258: {  	v46 =	vadd.s32 s15, v18  }
0x259: {  	[tilespmem:v28+s10+$0x0] =	vst.idx.msk $0xffff, v36;
	v28 =	vand.u32 $0x7FFFFFF8, v46  }
0x25a: {  	v41 =	vadd.s32 s11, v20;
	v36 =	vld.idx.msk [tilespmem:v57+s8+$0x0], $0xffff;
	v28 =	vor.u32 v40, v28  }
0x25b: {  	v53 =	vcombine.low v47, v8;
	v48 =	vor.u32 v54, v59;
	[tilespmem:v30+s10+$0x0] =	vst.idx.msk $0xffff, v32;
	v30 =	vand.u32 $0x7FFFFFF8, v41  }
0x25c: {  	v34 =	vld.idx.msk [tilespmem:v34+s8+$0x0], $0xffff;
	v30 =	vor.u32 v40, v30  }
0x25d: {  	v32 =	vor.u32 v53, v58;
	_ =	sdelay $0x1  }
0x25e: {  	[tilespmem:v28+s10+$0x0] =	vst.idx.msk $0xffff, v36  }
0x25f: {  	v36 =	vld.idx.msk [tilespmem:v48+s8+$0x0], $0xffff;
	v48 =	vadd.s32 s11, v22  }
0x260: {  	v46 =	vadd.s32 s15, v20;
	[tilespmem:v30+s10+$0x0] =	vst.idx.msk $0xffff, v34;
	v30 =	vand.u32 $0x7FFFFFF8, v48;
	v48 =	vcombine.low v0, v7  }
0x261: {  	v28 =	vand.u32 $0x7FFFFFF8, v46;
	v57 =	vld.idx.msk [tilespmem:v32+s8+$0x0], $0xffff;
	v30 =	vor.u32 v40, v30  }
0x262: {  	v28 =	vor.u32 v40, v28;
	v34 =	vor.u32 v48, v58  }
0x263: {  	v41 =	vor.u32 v53, v59;
	_ =	sdelay $0x2  }
0x264: {  	v46 =	vadd.s32 s15, v22;
	[tilespmem:v30+s10+$0x0] =	vst.idx.msk $0xffff, v57  }
0x265: {  	[tilespmem:v28+s10+$0x0] =	vst.idx.msk $0xffff, v36;
	v28 =	vand.u32 $0x7FFFFFF8, v46;
	v34 =	vld.idx.msk [tilespmem:v34+s8+$0x0], $0xffff  }
0x266: {  	v36 =	vld.idx.msk [tilespmem:v41+s8+$0x0], $0xffff;
	v41 =	vor.u32 v40, v28;
	_ =	sdelay $0x3  }
0x267: {  	[tilespmem:$0x1FD20] =	vst v34  }
0x268: {  	[tilespmem:v41+s10+$0x0] =	vst.idx.msk $0xffff, v36  }
0x269: {  	v57 =	vld [tilespmem:$0x1FD30]  }
0x26a: {  	v46 =	vor.u32 v48, v59  }
0x26b: {  	v28 =	vadd.s32 s11, v24  }
0x26c: {  	v28 =	vand.u32 $0x7FFFFFF8, v28;
	[tilespmem:v26+s10+$0x0] =	vst.idx.msk $0xffff, v21  }
0x26d: {  	v30 =	vadd.s32 s15, v24;
	v34 =	vor.u32 v40, v28;
	v21 =	vld [tilespmem:$0x1FD20]  }
0x26e: {  	v30 =	vand.u32 $0x7FFFFFF8, v30;
	v32 =	vor.u32 v57, v58  }
0x26f: {  	v30 =	vor.u32 v40, v30;
	v36 =	vld.idx.msk [tilespmem:v46+s8+$0x0], $0xffff  }
0x270: {  	v28 =	vadd.s32 s30, v25;
	v57 =	vor.u32 v57, v59  }
0x271: {  	v28 =	vand.u32 $0x7FFFFFF8, v28;
	v26 =	vadd.s32 s11, v25  }
0x272: {  	v46 =	vor.u32 v40, v28;
	v23 =	vld.idx.msk [tilespmem:v23+s8+$0x0], $0xffff;
	v26 =	vand.u32 $0x7FFFFFF8, v26;
	[tilespmem:v34+s10+$0x0] =	vst.idx.msk $0xffff, v21  }
0x273: {  	v41 =	vor.u32 v63, v42;
	v26 =	vor.u32 v40, v26;
	v34 =	vadd.s32 s15, v25;
	v32 =	vld.idx.msk [tilespmem:v32+s8+$0x0], $0xffff  }
0x274: {  	[tilespmem:v30+s10+$0x0] =	vst.idx.msk $0xffff, v36;
	v30 =	vand.u32 $0x7FFFFFF8, v34;
	v34 =	vor.u32 v63, v58  }
0x275: {  	v30 =	vor.u32 v40, v30;
	v36 =	vld.idx.msk [tilespmem:v57+s8+$0x0], $0xffff  }
0x276: {  	v50 =	vcombine.low v51, v50;
	v28 =	vor.u32 v63, v59;
	v21 =	vadd.s32 s30, v27  }
0x277: {  	v51 =	vcombine.low v43, v19;
	[tilespmem:v46+s10+$0x0] =	vst.idx.msk $0xffff, v23;
	v21 =	vand.u32 $0x7FFFFFF8, v21;
	v57 =	vadd.s32 s11, v27  }
0x278: {  	v21 =	vor.u32 v40, v21;
	v46 =	vand.u32 $0x7FFFFFF8, v57;
	[tilespmem:v26+s10+$0x0] =	vst.idx.msk $0xffff, v32;
	v26 =	vld.idx.msk [tilespmem:v41+s8+$0x0], $0xffff  }
0x279: {  	v19 =	vadd.s32 s15, v27;
	v23 =	vor.u32 v50, v42;
	v32 =	vor.u32 v40, v46;
	v34 =	vld.idx.msk [tilespmem:v34+s8+$0x0], $0xffff  }
0x27a: {  	v19 =	vand.u32 $0x7FFFFFF8, v19;
	[tilespmem:v30+s10+$0x0] =	vst.idx.msk $0xffff, v36  }
0x27b: {  	v19 =	vor.u32 v40, v19;
	v30 =	vor.u32 v51, v58;
	v28 =	vld.idx.msk [tilespmem:v28+s8+$0x0], $0xffff  }
0x27c: {  	v41 =	vor.u32 v51, v59  }
0x27d: {  	v61 =	vcombine.low v44, v61;
	v43 =	vadd.s32 s11, v29;
	v57 =	vadd.s32 s30, v29;
	[tilespmem:v21+s10+$0x0] =	vst.idx.msk $0xffff, v26  }
0x27e: {  	v50 =	vcombine.low v15, v17;
	v15 =	vadd.s32 s15, v29;
	v36 =	vand.u32 $0x7FFFFFF8, v57;
	[tilespmem:v32+s10+$0x0] =	vst.idx.msk $0xffff, v34;
	v23 =	vld.idx.msk [tilespmem:v23+s8+$0x0], $0xffff  }
0x27f: {  	v15 =	vand.u32 $0x7FFFFFF8, v15;
	v46 =	vand.u32 $0x7FFFFFF8, v43;
	v21 =	vor.u32 v40, v36;
	v36 =	vld [tilespmem:$0x1FDB0]  }
0x280: {  	v26 =	vor.u32 v61, v42;
	v17 =	vld.idx.msk [tilespmem:v30+s8+$0x0], $0xffff;
	v30 =	vor.u32 v40, v46;
	[tilespmem:v19+s10+$0x0] =	vst.idx.msk $0xffff, v28  }
0x281: {  	v15 =	vor.u32 v40, v15;
	v19 =	vor.u32 v50, v58;
	v28 =	vld.idx.msk [tilespmem:v41+s8+$0x0], $0xffff  }
0x282: {  	v2 =	vcombine.low v45, v2;
	v61 =	vor.u32 v50, v59  }
0x283: {  	v45 =	vcombine.low v11, v13;
	v57 =	vadd.s32 s30, v31  }
0x284: {  	v2 =	vor.u32 v2, v42;
	v32 =	vand.u32 $0x7FFFFFF8, v57;
	[tilespmem:v21+s10+$0x0] =	vst.idx.msk $0xffff, v23;
	v23 =	vadd.s32 s11, v31  }
0x285: {  	v11 =	vadd.s32 s15, v31;
	v21 =	vor.u32 v40, v32;
	[tilespmem:v30+s10+$0x0] =	vst.idx.msk $0xffff, v17;
	v17 =	vld.idx.msk [tilespmem:v26+s8+$0x0], $0xffff;
	v23 =	vand.u32 $0x7FFFFFF8, v23  }
0x286: {  	v11 =	vand.u32 $0x7FFFFFF8, v11;
	v13 =	vld.idx.msk [tilespmem:v19+s8+$0x0], $0xffff;
	v19 =	vor.u32 v40, v23;
	[tilespmem:v15+s10+$0x0] =	vst.idx.msk $0xffff, v28  }
0x287: {  	v11 =	vor.u32 v40, v11;
	v15 =	vor.u32 v45, v58;
	v23 =	vld.idx.msk [tilespmem:v61+s8+$0x0], $0xffff  }
0x288: {  	v3 =	vcombine.low v60, v3;
	v28 =	vor.u32 v45, v59  }
0x289: {  	v44 =	vcombine.low v38, v9;
	v26 =	vadd.s32 s30, v33  }
0x28a: {  	v3 =	vor.u32 v3, v42;
	v26 =	vand.u32 $0x7FFFFFF8, v26;
	[tilespmem:v21+s10+$0x0] =	vst.idx.msk $0xffff, v17;
	v21 =	vadd.s32 s11, v33  }
0x28b: {  	v9 =	vadd.s32 s15, v33;
	v17 =	vor.u32 v40, v26;
	v2 =	vld.idx.msk [tilespmem:v2+s8+$0x0], $0xffff;
	[tilespmem:v19+s10+$0x0] =	vst.idx.msk $0xffff, v13;
	v13 =	vand.u32 $0x7FFFFFF8, v21  }
0x28c: {  	v9 =	vand.u32 $0x7FFFFFF8, v9;
	v15 =	vld.idx.msk [tilespmem:v15+s8+$0x0], $0xffff;
	v13 =	vor.u32 v40, v13;
	[tilespmem:v11+s10+$0x0] =	vst.idx.msk $0xffff, v23  }
0x28d: {  	v1 =	vcombine.low v1, v4;
	v9 =	vor.u32 v40, v9;
	v11 =	vor.u32 v44, v58;
	v19 =	vld.idx.msk [tilespmem:v28+s8+$0x0], $0xffff  }
0x28e: {  	v4 =	vor.u32 v44, v59  }
0x28f: {  	v1 =	vor.u32 v1, v42;
	v21 =	vadd.s32 s30, v35  }
0x290: {  	v43 =	vcombine.low v8, v47;
	v21 =	vand.u32 $0x7FFFFFF8, v21;
	[tilespmem:v17+s10+$0x0] =	vst.idx.msk $0xffff, v2;
	v17 =	vadd.s32 s11, v35  }
0x291: {  	v8 =	vadd.s32 s15, v35;
	v2 =	vor.u32 v40, v21;
	v3 =	vld.idx.msk [tilespmem:v3+s8+$0x0], $0xffff;
	[tilespmem:v13+s10+$0x0] =	vst.idx.msk $0xffff, v15;
	v13 =	vand.u32 $0x7FFFFFF8, v17  }
0x292: {  	v8 =	vand.u32 $0x7FFFFFF8, v8;
	v11 =	vld.idx.msk [tilespmem:v11+s8+$0x0], $0xffff;
	v13 =	vor.u32 v40, v13;
	[tilespmem:v9+s10+$0x0] =	vst.idx.msk $0xffff, v19  }
0x293: {  	v8 =	vor.u32 v40, v8;
	v9 =	vor.u32 v43, v58;
	v4 =	vld.idx.msk [tilespmem:v4+s8+$0x0], $0xffff  }
0x294: {  	v5 =	vcombine.low v5, v6;
	v6 =	vor.u32 v43, v59;
	v15 =	vadd.s32 s30, v37  }
0x295: {  	v15 =	vand.u32 $0x7FFFFFF8, v15  }
0x296: {  	[tilespmem:v2+s10+$0x0] =	vst.idx.msk $0xffff, v3;
	v2 =	vor.u32 v40, v15;
	v3 =	vor.u32 v5, v42;
	v5 =	vadd.s32 s11, v37  }
0x297: {  	v42 =	vcombine.low v7, v0;
	v0 =	vadd.s32 s15, v37;
	v1 =	vld.idx.msk [tilespmem:v1+s8+$0x0], $0xffff;
	[tilespmem:v13+s10+$0x0] =	vst.idx.msk $0xffff, v11;
	v5 =	vand.u32 $0x7FFFFFF8, v5  }
0x298: {  	v0 =	vand.u32 $0x7FFFFFF8, v0;
	v7 =	vld.idx.msk [tilespmem:v9+s8+$0x0], $0xffff;
	v5 =	vor.u32 v40, v5;
	[tilespmem:v8+s10+$0x0] =	vst.idx.msk $0xffff, v4  }
0x299: {  	v4 =	vor.u32 v42, v58;
	v0 =	vor.u32 v40, v0;
	v6 =	vld.idx.msk [tilespmem:v6+s8+$0x0], $0xffff  }
0x29a: {  	v8 =	vor.u32 v42, v59  }
0x29b: {  	v9 =	vadd.s32 s30, v39  }
0x29c: {  	[tilespmem:v2+s10+$0x0] =	vst.idx.msk $0xffff, v1;
	v1 =	vand.u32 $0x7FFFFFF8, v9;
	v2 =	vadd.s32 s11, v39  }
0x29d: {  	v3 =	vld.idx.msk [tilespmem:v3+s8+$0x0], $0xffff;
	v1 =	vor.u32 v40, v1;
	[tilespmem:v5+s10+$0x0] =	vst.idx.msk $0xffff, v7;
	v2 =	vand.u32 $0x7FFFFFF8, v2;
	v5 =	vadd.s32 s15, v39  }
0x29e: {  	v4 =	vld.idx.msk [tilespmem:v4+s8+$0x0], $0xffff;
	v2 =	vor.u32 v40, v2;
	[tilespmem:v0+s10+$0x0] =	vst.idx.msk $0xffff, v6;
	v0 =	vand.u32 $0x7FFFFFF8, v5  }
0x29f: {  	v5 =	vld.idx.msk [tilespmem:v8+s8+$0x0], $0xffff;
	v0 =	vor.u32 v40, v0;
	_ =	sdelay $0x1  }
0x2a0: {  	s11 =	sshll.u32 s29, $0x16  }
0x2a1: {  	s4 =	sadd.s32 s26, s11;
	[tilespmem:v1+s10+$0x0] =	vst.idx.msk $0xffff, v3  }
0x2a2: {  	s4 =	sshrl.u32 s4, $0x3;
	[tilespmem:v2+s10+$0x0] =	vst.idx.msk $0xffff, v4  }
0x2a3: {  	s30 =	sor.u32 $0x1, s7;
	s12 =	sadd.s32 s1, s4;
	s13 =	sor.u32 $0x4000, s4;
	[tilespmem:v0+s10+$0x0] =	vst.idx.msk $0xffff, v5  }
0x2a4: {  	[hbm4b:s12+s2] =	stream.linear.scatter [tilespmem:s10], [sflag:$0x3], $0x400, $0x38;
	[tilespmem:$0x1C800] =	vst v63  }
0x2a5: {  	s15 =	simm.s32 $0x14C00;
	s11 =	sadd.s32 s1, s13;
	s13 =	sor.u32 $0x8000, s4  }
0x2a6: {  	[hbm4b:s11+s2] =	stream.linear.scatter [tilespmem:s15], [sflag:$0x3], $0x400, $0x38;
	[tilespmem:$0x1C800] =	vst v63  }
0x2a7: {  	s11 =	sadd.s32 s1, s13;
	s15 =	simm.s32 $0x15000;
	s13 =	sor.u32 $0xC000, s4  }
0x2a8: {  	[hbm4b:s11+s2] =	stream.linear.scatter [tilespmem:s15], [sflag:$0x3], $0x400, $0x38;
	[tilespmem:$0x1C800] =	vst v63  }
0x2a9: {  	s11 =	sadd.s32 s1, s13;
	s15 =	simm.s32 $0x15400;
	s13 =	sor.u32 $0x10000, s4  }
0x2aa: {  	[hbm4b:s11+s2] =	stream.linear.scatter [tilespmem:s15], [sflag:$0x3], $0x400, $0x38;
	[tilespmem:$0x1C800] =	vst v63  }
0x2ab: {  	s11 =	sadd.s32 s1, s13;
	s15 =	simm.s32 $0x15800;
	s13 =	sor.u32 $0x14000, s4  }
0x2ac: {  	[hbm4b:s11+s2] =	stream.linear.scatter [tilespmem:s15], [sflag:$0x3], $0x400, $0x38;
	[tilespmem:$0x1C800] =	vst v63  }
0x2ad: {  	s11 =	sadd.s32 s1, s13;
	s15 =	simm.s32 $0x15C00;
	s13 =	sor.u32 $0x18000, s4  }
0x2ae: {  	[hbm4b:s11+s2] =	stream.linear.scatter [tilespmem:s15], [sflag:$0x3], $0x400, $0x38;
	[tilespmem:$0x1C800] =	vst v63  }
0x2af: {  	s11 =	sadd.s32 s1, s13;
	s15 =	simm.s32 $0x16000;
	s13 =	sor.u32 $0x1C000, s4  }
0x2b0: {  	[hbm4b:s11+s2] =	stream.linear.scatter [tilespmem:s15], [sflag:$0x3], $0x400, $0x38;
	[tilespmem:$0x1C800] =	vst v63  }
0x2b1: {  	s11 =	sadd.s32 s1, s13;
	s15 =	simm.s32 $0x16400;
	s13 =	sor.u32 $0x20000, s4  }
0x2b2: {  	[hbm4b:s11+s2] =	stream.linear.scatter [tilespmem:s15], [sflag:$0x3], $0x400, $0x38;
	[tilespmem:$0x1C800] =	vst v63  }
0x2b3: {  	s11 =	sadd.s32 s1, s13;
	s15 =	simm.s32 $0x16800;
	s13 =	sor.u32 $0x24000, s4  }
0x2b4: {  	[hbm4b:s11+s2] =	stream.linear.scatter [tilespmem:s15], [sflag:$0x3], $0x400, $0x38;
	[tilespmem:$0x1C800] =	vst v63  }
0x2b5: {  	s11 =	sadd.s32 s1, s13;
	s15 =	simm.s32 $0x16C00;
	s13 =	sor.u32 $0x28000, s4  }
0x2b6: {  	[hbm4b:s11+s2] =	stream.linear.scatter [tilespmem:s15], [sflag:$0x3], $0x400, $0x38;
	[tilespmem:$0x1C800] =	vst v63  }
0x2b7: {  	s11 =	sadd.s32 s1, s13;
	s15 =	simm.s32 $0x17000;
	s13 =	sor.u32 $0x2C000, s4  }
0x2b8: {  	[hbm4b:s11+s2] =	stream.linear.scatter [tilespmem:s15], [sflag:$0x3], $0x400, $0x38;
	[tilespmem:$0x1C800] =	vst v63  }
0x2b9: {  	s11 =	sadd.s32 s1, s13;
	s15 =	simm.s32 $0x17400;
	s13 =	sor.u32 $0x30000, s4  }
0x2ba: {  	[hbm4b:s11+s2] =	stream.linear.scatter [tilespmem:s15], [sflag:$0x3], $0x400, $0x38;
	[tilespmem:$0x1C800] =	vst v63  }
0x2bb: {  	s11 =	sadd.s32 s1, s13;
	s15 =	simm.s32 $0x17800;
	s13 =	sor.u32 $0x34000, s4  }
0x2bc: {  	[hbm4b:s11+s2] =	stream.linear.scatter [tilespmem:s15], [sflag:$0x3], $0x400, $0x38;
	[tilespmem:$0x1C800] =	vst v63  }
0x2bd: {  	s11 =	sadd.s32 s1, s13;
	s15 =	simm.s32 $0x17C00;
	s13 =	sor.u32 $0x38000, s4  }
0x2be: {  	[hbm4b:s11+s2] =	stream.linear.scatter [tilespmem:s15], [sflag:$0x3], $0x400, $0x38;
	[tilespmem:$0x1C800] =	vst v63  }
0x2bf: {  	s4 =	sor.u32 $0x3C000, s4;
	s11 =	sadd.s32 s1, s13;
	s15 =	simm.s32 $0x18000  }
0x2c0: {  	[hbm4b:s11+s2] =	stream.linear.scatter [tilespmem:s15], [sflag:$0x3], $0x400, $0x38;
	[tilespmem:$0x1C800] =	vst v63  }
0x2c1: {  	p1 =	sgt.u32 s30, $0x30;
	s12 =	simm.s32 $0x18400;
	s4 =	sadd.s32 s1, s4  }
0x2c2: {  	[hbm4b:s4+s2] =	stream.linear.scatter [tilespmem:s12], [sflag:$0x3], $0x400, $0x38;
	[tilespmem:$0x1C800] =	vst v63  }
0x2c3: {  	s3 =	sadd.s32 @!p1 $0x6800, s3;
	s7 =	simm.s32 @!p1 $0xC800;
	s4 =	simm.s32 @!p1 $0x200  }
0x2c4: {  	[tilespmem:s7], [sflag:$0x1] =	stream.indirect.gather @!p1 [hbm4b:s5+s4], $0x20, s3, s4, $0xb8;
	[tilespmem:$0x1C800] =	vst v63  }
0x2c5: {  	_ =	swait.ge [sflag:s31], $0x4000  }
0x2c6: {  	[sflag:s31] =	ssyncset.done $0x0  }
0x2c7: {  	s3 =	simm.s32 @!p0 $0x4;
	[sflag:s31] =	ssyncadd.s32 $0xFFFFC000  }
0x2c8: {  	_ =	swait.ge @!p0 [sflag:s3], $0x400  }
0x2c9: {  	[sflag:s3] =	ssyncset.done @!p0 $0x0  }
0x2ca: {  	[sflag:s3] =	ssyncadd.s32 @!p0 $0xFFFFFC00  }
0x2cb: {  	_ =	swait.ge @!p0 [sflag:s3], $0x400  }
0x2cc: {  	[sflag:s3] =	ssyncset.done @!p0 $0x0  }
0x2cd: {  	[sflag:s3] =	ssyncadd.s32 @!p0 $0xFFFFFC00  }
0x2ce: {  	_ =	swait.ge @!p0 [sflag:s3], $0x400  }
0x2cf: {  	[sflag:s3] =	ssyncset.done @!p0 $0x0  }
0x2d0: {  	[sflag:s3] =	ssyncadd.s32 @!p0 $0xFFFFFC00  }
0x2d1: {  	_ =	swait.ge @!p0 [sflag:s3], $0x400  }
0x2d2: {  	[sflag:s3] =	ssyncset.done @!p0 $0x0  }
0x2d3: {  	[sflag:s3] =	ssyncadd.s32 @!p0 $0xFFFFFC00  }
0x2d4: {  	_ =	swait.ge @!p0 [sflag:s3], $0x400  }
0x2d5: {  	[sflag:s3] =	ssyncset.done @!p0 $0x0  }
0x2d6: {  	[sflag:s3] =	ssyncadd.s32 @!p0 $0xFFFFFC00  }
0x2d7: {  	_ =	swait.ge @!p0 [sflag:s3], $0x400  }
0x2d8: {  	[sflag:s3] =	ssyncset.done @!p0 $0x0  }
0x2d9: {  	[sflag:s3] =	ssyncadd.s32 @!p0 $0xFFFFFC00  }
0x2da: {  	_ =	swait.ge @!p0 [sflag:s3], $0x400  }
0x2db: {  	[sflag:s3] =	ssyncset.done @!p0 $0x0  }
0x2dc: {  	[sflag:s3] =	ssyncadd.s32 @!p0 $0xFFFFFC00  }
0x2dd: {  	_ =	swait.ge @!p0 [sflag:s3], $0x400  }
0x2de: {  	[sflag:s3] =	ssyncset.done @!p0 $0x0  }
0x2df: {  	[sflag:s3] =	ssyncadd.s32 @!p0 $0xFFFFFC00  }
0x2e0: {  	_ =	swait.ge @!p0 [sflag:s3], $0x400  }
0x2e1: {  	[sflag:s3] =	ssyncset.done @!p0 $0x0  }
0x2e2: {  	[sflag:s3] =	ssyncadd.s32 @!p0 $0xFFFFFC00  }
0x2e3: {  	_ =	swait.ge @!p0 [sflag:s3], $0x400  }
0x2e4: {  	[sflag:s3] =	ssyncset.done @!p0 $0x0  }
0x2e5: {  	[sflag:s3] =	ssyncadd.s32 @!p0 $0xFFFFFC00  }
0x2e6: {  	_ =	swait.ge @!p0 [sflag:s3], $0x400  }
0x2e7: {  	[sflag:s3] =	ssyncset.done @!p0 $0x0  }
0x2e8: {  	[sflag:s3] =	ssyncadd.s32 @!p0 $0xFFFFFC00  }
0x2e9: {  	_ =	swait.ge @!p0 [sflag:s3], $0x400  }
0x2ea: {  	[sflag:s3] =	ssyncset.done @!p0 $0x0  }
0x2eb: {  	[sflag:s3] =	ssyncadd.s32 @!p0 $0xFFFFFC00  }
0x2ec: {  	_ =	swait.ge @!p0 [sflag:s3], $0x400  }
0x2ed: {  	[sflag:s3] =	ssyncset.done @!p0 $0x0  }
0x2ee: {  	[sflag:s3] =	ssyncadd.s32 @!p0 $0xFFFFFC00  }
0x2ef: {  	_ =	swait.ge @!p0 [sflag:s3], $0x400  }
0x2f0: {  	[sflag:s3] =	ssyncset.done @!p0 $0x0  }
0x2f1: {  	[sflag:s3] =	ssyncadd.s32 @!p0 $0xFFFFFC00  }
0x2f2: {  	_ =	swait.ge @!p0 [sflag:s3], $0x400  }
0x2f3: {  	v2 =	vld [tilespmem:$0x1FFE0];
	_ =	sdelay $0x1  }
0x2f4: {  	s13 =	simm.s32 $0x0  }
0x2f5: {  	v0 =	vmov s13  }
0x2f6: {  	v0 =	vshll.u32 v0, $0x5;
	[sflag:s3] =	ssyncset.done @!p0 $0x0  }
0x2f7: {  	s15 =	simm.s32 $0x0;
	[sflag:s3] =	ssyncadd.s32 @!p0 $0xFFFFFC00;
	v1 =	vor.u32 v2, v0;
	v0 =	vlaneseq.u32  }
0x2f8: {  	s4 =	smul.u32 $0xF80, s15;
	_ =	swait.ge @!p0 [sflag:s3], $0x400;
	v0 =	vor.u32 v0, v1  }
0x2f9: {  	v28 =	vld [tilespmem:$0x1FD40]  }
0x2fa: {  	s4 =	sadd.s32 $0x0, s4  }
0x2fb: {  	v41 =	vmov v48;
	[sflag:s3] =	ssyncset.done @!p0 $0x0;
	v48 =	vmov v2;
	v2 =	vadd.s32 s4, v10  }
0x2fc: {  	[sflag:s3] =	ssyncadd.s32 @!p0 $0xFFFFFC00;
	v2 =	vand.u32 $0x7FFFFFF8, v2  }
0x2fd: {  	v2 =	vor.u32 v40, v2;
	v0 =	vld.idx.msk [tilespmem:v0+s9+$0x0], $0xffff  }
0x2fe: {  	v3 =	vor.u32 v28, v1;
	_ =	sdelay $0x3  }
0x2ff: {  	v4 =	vadd.s32 s4, v12;
	[tilespmem:v2+s0+$0x0] =	vst.idx.msk $0xffff, v0  }
0x300: {  	v0 =	vand.u32 $0x7FFFFFF8, v4;
	v2 =	vld.idx.msk [tilespmem:v3+s9+$0x0], $0xffff  }
0x301: {  	v0 =	vor.u32 v40, v0;
	v32 =	vld [tilespmem:$0x1FD50];
	_ =	sdelay $0x4  }
0x302: {  	v3 =	vor.u32 v32, v1;
	[tilespmem:v0+s0+$0x0] =	vst.idx.msk $0xffff, v2  }
0x303: {  	v38 =	vld [tilespmem:$0x1FD60];
	_ =	sdelay $0x1  }
0x304: {  	v4 =	vadd.s32 s4, v14  }
0x305: {  	v0 =	vand.u32 $0x7FFFFFF8, v4  }
0x306: {  	v0 =	vor.u32 v40, v0;
	v2 =	vld.idx.msk [tilespmem:v3+s9+$0x0], $0xffff  }
0x307: {  	v3 =	vor.u32 v38, v1;
	_ =	sdelay $0x3  }
0x308: {  	v4 =	vadd.s32 s4, v16;
	[tilespmem:v0+s0+$0x0] =	vst.idx.msk $0xffff, v2  }
0x309: {  	v0 =	vand.u32 $0x7FFFFFF8, v4;
	v2 =	vld.idx.msk [tilespmem:v3+s9+$0x0], $0xffff  }
0x30a: {  	v0 =	vor.u32 v40, v0;
	v57 =	vld [tilespmem:$0x1FD70];
	_ =	sdelay $0x4  }
0x30b: {  	v3 =	vor.u32 v57, v1;
	[tilespmem:v0+s0+$0x0] =	vst.idx.msk $0xffff, v2  }
0x30c: {  	v47 =	vld [tilespmem:$0x1FD80];
	_ =	sdelay $0x1  }
0x30d: {  	v4 =	vadd.s32 s4, v18  }
0x30e: {  	v0 =	vand.u32 $0x7FFFFFF8, v4  }
0x30f: {  	v0 =	vor.u32 v40, v0;
	v2 =	vld.idx.msk [tilespmem:v3+s9+$0x0], $0xffff  }
0x310: {  	v3 =	vor.u32 v47, v1;
	_ =	sdelay $0x3  }
0x311: {  	v4 =	vadd.s32 s4, v20;
	[tilespmem:v0+s0+$0x0] =	vst.idx.msk $0xffff, v2  }
0x312: {  	v0 =	vand.u32 $0x7FFFFFF8, v4;
	v2 =	vld.idx.msk [tilespmem:v3+s9+$0x0], $0xffff  }
0x313: {  	v0 =	vor.u32 v40, v0;
	v13 =	vld [tilespmem:$0x1FD90];
	_ =	sdelay $0x3  }
0x314: {  	s7 =	simm.s32 $0x10  }
0x315: {  	v4 =	vmov s7;
	v3 =	vor.u32 v13, v1;
	[tilespmem:v0+s0+$0x0] =	vst.idx.msk $0xffff, v2  }
0x316: {  	v4 =	vshll.u32 v4, $0x5;
	v15 =	vld [tilespmem:$0x1FDA0]  }
0x317: {  	v5 =	vlaneseq.u32;
	v58 =	vor.u32 v48, v4  }
0x318: {  	v4 =	vor.u32 v5, v58;
	v5 =	vadd.s32 s4, v22  }
0x319: {  	s11 =	simm.s32 $0x0;
	v0 =	vand.u32 $0x7FFFFFF8, v5  }
0x31a: {  	s3 =	smul.u32 $0xF80, s11;
	v0 =	vor.u32 v40, v0;
	v2 =	vld.idx.msk [tilespmem:v3+s9+$0x0], $0xffff  }
0x31b: {  	v3 =	vor.u32 v15, v1  }
0x31c: {  	s3 =	sadd.s32 $0x10, s3  }
0x31d: {  	v5 =	vadd.s32 s3, v10  }
0x31e: {  	v7 =	vadd.s32 s4, v24;
	v5 =	vand.u32 $0x7FFFFFF8, v5  }
0x31f: {  	v4 =	vld.idx.msk [tilespmem:v4+s9+$0x0], $0xffff;
	v5 =	vor.u32 v40, v5;
	[tilespmem:v0+s0+$0x0] =	vst.idx.msk $0xffff, v2;
	v0 =	vand.u32 $0x7FFFFFF8, v7  }
0x320: {  	v6 =	vor.u32 v28, v58;
	v2 =	vld.idx.msk [tilespmem:v3+s9+$0x0], $0xffff;
	v0 =	vor.u32 v40, v0  }
0x321: {  	v3 =	vor.u32 v62, v1;
	_ =	sdelay $0x1  }
0x322: {  	v7 =	vadd.s32 s3, v12  }
0x323: {  	[tilespmem:v5+s0+$0x0] =	vst.idx.msk $0xffff, v4;
	v4 =	vand.u32 $0x7FFFFFF8, v7;
	v7 =	vadd.s32 s4, v25  }
0x324: {  	v5 =	vld.idx.msk [tilespmem:v6+s9+$0x0], $0xffff;
	v4 =	vor.u32 v40, v4;
	[tilespmem:v0+s0+$0x0] =	vst.idx.msk $0xffff, v2;
	v0 =	vand.u32 $0x7FFFFFF8, v7  }
0x325: {  	v2 =	vld.idx.msk [tilespmem:v3+s9+$0x0], $0xffff;
	v0 =	vor.u32 v40, v0;
	_ =	sdelay $0x3  }
0x326: {  	v6 =	vor.u32 v32, v58;
	[tilespmem:v4+s0+$0x0] =	vst.idx.msk $0xffff, v5  }
0x327: {  	v3 =	vor.u32 v36, v1;
	[tilespmem:v0+s0+$0x0] =	vst.idx.msk $0xffff, v2  }
0x328: {  	v46 =	vld [tilespmem:$0x1FDC0]  }
0x329: {  	v7 =	vadd.s32 s3, v14  }
0x32a: {  	v4 =	vand.u32 $0x7FFFFFF8, v7;
	v7 =	vadd.s32 s4, v27  }
0x32b: {  	v5 =	vld.idx.msk [tilespmem:v6+s9+$0x0], $0xffff;
	v4 =	vor.u32 v40, v4;
	v0 =	vand.u32 $0x7FFFFFF8, v7  }
0x32c: {  	v6 =	vor.u32 v38, v58;
	v2 =	vld.idx.msk [tilespmem:v3+s9+$0x0], $0xffff;
	v0 =	vor.u32 v40, v0  }
0x32d: {  	v3 =	vor.u32 v46, v1;
	_ =	sdelay $0x1  }
0x32e: {  	v7 =	vadd.s32 s3, v16  }
0x32f: {  	[tilespmem:v4+s0+$0x0] =	vst.idx.msk $0xffff, v5;
	v4 =	vand.u32 $0x7FFFFFF8, v7;
	v7 =	vadd.s32 s4, v29  }
0x330: {  	v5 =	vld.idx.msk [tilespmem:v6+s9+$0x0], $0xffff;
	v4 =	vor.u32 v40, v4;
	[tilespmem:v0+s0+$0x0] =	vst.idx.msk $0xffff, v2;
	v0 =	vand.u32 $0x7FFFFFF8, v7  }
0x331: {  	v6 =	vor.u32 v57, v58;
	v0 =	vor.u32 v40, v0;
	v2 =	vld.idx.msk [tilespmem:v3+s9+$0x0], $0xffff  }
0x332: {  	v3 =	vor.u32 v49, v1;
	_ =	sdelay $0x2  }
0x333: {  	v7 =	vadd.s32 s3, v18;
	[tilespmem:v4+s0+$0x0] =	vst.idx.msk $0xffff, v5  }
0x334: {  	v4 =	vand.u32 $0x7FFFFFF8, v7;
	v7 =	vadd.s32 s4, v31;
	v5 =	vld.idx.msk [tilespmem:v6+s9+$0x0], $0xffff;
	[tilespmem:v0+s0+$0x0] =	vst.idx.msk $0xffff, v2  }
0x335: {  	v4 =	vor.u32 v40, v4;
	v0 =	vand.u32 $0x7FFFFFF8, v7;
	v2 =	vld.idx.msk [tilespmem:v3+s9+$0x0], $0xffff  }
0x336: {  	v23 =	vmov v49;
	v0 =	vor.u32 v40, v0;
	v49 =	vld [tilespmem:$0x1FF70];
	_ =	sdelay $0x2  }
0x337: {  	v6 =	vor.u32 v47, v58  }
0x338: {  	[tilespmem:v4+s0+$0x0] =	vst.idx.msk $0xffff, v5  }
0x339: {  	v3 =	vor.u32 v49, v1;
	[tilespmem:v0+s0+$0x0] =	vst.idx.msk $0xffff, v2  }
0x33a: {  	s12 =	simm.s32 $0x20;
	v7 =	vadd.s32 s3, v20;
	v34 =	vld [tilespmem:$0x1FF80]  }
0x33b: {  	v11 =	vlaneseq.u32;
	v4 =	vand.u32 $0x7FFFFFF8, v7;
	v0 =	vmov s12  }
0x33c: {  	v7 =	vadd.s32 s4, v33;
	v5 =	vld.idx.msk [tilespmem:v6+s9+$0x0], $0xffff;
	v4 =	vor.u32 v40, v4;
	v0 =	vshll.u32 v0, $0x5  }
0x33d: {  	v6 =	vor.u32 v13, v58;
	v2 =	vand.u32 $0x7FFFFFF8, v7;
	v59 =	vor.u32 v48, v0  }
0x33e: {  	v2 =	vor.u32 v40, v2;
	v8 =	vor.u32 v11, v59;
	v3 =	vld.idx.msk [tilespmem:v3+s9+$0x0], $0xffff  }
0x33f: {  	s13 =	simm.s32 $0x0;
	v0 =	vor.u32 v34, v1  }
0x340: {  	s7 =	smul.u32 $0xF80, s13  }
0x341: {  	v7 =	vadd.s32 s3, v22;
	[tilespmem:v4+s0+$0x0] =	vst.idx.msk $0xffff, v5  }
0x342: {  	s12 =	sadd.s32 $0x20, s7;
	v4 =	vand.u32 $0x7FFFFFF8, v7;
	v7 =	vadd.s32 s4, v35;
	v5 =	vld.idx.msk [tilespmem:v6+s9+$0x0], $0xffff  }
0x343: {  	v4 =	vor.u32 v40, v4;
	[tilespmem:v2+s0+$0x0] =	vst.idx.msk $0xffff, v3;
	v2 =	vadd.s32 s12, v10;
	v3 =	vand.u32 $0x7FFFFFF8, v7;
	v7 =	vld.idx.msk [tilespmem:v8+s9+$0x0], $0xffff  }
0x344: {  	v0 =	vld.idx.msk [tilespmem:v0+s9+$0x0], $0xffff;
	v2 =	vand.u32 $0x7FFFFFF8, v2;
	v3 =	vor.u32 v40, v3  }
0x345: {  	v19 =	vld [tilespmem:$0x1FFA0];
	v2 =	vor.u32 v40, v2;
	_ =	sdelay $0x2  }
0x346: {  	v6 =	vor.u32 v15, v58;
	[tilespmem:v4+s0+$0x0] =	vst.idx.msk $0xffff, v5  }
0x347: {  	v11 =	vor.u32 v28, v59;
	[tilespmem:v3+s0+$0x0] =	vst.idx.msk $0xffff, v0  }
0x348: {  	v8 =	vor.u32 v19, v1;
	[tilespmem:v2+s0+$0x0] =	vst.idx.msk $0xffff, v7  }
0x349: {  	v9 =	vadd.s32 s3, v24;
	v26 =	vld [tilespmem:$0x1FF90]  }
0x34a: {  	v4 =	vand.u32 $0x7FFFFFF8, v9;
	v0 =	vadd.s32 s12, v12  }
0x34b: {  	v9 =	vadd.s32 s4, v37;
	v5 =	vld.idx.msk [tilespmem:v6+s9+$0x0], $0xffff;
	v4 =	vor.u32 v40, v4;
	v0 =	vand.u32 $0x7FFFFFF8, v0  }
0x34c: {  	v6 =	vor.u32 v62, v58;
	v3 =	vand.u32 $0x7FFFFFF8, v9;
	v7 =	vld.idx.msk [tilespmem:v11+s9+$0x0], $0xffff;
	v0 =	vor.u32 v40, v0  }
0x34d: {  	v3 =	vor.u32 v40, v3;
	v11 =	vor.u32 v32, v59;
	v2 =	vld.idx.msk [tilespmem:v8+s9+$0x0], $0xffff  }
0x34e: {  	v8 =	vor.u32 v26, v1;
	_ =	sdelay $0x1  }
0x34f: {  	v9 =	vadd.s32 s3, v25;
	[tilespmem:v4+s0+$0x0] =	vst.idx.msk $0xffff, v5  }
0x350: {  	v4 =	vand.u32 $0x7FFFFFF8, v9;
	v9 =	vadd.s32 s4, v39;
	v5 =	vld.idx.msk [tilespmem:v6+s9+$0x0], $0xffff;
	[tilespmem:v0+s0+$0x0] =	vst.idx.msk $0xffff, v7  }
0x351: {  	v4 =	vor.u32 v40, v4;
	v7 =	vld.idx.msk [tilespmem:v11+s9+$0x0], $0xffff;
	[tilespmem:v3+s0+$0x0] =	vst.idx.msk $0xffff, v2;
	v2 =	vadd.s32 s12, v14;
	v3 =	vand.u32 $0x7FFFFFF8, v9  }
0x352: {  	v2 =	vand.u32 $0x7FFFFFF8, v2;
	v3 =	vor.u32 v40, v3;
	v0 =	vld.idx.msk [tilespmem:v8+s9+$0x0], $0xffff  }
0x353: {  	v21 =	vld [tilespmem:$0x1FFC0];
	v2 =	vor.u32 v40, v2;
	_ =	sdelay $0x2  }
0x354: {  	v6 =	vor.u32 v36, v58;
	[tilespmem:v4+s0+$0x0] =	vst.idx.msk $0xffff, v5  }
0x355: {  	[tilespmem:v3+s0+$0x0] =	vst.idx.msk $0xffff, v0  }
0x356: {  	v8 =	vor.u32 v21, v1;
	[tilespmem:v2+s0+$0x0] =	vst.idx.msk $0xffff, v7  }
0x357: {  	v30 =	vmov v62;
	v11 =	vor.u32 v38, v59;
	v9 =	vadd.s32 s3, v27;
	v62 =	vld [tilespmem:$0x1FFF0]  }
0x358: {  	s11 =	sadd.s32 $0x800, s4;
	v4 =	vand.u32 $0x7FFFFFF8, v9  }
0x359: {  	v9 =	vadd.s32 s11, v10;
	v5 =	vld.idx.msk [tilespmem:v6+s9+$0x0], $0xffff;
	v4 =	vor.u32 v40, v4  }
0x35a: {  	v6 =	vor.u32 v46, v58;
	v0 =	vadd.s32 s12, v16;
	v3 =	vand.u32 $0x7FFFFFF8, v9  }
0x35b: {  	v0 =	vand.u32 $0x7FFFFFF8, v0;
	v3 =	vor.u32 v40, v3;
	v2 =	vld.idx.msk [tilespmem:v8+s9+$0x0], $0xffff  }
0x35c: {  	v7 =	vld.idx.msk [tilespmem:v11+s9+$0x0], $0xffff;
	v0 =	vor.u32 v40, v0;
	v8 =	vor.u32 v62, v1  }
0x35d: {  	v9 =	vadd.s32 s3, v29;
	v11 =	vor.u32 v57, v59  }
0x35e: {  	[tilespmem:v4+s0+$0x0] =	vst.idx.msk $0xffff, v5;
	v4 =	vand.u32 $0x7FFFFFF8, v9  }
0x35f: {  	v9 =	vadd.s32 s11, v12;
	v5 =	vld.idx.msk [tilespmem:v6+s9+$0x0], $0xffff;
	v4 =	vor.u32 v40, v4  }
0x360: {  	v6 =	vor.u32 v23, v58;
	[tilespmem:v3+s0+$0x0] =	vst.idx.msk $0xffff, v2;
	v2 =	vadd.s32 s12, v18;
	v3 =	vand.u32 $0x7FFFFFF8, v9  }
0x361: {  	[tilespmem:v0+s0+$0x0] =	vst.idx.msk $0xffff, v7;
	v2 =	vand.u32 $0x7FFFFFF8, v2;
	v3 =	vor.u32 v40, v3;
	v0 =	vld.idx.msk [tilespmem:v8+s9+$0x0], $0xffff  }
0x362: {  	v7 =	vld.idx.msk [tilespmem:v11+s9+$0x0], $0xffff;
	v2 =	vor.u32 v40, v2;
	v8 =	vor.u32 v56, v1  }
0x363: {  	v9 =	vadd.s32 s3, v31  }
0x364: {  	[tilespmem:v4+s0+$0x0] =	vst.idx.msk $0xffff, v5;
	v11 =	vor.u32 v47, v59;
	v4 =	vand.u32 $0x7FFFFFF8, v9  }
0x365: {  	v5 =	vld.idx.msk [tilespmem:v6+s9+$0x0], $0xffff;
	v9 =	vadd.s32 s11, v14;
	v4 =	vor.u32 v40, v4  }
0x366: {  	v6 =	vor.u32 v49, v58;
	[tilespmem:v3+s0+$0x0] =	vst.idx.msk $0xffff, v0;
	v3 =	vand.u32 $0x7FFFFFF8, v9  }
0x367: {  	v0 =	vadd.s32 s12, v20;
	[tilespmem:v2+s0+$0x0] =	vst.idx.msk $0xffff, v7;
	v2 =	vld.idx.msk [tilespmem:v8+s9+$0x0], $0xffff;
	v3 =	vor.u32 v40, v3  }
0x368: {  	v0 =	vand.u32 $0x7FFFFFF8, v0  }
0x369: {  	s15 =	simm.s32 $0x30;
	v9 =	vadd.s32 s3, v33;
	v7 =	vld.idx.msk [tilespmem:v11+s9+$0x0], $0xffff;
	v8 =	vor.u32 v52, v1;
	v0 =	vor.u32 v40, v0  }
0x36a: {  	[tilespmem:v4+s0+$0x0] =	vst.idx.msk $0xffff, v5;
	v4 =	vmov s15;
	v11 =	vor.u32 v13, v59;
	v5 =	vand.u32 $0x7FFFFFF8, v9  }
0x36b: {  	v6 =	vld.idx.msk [tilespmem:v6+s9+$0x0], $0xffff;
	v4 =	vshll.u32 v4, $0x5;
	v9 =	vadd.s32 s11, v16;
	v5 =	vor.u32 v40, v5  }
0x36c: {  	s7 =	simm.s32 $0x0;
	v60 =	vor.u32 v48, v4;
	v4 =	vor.u32 v34, v58;
	[tilespmem:v3+s0+$0x0] =	vst.idx.msk $0xffff, v2;
	v2 =	vlaneseq.u32  }
0x36d: {  	s4 =	smul.u32 $0xF80, s7;
	v9 =	vand.u32 $0x7FFFFFF8, v9;
	v3 =	vadd.s32 s12, v22;
	v2 =	vor.u32 v2, v60  }
0x36e: {  	[tilespmem:v0+s0+$0x0] =	vst.idx.msk $0xffff, v7;
	v0 =	vld.idx.msk [tilespmem:v8+s9+$0x0], $0xffff;
	v3 =	vand.u32 $0x7FFFFFF8, v3;
	v7 =	vor.u32 v40, v9  }
0x36f: {  	s7 =	sadd.s32 $0x30, s4;
	v9 =	vor.u32 v55, v1;
	v8 =	vld.idx.msk [tilespmem:v11+s9+$0x0], $0xffff;
	v3 =	vor.u32 v40, v3;
	v11 =	vadd.s32 s3, v35  }
0x370: {  	v61 =	vmovc v13;
	v13 =	vor.u32 v15, v59;
	[tilespmem:v5+s0+$0x0] =	vst.idx.msk $0xffff, v6;
	v5 =	vadd.s32 s7, v10;
	v6 =	vand.u32 $0x7FFFFFF8, v11  }
0x371: {  	v4 =	vld.idx.msk [tilespmem:v4+s9+$0x0], $0xffff;
	v5 =	vand.u32 $0x7FFFFFF8, v5;
	v6 =	vor.u32 v40, v6  }
0x372: {  	v34 =	vmovc v15;
	v15 =	vadd.s32 s11, v18;
	v5 =	vor.u32 v40, v5;
	v11 =	vor.u32 v19, v58;
	v2 =	vld.idx.msk [tilespmem:v2+s9+$0x0], $0xffff  }
0x373: {  	v15 =	vand.u32 $0x7FFFFFF8, v15;
	[tilespmem:v7+s0+$0x0] =	vst.idx.msk $0xffff, v0;
	v0 =	vor.u32 v28, v60;
	v7 =	vadd.s32 s12, v24  }
0x374: {  	[tilespmem:v3+s0+$0x0] =	vst.idx.msk $0xffff, v8;
	v3 =	vld.idx.msk [tilespmem:v9+s9+$0x0], $0xffff;
	v7 =	vand.u32 $0x7FFFFFF8, v7;
	v8 =	vor.u32 v40, v15  }
0x375: {  	v15 =	vadd.s32 s3, v37;
	v9 =	vld.idx.msk [tilespmem:v13+s9+$0x0], $0xffff;
	v7 =	vor.u32 v40, v7;
	v13 =	vor.u32 v54, v1  }
0x376: {  	v17 =	vor.u32 v30, v59;
	[tilespmem:v6+s0+$0x0] =	vst.idx.msk $0xffff, v4;
	v4 =	vadd.s32 s7, v12;
	v6 =	vand.u32 $0x7FFFFFF8, v15  }
0x377: {  	v4 =	vand.u32 $0x7FFFFFF8, v4;
	[tilespmem:v5+s0+$0x0] =	vst.idx.msk $0xffff, v2;
	v2 =	vld.idx.msk [tilespmem:v11+s9+$0x0], $0xffff;
	v5 =	vor.u32 v40, v6  }
0x378: {  	v4 =	vor.u32 v40, v4;
	v6 =	vor.u32 v26, v58;
	v11 =	vadd.s32 s11, v20;
	v0 =	vld.idx.msk [tilespmem:v0+s9+$0x0], $0xffff  }
0x379: {  	[tilespmem:v8+s0+$0x0] =	vst.idx.msk $0xffff, v3;
	v3 =	vor.u32 v32, v60;
	v8 =	vadd.s32 s12, v25;
	v11 =	vand.u32 $0x7FFFFFF8, v11  }
0x37a: {  	[tilespmem:v7+s0+$0x0] =	vst.idx.msk $0xffff, v9;
	v7 =	vld.idx.msk [tilespmem:v13+s9+$0x0], $0xffff;
	v8 =	vand.u32 $0x7FFFFFF8, v8;
	v9 =	vor.u32 v40, v11  }
0x37b: {  	v13 =	vor.u32 v53, v1;
	v11 =	vld.idx.msk [tilespmem:v17+s9+$0x0], $0xffff;
	v8 =	vor.u32 v40, v8  }
0x37c: {  	v15 =	vadd.s32 s3, v39;
	v17 =	vor.u32 v36, v59;
	[tilespmem:v5+s0+$0x0] =	vst.idx.msk $0xffff, v2;
	v2 =	vadd.s32 s7, v14  }
0x37d: {  	v5 =	vand.u32 $0x7FFFFFF8, v15;
	[tilespmem:v4+s0+$0x0] =	vst.idx.msk $0xffff, v0;
	v2 =	vand.u32 $0x7FFFFFF8, v2  }
0x37e: {  	v0 =	vld.idx.msk [tilespmem:v6+s9+$0x0], $0xffff;
	v4 =	vor.u32 v40, v5;
	v5 =	vor.u32 v21, v58;
	v6 =	vadd.s32 s11, v22  }
0x37f: {  	v3 =	vld.idx.msk [tilespmem:v3+s9+$0x0], $0xffff;
	v2 =	vor.u32 v40, v2;
	[tilespmem:v9+s0+$0x0] =	vst.idx.msk $0xffff, v7;
	v9 =	vadd.s32 s12, v27;
	v6 =	vand.u32 $0x7FFFFFF8, v6  }
0x380: {  	[tilespmem:v8+s0+$0x0] =	vst.idx.msk $0xffff, v11;
	v8 =	vld.idx.msk [tilespmem:v13+s9+$0x0], $0xffff;
	v9 =	vand.u32 $0x7FFFFFF8, v9;
	v6 =	vor.u32 v40, v6  }
0x381: {  	v7 =	vor.u32 v38, v60;
	v11 =	vld.idx.msk [tilespmem:v17+s9+$0x0], $0xffff;
	v9 =	vor.u32 v40, v9;
	_ =	sdelay $0x1  }
0x382: {  	s3 =	sadd.s32 $0x800, s3;
	[tilespmem:v4+s0+$0x0] =	vst.idx.msk $0xffff, v0  }
0x383: {  	v15 =	vadd.s32 s3, v10;
	v13 =	vor.u32 v41, v1;
	[tilespmem:v2+s0+$0x0] =	vst.idx.msk $0xffff, v3  }
0x384: {  	v17 =	vor.u32 v46, v59;
	v4 =	vand.u32 $0x7FFFFFF8, v15;
	v2 =	vld.idx.msk [tilespmem:v5+s9+$0x0], $0xffff;
	[tilespmem:v6+s0+$0x0] =	vst.idx.msk $0xffff, v8  }
0x385: {  	v0 =	vadd.s32 s7, v16;
	v3 =	vor.u32 v40, v4;
	v4 =	vld.idx.msk [tilespmem:v7+s9+$0x0], $0xffff;
	[tilespmem:v9+s0+$0x0] =	vst.idx.msk $0xffff, v11  }
0x386: {  	v0 =	vand.u32 $0x7FFFFFF8, v0;
	v7 =	vadd.s32 s11, v24;
	v26 =	vld [tilespmem:$0x1FD30]  }
0x387: {  	v0 =	vor.u32 v40, v0;
	v8 =	vadd.s32 s12, v29;
	v7 =	vand.u32 $0x7FFFFFF8, v7  }
0x388: {  	v5 =	vor.u32 v62, v58;
	v9 =	vld.idx.msk [tilespmem:v13+s9+$0x0], $0xffff;
	v8 =	vand.u32 $0x7FFFFFF8, v8;
	v7 =	vor.u32 v40, v7  }
0x389: {  	v6 =	vor.u32 v57, v60;
	v11 =	vld.idx.msk [tilespmem:v17+s9+$0x0], $0xffff;
	v8 =	vor.u32 v40, v8  }
0x38a: {  	v17 =	vor.u32 v23, v59  }
0x38b: {  	v15 =	vadd.s32 s3, v12;
	[tilespmem:v3+s0+$0x0] =	vst.idx.msk $0xffff, v2;
	v13 =	vor.u32 v26, v1  }
0x38c: {  	v2 =	vadd.s32 s7, v18;
	v3 =	vand.u32 $0x7FFFFFF8, v15;
	[tilespmem:v0+s0+$0x0] =	vst.idx.msk $0xffff, v4  }
0x38d: {  	v0 =	vld.idx.msk [tilespmem:v5+s9+$0x0], $0xffff;
	v2 =	vand.u32 $0x7FFFFFF8, v2;
	v3 =	vor.u32 v40, v3;
	[tilespmem:v7+s0+$0x0] =	vst.idx.msk $0xffff, v9;
	v9 =	vadd.s32 s12, v31  }
0x38e: {  	v4 =	vld.idx.msk [tilespmem:v6+s9+$0x0], $0xffff;
	v2 =	vor.u32 v40, v2;
	v6 =	vadd.s32 s11, v25;
	[tilespmem:v8+s0+$0x0] =	vst.idx.msk $0xffff, v11;
	v9 =	vand.u32 $0x7FFFFFF8, v9  }
0x38f: {  	v5 =	vor.u32 v56, v58;
	v6 =	vand.u32 $0x7FFFFFF8, v6;
	v11 =	vld.idx.msk [tilespmem:v17+s9+$0x0], $0xffff;
	v9 =	vor.u32 v40, v9  }
0x390: {  	v7 =	vor.u32 v47, v60;
	v6 =	vor.u32 v40, v6;
	v8 =	vld.idx.msk [tilespmem:v13+s9+$0x0], $0xffff;
	_ =	sdelay $0x1  }
0x391: {  	[tilespmem:v3+s0+$0x0] =	vst.idx.msk $0xffff, v0;
	v0 =	vadd.s32 s3, v14;
	v13 =	vor.u32 v63, v1  }
0x392: {  	v15 =	vor.u32 v49, v59;
	v3 =	vadd.s32 s7, v20;
	[tilespmem:v2+s0+$0x0] =	vst.idx.msk $0xffff, v4;
	v0 =	vand.u32 $0x7FFFFFF8, v0  }
0x393: {  	s13 =	simm.s32 $0x40;
	v2 =	vand.u32 $0x7FFFFFF8, v3;
	v3 =	vld.idx.msk [tilespmem:v5+s9+$0x0], $0xffff;
	v0 =	vor.u32 v40, v0;
	[tilespmem:v9+s0+$0x0] =	vst.idx.msk $0xffff, v11  }
0x394: {  	v4 =	vor.u32 v52, v58;
	v2 =	vor.u32 v40, v2;
	v5 =	vld.idx.msk [tilespmem:v7+s9+$0x0], $0xffff;
	v9 =	vmov s13;
	[tilespmem:v6+s0+$0x0] =	vst.idx.msk $0xffff, v8  }
0x395: {  	v7 =	vor.u32 v61, v60;
	v9 =	vshll.u32 v9, $0x5;
	v6 =	vadd.s32 s11, v27;
	v17 =	vld [tilespmem:$0x1FF80]  }
0x396: {  	v38 =	vmovc v61;
	v61 =	vor.u32 v48, v9;
	v8 =	vadd.s32 s12, v33;
	v6 =	vand.u32 $0x7FFFFFF8, v6;
	v11 =	vld.idx.msk [tilespmem:v13+s9+$0x0], $0xffff  }
0x397: {  	v9 =	vadd.s32 s3, v16;
	v8 =	vand.u32 $0x7FFFFFF8, v8;
	v13 =	vld.idx.msk [tilespmem:v15+s9+$0x0], $0xffff;
	v6 =	vor.u32 v40, v6  }
0x398: {  	v15 =	vor.u32 v51, v1;
	[tilespmem:v0+s0+$0x0] =	vst.idx.msk $0xffff, v3;
	v0 =	vadd.s32 s7, v22;
	v8 =	vor.u32 v40, v8  }
0x399: {  	v3 =	vand.u32 $0x7FFFFFF8, v9;
	v9 =	vlaneseq.u32;
	[tilespmem:v2+s0+$0x0] =	vst.idx.msk $0xffff, v5;
	v5 =	vadd.s32 s11, v29  }
0x39a: {  	s15 =	simm.s32 $0x0;
	v9 =	vor.u32 v9, v61;
	v0 =	vand.u32 $0x7FFFFFF8, v0;
	v17 =	vor.u32 v17, v59  }
0x39b: {  	s4 =	smul.u32 $0xF80, s15;
	v2 =	vor.u32 v40, v3;
	v3 =	vld.idx.msk [tilespmem:v4+s9+$0x0], $0xffff;
	v4 =	vor.u32 v55, v58;
	v5 =	vand.u32 $0x7FFFFFF8, v5  }
0x39c: {  	v7 =	vld.idx.msk [tilespmem:v7+s9+$0x0], $0xffff;
	v0 =	vor.u32 v40, v0;
	v5 =	vor.u32 v40, v5;
	[tilespmem:v6+s0+$0x0] =	vst.idx.msk $0xffff, v11  }
0x39d: {  	s4 =	sadd.s32 $0x40, s4;
	v6 =	vor.u32 v34, v60;
	v11 =	vadd.s32 s12, v35;
	[tilespmem:v8+s0+$0x0] =	vst.idx.msk $0xffff, v13;
	v8 =	vld.idx.msk [tilespmem:v15+s9+$0x0], $0xffff  }
0x39e: {  	v13 =	vadd.s32 s4, v10;
	v11 =	vand.u32 $0x7FFFFFF8, v11  }
0x39f: {  	v13 =	vand.u32 $0x7FFFFFF8, v13;
	v11 =	vor.u32 v40, v11;
	v15 =	vld.idx.msk [tilespmem:v17+s9+$0x0], $0xffff;
	v17 =	vor.u32 v50, v1  }
0x3a0: {  	v19 =	vor.u32 v19, v59;
	v9 =	vld.idx.msk [tilespmem:v9+s9+$0x0], $0xffff;
	[tilespmem:v2+s0+$0x0] =	vst.idx.msk $0xffff, v3;
	v13 =	vor.u32 v40, v13  }
0x3a1: {  	[tilespmem:v0+s0+$0x0] =	vst.idx.msk $0xffff, v7;
	v0 =	vld.idx.msk [tilespmem:v4+s9+$0x0], $0xffff  }
0x3a2: {  	v21 =	vadd.s32 s3, v18;
	v2 =	vor.u32 v28, v61;
	v6 =	vld.idx.msk [tilespmem:v6+s9+$0x0], $0xffff;
	[tilespmem:v5+s0+$0x0] =	vst.idx.msk $0xffff, v8  }
0x3a3: {  	v21 =	vand.u32 $0x7FFFFFF8, v21;
	v3 =	vadd.s32 s7, v24;
	v8 =	vld [tilespmem:$0x1FFD0]  }
0x3a4: {  	v3 =	vand.u32 $0x7FFFFFF8, v3;
	v4 =	vor.u32 v40, v21;
	v5 =	vadd.s32 s11, v31;
	[tilespmem:v11+s0+$0x0] =	vst.idx.msk $0xffff, v15;
	v15 =	vld.idx.msk [tilespmem:v17+s9+$0x0], $0xffff  }
0x3a5: {  	v3 =	vor.u32 v40, v3;
	v5 =	vand.u32 $0x7FFFFFF8, v5;
	[tilespmem:v13+s0+$0x0] =	vst.idx.msk $0xffff, v9;
	v9 =	vadd.s32 s4, v12;
	v13 =	vld.idx.msk [tilespmem:v19+s9+$0x0], $0xffff  }
0x3a6: {  	v5 =	vor.u32 v40, v5;
	v9 =	vand.u32 $0x7FFFFFF8, v9;
	v11 =	vadd.s32 s12, v37;
	v19 =	vld [tilespmem:$0x1FF90]  }
0x3a7: {  	v7 =	vor.u32 v54, v58;
	v2 =	vld.idx.msk [tilespmem:v2+s9+$0x0], $0xffff;
	v9 =	vor.u32 v40, v9;
	v11 =	vand.u32 $0x7FFFFFF8, v11  }
0x3a8: {  	v17 =	vor.u32 v45, v1;
	v11 =	vor.u32 v40, v11  }
0x3a9: {  	[tilespmem:v4+s0+$0x0] =	vst.idx.msk $0xffff, v0;
	v0 =	vor.u32 v32, v61  }
0x3aa: {  	v21 =	vadd.s32 s3, v20;
	[tilespmem:v3+s0+$0x0] =	vst.idx.msk $0xffff, v6;
	v8 =	vor.u32 v8, v60  }
0x3ab: {  	v21 =	vand.u32 $0x7FFFFFF8, v21;
	[tilespmem:v5+s0+$0x0] =	vst.idx.msk $0xffff, v15;
	v5 =	vadd.s32 s11, v33;
	v19 =	vor.u32 v19, v59  }
0x3ac: {  	v6 =	vor.u32 v40, v21;
	v3 =	vld.idx.msk [tilespmem:v7+s9+$0x0], $0xffff;
	[tilespmem:v9+s0+$0x0] =	vst.idx.msk $0xffff, v2;
	v2 =	vadd.s32 s4, v14;
	v5 =	vand.u32 $0x7FFFFFF8, v5  }
0x3ad: {  	v4 =	vadd.s32 s7, v25;
	v2 =	vand.u32 $0x7FFFFFF8, v2;
	[tilespmem:v11+s0+$0x0] =	vst.idx.msk $0xffff, v13;
	v13 =	vld.idx.msk [tilespmem:v17+s9+$0x0], $0xffff;
	v5 =	vor.u32 v40, v5  }
0x3ae: {  	v4 =	vand.u32 $0x7FFFFFF8, v4;
	v0 =	vld.idx.msk [tilespmem:v0+s9+$0x0], $0xffff;
	v11 =	vadd.s32 s12, v39;
	v2 =	vor.u32 v40, v2  }
0x3af: {  	v4 =	vor.u32 v40, v4;
	v8 =	vld.idx.msk [tilespmem:v8+s9+$0x0], $0xffff;
	v9 =	vand.u32 $0x7FFFFFF8, v11  }
0x3b0: {  	v9 =	vor.u32 v40, v9;
	v11 =	vld.idx.msk [tilespmem:v19+s9+$0x0], $0xffff  }
0x3b1: {  	v19 =	vld [tilespmem:$0x1FFC0];
	[tilespmem:v6+s0+$0x0] =	vst.idx.msk $0xffff, v3  }
0x3b2: {  	v46 =	vmov v28;
	v7 =	vor.u32 v53, v58;
	v28 =	vld [tilespmem:$0x1FD60];
	[tilespmem:v5+s0+$0x0] =	vst.idx.msk $0xffff, v13  }
0x3b3: {  	v15 =	vor.u32 v36, v60;
	[tilespmem:v2+s0+$0x0] =	vst.idx.msk $0xffff, v0  }
0x3b4: {  	[tilespmem:v4+s0+$0x0] =	vst.idx.msk $0xffff, v8  }
0x3b5: {  	v21 =	vadd.s32 s3, v22;
	v17 =	vor.u32 v44, v1;
	v6 =	vadd.s32 s7, v27;
	[tilespmem:v9+s0+$0x0] =	vst.idx.msk $0xffff, v11  }
0x3b6: {  	v30 =	vmovc v47;
	v47 =	vmovc v48;
	v21 =	vand.u32 $0x7FFFFFF8, v21;
	v6 =	vand.u32 $0x7FFFFFF8, v6;
	v19 =	vor.u32 v19, v59;
	v48 =	vld [tilespmem:$0x1FDC0]  }
0x3b7: {  	v5 =	vadd.s32 s11, v35;
	v4 =	vld.idx.msk [tilespmem:v7+s9+$0x0], $0xffff;
	v7 =	vor.u32 v40, v21;
	v3 =	vor.u32 v28, v61  }
0x3b8: {  	s12 =	sadd.s32 $0x800, s12;
	v13 =	vor.u32 v41, v58;
	v0 =	vadd.s32 s4, v16;
	v6 =	vor.u32 v40, v6;
	v8 =	vld.idx.msk [tilespmem:v15+s9+$0x0], $0xffff  }
0x3b9: {  	v5 =	vand.u32 $0x7FFFFFF8, v5;
	v0 =	vand.u32 $0x7FFFFFF8, v0;
	v9 =	vadd.s32 s12, v10  }
0x3ba: {  	v21 =	vor.u32 v56, v59;
	v5 =	vor.u32 v40, v5;
	v11 =	vld.idx.msk [tilespmem:v17+s9+$0x0], $0xffff;
	v9 =	vand.u32 $0x7FFFFFF8, v9  }
0x3bb: {  	v0 =	vor.u32 v40, v0;
	v9 =	vor.u32 v40, v9;
	v2 =	vld.idx.msk [tilespmem:v19+s9+$0x0], $0xffff;
	v15 =	vor.u32 v48, v60  }
0x3bc: {  	v17 =	vor.u32 v43, v1;
	v1 =	vor.u32 v42, v1;
	[tilespmem:v7+s0+$0x0] =	vst.idx.msk $0xffff, v4;
	v3 =	vld.idx.msk [tilespmem:v3+s9+$0x0], $0xffff  }
0x3bd: {  	v4 =	vadd.s32 s3, v24;
	v7 =	vor.u32 v62, v59;
	[tilespmem:v6+s0+$0x0] =	vst.idx.msk $0xffff, v8;
	v6 =	vadd.s32 s7, v29  }
0x3be: {  	v4 =	vand.u32 $0x7FFFFFF8, v4;
	v8 =	vor.u32 v57, v61;
	v13 =	vld.idx.msk [tilespmem:v13+s9+$0x0], $0xffff;
	v6 =	vand.u32 $0x7FFFFFF8, v6  }
0x3bf: {  	v4 =	vor.u32 v40, v4;
	v6 =	vor.u32 v40, v6;
	[tilespmem:v5+s0+$0x0] =	vst.idx.msk $0xffff, v11;
	v5 =	vadd.s32 s11, v37  }
0x3c0: {  	v19 =	vor.u32 v26, v58;
	v5 =	vand.u32 $0x7FFFFFF8, v5;
	[tilespmem:v9+s0+$0x0] =	vst.idx.msk $0xffff, v2;
	v11 =	vld.idx.msk [tilespmem:v15+s9+$0x0], $0xffff  }
0x3c1: {  	v2 =	vadd.s32 s12, v12;
	v15 =	vor.u32 v23, v60;
	[tilespmem:v0+s0+$0x0] =	vst.idx.msk $0xffff, v3;
	v0 =	vadd.s32 s4, v18  }
0x3c2: {  	v9 =	vld.idx.msk [tilespmem:v17+s9+$0x0], $0xffff;
	v2 =	vand.u32 $0x7FFFFFF8, v2;
	v3 =	vor.u32 v40, v5;
	v0 =	vand.u32 $0x7FFFFFF8, v0  }
0x3c3: {  	v5 =	vld.idx.msk [tilespmem:v7+s9+$0x0], $0xffff;
	v2 =	vor.u32 v40, v2;
	v17 =	vor.u32 v40, v0;
	v0 =	vadd.s32 s3, v25  }
0x3c4: {  	[tilespmem:v4+s0+$0x0] =	vst.idx.msk $0xffff, v13;
	v13 =	vor.u32 v30, v61;
	v4 =	vadd.s32 s7, v31;
	v8 =	vld.idx.msk [tilespmem:v8+s9+$0x0], $0xffff;
	v0 =	vand.u32 $0x7FFFFFF8, v0  }
0x3c5: {  	v19 =	vld.idx.msk [tilespmem:v19+s9+$0x0], $0xffff;
	v4 =	vand.u32 $0x7FFFFFF8, v4;
	v23 =	vor.u32 v40, v0;
	[tilespmem:v6+s0+$0x0] =	vst.idx.msk $0xffff, v11  }
0x3c6: {  	v26 =	vor.u32 v40, v4;
	v15 =	vld.idx.msk [tilespmem:v15+s9+$0x0], $0xffff  }
0x3c7: {  	v4 =	vadd.s32 s11, v39;
	[tilespmem:v3+s0+$0x0] =	vst.idx.msk $0xffff, v9;
	v3 =	vor.u32 v63, v58  }
0x3c8: {  	v7 =	vor.u32 v49, v60;
	[tilespmem:v2+s0+$0x0] =	vst.idx.msk $0xffff, v5;
	v2 =	vadd.s32 s12, v14;
	v0 =	vld.idx.msk [tilespmem:v1+s9+$0x0], $0xffff;
	v1 =	vand.u32 $0x7FFFFFF8, v4  }
0x3c9: {  	v5 =	vadd.s32 s4, v20;
	[tilespmem:v17+s0+$0x0] =	vst.idx.msk $0xffff, v8;
	v4 =	vld.idx.msk [tilespmem:v21+s9+$0x0], $0xffff;
	v2 =	vand.u32 $0x7FFFFFF8, v2;
	v1 =	vor.u32 v40, v1  }
0x3ca: {  	v5 =	vand.u32 $0x7FFFFFF8, v5;
	v17 =	vadd.s32 s3, v27;
	v8 =	vld.idx.msk [tilespmem:v13+s9+$0x0], $0xffff;
	v6 =	vor.u32 v40, v2;
	[tilespmem:v23+s0+$0x0] =	vst.idx.msk $0xffff, v19  }
0x3cb: {  	v49 =	vlaneseq.u32;
	v11 =	vor.u32 v40, v5;
	v5 =	vor.u32 v52, v59;
	[tilespmem:v26+s0+$0x0] =	vst.idx.msk $0xffff, v15;
	v15 =	vmovc v38  }
0x3cc: {  	s11 =	simm.s32 $0x50;
	v9 =	vadd.s32 s7, v33;
	v13 =	vor.u32 v38, v61;
	v2 =	vld.idx.msk [tilespmem:v3+s9+$0x0], $0xffff;
	v3 =	vand.u32 $0x7FFFFFF8, v17;
	v38 =	vmovc v32;
	v32 =	vmovc v15  }
.LBB2_8:
0x3cd: {  	_ = 	snop  }
0x3ce: {  	v7 =	vld.idx.msk [tilespmem:v7+s9+$0x0], $0xffff  }
0x3cf: {  	[tilespmem:v1+s0+$0x0] =	vst.idx.msk $0xffff, v0;
	v1 =	vld [tilespmem:$0x1FF80];
	_ =	sdelay $0x1  }
0x3d0: {  	v15 =	vmov s11;
	v9 =	vand.u32 $0x7FFFFFF8, v9;
	v3 =	vor.u32 v40, v3  }
0x3d1: {  	v15 =	vshll.u32 v15, $0x5;
	v9 =	vor.u32 v40, v9;
	[tilespmem:v6+s0+$0x0] =	vst.idx.msk $0xffff, v4  }
0x3d2: {  	v17 =	vor.u32 v51, v58;
	s13 =	sshrl.u32 s11, $0x7;
	v0 =	vor.u32 v47, v15;
	v4 =	vadd.s32 s12, v16;
	[tilespmem:v11+s0+$0x0] =	vst.idx.msk $0xffff, v8  }
0x3d3: {  	s13 =	smul.u32 $0xF80, s13;
	v8 =	vadd.s32 s4, v22;
	v4 =	vand.u32 $0x7FFFFFF8, v4;
	v5 =	vld.idx.msk [tilespmem:v5+s9+$0x0], $0xffff;
	v1 =	vor.u32 v1, v60  }
0x3d4: {  	v6 =	vor.u32 v49, v0;
	v11 =	vld.idx.msk [tilespmem:v13+s9+$0x0], $0xffff;
	v8 =	vand.u32 $0x7FFFFFF8, v8;
	v4 =	vor.u32 v40, v4  }
0x3d5: {  	v19 =	vld [tilespmem:$0x1FFA0];
	s13 =	sadd.s32 s13, s11;
	v13 =	vor.u32 v55, v59;
	v8 =	vor.u32 v40, v8;
	[tilespmem:v3+s0+$0x0] =	vst.idx.msk $0xffff, v2;
	v2 =	vadd.s32 s3, v29  }
0x3d6: {  	v15 =	vadd.s32 s13, v10;
	[tilespmem:v9+s0+$0x0] =	vst.idx.msk $0xffff, v7;
	v7 =	vadd.s32 s7, v35;
	v2 =	vand.u32 $0x7FFFFFF8, v2  }
0x3d7: {  	v3 =	vor.u32 v34, v61;
	v9 =	vld.idx.msk [tilespmem:v17+s9+$0x0], $0xffff;
	v7 =	vand.u32 $0x7FFFFFF8, v7;
	v2 =	vor.u32 v40, v2  }
0x3d8: {  	v15 =	vand.u32 $0x7FFFFFF8, v15;
	v7 =	vor.u32 v40, v7;
	v1 =	vld.idx.msk [tilespmem:v1+s9+$0x0], $0xffff  }
0x3d9: {  	v15 =	vor.u32 v40, v15;
	v17 =	vor.u32 v50, v58;
	v6 =	vld.idx.msk [tilespmem:v6+s9+$0x0], $0xffff;
	[tilespmem:v4+s0+$0x0] =	vst.idx.msk $0xffff, v5  }
0x3da: {  	v19 =	vor.u32 v19, v60;
	[tilespmem:v8+s0+$0x0] =	vst.idx.msk $0xffff, v11  }
0x3db: {  	v11 =	vld.idx.msk [tilespmem:v13+s9+$0x0], $0xffff  }
0x3dc: {  	v3 =	vld.idx.msk [tilespmem:v3+s9+$0x0], $0xffff;
	[tilespmem:v2+s0+$0x0] =	vst.idx.msk $0xffff, v9  }
0x3dd: {  	v4 =	vadd.s32 s12, v18;
	v9 =	vld [tilespmem:$0x1FFD0];
	[tilespmem:v7+s0+$0x0] =	vst.idx.msk $0xffff, v1  }
0x3de: {  	v5 =	vor.u32 v46, v0;
	v8 =	vadd.s32 s4, v24;
	v4 =	vand.u32 $0x7FFFFFF8, v4;
	v7 =	vld.idx.msk [tilespmem:v17+s9+$0x0], $0xffff;
	[tilespmem:v15+s0+$0x0] =	vst.idx.msk $0xffff, v6  }
0x3df: {  	v8 =	vand.u32 $0x7FFFFFF8, v8;
	v4 =	vor.u32 v40, v4;
	v2 =	vadd.s32 s3, v31;
	v15 =	vld.idx.msk [tilespmem:v19+s9+$0x0], $0xffff  }
0x3e0: {  	v8 =	vor.u32 v40, v8;
	v2 =	vand.u32 $0x7FFFFFF8, v2;
	v19 =	vld [tilespmem:$0x1FF90]  }
0x3e1: {  	v13 =	vor.u32 v54, v59;
	v2 =	vor.u32 v40, v2;
	v1 =	vadd.s32 s7, v37  }
0x3e2: {  	v6 =	vadd.s32 s13, v12;
	v1 =	vand.u32 $0x7FFFFFF8, v1;
	v9 =	vor.u32 v9, v61  }
0x3e3: {  	v6 =	vand.u32 $0x7FFFFFF8, v6;
	v1 =	vor.u32 v40, v1  }
0x3e4: {  	v17 =	vor.u32 v45, v58;
	v5 =	vld.idx.msk [tilespmem:v5+s9+$0x0], $0xffff;
	[tilespmem:v4+s0+$0x0] =	vst.idx.msk $0xffff, v11;
	v6 =	vor.u32 v40, v6  }
0x3e5: {  	[tilespmem:v8+s0+$0x0] =	vst.idx.msk $0xffff, v3;
	v19 =	vor.u32 v19, v60  }
0x3e6: {  	v8 =	vld.idx.msk [tilespmem:v13+s9+$0x0], $0xffff  }
0x3e7: {  	v4 =	vadd.s32 s12, v20;
	v9 =	vld.idx.msk [tilespmem:v9+s9+$0x0], $0xffff;
	[tilespmem:v2+s0+$0x0] =	vst.idx.msk $0xffff, v7  }
0x3e8: {  	v11 =	vor.u32 v38, v0;
	v3 =	vadd.s32 s4, v25;
	v4 =	vand.u32 $0x7FFFFFF8, v4;
	[tilespmem:v1+s0+$0x0] =	vst.idx.msk $0xffff, v15  }
0x3e9: {  	v3 =	vand.u32 $0x7FFFFFF8, v3;
	v4 =	vor.u32 v40, v4;
	v15 =	vld.idx.msk [tilespmem:v17+s9+$0x0], $0xffff;
	[tilespmem:v6+s0+$0x0] =	vst.idx.msk $0xffff, v5  }
0x3ea: {  	v13 =	vor.u32 v53, v59;
	v3 =	vor.u32 v40, v3;
	v2 =	vadd.s32 s3, v33;
	v6 =	vld.idx.msk [tilespmem:v19+s9+$0x0], $0xffff  }
0x3eb: {  	v7 =	vor.u32 v36, v61;
	v1 =	vadd.s32 s7, v39;
	v2 =	vand.u32 $0x7FFFFFF8, v2;
	v19 =	vld [tilespmem:$0x1FFC0]  }
0x3ec: {  	v5 =	vadd.s32 s13, v14;
	v1 =	vand.u32 $0x7FFFFFF8, v1;
	v2 =	vor.u32 v40, v2  }
0x3ed: {  	v17 =	vor.u32 v44, v58;
	v5 =	vand.u32 $0x7FFFFFF8, v5;
	v1 =	vor.u32 v40, v1  }
0x3ee: {  	v11 =	vld.idx.msk [tilespmem:v11+s9+$0x0], $0xffff;
	v5 =	vor.u32 v40, v5;
	[tilespmem:v4+s0+$0x0] =	vst.idx.msk $0xffff, v8;
	v4 =	vadd.s32 s12, v22  }
0x3ef: {  	v8 =	vor.u32 v28, v0;
	[tilespmem:v3+s0+$0x0] =	vst.idx.msk $0xffff, v9;
	v3 =	vadd.s32 s4, v27;
	v4 =	vand.u32 $0x7FFFFFF8, v4  }
0x3f0: {  	v9 =	vld.idx.msk [tilespmem:v13+s9+$0x0], $0xffff;
	v3 =	vand.u32 $0x7FFFFFF8, v3;
	v4 =	vor.u32 v40, v4;
	v19 =	vor.u32 v19, v60  }
0x3f1: {  	v7 =	vld.idx.msk [tilespmem:v7+s9+$0x0], $0xffff;
	[tilespmem:v2+s0+$0x0] =	vst.idx.msk $0xffff, v15;
	v3 =	vor.u32 v40, v3  }
0x3f2: {  	v13 =	vor.u32 v41, v59;
	[tilespmem:v1+s0+$0x0] =	vst.idx.msk $0xffff, v6  }
0x3f3: {  	v2 =	vadd.s32 s3, v35;
	v15 =	vor.u32 v48, v61;
	v6 =	vld.idx.msk [tilespmem:v17+s9+$0x0], $0xffff;
	[tilespmem:v5+s0+$0x0] =	vst.idx.msk $0xffff, v11  }
0x3f4: {  	s15 =	sadd.s32 $0x800, s7;
	v2 =	vand.u32 $0x7FFFFFF8, v2;
	v8 =	vld.idx.msk [tilespmem:v8+s9+$0x0], $0xffff  }
0x3f5: {  	s7 =	smov.u32 s4;
	s4 =	smov.u32 s13;
	v2 =	vor.u32 v40, v2;
	v1 =	vadd.s32 s15, v10;
	v11 =	vld.idx.msk [tilespmem:v19+s9+$0x0], $0xffff;
	[tilespmem:v4+s0+$0x0] =	vst.idx.msk $0xffff, v9  }
0x3f6: {  	v5 =	vadd.s32 s4, v16;
	v1 =	vand.u32 $0x7FFFFFF8, v1;
	[tilespmem:v3+s0+$0x0] =	vst.idx.msk $0xffff, v7  }
0x3f7: {  	v5 =	vand.u32 $0x7FFFFFF8, v5;
	v1 =	vor.u32 v40, v1;
	v7 =	vld.idx.msk [tilespmem:v13+s9+$0x0], $0xffff  }
0x3f8: {  	v17 =	vor.u32 v43, v58;
	v5 =	vor.u32 v40, v5;
	v13 =	vld.idx.msk [tilespmem:v15+s9+$0x0], $0xffff  }
0x3f9: {  	v19 =	vor.u32 v62, v60;
	v4 =	vadd.s32 s12, v24;
	v15 =	vld [tilespmem:$0x1FD30]  }
0x3fa: {  	v9 =	vor.u32 v57, v0;
	v4 =	vand.u32 $0x7FFFFFF8, v4;
	[tilespmem:v2+s0+$0x0] =	vst.idx.msk $0xffff, v6;
	v6 =	vld [tilespmem:$0x1FFB0]  }
0x3fb: {  	v3 =	vadd.s32 s7, v29;
	v4 =	vor.u32 v40, v4;
	v2 =	vadd.s32 s3, v37  }
0x3fc: {  	v21 =	vor.u32 v30, v0;
	v3 =	vand.u32 $0x7FFFFFF8, v3;
	v2 =	vand.u32 $0x7FFFFFF8, v2;
	[tilespmem:v1+s0+$0x0] =	vst.idx.msk $0xffff, v11  }
0x3fd: {  	v3 =	vor.u32 v40, v3;
	v2 =	vor.u32 v40, v2;
	v11 =	vld.idx.msk [tilespmem:v17+s9+$0x0], $0xffff;
	[tilespmem:v5+s0+$0x0] =	vst.idx.msk $0xffff, v8  }
0x3fe: {  	v1 =	vadd.s32 s15, v12;
	v5 =	vadd.s32 s4, v18;
	v15 =	vor.u32 v15, v59;
	v8 =	vld.idx.msk [tilespmem:v19+s9+$0x0], $0xffff  }
0x3ff: {  	v1 =	vand.u32 $0x7FFFFFF8, v1;
	v17 =	vor.u32 v42, v58;
	v58 =	vmovc v59;
	v6 =	vor.u32 v6, v61;
	v9 =	vld.idx.msk [tilespmem:v9+s9+$0x0], $0xffff  }
0x400: {  	v5 =	vand.u32 $0x7FFFFFF8, v5;
	v1 =	vor.u32 v40, v1;
	v19 =	vor.u32 v56, v60;
	[tilespmem:v4+s0+$0x0] =	vst.idx.msk $0xffff, v7  }
0x401: {  	v4 =	vadd.s32 s12, v25;
	v59 =	vmovc v60;
	v60 =	vmovc v61;
	v61 =	vmov v0;
	v0 =	vld [tilespmem:$0x1FF70];
	v5 =	vor.u32 v40, v5  }
0x402: {  	[tilespmem:v3+s0+$0x0] =	vst.idx.msk $0xffff, v13;
	v3 =	vadd.s32 s7, v31;
	v4 =	vand.u32 $0x7FFFFFF8, v4  }
0x403: {  	v3 =	vand.u32 $0x7FFFFFF8, v3;
	v23 =	vor.u32 v40, v4;
	v13 =	vld.idx.msk [tilespmem:v15+s9+$0x0], $0xffff  }
0x404: {  	v3 =	vor.u32 v40, v3;
	v15 =	vld.idx.msk [tilespmem:v6+s9+$0x0], $0xffff;
	[tilespmem:v2+s0+$0x0] =	vst.idx.msk $0xffff, v11  }
0x405: {  	p0 =	slt.u32 s11, $0x1F0;
	v26 =	vor.u32 v63, v58;
	v2 =	vadd.s32 s3, v39;
	s3 =	smov.u32 s12;
	s12 =	smov.u32 s15;
	[tilespmem:v1+s0+$0x0] =	vst.idx.msk $0xffff, v8  }
.Ltmp2:
0x406: {  	v7 =	vor.u32 v0, v60;
	v1 =	vadd.s32 s12, v14;
	v0 =	vld.idx.msk [tilespmem:v17+s9+$0x0], $0xffff;
	[tilespmem:v5+s0+$0x0] =	vst.idx.msk $0xffff, v9;
	(pc) =	sbr.rel @p0 .LBB2_8-.Ltmp2, $4  }
0x407: {  	v2 =	vand.u32 $0x7FFFFFF8, v2;
	v5 =	vadd.s32 s4, v20;
	v6 =	vand.u32 $0x7FFFFFF8, v1;
	v4 =	vld.idx.msk [tilespmem:v19+s9+$0x0], $0xffff  }
0x408: {  	v1 =	vor.u32 v40, v2;
	v17 =	vadd.s32 s3, v27;
	v9 =	vadd.s32 s7, v33;
	v8 =	vld.idx.msk [tilespmem:v21+s9+$0x0], $0xffff;
	[tilespmem:v23+s0+$0x0] =	vst.idx.msk $0xffff, v13  }
0x409: {  	v2 =	vand.u32 $0x7FFFFFF8, v5;
	v6 =	vor.u32 v40, v6;
	v5 =	vor.u32 v52, v59;
	[tilespmem:v3+s0+$0x0] =	vst.idx.msk $0xffff, v15  }
0x40a: {  	s11 =	sadd.s32 $0x10, s11;
	v11 =	vor.u32 v40, v2;
	v13 =	vor.u32 v32, v61;
	v3 =	vand.u32 $0x7FFFFFF8, v17;
	v2 =	vld.idx.msk [tilespmem:v26+s9+$0x0], $0xffff  }
0x40b: {  	_ =	sdelay $0x2  }
0x40c: {  	v15 =	vadd.s32 s4, v22  }
0x40d: {  	[tilespmem:v11+s0+$0x0] =	vst.idx.msk $0xffff, v8;
	v8 =	vand.u32 $0x7FFFFFF8, v15  }
0x40e: {  	v11 =	vld.idx.msk [tilespmem:v13+s9+$0x0], $0xffff;
	v8 =	vor.u32 v40, v8  }
0x40f: {  	v13 =	vor.u32 v34, v61;
	_ =	sdelay $0x3  }
0x410: {  	[tilespmem:v8+s0+$0x0] =	vst.idx.msk $0xffff, v11  }
0x411: {  	v11 =	vld.idx.msk [tilespmem:v13+s9+$0x0], $0xffff  }
0x412: {  	v13 =	vld [tilespmem:$0x1FFD0];
	_ =	sdelay $0x1  }
0x413: {  	v15 =	vadd.s32 s4, v24  }
0x414: {  	v8 =	vand.u32 $0x7FFFFFF8, v15  }
0x415: {  	v8 =	vor.u32 v40, v8  }
0x416: {  	v13 =	vor.u32 v13, v61;
	_ =	sdelay $0x2  }
0x417: {  	v15 =	vadd.s32 s4, v25  }
0x418: {  	[tilespmem:v8+s0+$0x0] =	vst.idx.msk $0xffff, v11;
	v8 =	vand.u32 $0x7FFFFFF8, v15  }
0x419: {  	v8 =	vor.u32 v40, v8;
	v11 =	vld.idx.msk [tilespmem:v13+s9+$0x0], $0xffff  }
0x41a: {  	v13 =	vor.u32 v36, v61;
	_ =	sdelay $0x2  }
0x41b: {  	v15 =	vadd.s32 s4, v27  }
0x41c: {  	[tilespmem:v8+s0+$0x0] =	vst.idx.msk $0xffff, v11;
	v8 =	vand.u32 $0x7FFFFFF8, v15  }
0x41d: {  	v11 =	vld.idx.msk [tilespmem:v13+s9+$0x0], $0xffff;
	v8 =	vor.u32 v40, v8  }
0x41e: {  	v13 =	vor.u32 v48, v61;
	_ =	sdelay $0x3  }
0x41f: {  	[tilespmem:v8+s0+$0x0] =	vst.idx.msk $0xffff, v11  }
0x420: {  	v15 =	vadd.s32 s4, v29;
	v11 =	vld.idx.msk [tilespmem:v13+s9+$0x0], $0xffff  }
0x421: {  	v8 =	vand.u32 $0x7FFFFFF8, v15;
	v13 =	vld [tilespmem:$0x1FFB0]  }
0x422: {  	v8 =	vor.u32 v40, v8;
	_ =	sdelay $0x3  }
0x423: {  	v13 =	vor.u32 v13, v61  }
0x424: {  	[tilespmem:v8+s0+$0x0] =	vst.idx.msk $0xffff, v11  }
0x425: {  	v21 =	vld [tilespmem:$0x1FF70]  }
0x426: {  	v15 =	vadd.s32 s4, v31  }
0x427: {  	v8 =	vand.u32 $0x7FFFFFF8, v15  }
0x428: {  	v8 =	vor.u32 v40, v8;
	v11 =	vld.idx.msk [tilespmem:v13+s9+$0x0], $0xffff;
	_ =	sdelay $0x1  }
0x429: {  	v13 =	vor.u32 v21, v61;
	_ =	sdelay $0x2  }
0x42a: {  	v9 =	vand.u32 $0x7FFFFFF8, v9;
	v7 =	vld.idx.msk [tilespmem:v7+s9+$0x0], $0xffff;
	v15 =	vadd.s32 s4, v33;
	[tilespmem:v8+s0+$0x0] =	vst.idx.msk $0xffff, v11  }
0x42b: {  	v9 =	vor.u32 v40, v9;
	v8 =	vand.u32 $0x7FFFFFF8, v15;
	v38 =	vld [tilespmem:$0x1FF80]  }
0x42c: {  	v13 =	vld.idx.msk [tilespmem:v13+s9+$0x0], $0xffff;
	v8 =	vor.u32 v40, v8;
	_ =	sdelay $0x3  }
0x42d: {  	[tilespmem:v9+s0+$0x0] =	vst.idx.msk $0xffff, v7  }
0x42e: {  	v11 =	vor.u32 v38, v60;
	[tilespmem:v8+s0+$0x0] =	vst.idx.msk $0xffff, v13  }
0x42f: {  	v15 =	vor.u32 v38, v61;
	v26 =	vld [tilespmem:$0x1FFA0];
	_ =	sdelay $0x1  }
0x430: {  	v17 =	vadd.s32 s7, v35  }
0x431: {  	v49 =	vand.u32 $0x7FFFFFF8, v17;
	v9 =	vadd.s32 s4, v35  }
0x432: {  	v7 =	vor.u32 v40, v49;
	v8 =	vand.u32 $0x7FFFFFF8, v9;
	v11 =	vld.idx.msk [tilespmem:v11+s9+$0x0], $0xffff  }
0x433: {  	v8 =	vor.u32 v40, v8;
	v13 =	vld.idx.msk [tilespmem:v15+s9+$0x0], $0xffff;
	v9 =	vor.u32 v26, v60;
	_ =	sdelay $0x1  }
0x434: {  	v15 =	vor.u32 v26, v61;
	_ =	sdelay $0x1  }
0x435: {  	v17 =	vadd.s32 s7, v37;
	[tilespmem:v7+s0+$0x0] =	vst.idx.msk $0xffff, v11  }
0x436: {  	v49 =	vand.u32 $0x7FFFFFF8, v17;
	v11 =	vadd.s32 s4, v37;
	[tilespmem:v8+s0+$0x0] =	vst.idx.msk $0xffff, v13;
	v9 =	vld.idx.msk [tilespmem:v9+s9+$0x0], $0xffff  }
0x437: {  	v7 =	vor.u32 v40, v49;
	v8 =	vand.u32 $0x7FFFFFF8, v11;
	v23 =	vld [tilespmem:$0x1FF90]  }
0x438: {  	v13 =	vld.idx.msk [tilespmem:v15+s9+$0x0], $0xffff;
	v8 =	vor.u32 v40, v8;
	_ =	sdelay $0x3  }
0x439: {  	v17 =	vadd.s32 s7, v39;
	[tilespmem:v7+s0+$0x0] =	vst.idx.msk $0xffff, v9  }
0x43a: {  	v49 =	vand.u32 $0x7FFFFFF8, v17;
	v11 =	vor.u32 v23, v60;
	[tilespmem:v8+s0+$0x0] =	vst.idx.msk $0xffff, v13  }
0x43b: {  	v15 =	vor.u32 v23, v61;
	v7 =	vor.u32 v40, v49;
	v49 =	vld [tilespmem:$0x1FFC0];
	_ =	sdelay $0x2  }
0x43c: {  	v9 =	vadd.s32 s4, v39  }
0x43d: {  	v8 =	vand.u32 $0x7FFFFFF8, v9;
	v11 =	vld.idx.msk [tilespmem:v11+s9+$0x0], $0xffff  }
0x43e: {  	v8 =	vor.u32 v40, v8;
	v13 =	vld.idx.msk [tilespmem:v15+s9+$0x0], $0xffff;
	v9 =	vor.u32 v49, v60  }
0x43f: {  	v15 =	vor.u32 v49, v61  }
0x440: {  	s13 =	sadd.s32 $0x800, s7  }
0x441: {  	s15 =	sadd.s32 $0x800, s4;
	v17 =	vadd.s32 s13, v10  }
0x442: {  	[tilespmem:v7+s0+$0x0] =	vst.idx.msk $0xffff, v11;
	v7 =	vand.u32 $0x7FFFFFF8, v17;
	v11 =	vadd.s32 s15, v10  }
0x443: {  	[tilespmem:v8+s0+$0x0] =	vst.idx.msk $0xffff, v13;
	v7 =	vor.u32 v40, v7;
	v8 =	vand.u32 $0x7FFFFFF8, v11;
	v9 =	vld.idx.msk [tilespmem:v9+s9+$0x0], $0xffff  }
0x444: {  	v11 =	vor.u32 v62, v60;
	v13 =	vld.idx.msk [tilespmem:v15+s9+$0x0], $0xffff;
	v8 =	vor.u32 v40, v8  }
0x445: {  	v15 =	vor.u32 v62, v61;
	_ =	sdelay $0x1  }
0x446: {  	v17 =	vadd.s32 s13, v12  }
0x447: {  	[tilespmem:v7+s0+$0x0] =	vst.idx.msk $0xffff, v9;
	v7 =	vand.u32 $0x7FFFFFF8, v17;
	v9 =	vadd.s32 s15, v12  }
0x448: {  	[tilespmem:v8+s0+$0x0] =	vst.idx.msk $0xffff, v13;
	v11 =	vld.idx.msk [tilespmem:v11+s9+$0x0], $0xffff;
	v7 =	vor.u32 v40, v7;
	v8 =	vand.u32 $0x7FFFFFF8, v9  }
0x449: {  	v9 =	vor.u32 v56, v60;
	v13 =	vld.idx.msk [tilespmem:v15+s9+$0x0], $0xffff;
	v8 =	vor.u32 v40, v8  }
0x44a: {  	v15 =	vor.u32 v56, v61;
	_ =	sdelay $0x2  }
0x44b: {  	v17 =	vadd.s32 s13, v14;
	[tilespmem:v7+s0+$0x0] =	vst.idx.msk $0xffff, v11  }
0x44c: {  	v56 =	vand.u32 $0x7FFFFFF8, v17;
	v11 =	vadd.s32 s15, v14;
	v9 =	vld.idx.msk [tilespmem:v9+s9+$0x0], $0xffff;
	[tilespmem:v8+s0+$0x0] =	vst.idx.msk $0xffff, v13  }
0x44d: {  	v7 =	vor.u32 v40, v56;
	v8 =	vand.u32 $0x7FFFFFF8, v11;
	v13 =	vld.idx.msk [tilespmem:v15+s9+$0x0], $0xffff;
	v15 =	vadd.s32 s12, v16  }
0x44e: {  	[tilespmem:v6+s0+$0x0] =	vst.idx.msk $0xffff, v4;
	v11 =	vor.u32 v52, v60;
	v8 =	vor.u32 v40, v8;
	v15 =	vand.u32 $0x7FFFFFF8, v15  }
0x44f: {  	v5 =	vld.idx.msk [tilespmem:v5+s9+$0x0], $0xffff;
	v17 =	vor.u32 v52, v61;
	v4 =	vor.u32 v40, v15  }
0x450: {  	v56 =	vadd.s32 s13, v16;
	v15 =	vor.u32 v55, v59  }
0x451: {  	v6 =	vand.u32 $0x7FFFFFF8, v56  }
0x452: {  	v52 =	vadd.s32 s15, v16;
	v6 =	vor.u32 v40, v6;
	[tilespmem:v7+s0+$0x0] =	vst.idx.msk $0xffff, v9  }
0x453: {  	v7 =	vand.u32 $0x7FFFFFF8, v52;
	v9 =	vld.idx.msk [tilespmem:v11+s9+$0x0], $0xffff;
	[tilespmem:v8+s0+$0x0] =	vst.idx.msk $0xffff, v13;
	v8 =	vor.u32 v55, v60;
	v13 =	vadd.s32 s12, v18  }
0x454: {  	v7 =	vor.u32 v40, v7;
	v11 =	vld.idx.msk [tilespmem:v17+s9+$0x0], $0xffff;
	v13 =	vand.u32 $0x7FFFFFF8, v13;
	[tilespmem:v4+s0+$0x0] =	vst.idx.msk $0xffff, v5  }
0x455: {  	v17 =	vor.u32 v55, v61;
	v4 =	vor.u32 v40, v13;
	v13 =	vld.idx.msk [tilespmem:v15+s9+$0x0], $0xffff  }
0x456: {  	v15 =	vor.u32 v54, v59  }
0x457: {  	v55 =	vadd.s32 s13, v18  }
0x458: {  	v56 =	vadd.s32 s15, v18;
	v52 =	vor.u32 v54, v60;
	v5 =	vand.u32 $0x7FFFFFF8, v55;
	[tilespmem:v6+s0+$0x0] =	vst.idx.msk $0xffff, v9  }
0x459: {  	v5 =	vor.u32 v40, v5;
	v6 =	vand.u32 $0x7FFFFFF8, v56;
	v8 =	vld.idx.msk [tilespmem:v8+s9+$0x0], $0xffff;
	[tilespmem:v7+s0+$0x0] =	vst.idx.msk $0xffff, v11;
	v11 =	vadd.s32 s12, v20  }
0x45a: {  	v6 =	vor.u32 v40, v6;
	v9 =	vld.idx.msk [tilespmem:v17+s9+$0x0], $0xffff;
	v11 =	vand.u32 $0x7FFFFFF8, v11;
	[tilespmem:v4+s0+$0x0] =	vst.idx.msk $0xffff, v13  }
0x45b: {  	v17 =	vor.u32 v54, v61;
	v54 =	vor.u32 v40, v11;
	v13 =	vld.idx.msk [tilespmem:v15+s9+$0x0], $0xffff  }
0x45c: {  	v15 =	vor.u32 v53, v59  }
0x45d: {  	v11 =	vadd.s32 s13, v20  }
0x45e: {  	v55 =	vand.u32 $0x7FFFFFF8, v11;
	v11 =	vadd.s32 s12, v22;
	[tilespmem:v5+s0+$0x0] =	vst.idx.msk $0xffff, v8;
	v8 =	vadd.s32 s15, v20  }
0x45f: {  	v11 =	vand.u32 $0x7FFFFFF8, v11;
	v5 =	vor.u32 v40, v55;
	v7 =	vld.idx.msk [tilespmem:v52+s9+$0x0], $0xffff;
	[tilespmem:v6+s0+$0x0] =	vst.idx.msk $0xffff, v9;
	v56 =	vand.u32 $0x7FFFFFF8, v8  }
0x460: {  	v8 =	vor.u32 v53, v60;
	v9 =	vld.idx.msk [tilespmem:v17+s9+$0x0], $0xffff;
	v6 =	vor.u32 v40, v56;
	[tilespmem:v54+s0+$0x0] =	vst.idx.msk $0xffff, v13  }
0x461: {  	v52 =	vor.u32 v40, v11;
	v17 =	vor.u32 v53, v61;
	v13 =	vld.idx.msk [tilespmem:v15+s9+$0x0], $0xffff;
	_ =	sdelay $0x2  }
0x462: {  	v11 =	vadd.s32 s13, v22;
	[tilespmem:v5+s0+$0x0] =	vst.idx.msk $0xffff, v7  }
0x463: {  	v53 =	vand.u32 $0x7FFFFFF8, v11;
	v54 =	vadd.s32 s15, v22;
	v15 =	vor.u32 v41, v59;
	v8 =	vld.idx.msk [tilespmem:v8+s9+$0x0], $0xffff;
	[tilespmem:v6+s0+$0x0] =	vst.idx.msk $0xffff, v9  }
0x464: {  	v55 =	vand.u32 $0x7FFFFFF8, v54;
	v5 =	vor.u32 v40, v53;
	v9 =	vld.idx.msk [tilespmem:v17+s9+$0x0], $0xffff;
	[tilespmem:v52+s0+$0x0] =	vst.idx.msk $0xffff, v13  }
0x465: {  	v56 =	vor.u32 v41, v60;
	v11 =	vadd.s32 s12, v24;
	v6 =	vor.u32 v40, v55;
	v19 =	vld [tilespmem:$0x1FD30]  }
0x466: {  	v11 =	vand.u32 $0x7FFFFFF8, v11;
	v17 =	vor.u32 v41, v61  }
0x467: {  	v52 =	vor.u32 v40, v11;
	v11 =	vadd.s32 s13, v24  }
0x468: {  	v53 =	vand.u32 $0x7FFFFFF8, v11  }
0x469: {  	v13 =	vld.idx.msk [tilespmem:v15+s9+$0x0], $0xffff;
	[tilespmem:v5+s0+$0x0] =	vst.idx.msk $0xffff, v8;
	v8 =	vadd.s32 s15, v24;
	v5 =	vor.u32 v40, v53  }
0x46a: {  	v7 =	vld.idx.msk [tilespmem:v56+s9+$0x0], $0xffff;
	[tilespmem:v6+s0+$0x0] =	vst.idx.msk $0xffff, v9;
	v54 =	vand.u32 $0x7FFFFFF8, v8;
	v15 =	vor.u32 v19, v59  }
0x46b: {  	v9 =	vld.idx.msk [tilespmem:v17+s9+$0x0], $0xffff;
	v6 =	vor.u32 v40, v54;
	v8 =	vor.u32 v19, v60  }
0x46c: {  	v11 =	vadd.s32 s12, v25;
	v17 =	vor.u32 v19, v61  }
0x46d: {  	v11 =	vand.u32 $0x7FFFFFF8, v11  }
0x46e: {  	v55 =	vor.u32 v40, v11;
	v11 =	vadd.s32 s13, v25;
	[tilespmem:v52+s0+$0x0] =	vst.idx.msk $0xffff, v13  }
0x46f: {  	v41 =	vadd.s32 s15, v25;
	v56 =	vand.u32 $0x7FFFFFF8, v11;
	[tilespmem:v5+s0+$0x0] =	vst.idx.msk $0xffff, v7;
	v13 =	vld.idx.msk [tilespmem:v15+s9+$0x0], $0xffff  }
0x470: {  	v52 =	vand.u32 $0x7FFFFFF8, v41;
	v5 =	vor.u32 v40, v56;
	[tilespmem:v6+s0+$0x0] =	vst.idx.msk $0xffff, v9;
	v8 =	vld.idx.msk [tilespmem:v8+s9+$0x0], $0xffff  }
0x471: {  	v6 =	vor.u32 v40, v52;
	v15 =	vor.u32 v63, v59;
	v9 =	vld.idx.msk [tilespmem:v17+s9+$0x0], $0xffff  }
0x472: {  	v53 =	vor.u32 v63, v60  }
0x473: {  	v11 =	vadd.s32 s12, v27;
	v17 =	vor.u32 v63, v61  }
0x474: {  	v3 =	vor.u32 v40, v3;
	v11 =	vand.u32 $0x7FFFFFF8, v11;
	[tilespmem:v55+s0+$0x0] =	vst.idx.msk $0xffff, v13  }
0x475: {  	v19 =	vor.u32 v51, v58;
	v54 =	vor.u32 v40, v11;
	v11 =	vadd.s32 s13, v27;
	[tilespmem:v5+s0+$0x0] =	vst.idx.msk $0xffff, v8  }
0x476: {  	v41 =	vadd.s32 s12, v29;
	v55 =	vand.u32 $0x7FFFFFF8, v11;
	v8 =	vadd.s32 s15, v27;
	[tilespmem:v6+s0+$0x0] =	vst.idx.msk $0xffff, v9;
	v13 =	vld.idx.msk [tilespmem:v15+s9+$0x0], $0xffff  }
0x477: {  	v15 =	vor.u32 v51, v59;
	v7 =	vld.idx.msk [tilespmem:v53+s9+$0x0], $0xffff;
	v5 =	vor.u32 v40, v55;
	v56 =	vand.u32 $0x7FFFFFF8, v8  }
0x478: {  	v9 =	vor.u32 v51, v60;
	v8 =	vadd.s32 s3, v29;
	v11 =	vld.idx.msk [tilespmem:v17+s9+$0x0], $0xffff;
	v6 =	vor.u32 v40, v56  }
0x479: {  	[tilespmem:v3+s0+$0x0] =	vst.idx.msk $0xffff, v2;
	v3 =	vand.u32 $0x7FFFFFF8, v41;
	v63 =	vand.u32 $0x7FFFFFF8, v8;
	v8 =	vor.u32 v51, v61  }
0x47a: {  	v3 =	vor.u32 v40, v3;
	v51 =	vadd.s32 s13, v29  }
0x47b: {  	v52 =	vadd.s32 s15, v29;
	v17 =	vld.idx.msk [tilespmem:v19+s9+$0x0], $0xffff;
	v2 =	vor.u32 v40, v63;
	v4 =	vand.u32 $0x7FFFFFF8, v51;
	[tilespmem:v54+s0+$0x0] =	vst.idx.msk $0xffff, v13  }
0x47c: {  	v19 =	vor.u32 v50, v58;
	v4 =	vor.u32 v40, v4;
	[tilespmem:v5+s0+$0x0] =	vst.idx.msk $0xffff, v7;
	v13 =	vld.idx.msk [tilespmem:v15+s9+$0x0], $0xffff  }
0x47d: {  	v5 =	vand.u32 $0x7FFFFFF8, v52;
	v15 =	vor.u32 v50, v59;
	v7 =	vld.idx.msk [tilespmem:v9+s9+$0x0], $0xffff;
	[tilespmem:v6+s0+$0x0] =	vst.idx.msk $0xffff, v11  }
0x47e: {  	v53 =	vadd.s32 s3, v31;
	v9 =	vor.u32 v50, v60;
	v5 =	vor.u32 v40, v5;
	v8 =	vld.idx.msk [tilespmem:v8+s9+$0x0], $0xffff  }
0x47f: {  	v55 =	vadd.s32 s12, v31;
	v63 =	vadd.s32 s13, v31;
	v11 =	vor.u32 v50, v61  }
0x480: {  	v54 =	vand.u32 $0x7FFFFFF8, v53;
	v6 =	vand.u32 $0x7FFFFFF8, v55;
	v50 =	vadd.s32 s15, v31;
	[tilespmem:v2+s0+$0x0] =	vst.idx.msk $0xffff, v17  }
0x481: {  	v2 =	vor.u32 v40, v54;
	v56 =	vor.u32 v40, v6;
	v17 =	vld.idx.msk [tilespmem:v19+s9+$0x0], $0xffff;
	[tilespmem:v3+s0+$0x0] =	vst.idx.msk $0xffff, v13  }
0x482: {  	v41 =	vand.u32 $0x7FFFFFF8, v63;
	v51 =	vand.u32 $0x7FFFFFF8, v50;
	v19 =	vor.u32 v45, v58;
	[tilespmem:v4+s0+$0x0] =	vst.idx.msk $0xffff, v7;
	v13 =	vld.idx.msk [tilespmem:v15+s9+$0x0], $0xffff  }
0x483: {  	v4 =	vor.u32 v40, v41;
	v15 =	vor.u32 v45, v59;
	v7 =	vld.idx.msk [tilespmem:v9+s9+$0x0], $0xffff;
	[tilespmem:v5+s0+$0x0] =	vst.idx.msk $0xffff, v8  }
0x484: {  	v54 =	vadd.s32 s12, v33;
	v8 =	vor.u32 v45, v60;
	v5 =	vor.u32 v40, v51;
	v9 =	vld.idx.msk [tilespmem:v11+s9+$0x0], $0xffff  }
0x485: {  	v52 =	vadd.s32 s3, v33;
	v6 =	vand.u32 $0x7FFFFFF8, v54;
	v11 =	vor.u32 v45, v61  }
0x486: {  	v53 =	vand.u32 $0x7FFFFFF8, v52;
	v55 =	vor.u32 v40, v6;
	[tilespmem:v2+s0+$0x0] =	vst.idx.msk $0xffff, v17  }
0x487: {  	v41 =	vadd.s32 s15, v33;
	v2 =	vor.u32 v40, v53;
	v17 =	vld.idx.msk [tilespmem:v19+s9+$0x0], $0xffff;
	[tilespmem:v56+s0+$0x0] =	vst.idx.msk $0xffff, v13;
	v56 =	vadd.s32 s13, v33  }
0x488: {  	v45 =	vand.u32 $0x7FFFFFF8, v41;
	v19 =	vor.u32 v44, v58;
	[tilespmem:v4+s0+$0x0] =	vst.idx.msk $0xffff, v7;
	v13 =	vld.idx.msk [tilespmem:v15+s9+$0x0], $0xffff;
	v63 =	vand.u32 $0x7FFFFFF8, v56  }
0x489: {  	v15 =	vor.u32 v44, v59;
	v7 =	vld.idx.msk [tilespmem:v8+s9+$0x0], $0xffff;
	[tilespmem:v5+s0+$0x0] =	vst.idx.msk $0xffff, v9;
	v4 =	vor.u32 v40, v63  }
0x48a: {  	v52 =	vadd.s32 s12, v35;
	v8 =	vor.u32 v44, v60;
	v5 =	vor.u32 v40, v45;
	v9 =	vld.idx.msk [tilespmem:v11+s9+$0x0], $0xffff  }
0x48b: {  	v50 =	vadd.s32 s3, v35;
	v6 =	vand.u32 $0x7FFFFFF8, v52;
	v11 =	vor.u32 v44, v61  }
0x48c: {  	v51 =	vand.u32 $0x7FFFFFF8, v50;
	v53 =	vor.u32 v40, v6;
	[tilespmem:v2+s0+$0x0] =	vst.idx.msk $0xffff, v17  }
0x48d: {  	v54 =	vadd.s32 s13, v35;
	v56 =	vadd.s32 s15, v35;
	v2 =	vor.u32 v40, v51;
	v17 =	vld.idx.msk [tilespmem:v19+s9+$0x0], $0xffff;
	[tilespmem:v55+s0+$0x0] =	vst.idx.msk $0xffff, v13  }
0x48e: {  	v63 =	vand.u32 $0x7FFFFFF8, v56;
	v19 =	vor.u32 v43, v58;
	v55 =	vand.u32 $0x7FFFFFF8, v54;
	v13 =	vld.idx.msk [tilespmem:v15+s9+$0x0], $0xffff;
	[tilespmem:v4+s0+$0x0] =	vst.idx.msk $0xffff, v7  }
0x48f: {  	v15 =	vor.u32 v43, v59;
	v4 =	vor.u32 v40, v55;
	[tilespmem:v5+s0+$0x0] =	vst.idx.msk $0xffff, v9;
	v7 =	vld.idx.msk [tilespmem:v8+s9+$0x0], $0xffff  }
0x490: {  	v45 =	vadd.s32 s12, v37;
	v5 =	vor.u32 v40, v63;
	v8 =	vor.u32 v43, v60;
	v9 =	vld.idx.msk [tilespmem:v11+s9+$0x0], $0xffff  }
0x491: {  	v41 =	vadd.s32 s3, v37;
	v6 =	vand.u32 $0x7FFFFFF8, v45;
	v11 =	vor.u32 v43, v61  }
0x492: {  	v44 =	vand.u32 $0x7FFFFFF8, v41;
	v51 =	vadd.s32 s13, v37;
	v50 =	vor.u32 v40, v6;
	[tilespmem:v2+s0+$0x0] =	vst.idx.msk $0xffff, v17  }
0x493: {  	v2 =	vor.u32 v40, v44;
	v17 =	vld.idx.msk [tilespmem:v19+s9+$0x0], $0xffff;
	v19 =	vor.u32 v42, v58;
	[tilespmem:v53+s0+$0x0] =	vst.idx.msk $0xffff, v13  }
0x494: {  	v52 =	vand.u32 $0x7FFFFFF8, v51;
	v53 =	vadd.s32 s15, v37;
	v13 =	vld.idx.msk [tilespmem:v15+s9+$0x0], $0xffff;
	v15 =	vor.u32 v42, v59;
	[tilespmem:v4+s0+$0x0] =	vst.idx.msk $0xffff, v7  }
0x495: {  	v4 =	vor.u32 v40, v52;
	[tilespmem:v5+s0+$0x0] =	vst.idx.msk $0xffff, v9;
	v54 =	vand.u32 $0x7FFFFFF8, v53;
	v7 =	vld.idx.msk [tilespmem:v8+s9+$0x0], $0xffff  }
0x496: {  	v55 =	vor.u32 v42, v60;
	v8 =	vld.idx.msk [tilespmem:v11+s9+$0x0], $0xffff;
	v5 =	vor.u32 v40, v54  }
0x497: {  	v9 =	vadd.s32 s3, v39;
	v11 =	vor.u32 v42, v61  }
0x498: {  	[tilespmem:v2+s0+$0x0] =	vst.idx.msk $0xffff, v17;
	v56 =	vand.u32 $0x7FFFFFF8, v9;
	v9 =	vadd.s32 s12, v39  }
0x499: {  	v17 =	vld.idx.msk [tilespmem:v19+s9+$0x0], $0xffff;
	v2 =	vor.u32 v40, v56;
	v58 =	vand.u32 $0x7FFFFFF8, v9;
	v9 =	vadd.s32 s13, v39;
	[tilespmem:v50+s0+$0x0] =	vst.idx.msk $0xffff, v13  }
0x49a: {  	v60 =	vadd.s32 s15, v39;
	v3 =	vor.u32 v40, v58;
	v59 =	vand.u32 $0x7FFFFFF8, v9;
	v13 =	vld.idx.msk [tilespmem:v15+s9+$0x0], $0xffff;
	[tilespmem:v4+s0+$0x0] =	vst.idx.msk $0xffff, v7  }
0x49b: {  	v61 =	vand.u32 $0x7FFFFFF8, v60;
	v4 =	vor.u32 v40, v59;
	[tilespmem:v5+s0+$0x0] =	vst.idx.msk $0xffff, v8;
	v6 =	vld.idx.msk [tilespmem:v55+s9+$0x0], $0xffff  }
0x49c: {  	v5 =	vor.u32 v40, v61;
	v63 =	vld.idx.msk [tilespmem:v11+s9+$0x0], $0xffff  }
0x49d: {  	[tilespmem:v1+s0+$0x0] =	vst.idx.msk $0xffff, v0  }
0x49e: {  	s7 =	sshll.u32 s30, $0x15;
	[tilespmem:v2+s0+$0x0] =	vst.idx.msk $0xffff, v17  }
0x49f: {  	s3 =	sadd.s32 s26, s7;
	[tilespmem:v3+s0+$0x0] =	vst.idx.msk $0xffff, v13  }
0x4a0: {  	s3 =	sshrl.u32 s3, $0x3;
	[tilespmem:v4+s0+$0x0] =	vst.idx.msk $0xffff, v6  }
0x4a1: {  	s11 =	sadd.s32 s1, s3;
	s12 =	sor.u32 $0x4000, s3;
	[tilespmem:v5+s0+$0x0] =	vst.idx.msk $0xffff, v63  }
0x4a2: {  	[hbm4b:s11+s2] =	stream.linear.scatter [tilespmem:s0], [sflag:$0x4], $0x400, $0x38;
	[tilespmem:$0x1C800] =	vst v63  }
0x4a3: {  	s13 =	simm.s32 $0x18C00;
	s15 =	sor.u32 $0x8000, s3;
	s4 =	sadd.s32 s1, s12  }
0x4a4: {  	[hbm4b:s4+s2] =	stream.linear.scatter [tilespmem:s13], [sflag:$0x4], $0x400, $0x38;
	[tilespmem:$0x1C800] =	vst v63  }
0x4a5: {  	s30 =	simm.s32 $0x19000;
	s7 =	sor.u32 $0xC000, s3;
	s4 =	sadd.s32 s1, s15  }
0x4a6: {  	[hbm4b:s4+s2] =	stream.linear.scatter [tilespmem:s30], [sflag:$0x4], $0x400, $0x38;
	[tilespmem:$0x1C800] =	vst v63  }
0x4a7: {  	s12 =	sor.u32 $0x10000, s3;
	s11 =	simm.s32 $0x19400;
	s4 =	sadd.s32 s1, s7  }
0x4a8: {  	[hbm4b:s4+s2] =	stream.linear.scatter [tilespmem:s11], [sflag:$0x4], $0x400, $0x38;
	[tilespmem:$0x1C800] =	vst v63  }
0x4a9: {  	s13 =	simm.s32 $0x19800;
	s15 =	sor.u32 $0x14000, s3;
	s4 =	sadd.s32 s1, s12  }
0x4aa: {  	[hbm4b:s4+s2] =	stream.linear.scatter [tilespmem:s13], [sflag:$0x4], $0x400, $0x38;
	[tilespmem:$0x1C800] =	vst v63  }
0x4ab: {  	s30 =	simm.s32 $0x19C00;
	s11 =	sor.u32 $0x18000, s3;
	s4 =	sadd.s32 s1, s15  }
0x4ac: {  	[hbm4b:s4+s2] =	stream.linear.scatter [tilespmem:s30], [sflag:$0x4], $0x400, $0x38;
	[tilespmem:$0x1C800] =	vst v63  }
0x4ad: {  	s12 =	simm.s32 $0x1A000;
	s13 =	sor.u32 $0x1C000, s3;
	s4 =	sadd.s32 s1, s11  }
0x4ae: {  	[hbm4b:s4+s2] =	stream.linear.scatter [tilespmem:s12], [sflag:$0x4], $0x400, $0x38;
	[tilespmem:$0x1C800] =	vst v63  }
0x4af: {  	s15 =	simm.s32 $0x1A400;
	s30 =	sor.u32 $0x20000, s3;
	s4 =	sadd.s32 s1, s13  }
0x4b0: {  	[hbm4b:s4+s2] =	stream.linear.scatter [tilespmem:s15], [sflag:$0x4], $0x400, $0x38;
	[tilespmem:$0x1C800] =	vst v63  }
0x4b1: {  	s7 =	sor.u32 $0x24000, s3;
	s4 =	sadd.s32 s1, s30  }
0x4b2: {  	[hbm4b:s4+s2] =	stream.linear.scatter [tilespmem:s16], [sflag:$0x4], $0x400, $0x38;
	[tilespmem:$0x1C800] =	vst v63  }
0x4b3: {  	s11 =	sor.u32 $0x28000, s3;
	s4 =	sadd.s32 s1, s7  }
0x4b4: {  	[hbm4b:s4+s2] =	stream.linear.scatter [tilespmem:s17], [sflag:$0x4], $0x400, $0x38;
	[tilespmem:$0x1C800] =	vst v63  }
0x4b5: {  	s12 =	sor.u32 $0x2C000, s3;
	s4 =	sadd.s32 s1, s11  }
0x4b6: {  	[hbm4b:s4+s2] =	stream.linear.scatter [tilespmem:s18], [sflag:$0x4], $0x400, $0x38;
	[tilespmem:$0x1C800] =	vst v63  }
0x4b7: {  	s13 =	sor.u32 $0x30000, s3;
	s4 =	sadd.s32 s1, s12  }
0x4b8: {  	[hbm4b:s4+s2] =	stream.linear.scatter [tilespmem:s19], [sflag:$0x4], $0x400, $0x38;
	[tilespmem:$0x1C800] =	vst v63  }
0x4b9: {  	s29 =	sadd.s32 $0x1, s29;
	s15 =	sor.u32 $0x34000, s3;
	s4 =	sadd.s32 s1, s13  }
0x4ba: {  	[hbm4b:s4+s2] =	stream.linear.scatter [tilespmem:s20], [sflag:$0x4], $0x400, $0x38;
	[tilespmem:$0x1C800] =	vst v63  }
0x4bb: {  	p0 =	sne.s32 s29, $0x19;
	s4 =	sadd.s32 s1, s15  }
0x4bc: {  	[hbm4b:s4+s2] =	stream.linear.scatter [tilespmem:s21], [sflag:$0x4], $0x400, $0x38;
	[tilespmem:$0x1C800] =	vst v63  }
.Ltmp3:
0x4bd: {  	s30 =	sor.u32 $0x38000, s3;
	(pc) =	sbr.rel @p0 .LBB2_5-.Ltmp3, $4  }
0x4be: {  	s3 =	sor.u32 $0x3C000, s3;
	s4 =	sadd.s32 s1, s30  }
0x4bf: {  	v60 =	vld [tilespmem:$0x1FFB0];
	[hbm4b:s4+s2] =	stream.linear.scatter [tilespmem:s22], [sflag:$0x4], $0x400, $0x38  }
0x4c0: {  	v11 =	vld [tilespmem:$0x1FD50];
	s3 =	sadd.s32 s1, s3  }
0x4c1: {  	v41 =	vmov v38;
	v53 =	vmov v26;
	v54 =	vmov v23;
	v55 =	vld [tilespmem:$0x1FFD0];
	[hbm4b:s3+s2] =	stream.linear.scatter [tilespmem:s23], [sflag:$0x4], $0x400, $0x38  }
0x4c2: {  	_ =	swait.ge [sflag:s24], $0x400  }
0x4c3: {  	[sflag:s24] =	ssyncset.done $0x0  }
0x4c4: {  	[sflag:s24] =	ssyncadd.s32 $0xFFFFFC00  }
0x4c5: {  	_ =	swait.ge [sflag:s24], $0x400  }
0x4c6: {  	[sflag:s24] =	ssyncset.done $0x0  }
0x4c7: {  	[sflag:s24] =	ssyncadd.s32 $0xFFFFFC00  }
0x4c8: {  	_ =	swait.ge [sflag:s24], $0x400  }
0x4c9: {  	[sflag:s24] =	ssyncset.done $0x0  }
0x4ca: {  	[sflag:s24] =	ssyncadd.s32 $0xFFFFFC00  }
0x4cb: {  	_ =	swait.ge [sflag:s24], $0x400  }
0x4cc: {  	[sflag:s24] =	ssyncset.done $0x0  }
0x4cd: {  	[sflag:s24] =	ssyncadd.s32 $0xFFFFFC00  }
0x4ce: {  	_ =	swait.ge [sflag:s24], $0x400  }
0x4cf: {  	[sflag:s24] =	ssyncset.done $0x0  }
0x4d0: {  	[sflag:s24] =	ssyncadd.s32 $0xFFFFFC00  }
0x4d1: {  	_ =	swait.ge [sflag:s24], $0x400  }
0x4d2: {  	[sflag:s24] =	ssyncset.done $0x0  }
0x4d3: {  	[sflag:s24] =	ssyncadd.s32 $0xFFFFFC00  }
0x4d4: {  	_ =	swait.ge [sflag:s24], $0x400  }
0x4d5: {  	[sflag:s24] =	ssyncset.done $0x0  }
0x4d6: {  	[sflag:s24] =	ssyncadd.s32 $0xFFFFFC00  }
0x4d7: {  	_ =	swait.ge [sflag:s24], $0x400  }
0x4d8: {  	[sflag:s24] =	ssyncset.done $0x0  }
0x4d9: {  	[sflag:s24] =	ssyncadd.s32 $0xFFFFFC00  }
0x4da: {  	_ =	swait.ge [sflag:s24], $0x400  }
0x4db: {  	[sflag:s24] =	ssyncset.done $0x0  }
0x4dc: {  	[sflag:s24] =	ssyncadd.s32 $0xFFFFFC00  }
0x4dd: {  	_ =	swait.ge [sflag:s24], $0x400  }
0x4de: {  	[sflag:s24] =	ssyncset.done $0x0  }
0x4df: {  	[sflag:s24] =	ssyncadd.s32 $0xFFFFFC00  }
0x4e0: {  	_ =	swait.ge [sflag:s24], $0x400  }
0x4e1: {  	[sflag:s24] =	ssyncset.done $0x0  }
0x4e2: {  	[sflag:s24] =	ssyncadd.s32 $0xFFFFFC00  }
0x4e3: {  	_ =	swait.ge [sflag:s24], $0x400  }
0x4e4: {  	[sflag:s24] =	ssyncset.done $0x0  }
0x4e5: {  	[sflag:s24] =	ssyncadd.s32 $0xFFFFFC00  }
0x4e6: {  	_ =	swait.ge [sflag:s24], $0x400  }
0x4e7: {  	[sflag:s24] =	ssyncset.done $0x0  }
0x4e8: {  	[sflag:s24] =	ssyncadd.s32 $0xFFFFFC00  }
0x4e9: {  	_ =	swait.ge [sflag:s24], $0x400  }
0x4ea: {  	[sflag:s24] =	ssyncset.done $0x0  }
0x4eb: {  	[sflag:s24] =	ssyncadd.s32 $0xFFFFFC00  }
0x4ec: {  	_ =	swait.ge [sflag:s24], $0x400  }
0x4ed: {  	[sflag:s24] =	ssyncset.done $0x0  }
0x4ee: {  	[sflag:s24] =	ssyncadd.s32 $0xFFFFFC00  }
0x4ef: {  	_ =	swait.ge [sflag:s24], $0x400  }
0x4f0: {  	[sflag:s24] =	ssyncset.done $0x0  }
0x4f1: {  	[sflag:s24] =	ssyncadd.s32 $0xFFFFFC00  }
0x4f2: {  	_ =	swait.ge [sflag:s25], $0x400  }
0x4f3: {  	[sflag:s25] =	ssyncset.done $0x0  }
0x4f4: {  	[sflag:s25] =	ssyncadd.s32 $0xFFFFFC00  }
0x4f5: {  	_ =	swait.ge [sflag:s25], $0x400  }
0x4f6: {  	[sflag:s25] =	ssyncset.done $0x0  }
0x4f7: {  	[sflag:s25] =	ssyncadd.s32 $0xFFFFFC00  }
0x4f8: {  	_ =	swait.ge [sflag:s25], $0x400  }
0x4f9: {  	[sflag:s25] =	ssyncset.done $0x0  }
0x4fa: {  	[sflag:s25] =	ssyncadd.s32 $0xFFFFFC00  }
0x4fb: {  	_ =	swait.ge [sflag:s25], $0x400  }
0x4fc: {  	[sflag:s25] =	ssyncset.done $0x0  }
0x4fd: {  	[sflag:s25] =	ssyncadd.s32 $0xFFFFFC00  }
0x4fe: {  	_ =	swait.ge [sflag:s25], $0x400  }
0x4ff: {  	[sflag:s25] =	ssyncset.done $0x0  }
0x500: {  	[sflag:s25] =	ssyncadd.s32 $0xFFFFFC00  }
0x501: {  	_ =	swait.ge [sflag:s25], $0x400  }
0x502: {  	[sflag:s25] =	ssyncset.done $0x0  }
0x503: {  	[sflag:s25] =	ssyncadd.s32 $0xFFFFFC00  }
0x504: {  	_ =	swait.ge [sflag:s25], $0x400  }
0x505: {  	[sflag:s25] =	ssyncset.done $0x0  }
0x506: {  	[sflag:s25] =	ssyncadd.s32 $0xFFFFFC00  }
0x507: {  	_ =	swait.ge [sflag:s25], $0x400  }
0x508: {  	[sflag:s25] =	ssyncset.done $0x0  }
0x509: {  	[sflag:s25] =	ssyncadd.s32 $0xFFFFFC00  }
0x50a: {  	_ =	swait.ge [sflag:s25], $0x400  }
0x50b: {  	[sflag:s25] =	ssyncset.done $0x0  }
0x50c: {  	[sflag:s25] =	ssyncadd.s32 $0xFFFFFC00  }
0x50d: {  	_ =	swait.ge [sflag:s25], $0x400  }
0x50e: {  	[sflag:s25] =	ssyncset.done $0x0  }
0x50f: {  	[sflag:s25] =	ssyncadd.s32 $0xFFFFFC00  }
0x510: {  	_ =	swait.ge [sflag:s25], $0x400  }
0x511: {  	[sflag:s25] =	ssyncset.done $0x0  }
0x512: {  	[sflag:s25] =	ssyncadd.s32 $0xFFFFFC00  }
0x513: {  	_ =	swait.ge [sflag:s25], $0x400  }
0x514: {  	[sflag:s25] =	ssyncset.done $0x0  }
0x515: {  	[sflag:s25] =	ssyncadd.s32 $0xFFFFFC00  }
0x516: {  	_ =	swait.ge [sflag:s25], $0x400  }
0x517: {  	[sflag:s25] =	ssyncset.done $0x0  }
0x518: {  	[sflag:s25] =	ssyncadd.s32 $0xFFFFFC00  }
0x519: {  	_ =	swait.ge [sflag:s25], $0x400  }
0x51a: {  	[sflag:s25] =	ssyncset.done $0x0  }
0x51b: {  	[sflag:s25] =	ssyncadd.s32 $0xFFFFFC00  }
0x51c: {  	_ =	swait.ge [sflag:s25], $0x400  }
0x51d: {  	[sflag:s25] =	ssyncset.done $0x0  }
0x51e: {  	[sflag:s25] =	ssyncadd.s32 $0xFFFFFC00  }
0x51f: {  	_ =	swait.ge [sflag:s25], $0x400  }
0x520: {  	s4 =	rddreg [dreg:$0x7];
	v30 =	vld [tilespmem:$0x1FEF0]  }
0x521: {  	v32 =	vld [tilespmem:$0x1FF00];
	s4 =	sadd.s32 $0x1, s4  }
0x522: {  	v34 =	vld [tilespmem:$0x1FF10];
	p0 =	sne.s32 s4, $0x4  }
.Ltmp4:
0x523: {  	v36 =	vld [tilespmem:$0x1FF20];
	(pc) =	sbr.rel @p0 .LBB2_2-.Ltmp4, $4  }
0x524: {  	v48 =	vld [tilespmem:$0x1FF30]  }
0x525: {  	v52 =	vld [tilespmem:$0x1FF60]  }
0x526: {  	[sflag:s25] =	ssyncset.done $0x0;
	v51 =	vld [tilespmem:$0x1FF50]  }
0x527: {  	v50 =	vld [tilespmem:$0x1FF40];
	[sflag:s25] =	ssyncadd.s32 $0xFFFFFC00  }
0x528: {  	s4 =	rddreg [dreg:$0x6]  }
0x529: {  	s3 =	rddreg [dreg:$0x5];
	s4 =	sadd.s32 $0x1, s4  }
0x52a: {  	p0 =	sne.s32 s4, s3  }
.Ltmp5:
0x52b: {  	_ = 	snop;
	(pc) =	sbr.rel @p0 .LBB2_1-.Ltmp5, $1  }
0x52c: {  	_ =	sdelay $0x3  }
0x52d: {  	_ =	sfence.sel $0x180000  }
0x52e: {  	[bflag:$0x0] =	sbarrier.arrive $0xFFFF  }
0x52f: {  	_ =	strace $0x90000047  }
0x530: {  	s0 =	stileid.u32;
	[bflag:$0x2] =	sbarrier.arrive $0xFFFF  }
0x531: {  	p0 =	sne.s32 s0, $0x0;
	s0 =	rddreg [dreg:$0x2]  }
0x532: {  	s0 =	sadd.s32 @!p0 $0x100000, s0  }
0x533: {  	[sflag:s0] =	ssyncadd.tile.s32 @!p0 $0x1;
	_ =	shalt  }
.Lfunc_end2:
_tile_overlayer_lowered:
.L_overlay_start_2:
0x534: {  	(tag) =	ssettag $0x2  }
0x535: {  	s0 =	rddreg [dreg:$0x0];
	s2 =	stileid.u32  }
0x536: {  	s1 =	rddreg [dreg:$0x1];
	p0 =	sne.s32 s2, $0x0  }
0x537: {  	s3 =	rddreg [dreg:$0x2];
	[bflag:$0x3] =	sbarrier.arrive $0xFFFF;
	s2 =	simm.s32 @!p0 $0x1C05  }
0x538: {  	[timem:s3], [sflag:s2] =	dma.local @!p0 [hbm:s0], s1  }
0x539: {  	s0 =	simm.s32 @!p0 $0x5  }
0x53a: {  	_ =	swait.ge @!p0 [sflag:s0], s1  }
0x53b: {  	s1 =	ssub.s32 @!p0 $0x0, s1;
	[sflag:s0] =	ssyncset.done @!p0 $0x0  }
0x53c: {  	[sflag:s0] =	ssyncadd.s32 @!p0 s1  }
0x53d: {  	[bflag:$0x3] =	sbarrier.arrive $0xFFFF  }
0x53e: {  	_ =	shalt  }

</sc_bundles>
